<compile_context>
chip_gen: v7x
topology: tpu7x:2x2x1
jax: 0.10.2.dev20260603
libtpu: 0.0.44.dev20260713+nightly
codegen_flags: <defaults>
</compile_context>

<pallas_src>
import functools

import jax
import jax.numpy as jnp
from jax import lax
from jax.experimental import pallas as pl
from jax.experimental.pallas import tpu as pltpu
from jax.experimental.pallas import tpu_sc as plsc

N = 10000
NPAD = 10240
HID = 128
E = 320000
B = 64
NC = 2
NS = 16
NW = NC * NS
CL = 128
SL = 120
CHUNKC = 80
EPADC = NW * CHUNKC * CL
GRP3 = 3
NGR = 28
EPAD = NW * NGR * GRP3 * SL
NACC = 10112
RPT = NACC // NS
RPTC = NPAD // NS

_mesh = plsc.VectorSubcoreMesh(core_axis_name="c", subcore_axis_name="s")


def _seg_body(h_hbm, gidx_hbm, sidx_hbm, out_hbm, gidx_v, sidx_v, rows, acc,
              g0, g1, g2, s0, s1, s2, isem):
    gsems = (g0, g1, g2)
    ssems = (s0, s1, s2)
    cid = lax.axis_index("c")
    sid = lax.axis_index("s")
    wid = sid * NC + cid

    def _zr(r, carry):
        for u in range(HID // 16):
            rows[0, r, pl.ds(u * 16, 16)] = jnp.zeros((16,), jnp.float32)
        return carry
    lax.fori_loop(0, SL, _zr, 0)
    base = sid * RPT
    for k in range(RPT // SL):
        pltpu.sync_copy(rows.at[0], acc.at[pl.ds(base + k * SL, SL)])
    if RPT % SL:
        pltpu.sync_copy(rows.at[0, pl.ds(0, RPT % SL)],
                        acc.at[pl.ds(base + (RPT // SL) * SL, RPT % SL)])
    plsc.subcore_barrier()

    pltpu.sync_copy(gidx_hbm.at[wid, 0], gidx_v.at[0])
    pltpu.sync_copy(sidx_hbm.at[wid, 0], sidx_v.at[0])
    for b in range(GRP3):
        pltpu.async_copy(h_hbm.at[gidx_v.at[0, b]], rows.at[b], gsems[b])

    def _grp(t, carry):
        islot = lax.rem(t, 2)

        @pl.when(t < NGR - 1)
        def _():
            pltpu.async_copy(gidx_hbm.at[wid, t + 1], gidx_v.at[1 - islot],
                             isem)
            pltpu.async_copy(sidx_hbm.at[wid, t + 1], sidx_v.at[1 - islot],
                             isem)

        for b in range(GRP3):
            pltpu.make_async_copy(h_hbm.at[gidx_v.at[islot, b]], rows.at[b],
                                  gsems[b]).wait()
            pltpu.async_copy(rows.at[b], acc.at[sidx_v.at[islot, b]],
                             ssems[b], add=True)

        @pl.when(t < NGR - 1)
        def _():
            pltpu.make_async_copy(gidx_hbm.at[wid, 0], gidx_v.at[1 - islot],
                                  isem).wait()
            pltpu.make_async_copy(sidx_hbm.at[wid, 0], sidx_v.at[1 - islot],
                                  isem).wait()

        for b in range(GRP3):
            pltpu.make_async_copy(rows.at[b], acc.at[sidx_v.at[islot, b]],
                                  ssems[b]).wait()

            @pl.when(t < NGR - 1)
            def _(b=b):
                pltpu.async_copy(h_hbm.at[gidx_v.at[1 - islot, b]],
                                 rows.at[b], gsems[b])
        return carry
    lax.fori_loop(0, NGR, _grp, 0)

    plsc.subcore_barrier()
    pltpu.sync_copy(acc.at[pl.ds(base, RPT)], out_hbm.at[cid, pl.ds(base, RPT)])


_segsum = functools.partial(
    pl.kernel,
    out_type=jax.ShapeDtypeStruct((NC, NPAD, HID), jnp.float32),
    mesh=_mesh,
    scratch_types=(
        [pltpu.VMEM((2, GRP3, SL), jnp.int32),
         pltpu.VMEM((2, GRP3, SL), jnp.int32),
         pltpu.VMEM((GRP3, SL, HID), jnp.float32),
         pltpu.VMEM_SHARED((NACC, HID), jnp.float32)]
        + [pltpu.SemaphoreType.DMA] * 7),
)(_seg_body)


def _cnt_body(sidx_hbm, didx_hbm, const_hbm, out_hbm, sidx_v, didx_v, ones_v,
              acc, sem):
    cid = lax.axis_index("c")
    sid = lax.axis_index("s")
    wid = sid * NC + cid
    pltpu.sync_copy(sidx_hbm.at[wid], sidx_v)
    pltpu.sync_copy(didx_hbm.at[wid], didx_v)

    pltpu.sync_copy(const_hbm.at[0], ones_v)
    base = sid * RPTC
    for k in range(RPTC // CL):
        pltpu.sync_copy(ones_v, acc.at[pl.ds(base + k * CL, CL)])
    plsc.subcore_barrier()

    def _pass(idx_v, plane):
        pltpu.sync_copy(const_hbm.at[plane], ones_v)

        FG = 4

        def _grp(g, carry):
            for b in range(FG):
                pltpu.async_copy(ones_v, acc.at[idx_v.at[g * FG + b]], sem,
                                 add=True)
            for b in range(FG):
                pltpu.make_async_copy(ones_v, acc.at[idx_v.at[g * FG + b]],
                                      sem).wait()
            return carry
        lax.fori_loop(0, CHUNKC // FG, _grp, 0)

    _pass(sidx_v, 1)
    _pass(didx_v, 2)

    plsc.subcore_barrier()
    pltpu.sync_copy(acc.at[pl.ds(base, RPTC)],
                    out_hbm.at[cid, pl.ds(base, RPTC)])


_counts = functools.partial(
    pl.kernel,
    out_type=jax.ShapeDtypeStruct((NC, NPAD, HID), jnp.float32),
    mesh=_mesh,
    scratch_types=[
        pltpu.VMEM((CHUNKC, CL), jnp.int32),
        pltpu.VMEM((CHUNKC, CL), jnp.int32),
        pltpu.VMEM((CL, HID), jnp.float32),
        pltpu.VMEM_SHARED((NPAD, HID), jnp.float32),
        pltpu.SemaphoreType.DMA,
    ],
)(_cnt_body)


def _enc_body(x_ref, w1_ref, b1_ref, w2_ref, b2_ref, o_ref):
    h = jnp.maximum(
        jnp.dot(x_ref[...], w1_ref[...], preferred_element_type=jnp.float32)
        + b1_ref[...], 0.0)
    o_ref[...] = jnp.maximum(
        jnp.dot(h, w2_ref[...], preferred_element_type=jnp.float32)
        + b2_ref[...], 0.0)


_ENC_BLK = 1024
_enc = pl.pallas_call(
    _enc_body,
    grid=(NPAD // _ENC_BLK,),
    in_specs=[
        pl.BlockSpec((_ENC_BLK, HID), lambda i: (i, 0)),
        pl.BlockSpec((HID, HID), lambda i: (0, 0)),
        pl.BlockSpec((1, HID), lambda i: (0, 0)),
        pl.BlockSpec((HID, HID), lambda i: (0, 0)),
        pl.BlockSpec((1, HID), lambda i: (0, 0)),
    ],
    out_specs=pl.BlockSpec((_ENC_BLK, HID), lambda i: (i, 0)),
    out_shape=jax.ShapeDtypeStruct((NPAD, HID), jnp.float32),
)


def _upd_body(col, h_ref, p_ref, c_ref, w_ref, b_ref, o_ref):
    s = p_ref[0] + p_ref[1]
    cnt = c_ref[0, :, col:col + 1] + c_ref[1, :, col:col + 1]
    m = s / jnp.maximum(cnt, 1.0)
    o_ref[...] = jnp.maximum(
        h_ref[...]
        + jnp.dot(m, w_ref[...], preferred_element_type=jnp.float32)
        + b_ref[...], 0.0)


_UPD_BLK = 1280


def _make_upd(col):
    return pl.pallas_call(
        functools.partial(_upd_body, col),
        grid=(NPAD // _UPD_BLK,),
        in_specs=[
            pl.BlockSpec((_UPD_BLK, HID), lambda i: (i, 0)),
            pl.BlockSpec((NC, _UPD_BLK, HID), lambda i: (0, i, 0)),
            pl.BlockSpec((NC, _UPD_BLK, HID), lambda i: (0, i, 0)),
            pl.BlockSpec((HID, HID), lambda i: (0, 0)),
            pl.BlockSpec((1, HID), lambda i: (0, 0)),
        ],
        out_specs=pl.BlockSpec((_UPD_BLK, HID), lambda i: (i, 0)),
        out_shape=jax.ShapeDtypeStruct((NPAD, HID), jnp.float32),
    )


_upd_s = _make_upd(0)
_upd_d = _make_upd(1)


_POOL_BLK = 1000
_GP = N // _POOL_BLK


def _pool_body(hv_ref, hc_ref, bv_ref, bc_ref, w1_ref, b1_ref, w2_ref, b2_ref,
               o_ref, pv_s, pc_s, cv_s, cc_s):
    i = pl.program_id(0)

    @pl.when(i == 0)
    def _():
        pv_s[...] = jnp.zeros((B, HID), jnp.float32)
        pc_s[...] = jnp.zeros((B, HID), jnp.float32)
        cv_s[...] = jnp.zeros((B, HID), jnp.float32)
        cc_s[...] = jnp.zeros((B, HID), jnp.float32)

    ids = lax.broadcasted_iota(jnp.int32, (B, _POOL_BLK), 0)
    ohv = (ids == bv_ref[0, 0, :][None, :]).astype(jnp.float32)
    ohc = (ids == bc_ref[0, 0, :][None, :]).astype(jnp.float32)
    pv_s[...] += jnp.dot(ohv, hv_ref[...], preferred_element_type=jnp.float32)
    pc_s[...] += jnp.dot(ohc, hc_ref[...], preferred_element_type=jnp.float32)
    cv_s[...] += jnp.broadcast_to(jnp.sum(ohv, axis=1)[:, None], (B, HID))
    cc_s[...] += jnp.broadcast_to(jnp.sum(ohc, axis=1)[:, None], (B, HID))

    @pl.when(i == _GP - 1)
    def _():
        mv = pv_s[...] / jnp.maximum(cv_s[...], 1.0)
        mc = pc_s[...] / jnp.maximum(cc_s[...], 1.0)
        emb = jnp.concatenate([mv, mc], axis=1)
        hh = jnp.maximum(
            jnp.dot(emb, w1_ref[...], preferred_element_type=jnp.float32)
            + b1_ref[...], 0.0)
        o_ref[...] = (jnp.dot(hh, w2_ref[...],
                              preferred_element_type=jnp.float32)
                      + b2_ref[...])


_pool = pl.pallas_call(
    _pool_body,
    grid=(_GP,),
    in_specs=[
        pl.BlockSpec((_POOL_BLK, HID), lambda i: (i, 0)),
        pl.BlockSpec((_POOL_BLK, HID), lambda i: (i, 0)),
        pl.BlockSpec((1, 1, _POOL_BLK), lambda i: (i, 0, 0)),
        pl.BlockSpec((1, 1, _POOL_BLK), lambda i: (i, 0, 0)),
        pl.BlockSpec((2 * HID, 4 * HID), lambda i: (0, 0)),
        pl.BlockSpec((1, 4 * HID), lambda i: (0, 0)),
        pl.BlockSpec((4 * HID, HID), lambda i: (0, 0)),
        pl.BlockSpec((1, HID), lambda i: (0, 0)),
    ],
    out_specs=pl.BlockSpec((B, HID), lambda i: (0, 0)),
    out_shape=jax.ShapeDtypeStruct((B, HID), jnp.float32),
    scratch_shapes=[
        pltpu.VMEM((B, HID), jnp.float32),
        pltpu.VMEM((B, HID), jnp.float32),
        pltpu.VMEM((B, HID), jnp.float32),
        pltpu.VMEM((B, HID), jnp.float32),
    ],
)


def kernel(x_vals, x_cons, edge_index, batch_vals, batch_cons,
           W_ev1, b_ev1, W_ev2, b_ev2, W_ec1, b_ec1, W_ec2, b_ec2,
           W_v2c_0, b_v2c_0, W_c2v_0, b_c2v_0, W_v2c_1, b_v2c_1,
           W_c2v_1, b_c2v_1, W_p1, b_p1, W_p2, b_p2):
    src = edge_index[0].astype(jnp.int32)
    dst = edge_index[1].astype(jnp.int32)
    pad = jnp.full((EPAD - E,), N, dtype=jnp.int32)
    padc = jnp.full((EPADC - E,), N, dtype=jnp.int32)
    src_p = jnp.concatenate([src, pad]).reshape(NW, NGR, GRP3, SL)
    dst_p = jnp.concatenate([dst, pad]).reshape(NW, NGR, GRP3, SL)
    src_pc = jnp.concatenate([src, padc]).reshape(NW, CHUNKC, CL)
    dst_pc = jnp.concatenate([dst, padc]).reshape(NW, CHUNKC, CL)
    xv = jnp.pad(x_vals, ((0, NPAD - N), (0, 0)))
    xc = jnp.pad(x_cons, ((0, NPAD - N), (0, 0)))

    onehot_rows = (jnp.zeros((3, CL, HID), jnp.float32)
                   .at[1, :, 0].set(1.0).at[2, :, 1].set(1.0))
    cnt = _counts(src_pc, dst_pc, onehot_rows)
    hv = _enc(xv, W_ev1, b_ev1[None], W_ev2, b_ev2[None])
    hc = _enc(xc, W_ec1, b_ec1[None], W_ec2, b_ec2[None])

    for Wvc, bvc, Wcv, bcv in ((W_v2c_0, b_v2c_0, W_c2v_0, b_c2v_0),
                               (W_v2c_1, b_v2c_1, W_c2v_1, b_c2v_1)):
        ps = _segsum(hv, src_p, dst_p)
        hc = _upd_d(hc, ps, cnt, Wvc, bvc[None])
        pv = _segsum(hc, dst_p, src_p)
        hv = _upd_s(hv, pv, cnt, Wcv, bcv[None])

    bv3 = batch_vals.astype(jnp.int32).reshape(_GP, 1, _POOL_BLK)
    bc3 = batch_cons.astype(jnp.int32).reshape(_GP, 1, _POOL_BLK)
    return _pool(hv, hc, bv3, bc3, W_p1, b_p1[None], W_p2, b_p2[None])

# --- scband reference (transcript-rebuilt; emitter-appended) ---
"""Pipeline reference for scband-bipartite-hetero-pretrain-gnn-62371515073092 (READ-ONLY COPY).

The authoritative reference and input builder live on the scoring server;
editing this copy changes nothing except your own understanding.
"""

import jax, jax.numpy as jnp
import numpy as np

N_VALS = 10000
N_CONS = 10000
E = 320000
HID = 128
B = 64


def _linear_init(key, fan_in, fan_out):
    return jax.random.normal(key, (fan_in, fan_out), dtype=jnp.float32) / np.sqrt(fan_in)


def setup_inputs(seed: int = 0):
    key = jax.random.key(seed)
    ks = jax.random.split(key, 32)
    inp = {}
    inp['x_vals'] = jax.random.normal(ks[0], (N_VALS, HID), dtype=jnp.float32)
    inp['x_cons'] = jax.random.normal(ks[1], (N_CONS, HID), dtype=jnp.float32)
    inp['edge_index'] = jnp.stack([
        jax.random.randint(ks[2], (E,), 0, N_VALS),
        jax.random.randint(ks[3], (E,), 0, N_CONS)], axis=0)
    inp['batch_vals'] = jnp.sort(jax.random.randint(ks[4], (N_VALS,), 0, B))
    inp['batch_cons'] = jnp.sort(jax.random.randint(ks[5], (N_CONS,), 0, B))
    names = ['W_ev1', 'W_ev2', 'W_ec1', 'W_ec2', 'W_v2c_0', 'W_c2v_0', 'W_v2c_1', 'W_c2v_1']
    for i, n in enumerate(names):
        inp[n] = _linear_init(ks[6 + i], HID, HID)
        inp['b' + n[1:]] = jnp.zeros((HID,), dtype=jnp.float32)
    inp['W_p1'] = _linear_init(ks[20], 2 * HID, 4 * HID)
    inp['b_p1'] = jnp.zeros((4 * HID,), dtype=jnp.float32)
    inp['W_p2'] = _linear_init(ks[21], 4 * HID, HID)
    inp['b_p2'] = jnp.zeros((HID,), dtype=jnp.float32)
    return inp


def _mean_agg(src_feats, dst_idx, num_dst):
    s = jax.ops.segment_sum(src_feats, dst_idx, num_segments=num_dst)
    cnt = jax.ops.segment_sum(jnp.ones((src_feats.shape[0],), dtype=jnp.float32), dst_idx, num_segments=num_dst)
    return s / jnp.clip(cnt, 1.0, None)[:, None]


def reference(x_vals, x_cons, edge_index, batch_vals, batch_cons,
              W_ev1, b_ev1, W_ev2, b_ev2, W_ec1, b_ec1, W_ec2, b_ec2,
              W_v2c_0, b_v2c_0, W_c2v_0, b_c2v_0, W_v2c_1, b_v2c_1, W_c2v_1, b_c2v_1,
              W_p1, b_p1, W_p2, b_p2):
    src, dst = edge_index[0], edge_index[1]
    # per-type node encoders (num_encode_layers=2)
    h_v = jax.nn.relu(x_vals @ W_ev1 + b_ev1)
    h_v = jax.nn.relu(h_v @ W_ev2 + b_ev2)
    h_c = jax.nn.relu(x_cons @ W_ec1 + b_ec1)
    h_c = jax.nn.relu(h_c @ W_ec2 + b_ec2)
    # bipartite message passing (num_conv_layers=2): vals->cons then cons->vals
    for Wvc, bvc, Wcv, bcv in [(W_v2c_0, b_v2c_0, W_c2v_0, b_c2v_0),
                               (W_v2c_1, b_v2c_1, W_c2v_1, b_c2v_1)]:
        m_c = _mean_agg(h_v[src], dst, N_CONS)
        h_c = jax.nn.relu(h_c + m_c @ Wvc + bvc)
        m_v = _mean_agg(h_c[dst], src, N_VALS)
        h_v = jax.nn.relu(h_v + m_v @ Wcv + bcv)
    # global mean pool per graph, concat, predictor MLP [2h, 4h, h]
    pool_v = _mean_agg(h_v, batch_vals, B)
    pool_c = _mean_agg(h_c, batch_cons, B)
    emb = jnp.concatenate([pool_v, pool_c], axis=1)
    h = jax.nn.relu(emb @ W_p1 + b_p1)
    return h @ W_p2 + b_p2

if __name__ == "__main__":
    import jax
    _d = setup_inputs()
    print(jax.jit(kernel)(*tuple(_d.values())))

</pallas_src>

<mosaic_0001>
#map = affine_map<(d0, d1) -> (0, 0)>
#map1 = affine_map<(d0, d1) -> (0, 0, 0, 0)>
#map2 = affine_map<(d0, d1) -> (0, 0, 0)>
module attributes {stable_mosaic.version = 14 : i64} {
  func.func @_seg_body(%arg0: i32, %arg1: i32, %arg2: memref<10240x128xf32, #tpu.memory_space<hbm>>, %arg3: memref<32x28x3x120xi32, #tpu.memory_space<hbm>>, %arg4: memref<32x28x3x120xi32, #tpu.memory_space<hbm>>, %arg5: memref<2x10240x128xf32, #tpu.memory_space<hbm>>, %arg6: memref<2x3x120xi32, #tpu.memory_space<vmem>>, %arg7: memref<2x3x120xi32, #tpu.memory_space<vmem>>, %arg8: memref<3x120x128xf32, #tpu.memory_space<vmem>>, %arg9: memref<10112x128xf32, #tpu.memory_space<vmem_shared>>, %arg10: memref<!tpu.dma_semaphore, #tpu.memory_space<semaphore_mem>>, %arg11: memref<!tpu.dma_semaphore, #tpu.memory_space<semaphore_mem>>, %arg12: memref<!tpu.dma_semaphore, #tpu.memory_space<semaphore_mem>>, %arg13: memref<!tpu.dma_semaphore, #tpu.memory_space<semaphore_mem>>, %arg14: memref<!tpu.dma_semaphore, #tpu.memory_space<semaphore_mem>>, %arg15: memref<!tpu.dma_semaphore, #tpu.memory_space<semaphore_mem>>, %arg16: memref<!tpu.dma_semaphore, #tpu.memory_space<semaphore_mem>>) attributes {dimension_semantics = [#tpu.dimension_semantics<core_parallel>, #tpu.dimension_semantics<subcore_parallel>], iteration_bounds = array<i64: 2, 16>, scalar_prefetch = 0 : i64, scratch_operands = 11 : i64, tpu.core_type = #tpu.core_type<sc_vector_subcore>, window_params = [{transform_indices = #map}, {transform_indices = #map1}, {transform_indices = #map1}, {transform_indices = #map2}]} {
    %mul3A = arith.constant 2 : i32
    %mul3A_0 = arith.muli %arg1, %mul3A : i32
    %add3A = arith.addi %mul3A_0, %arg0 : i32
    %scan3A = arith.constant 0 : i32
    %scan3A_1 = arith.constant 0 : i32
    %scan3A_2 = arith.constant 120 : i32
    %scan3A_3 = arith.addi %scan3A_1, %scan3A_2 : i32
    %scan3A_4 = arith.constant 1 : i32
    scf.for %scan3A_74 = %scan3A_1 to %scan3A_3 step %scan3A_4  : i32 {
      %broadcast_in_dim3A = arith.constant 0.000000e+00 : f32
      %broadcast_in_dim3A_75 = vector.broadcast %broadcast_in_dim3A : f32 to vector<16xf32>
      %swap3A = arith.constant 0 : i32
      %swap3A_76 = arith.index_cast %swap3A : i32 to index
      %swap3A_77 = arith.index_cast %scan3A_74 : i32 to index
      %swap3A_78 = arith.constant 0 : index
      %swap3A_79 = tpu.vector_load %arg8[%swap3A_76, %swap3A_77, %swap3A_78] {strides = array<i32>} : memref<3x120x128xf32, #tpu.memory_space<vmem>>, vector<1x1x16xf32>,
      %swap3A_80 = vector.shape_cast %swap3A_79 : vector<1x1x16xf32> to vector<16xf32>
      %swap3A_81 = vector.shape_cast %broadcast_in_dim3A_75 : vector<16xf32> to vector<1x1x16xf32>
      tpu.vector_store %arg8[%swap3A_76, %swap3A_77, %swap3A_78], %swap3A_81 {strides = array<i32>} : memref<3x120x128xf32, #tpu.memory_space<vmem>>, vector<1x1x16xf32>,
      %broadcast_in_dim3A_82 = arith.constant 0.000000e+00 : f32
      %broadcast_in_dim3A_83 = vector.broadcast %broadcast_in_dim3A_82 : f32 to vector<16xf32>
      %swap3A_84 = arith.constant 0 : i32
      %swap3A_85 = arith.index_cast %swap3A_84 : i32 to index
      %swap3A_86 = arith.index_cast %scan3A_74 : i32 to index
      %swap3A_87 = arith.constant 16 : index
      %swap3A_88 = tpu.vector_load %arg8[%swap3A_85, %swap3A_86, %swap3A_87] {strides = array<i32>} : memref<3x120x128xf32, #tpu.memory_space<vmem>>, vector<1x1x16xf32>,
      %swap3A_89 = vector.shape_cast %swap3A_88 : vector<1x1x16xf32> to vector<16xf32>
      %swap3A_90 = vector.shape_cast %broadcast_in_dim3A_83 : vector<16xf32> to vector<1x1x16xf32>
      tpu.vector_store %arg8[%swap3A_85, %swap3A_86, %swap3A_87], %swap3A_90 {strides = array<i32>} : memref<3x120x128xf32, #tpu.memory_space<vmem>>, vector<1x1x16xf32>,
      %broadcast_in_dim3A_91 = arith.constant 0.000000e+00 : f32
      %broadcast_in_dim3A_92 = vector.broadcast %broadcast_in_dim3A_91 : f32 to vector<16xf32>
      %swap3A_93 = arith.constant 0 : i32
      %swap3A_94 = arith.index_cast %swap3A_93 : i32 to index
      %swap3A_95 = arith.index_cast %scan3A_74 : i32 to index
      %swap3A_96 = arith.constant 32 : index
      %swap3A_97 = tpu.vector_load %arg8[%swap3A_94, %swap3A_95, %swap3A_96] {strides = array<i32>} : memref<3x120x128xf32, #tpu.memory_space<vmem>>, vector<1x1x16xf32>,
      %swap3A_98 = vector.shape_cast %swap3A_97 : vector<1x1x16xf32> to vector<16xf32>
      %swap3A_99 = vector.shape_cast %broadcast_in_dim3A_92 : vector<16xf32> to vector<1x1x16xf32>
      tpu.vector_store %arg8[%swap3A_94, %swap3A_95, %swap3A_96], %swap3A_99 {strides = array<i32>} : memref<3x120x128xf32, #tpu.memory_space<vmem>>, vector<1x1x16xf32>,
      %broadcast_in_dim3A_100 = arith.constant 0.000000e+00 : f32
      %broadcast_in_dim3A_101 = vector.broadcast %broadcast_in_dim3A_100 : f32 to vector<16xf32>
      %swap3A_102 = arith.constant 0 : i32
      %swap3A_103 = arith.index_cast %swap3A_102 : i32 to index
      %swap3A_104 = arith.index_cast %scan3A_74 : i32 to index
      %swap3A_105 = arith.constant 48 : index
      %swap3A_106 = tpu.vector_load %arg8[%swap3A_103, %swap3A_104, %swap3A_105] {strides = array<i32>} : memref<3x120x128xf32, #tpu.memory_space<vmem>>, vector<1x1x16xf32>,
      %swap3A_107 = vector.shape_cast %swap3A_106 : vector<1x1x16xf32> to vector<16xf32>
      %swap3A_108 = vector.shape_cast %broadcast_in_dim3A_101 : vector<16xf32> to vector<1x1x16xf32>
      tpu.vector_store %arg8[%swap3A_103, %swap3A_104, %swap3A_105], %swap3A_108 {strides = array<i32>} : memref<3x120x128xf32, #tpu.memory_space<vmem>>, vector<1x1x16xf32>,
      %broadcast_in_dim3A_109 = arith.constant 0.000000e+00 : f32
      %broadcast_in_dim3A_110 = vector.broadcast %broadcast_in_dim3A_109 : f32 to vector<16xf32>
      %swap3A_111 = arith.constant 0 : i32
      %swap3A_112 = arith.index_cast %swap3A_111 : i32 to index
      %swap3A_113 = arith.index_cast %scan3A_74 : i32 to index
      %swap3A_114 = arith.constant 64 : index
      %swap3A_115 = tpu.vector_load %arg8[%swap3A_112, %swap3A_113, %swap3A_114] {strides = array<i32>} : memref<3x120x128xf32, #tpu.memory_space<vmem>>, vector<1x1x16xf32>,
      %swap3A_116 = vector.shape_cast %swap3A_115 : vector<1x1x16xf32> to vector<16xf32>
      %swap3A_117 = vector.shape_cast %broadcast_in_dim3A_110 : vector<16xf32> to vector<1x1x16xf32>
      tpu.vector_store %arg8[%swap3A_112, %swap3A_113, %swap3A_114], %swap3A_117 {strides = array<i32>} : memref<3x120x128xf32, #tpu.memory_space<vmem>>, vector<1x1x16xf32>,
      %broadcast_in_dim3A_118 = arith.constant 0.000000e+00 : f32
      %broadcast_in_dim3A_119 = vector.broadcast %broadcast_in_dim3A_118 : f32 to vector<16xf32>
      %swap3A_120 = arith.constant 0 : i32
      %swap3A_121 = arith.index_cast %swap3A_120 : i32 to index
      %swap3A_122 = arith.index_cast %scan3A_74 : i32 to index
      %swap3A_123 = arith.constant 80 : index
      %swap3A_124 = tpu.vector_load %arg8[%swap3A_121, %swap3A_122, %swap3A_123] {strides = array<i32>} : memref<3x120x128xf32, #tpu.memory_space<vmem>>, vector<1x1x16xf32>,
      %swap3A_125 = vector.shape_cast %swap3A_124 : vector<1x1x16xf32> to vector<16xf32>
      %swap3A_126 = vector.shape_cast %broadcast_in_dim3A_119 : vector<16xf32> to vector<1x1x16xf32>
      tpu.vector_store %arg8[%swap3A_121, %swap3A_122, %swap3A_123], %swap3A_126 {strides = array<i32>} : memref<3x120x128xf32, #tpu.memory_space<vmem>>, vector<1x1x16xf32>,
      %broadcast_in_dim3A_127 = arith.constant 0.000000e+00 : f32
      %broadcast_in_dim3A_128 = vector.broadcast %broadcast_in_dim3A_127 : f32 to vector<16xf32>
      %swap3A_129 = arith.constant 0 : i32
      %swap3A_130 = arith.index_cast %swap3A_129 : i32 to index
      %swap3A_131 = arith.index_cast %scan3A_74 : i32 to index
      %swap3A_132 = arith.constant 96 : index
      %swap3A_133 = tpu.vector_load %arg8[%swap3A_130, %swap3A_131, %swap3A_132] {strides = array<i32>} : memref<3x120x128xf32, #tpu.memory_space<vmem>>, vector<1x1x16xf32>,
      %swap3A_134 = vector.shape_cast %swap3A_133 : vector<1x1x16xf32> to vector<16xf32>
      %swap3A_135 = vector.shape_cast %broadcast_in_dim3A_128 : vector<16xf32> to vector<1x1x16xf32>
      tpu.vector_store %arg8[%swap3A_130, %swap3A_131, %swap3A_132], %swap3A_135 {strides = array<i32>} : memref<3x120x128xf32, #tpu.memory_space<vmem>>, vector<1x1x16xf32>,
      %broadcast_in_dim3A_136 = arith.constant 0.000000e+00 : f32
      %broadcast_in_dim3A_137 = vector.broadcast %broadcast_in_dim3A_136 : f32 to vector<16xf32>
      %swap3A_138 = arith.constant 0 : i32
      %swap3A_139 = arith.index_cast %swap3A_138 : i32 to index
      %swap3A_140 = arith.index_cast %scan3A_74 : i32 to index
      %swap3A_141 = arith.constant 112 : index
      %swap3A_142 = tpu.vector_load %arg8[%swap3A_139, %swap3A_140, %swap3A_141] {strides = array<i32>} : memref<3x120x128xf32, #tpu.memory_space<vmem>>, vector<1x1x16xf32>,
      %swap3A_143 = vector.shape_cast %swap3A_142 : vector<1x1x16xf32> to vector<16xf32>
      %swap3A_144 = vector.shape_cast %broadcast_in_dim3A_137 : vector<16xf32> to vector<1x1x16xf32>
      tpu.vector_store %arg8[%swap3A_139, %swap3A_140, %swap3A_141], %swap3A_144 {strides = array<i32>} : memref<3x120x128xf32, #tpu.memory_space<vmem>>, vector<1x1x16xf32>,
    }
    %scan3A_5 = arith.constant 120 : i32
    %mul3A_6 = arith.constant 632 : i32
    %mul3A_7 = arith.muli %arg1, %mul3A_6 : i32
    %add3A_8 = arith.constant 0 : i32
    %add3A_9 = arith.addi %mul3A_7, %add3A_8 : i32
    %run_scoped3A = arith.constant 0 : i32
    "tpu.region"() ({
      %run_scoped3A_74 = tpu.sem_alloc : memref<!tpu.dma_semaphore, #tpu.memory_space<semaphore_mem>>
      %dma_start3A_75 = arith.constant 0 : i32
      %dma_start3A_76 = arith.constant 0 : i32
      %dma_start3A_77 = tpu.memref_slice %arg8[%run_scoped3A, %dma_start3A_75, %dma_start3A_76] : memref<3x120x128xf32, #tpu.memory_space<vmem>> -> memref<1x120x128xf32, #tpu.memory_space<vmem>>
      %dma_start3A_78 = tpu.memref_squeeze %dma_start3A_77 : memref<1x120x128xf32, #tpu.memory_space<vmem>> -> memref<120x128xf32, #tpu.memory_space<vmem>>
      %dma_start3A_79 = arith.constant 0 : i32
      %dma_start3A_80 = tpu.memref_slice %arg9[%add3A_9, %dma_start3A_79] : memref<10112x128xf32, #tpu.memory_space<vmem_shared>> -> memref<120x128xf32, #tpu.memory_space<vmem_shared>>
      %dma_start3A_81 = arith.constant 0 : i32
      %dma_start3A_82 = tpu.memref_slice %arg9[%add3A_9, %dma_start3A_81] : memref<10112x128xf32, #tpu.memory_space<vmem_shared>> -> memref<120x128xf32, #tpu.memory_space<vmem_shared>>
      %dma_start3A_83 = arith.constant 0 : i32
      %dma_start3A_84 = arith.constant 0 : i32
      %dma_start3A_85 = tpu.memref_slice %arg8[%run_scoped3A, %dma_start3A_83, %dma_start3A_84] : memref<3x120x128xf32, #tpu.memory_space<vmem>> -> memref<1x120x128xf32, #tpu.memory_space<vmem>>
      %dma_start3A_86 = tpu.memref_squeeze %dma_start3A_85 : memref<1x120x128xf32, #tpu.memory_space<vmem>> -> memref<120x128xf32, #tpu.memory_space<vmem>>
      tpu.enqueue_dma source(%dma_start3A_86 : memref<120x128xf32, #tpu.memory_space<vmem>>) target(%dma_start3A_82 : memref<120x128xf32, #tpu.memory_space<vmem_shared>>) target_semaphore(%run_scoped3A_74 : memref<!tpu.dma_semaphore, #tpu.memory_space<semaphore_mem>>)
      %dma_wait3A = arith.constant 0 : i32
      %dma_wait3A_87 = arith.constant 0 : i32
      %dma_wait3A_88 = tpu.memref_slice %arg8[%run_scoped3A, %dma_wait3A, %dma_wait3A_87] : memref<3x120x128xf32, #tpu.memory_space<vmem>> -> memref<1x120x128xf32, #tpu.memory_space<vmem>>
      %dma_wait3A_89 = tpu.memref_squeeze %dma_wait3A_88 : memref<1x120x128xf32, #tpu.memory_space<vmem>> -> memref<120x128xf32, #tpu.memory_space<vmem>>
      %dma_wait3A_90 = arith.constant 0 : i32
      %dma_wait3A_91 = tpu.memref_slice %arg9[%add3A_9, %dma_wait3A_90] : memref<10112x128xf32, #tpu.memory_space<vmem_shared>> -> memref<120x128xf32, #tpu.memory_space<vmem_shared>>
      %dma_wait3A_92 = arith.constant 0 : i32
      %dma_wait3A_93 = tpu.memref_slice %arg9[%add3A_9, %dma_wait3A_92] : memref<10112x128xf32, #tpu.memory_space<vmem_shared>> -> memref<120x128xf32, #tpu.memory_space<vmem_shared>>
      %dma_wait3A_94 = arith.constant 0 : i32
      %dma_wait3A_95 = arith.constant 0 : i32
      %dma_wait3A_96 = tpu.memref_slice %arg8[%run_scoped3A, %dma_wait3A_94, %dma_wait3A_95] : memref<3x120x128xf32, #tpu.memory_space<vmem>> -> memref<1x120x128xf32, #tpu.memory_space<vmem>>
      %dma_wait3A_97 = tpu.memref_squeeze %dma_wait3A_96 : memref<1x120x128xf32, #tpu.memory_space<vmem>> -> memref<120x128xf32, #tpu.memory_space<vmem>>
      tpu.wait_dma2 semaphore(%run_scoped3A_74 : memref<!tpu.dma_semaphore, #tpu.memory_space<semaphore_mem>>) src(%dma_wait3A_97 : memref<120x128xf32, #tpu.memory_space<vmem>>) dst(%dma_wait3A_93 : memref<120x128xf32, #tpu.memory_space<vmem_shared>>)
      tpu.yield
    }) : () -> ()
    %add3A_10 = arith.constant 120 : i32
    %add3A_11 = arith.addi %mul3A_7, %add3A_10 : i32
    %run_scoped3A_12 = arith.constant 0 : i32
    "tpu.region"() ({
      %run_scoped3A_74 = tpu.sem_alloc : memref<!tpu.dma_semaphore, #tpu.memory_space<semaphore_mem>>
      %dma_start3A_75 = arith.constant 0 : i32
      %dma_start3A_76 = arith.constant 0 : i32
      %dma_start3A_77 = tpu.memref_slice %arg8[%run_scoped3A_12, %dma_start3A_75, %dma_start3A_76] : memref<3x120x128xf32, #tpu.memory_space<vmem>> -> memref<1x120x128xf32, #tpu.memory_space<vmem>>
      %dma_start3A_78 = tpu.memref_squeeze %dma_start3A_77 : memref<1x120x128xf32, #tpu.memory_space<vmem>> -> memref<120x128xf32, #tpu.memory_space<vmem>>
      %dma_start3A_79 = arith.constant 0 : i32
      %dma_start3A_80 = tpu.memref_slice %arg9[%add3A_11, %dma_start3A_79] : memref<10112x128xf32, #tpu.memory_space<vmem_shared>> -> memref<120x128xf32, #tpu.memory_space<vmem_shared>>
      %dma_start3A_81 = arith.constant 0 : i32
      %dma_start3A_82 = tpu.memref_slice %arg9[%add3A_11, %dma_start3A_81] : memref<10112x128xf32, #tpu.memory_space<vmem_shared>> -> memref<120x128xf32, #tpu.memory_space<vmem_shared>>
      %dma_start3A_83 = arith.constant 0 : i32
      %dma_start3A_84 = arith.constant 0 : i32
      %dma_start3A_85 = tpu.memref_slice %arg8[%run_scoped3A_12, %dma_start3A_83, %dma_start3A_84] : memref<3x120x128xf32, #tpu.memory_space<vmem>> -> memref<1x120x128xf32, #tpu.memory_space<vmem>>
      %dma_start3A_86 = tpu.memref_squeeze %dma_start3A_85 : memref<1x120x128xf32, #tpu.memory_space<vmem>> -> memref<120x128xf32, #tpu.memory_space<vmem>>
      tpu.enqueue_dma source(%dma_start3A_86 : memref<120x128xf32, #tpu.memory_space<vmem>>) target(%dma_start3A_82 : memref<120x128xf32, #tpu.memory_space<vmem_shared>>) target_semaphore(%run_scoped3A_74 : memref<!tpu.dma_semaphore, #tpu.memory_space<semaphore_mem>>)
      %dma_wait3A = arith.constant 0 : i32
      %dma_wait3A_87 = arith.constant 0 : i32
      %dma_wait3A_88 = tpu.memref_slice %arg8[%run_scoped3A_12, %dma_wait3A, %dma_wait3A_87] : memref<3x120x128xf32, #tpu.memory_space<vmem>> -> memref<1x120x128xf32, #tpu.memory_space<vmem>>
      %dma_wait3A_89 = tpu.memref_squeeze %dma_wait3A_88 : memref<1x120x128xf32, #tpu.memory_space<vmem>> -> memref<120x128xf32, #tpu.memory_space<vmem>>
      %dma_wait3A_90 = arith.constant 0 : i32
      %dma_wait3A_91 = tpu.memref_slice %arg9[%add3A_11, %dma_wait3A_90] : memref<10112x128xf32, #tpu.memory_space<vmem_shared>> -> memref<120x128xf32, #tpu.memory_space<vmem_shared>>
      %dma_wait3A_92 = arith.constant 0 : i32
      %dma_wait3A_93 = tpu.memref_slice %arg9[%add3A_11, %dma_wait3A_92] : memref<10112x128xf32, #tpu.memory_space<vmem_shared>> -> memref<120x128xf32, #tpu.memory_space<vmem_shared>>
      %dma_wait3A_94 = arith.constant 0 : i32
      %dma_wait3A_95 = arith.constant 0 : i32
      %dma_wait3A_96 = tpu.memref_slice %arg8[%run_scoped3A_12, %dma_wait3A_94, %dma_wait3A_95] : memref<3x120x128xf32, #tpu.memory_space<vmem>> -> memref<1x120x128xf32, #tpu.memory_space<vmem>>
      %dma_wait3A_97 = tpu.memref_squeeze %dma_wait3A_96 : memref<1x120x128xf32, #tpu.memory_space<vmem>> -> memref<120x128xf32, #tpu.memory_space<vmem>>
      tpu.wait_dma2 semaphore(%run_scoped3A_74 : memref<!tpu.dma_semaphore, #tpu.memory_space<semaphore_mem>>) src(%dma_wait3A_97 : memref<120x128xf32, #tpu.memory_space<vmem>>) dst(%dma_wait3A_93 : memref<120x128xf32, #tpu.memory_space<vmem_shared>>)
      tpu.yield
    }) : () -> ()
    %add3A_13 = arith.constant 240 : i32
    %add3A_14 = arith.addi %mul3A_7, %add3A_13 : i32
    %run_scoped3A_15 = arith.constant 0 : i32
    "tpu.region"() ({
      %run_scoped3A_74 = tpu.sem_alloc : memref<!tpu.dma_semaphore, #tpu.memory_space<semaphore_mem>>
      %dma_start3A_75 = arith.constant 0 : i32
      %dma_start3A_76 = arith.constant 0 : i32
      %dma_start3A_77 = tpu.memref_slice %arg8[%run_scoped3A_15, %dma_start3A_75, %dma_start3A_76] : memref<3x120x128xf32, #tpu.memory_space<vmem>> -> memref<1x120x128xf32, #tpu.memory_space<vmem>>
      %dma_start3A_78 = tpu.memref_squeeze %dma_start3A_77 : memref<1x120x128xf32, #tpu.memory_space<vmem>> -> memref<120x128xf32, #tpu.memory_space<vmem>>
      %dma_start3A_79 = arith.constant 0 : i32
      %dma_start3A_80 = tpu.memref_slice %arg9[%add3A_14, %dma_start3A_79] : memref<10112x128xf32, #tpu.memory_space<vmem_shared>> -> memref<120x128xf32, #tpu.memory_space<vmem_shared>>
      %dma_start3A_81 = arith.constant 0 : i32
      %dma_start3A_82 = tpu.memref_slice %arg9[%add3A_14, %dma_start3A_81] : memref<10112x128xf32, #tpu.memory_space<vmem_shared>> -> memref<120x128xf32, #tpu.memory_space<vmem_shared>>
      %dma_start3A_83 = arith.constant 0 : i32
      %dma_start3A_84 = arith.constant 0 : i32
      %dma_start3A_85 = tpu.memref_slice %arg8[%run_scoped3A_15, %dma_start3A_83, %dma_start3A_84] : memref<3x120x128xf32, #tpu.memory_space<vmem>> -> memref<1x120x128xf32, #tpu.memory_space<vmem>>
      %dma_start3A_86 = tpu.memref_squeeze %dma_start3A_85 : memref<1x120x128xf32, #tpu.memory_space<vmem>> -> memref<120x128xf32, #tpu.memory_space<vmem>>
      tpu.enqueue_dma source(%dma_start3A_86 : memref<120x128xf32, #tpu.memory_space<vmem>>) target(%dma_start3A_82 : memref<120x128xf32, #tpu.memory_space<vmem_shared>>) target_semaphore(%run_scoped3A_74 : memref<!tpu.dma_semaphore, #tpu.memory_space<semaphore_mem>>)
      %dma_wait3A = arith.constant 0 : i32
      %dma_wait3A_87 = arith.constant 0 : i32
      %dma_wait3A_88 = tpu.memref_slice %arg8[%run_scoped3A_15, %dma_wait3A, %dma_wait3A_87] : memref<3x120x128xf32, #tpu.memory_space<vmem>> -> memref<1x120x128xf32, #tpu.memory_space<vmem>>
      %dma_wait3A_89 = tpu.memref_squeeze %dma_wait3A_88 : memref<1x120x128xf32, #tpu.memory_space<vmem>> -> memref<120x128xf32, #tpu.memory_space<vmem>>
      %dma_wait3A_90 = arith.constant 0 : i32
      %dma_wait3A_91 = tpu.memref_slice %arg9[%add3A_14, %dma_wait3A_90] : memref<10112x128xf32, #tpu.memory_space<vmem_shared>> -> memref<120x128xf32, #tpu.memory_space<vmem_shared>>
      %dma_wait3A_92 = arith.constant 0 : i32
      %dma_wait3A_93 = tpu.memref_slice %arg9[%add3A_14, %dma_wait3A_92] : memref<10112x128xf32, #tpu.memory_space<vmem_shared>> -> memref<120x128xf32, #tpu.memory_space<vmem_shared>>
      %dma_wait3A_94 = arith.constant 0 : i32
      %dma_wait3A_95 = arith.constant 0 : i32
      %dma_wait3A_96 = tpu.memref_slice %arg8[%run_scoped3A_15, %dma_wait3A_94, %dma_wait3A_95] : memref<3x120x128xf32, #tpu.memory_space<vmem>> -> memref<1x120x128xf32, #tpu.memory_space<vmem>>
      %dma_wait3A_97 = tpu.memref_squeeze %dma_wait3A_96 : memref<1x120x128xf32, #tpu.memory_space<vmem>> -> memref<120x128xf32, #tpu.memory_space<vmem>>
      tpu.wait_dma2 semaphore(%run_scoped3A_74 : memref<!tpu.dma_semaphore, #tpu.memory_space<semaphore_mem>>) src(%dma_wait3A_97 : memref<120x128xf32, #tpu.memory_space<vmem>>) dst(%dma_wait3A_93 : memref<120x128xf32, #tpu.memory_space<vmem_shared>>)
      tpu.yield
    }) : () -> ()
    %add3A_16 = arith.constant 360 : i32
    %add3A_17 = arith.addi %mul3A_7, %add3A_16 : i32
    %run_scoped3A_18 = arith.constant 0 : i32
    "tpu.region"() ({
      %run_scoped3A_74 = tpu.sem_alloc : memref<!tpu.dma_semaphore, #tpu.memory_space<semaphore_mem>>
      %dma_start3A_75 = arith.constant 0 : i32
      %dma_start3A_76 = arith.constant 0 : i32
      %dma_start3A_77 = tpu.memref_slice %arg8[%run_scoped3A_18, %dma_start3A_75, %dma_start3A_76] : memref<3x120x128xf32, #tpu.memory_space<vmem>> -> memref<1x120x128xf32, #tpu.memory_space<vmem>>
      %dma_start3A_78 = tpu.memref_squeeze %dma_start3A_77 : memref<1x120x128xf32, #tpu.memory_space<vmem>> -> memref<120x128xf32, #tpu.memory_space<vmem>>
      %dma_start3A_79 = arith.constant 0 : i32
      %dma_start3A_80 = tpu.memref_slice %arg9[%add3A_17, %dma_start3A_79] : memref<10112x128xf32, #tpu.memory_space<vmem_shared>> -> memref<120x128xf32, #tpu.memory_space<vmem_shared>>
      %dma_start3A_81 = arith.constant 0 : i32
      %dma_start3A_82 = tpu.memref_slice %arg9[%add3A_17, %dma_start3A_81] : memref<10112x128xf32, #tpu.memory_space<vmem_shared>> -> memref<120x128xf32, #tpu.memory_space<vmem_shared>>
      %dma_start3A_83 = arith.constant 0 : i32
      %dma_start3A_84 = arith.constant 0 : i32
      %dma_start3A_85 = tpu.memref_slice %arg8[%run_scoped3A_18, %dma_start3A_83, %dma_start3A_84] : memref<3x120x128xf32, #tpu.memory_space<vmem>> -> memref<1x120x128xf32, #tpu.memory_space<vmem>>
      %dma_start3A_86 = tpu.memref_squeeze %dma_start3A_85 : memref<1x120x128xf32, #tpu.memory_space<vmem>> -> memref<120x128xf32, #tpu.memory_space<vmem>>
      tpu.enqueue_dma source(%dma_start3A_86 : memref<120x128xf32, #tpu.memory_space<vmem>>) target(%dma_start3A_82 : memref<120x128xf32, #tpu.memory_space<vmem_shared>>) target_semaphore(%run_scoped3A_74 : memref<!tpu.dma_semaphore, #tpu.memory_space<semaphore_mem>>)
      %dma_wait3A = arith.constant 0 : i32
      %dma_wait3A_87 = arith.constant 0 : i32
      %dma_wait3A_88 = tpu.memref_slice %arg8[%run_scoped3A_18, %dma_wait3A, %dma_wait3A_87] : memref<3x120x128xf32, #tpu.memory_space<vmem>> -> memref<1x120x128xf32, #tpu.memory_space<vmem>>
      %dma_wait3A_89 = tpu.memref_squeeze %dma_wait3A_88 : memref<1x120x128xf32, #tpu.memory_space<vmem>> -> memref<120x128xf32, #tpu.memory_space<vmem>>
      %dma_wait3A_90 = arith.constant 0 : i32
      %dma_wait3A_91 = tpu.memref_slice %arg9[%add3A_17, %dma_wait3A_90] : memref<10112x128xf32, #tpu.memory_space<vmem_shared>> -> memref<120x128xf32, #tpu.memory_space<vmem_shared>>
      %dma_wait3A_92 = arith.constant 0 : i32
      %dma_wait3A_93 = tpu.memref_slice %arg9[%add3A_17, %dma_wait3A_92] : memref<10112x128xf32, #tpu.memory_space<vmem_shared>> -> memref<120x128xf32, #tpu.memory_space<vmem_shared>>
      %dma_wait3A_94 = arith.constant 0 : i32
      %dma_wait3A_95 = arith.constant 0 : i32
      %dma_wait3A_96 = tpu.memref_slice %arg8[%run_scoped3A_18, %dma_wait3A_94, %dma_wait3A_95] : memref<3x120x128xf32, #tpu.memory_space<vmem>> -> memref<1x120x128xf32, #tpu.memory_space<vmem>>
      %dma_wait3A_97 = tpu.memref_squeeze %dma_wait3A_96 : memref<1x120x128xf32, #tpu.memory_space<vmem>> -> memref<120x128xf32, #tpu.memory_space<vmem>>
      tpu.wait_dma2 semaphore(%run_scoped3A_74 : memref<!tpu.dma_semaphore, #tpu.memory_space<semaphore_mem>>) src(%dma_wait3A_97 : memref<120x128xf32, #tpu.memory_space<vmem>>) dst(%dma_wait3A_93 : memref<120x128xf32, #tpu.memory_space<vmem_shared>>)
      tpu.yield
    }) : () -> ()
    %add3A_19 = arith.constant 480 : i32
    %add3A_20 = arith.addi %mul3A_7, %add3A_19 : i32
    %run_scoped3A_21 = arith.constant 0 : i32
    "tpu.region"() ({
      %run_scoped3A_74 = tpu.sem_alloc : memref<!tpu.dma_semaphore, #tpu.memory_space<semaphore_mem>>
      %dma_start3A_75 = arith.constant 0 : i32
      %dma_start3A_76 = arith.constant 0 : i32
      %dma_start3A_77 = tpu.memref_slice %arg8[%run_scoped3A_21, %dma_start3A_75, %dma_start3A_76] : memref<3x120x128xf32, #tpu.memory_space<vmem>> -> memref<1x120x128xf32, #tpu.memory_space<vmem>>
      %dma_start3A_78 = tpu.memref_squeeze %dma_start3A_77 : memref<1x120x128xf32, #tpu.memory_space<vmem>> -> memref<120x128xf32, #tpu.memory_space<vmem>>
      %dma_start3A_79 = arith.constant 0 : i32
      %dma_start3A_80 = tpu.memref_slice %arg9[%add3A_20, %dma_start3A_79] : memref<10112x128xf32, #tpu.memory_space<vmem_shared>> -> memref<120x128xf32, #tpu.memory_space<vmem_shared>>
      %dma_start3A_81 = arith.constant 0 : i32
      %dma_start3A_82 = tpu.memref_slice %arg9[%add3A_20, %dma_start3A_81] : memref<10112x128xf32, #tpu.memory_space<vmem_shared>> -> memref<120x128xf32, #tpu.memory_space<vmem_shared>>
      %dma_start3A_83 = arith.constant 0 : i32
      %dma_start3A_84 = arith.constant 0 : i32
      %dma_start3A_85 = tpu.memref_slice %arg8[%run_scoped3A_21, %dma_start3A_83, %dma_start3A_84] : memref<3x120x128xf32, #tpu.memory_space<vmem>> -> memref<1x120x128xf32, #tpu.memory_space<vmem>>
      %dma_start3A_86 = tpu.memref_squeeze %dma_start3A_85 : memref<1x120x128xf32, #tpu.memory_space<vmem>> -> memref<120x128xf32, #tpu.memory_space<vmem>>
      tpu.enqueue_dma source(%dma_start3A_86 : memref<120x128xf32, #tpu.memory_space<vmem>>) target(%dma_start3A_82 : memref<120x128xf32, #tpu.memory_space<vmem_shared>>) target_semaphore(%run_scoped3A_74 : memref<!tpu.dma_semaphore, #tpu.memory_space<semaphore_mem>>)
      %dma_wait3A = arith.constant 0 : i32
      %dma_wait3A_87 = arith.constant 0 : i32
      %dma_wait3A_88 = tpu.memref_slice %arg8[%run_scoped3A_21, %dma_wait3A, %dma_wait3A_87] : memref<3x120x128xf32, #tpu.memory_space<vmem>> -> memref<1x120x128xf32, #tpu.memory_space<vmem>>
      %dma_wait3A_89 = tpu.memref_squeeze %dma_wait3A_88 : memref<1x120x128xf32, #tpu.memory_space<vmem>> -> memref<120x128xf32, #tpu.memory_space<vmem>>
      %dma_wait3A_90 = arith.constant 0 : i32
      %dma_wait3A_91 = tpu.memref_slice %arg9[%add3A_20, %dma_wait3A_90] : memref<10112x128xf32, #tpu.memory_space<vmem_shared>> -> memref<120x128xf32, #tpu.memory_space<vmem_shared>>
      %dma_wait3A_92 = arith.constant 0 : i32
      %dma_wait3A_93 = tpu.memref_slice %arg9[%add3A_20, %dma_wait3A_92] : memref<10112x128xf32, #tpu.memory_space<vmem_shared>> -> memref<120x128xf32, #tpu.memory_space<vmem_shared>>
      %dma_wait3A_94 = arith.constant 0 : i32
      %dma_wait3A_95 = arith.constant 0 : i32
      %dma_wait3A_96 = tpu.memref_slice %arg8[%run_scoped3A_21, %dma_wait3A_94, %dma_wait3A_95] : memref<3x120x128xf32, #tpu.memory_space<vmem>> -> memref<1x120x128xf32, #tpu.memory_space<vmem>>
      %dma_wait3A_97 = tpu.memref_squeeze %dma_wait3A_96 : memref<1x120x128xf32, #tpu.memory_space<vmem>> -> memref<120x128xf32, #tpu.memory_space<vmem>>
      tpu.wait_dma2 semaphore(%run_scoped3A_74 : memref<!tpu.dma_semaphore, #tpu.memory_space<semaphore_mem>>) src(%dma_wait3A_97 : memref<120x128xf32, #tpu.memory_space<vmem>>) dst(%dma_wait3A_93 : memref<120x128xf32, #tpu.memory_space<vmem_shared>>)
      tpu.yield
    }) : () -> ()
    %add3A_22 = arith.constant 600 : i32
    %add3A_23 = arith.addi %mul3A_7, %add3A_22 : i32
    %run_scoped3A_24 = arith.constant 0 : i32
    "tpu.region"() ({
      %run_scoped3A_74 = tpu.sem_alloc : memref<!tpu.dma_semaphore, #tpu.memory_space<semaphore_mem>>
      %dma_start3A_75 = arith.constant 0 : i32
      %dma_start3A_76 = arith.constant 0 : i32
      %dma_start3A_77 = tpu.memref_slice %arg8[%run_scoped3A_24, %dma_start3A_75, %dma_start3A_76] : memref<3x120x128xf32, #tpu.memory_space<vmem>> -> memref<1x32x128xf32, #tpu.memory_space<vmem>>
      %dma_start3A_78 = tpu.memref_squeeze %dma_start3A_77 : memref<1x32x128xf32, #tpu.memory_space<vmem>> -> memref<32x128xf32, #tpu.memory_space<vmem>>
      %dma_start3A_79 = arith.constant 0 : i32
      %dma_start3A_80 = tpu.memref_slice %arg9[%add3A_23, %dma_start3A_79] : memref<10112x128xf32, #tpu.memory_space<vmem_shared>> -> memref<32x128xf32, #tpu.memory_space<vmem_shared>>
      %dma_start3A_81 = arith.constant 0 : i32
      %dma_start3A_82 = tpu.memref_slice %arg9[%add3A_23, %dma_start3A_81] : memref<10112x128xf32, #tpu.memory_space<vmem_shared>> -> memref<32x128xf32, #tpu.memory_space<vmem_shared>>
      %dma_start3A_83 = arith.constant 0 : i32
      %dma_start3A_84 = arith.constant 0 : i32
      %dma_start3A_85 = tpu.memref_slice %arg8[%run_scoped3A_24, %dma_start3A_83, %dma_start3A_84] : memref<3x120x128xf32, #tpu.memory_space<vmem>> -> memref<1x32x128xf32, #tpu.memory_space<vmem>>
      %dma_start3A_86 = tpu.memref_squeeze %dma_start3A_85 : memref<1x32x128xf32, #tpu.memory_space<vmem>> -> memref<32x128xf32, #tpu.memory_space<vmem>>
      tpu.enqueue_dma source(%dma_start3A_86 : memref<32x128xf32, #tpu.memory_space<vmem>>) target(%dma_start3A_82 : memref<32x128xf32, #tpu.memory_space<vmem_shared>>) target_semaphore(%run_scoped3A_74 : memref<!tpu.dma_semaphore, #tpu.memory_space<semaphore_mem>>)
      %dma_wait3A = arith.constant 0 : i32
      %dma_wait3A_87 = arith.constant 0 : i32
      %dma_wait3A_88 = tpu.memref_slice %arg8[%run_scoped3A_24, %dma_wait3A, %dma_wait3A_87] : memref<3x120x128xf32, #tpu.memory_space<vmem>> -> memref<1x32x128xf32, #tpu.memory_space<vmem>>
      %dma_wait3A_89 = tpu.memref_squeeze %dma_wait3A_88 : memref<1x32x128xf32, #tpu.memory_space<vmem>> -> memref<32x128xf32, #tpu.memory_space<vmem>>
      %dma_wait3A_90 = arith.constant 0 : i32
      %dma_wait3A_91 = tpu.memref_slice %arg9[%add3A_23, %dma_wait3A_90] : memref<10112x128xf32, #tpu.memory_space<vmem_shared>> -> memref<32x128xf32, #tpu.memory_space<vmem_shared>>
      %dma_wait3A_92 = arith.constant 0 : i32
      %dma_wait3A_93 = tpu.memref_slice %arg9[%add3A_23, %dma_wait3A_92] : memref<10112x128xf32, #tpu.memory_space<vmem_shared>> -> memref<32x128xf32, #tpu.memory_space<vmem_shared>>
      %dma_wait3A_94 = arith.constant 0 : i32
      %dma_wait3A_95 = arith.constant 0 : i32
      %dma_wait3A_96 = tpu.memref_slice %arg8[%run_scoped3A_24, %dma_wait3A_94, %dma_wait3A_95] : memref<3x120x128xf32, #tpu.memory_space<vmem>> -> memref<1x32x128xf32, #tpu.memory_space<vmem>>
      %dma_wait3A_97 = tpu.memref_squeeze %dma_wait3A_96 : memref<1x32x128xf32, #tpu.memory_space<vmem>> -> memref<32x128xf32, #tpu.memory_space<vmem>>
      tpu.wait_dma2 semaphore(%run_scoped3A_74 : memref<!tpu.dma_semaphore, #tpu.memory_space<semaphore_mem>>) src(%dma_wait3A_97 : memref<32x128xf32, #tpu.memory_space<vmem>>) dst(%dma_wait3A_93 : memref<32x128xf32, #tpu.memory_space<vmem_shared>>)
      tpu.yield
    }) : () -> ()
    %barrier3A = arith.constant 0 : index
    tpu.barrier barrier_id(%barrier3A)
    %run_scoped3A_25 = arith.constant 0 : i32
    %run_scoped3A_26 = arith.constant 0 : i32
    "tpu.region"() ({
      %run_scoped3A_74 = tpu.sem_alloc : memref<!tpu.dma_semaphore, #tpu.memory_space<semaphore_mem>>
      %dma_start3A_75 = arith.constant 0 : i32
      %dma_start3A_76 = arith.constant 0 : i32
      %dma_start3A_77 = tpu.memref_slice %arg6[%run_scoped3A_26, %dma_start3A_75, %dma_start3A_76] : memref<2x3x120xi32, #tpu.memory_space<vmem>> -> memref<1x3x120xi32, #tpu.memory_space<vmem>>
      %dma_start3A_78 = tpu.memref_squeeze %dma_start3A_77 : memref<1x3x120xi32, #tpu.memory_space<vmem>> -> memref<3x120xi32, #tpu.memory_space<vmem>>
      %dma_start3A_79 = arith.constant 0 : i32
      %dma_start3A_80 = arith.constant 0 : i32
      %dma_start3A_81 = tpu.memref_slice %arg3[%add3A, %run_scoped3A_25, %dma_start3A_79, %dma_start3A_80] : memref<32x28x3x120xi32, #tpu.memory_space<hbm>> -> memref<1x1x3x120xi32, #tpu.memory_space<hbm>>
      %dma_start3A_82 = tpu.memref_squeeze %dma_start3A_81 : memref<1x1x3x120xi32, #tpu.memory_space<hbm>> -> memref<3x120xi32, #tpu.memory_space<hbm>>
      %dma_start3A_83 = arith.constant 0 : i32
      %dma_start3A_84 = arith.constant 0 : i32
      %dma_start3A_85 = tpu.memref_slice %arg6[%run_scoped3A_26, %dma_start3A_83, %dma_start3A_84] : memref<2x3x120xi32, #tpu.memory_space<vmem>> -> memref<1x3x120xi32, #tpu.memory_space<vmem>>
      %dma_start3A_86 = tpu.memref_squeeze %dma_start3A_85 : memref<1x3x120xi32, #tpu.memory_space<vmem>> -> memref<3x120xi32, #tpu.memory_space<vmem>>
      %dma_start3A_87 = arith.constant 0 : i32
      %dma_start3A_88 = arith.constant 0 : i32
      %dma_start3A_89 = tpu.memref_slice %arg3[%add3A, %run_scoped3A_25, %dma_start3A_87, %dma_start3A_88] : memref<32x28x3x120xi32, #tpu.memory_space<hbm>> -> memref<1x1x3x120xi32, #tpu.memory_space<hbm>>
      %dma_start3A_90 = tpu.memref_squeeze %dma_start3A_89 : memref<1x1x3x120xi32, #tpu.memory_space<hbm>> -> memref<3x120xi32, #tpu.memory_space<hbm>>
      tpu.enqueue_dma source(%dma_start3A_90 : memref<3x120xi32, #tpu.memory_space<hbm>>) target(%dma_start3A_86 : memref<3x120xi32, #tpu.memory_space<vmem>>) target_semaphore(%run_scoped3A_74 : memref<!tpu.dma_semaphore, #tpu.memory_space<semaphore_mem>>)
      %dma_wait3A = arith.constant 0 : i32
      %dma_wait3A_91 = arith.constant 0 : i32
      %dma_wait3A_92 = tpu.memref_slice %arg6[%run_scoped3A_26, %dma_wait3A, %dma_wait3A_91] : memref<2x3x120xi32, #tpu.memory_space<vmem>> -> memref<1x3x120xi32, #tpu.memory_space<vmem>>
      %dma_wait3A_93 = tpu.memref_squeeze %dma_wait3A_92 : memref<1x3x120xi32, #tpu.memory_space<vmem>> -> memref<3x120xi32, #tpu.memory_space<vmem>>
      %dma_wait3A_94 = arith.constant 0 : i32
      %dma_wait3A_95 = arith.constant 0 : i32
      %dma_wait3A_96 = tpu.memref_slice %arg3[%add3A, %run_scoped3A_25, %dma_wait3A_94, %dma_wait3A_95] : memref<32x28x3x120xi32, #tpu.memory_space<hbm>> -> memref<1x1x3x120xi32, #tpu.memory_space<hbm>>
      %dma_wait3A_97 = tpu.memref_squeeze %dma_wait3A_96 : memref<1x1x3x120xi32, #tpu.memory_space<hbm>> -> memref<3x120xi32, #tpu.memory_space<hbm>>
      %dma_wait3A_98 = arith.constant 0 : i32
      %dma_wait3A_99 = arith.constant 0 : i32
      %dma_wait3A_100 = tpu.memref_slice %arg6[%run_scoped3A_26, %dma_wait3A_98, %dma_wait3A_99] : memref<2x3x120xi32, #tpu.memory_space<vmem>> -> memref<1x3x120xi32, #tpu.memory_space<vmem>>
      %dma_wait3A_101 = tpu.memref_squeeze %dma_wait3A_100 : memref<1x3x120xi32, #tpu.memory_space<vmem>> -> memref<3x120xi32, #tpu.memory_space<vmem>>
      %dma_wait3A_102 = arith.constant 0 : i32
      %dma_wait3A_103 = arith.constant 0 : i32
      %dma_wait3A_104 = tpu.memref_slice %arg3[%add3A, %run_scoped3A_25, %dma_wait3A_102, %dma_wait3A_103] : memref<32x28x3x120xi32, #tpu.memory_space<hbm>> -> memref<1x1x3x120xi32, #tpu.memory_space<hbm>>
      %dma_wait3A_105 = tpu.memref_squeeze %dma_wait3A_104 : memref<1x1x3x120xi32, #tpu.memory_space<hbm>> -> memref<3x120xi32, #tpu.memory_space<hbm>>
      tpu.wait_dma2 semaphore(%run_scoped3A_74 : memref<!tpu.dma_semaphore, #tpu.memory_space<semaphore_mem>>) src(%dma_wait3A_105 : memref<3x120xi32, #tpu.memory_space<hbm>>) dst(%dma_wait3A_101 : memref<3x120xi32, #tpu.memory_space<vmem>>)
      tpu.yield
    }) : () -> ()
    %run_scoped3A_27 = arith.constant 0 : i32
    %run_scoped3A_28 = arith.constant 0 : i32
    "tpu.region"() ({
      %run_scoped3A_74 = tpu.sem_alloc : memref<!tpu.dma_semaphore, #tpu.memory_space<semaphore_mem>>
      %dma_start3A_75 = arith.constant 0 : i32
      %dma_start3A_76 = arith.constant 0 : i32
      %dma_start3A_77 = tpu.memref_slice %arg7[%run_scoped3A_28, %dma_start3A_75, %dma_start3A_76] : memref<2x3x120xi32, #tpu.memory_space<vmem>> -> memref<1x3x120xi32, #tpu.memory_space<vmem>>
      %dma_start3A_78 = tpu.memref_squeeze %dma_start3A_77 : memref<1x3x120xi32, #tpu.memory_space<vmem>> -> memref<3x120xi32, #tpu.memory_space<vmem>>
      %dma_start3A_79 = arith.constant 0 : i32
      %dma_start3A_80 = arith.constant 0 : i32
      %dma_start3A_81 = tpu.memref_slice %arg4[%add3A, %run_scoped3A_27, %dma_start3A_79, %dma_start3A_80] : memref<32x28x3x120xi32, #tpu.memory_space<hbm>> -> memref<1x1x3x120xi32, #tpu.memory_space<hbm>>
      %dma_start3A_82 = tpu.memref_squeeze %dma_start3A_81 : memref<1x1x3x120xi32, #tpu.memory_space<hbm>> -> memref<3x120xi32, #tpu.memory_space<hbm>>
      %dma_start3A_83 = arith.constant 0 : i32
      %dma_start3A_84 = arith.constant 0 : i32
      %dma_start3A_85 = tpu.memref_slice %arg7[%run_scoped3A_28, %dma_start3A_83, %dma_start3A_84] : memref<2x3x120xi32, #tpu.memory_space<vmem>> -> memref<1x3x120xi32, #tpu.memory_space<vmem>>
      %dma_start3A_86 = tpu.memref_squeeze %dma_start3A_85 : memref<1x3x120xi32, #tpu.memory_space<vmem>> -> memref<3x120xi32, #tpu.memory_space<vmem>>
      %dma_start3A_87 = arith.constant 0 : i32
      %dma_start3A_88 = arith.constant 0 : i32
      %dma_start3A_89 = tpu.memref_slice %arg4[%add3A, %run_scoped3A_27, %dma_start3A_87, %dma_start3A_88] : memref<32x28x3x120xi32, #tpu.memory_space<hbm>> -> memref<1x1x3x120xi32, #tpu.memory_space<hbm>>
      %dma_start3A_90 = tpu.memref_squeeze %dma_start3A_89 : memref<1x1x3x120xi32, #tpu.memory_space<hbm>> -> memref<3x120xi32, #tpu.memory_space<hbm>>
      tpu.enqueue_dma source(%dma_start3A_90 : memref<3x120xi32, #tpu.memory_space<hbm>>) target(%dma_start3A_86 : memref<3x120xi32, #tpu.memory_space<vmem>>) target_semaphore(%run_scoped3A_74 : memref<!tpu.dma_semaphore, #tpu.memory_space<semaphore_mem>>)
      %dma_wait3A = arith.constant 0 : i32
      %dma_wait3A_91 = arith.constant 0 : i32
      %dma_wait3A_92 = tpu.memref_slice %arg7[%run_scoped3A_28, %dma_wait3A, %dma_wait3A_91] : memref<2x3x120xi32, #tpu.memory_space<vmem>> -> memref<1x3x120xi32, #tpu.memory_space<vmem>>
      %dma_wait3A_93 = tpu.memref_squeeze %dma_wait3A_92 : memref<1x3x120xi32, #tpu.memory_space<vmem>> -> memref<3x120xi32, #tpu.memory_space<vmem>>
      %dma_wait3A_94 = arith.constant 0 : i32
      %dma_wait3A_95 = arith.constant 0 : i32
      %dma_wait3A_96 = tpu.memref_slice %arg4[%add3A, %run_scoped3A_27, %dma_wait3A_94, %dma_wait3A_95] : memref<32x28x3x120xi32, #tpu.memory_space<hbm>> -> memref<1x1x3x120xi32, #tpu.memory_space<hbm>>
      %dma_wait3A_97 = tpu.memref_squeeze %dma_wait3A_96 : memref<1x1x3x120xi32, #tpu.memory_space<hbm>> -> memref<3x120xi32, #tpu.memory_space<hbm>>
      %dma_wait3A_98 = arith.constant 0 : i32
      %dma_wait3A_99 = arith.constant 0 : i32
      %dma_wait3A_100 = tpu.memref_slice %arg7[%run_scoped3A_28, %dma_wait3A_98, %dma_wait3A_99] : memref<2x3x120xi32, #tpu.memory_space<vmem>> -> memref<1x3x120xi32, #tpu.memory_space<vmem>>
      %dma_wait3A_101 = tpu.memref_squeeze %dma_wait3A_100 : memref<1x3x120xi32, #tpu.memory_space<vmem>> -> memref<3x120xi32, #tpu.memory_space<vmem>>
      %dma_wait3A_102 = arith.constant 0 : i32
      %dma_wait3A_103 = arith.constant 0 : i32
      %dma_wait3A_104 = tpu.memref_slice %arg4[%add3A, %run_scoped3A_27, %dma_wait3A_102, %dma_wait3A_103] : memref<32x28x3x120xi32, #tpu.memory_space<hbm>> -> memref<1x1x3x120xi32, #tpu.memory_space<hbm>>
      %dma_wait3A_105 = tpu.memref_squeeze %dma_wait3A_104 : memref<1x1x3x120xi32, #tpu.memory_space<hbm>> -> memref<3x120xi32, #tpu.memory_space<hbm>>
      tpu.wait_dma2 semaphore(%run_scoped3A_74 : memref<!tpu.dma_semaphore, #tpu.memory_space<semaphore_mem>>) src(%dma_wait3A_105 : memref<3x120xi32, #tpu.memory_space<hbm>>) dst(%dma_wait3A_101 : memref<3x120xi32, #tpu.memory_space<vmem>>)
      tpu.yield
    }) : () -> ()
    %dma_start3A = arith.constant 0 : i32
    %dma_start3A_29 = arith.constant 0 : i32
    %dma_start3A_30 = arith.constant 0 : i32
    %dma_start3A_31 = arith.constant 0 : i32
    %dma_start3A_32 = arith.constant 0 : i32
    %dma_start3A_33 = tpu.memref_slice %arg8[%dma_start3A_30, %dma_start3A_31, %dma_start3A_32] : memref<3x120x128xf32, #tpu.memory_space<vmem>> -> memref<1x120x128xf32, #tpu.memory_space<vmem>>
    %dma_start3A_34 = tpu.memref_squeeze %dma_start3A_33 : memref<1x120x128xf32, #tpu.memory_space<vmem>> -> memref<120x128xf32, #tpu.memory_space<vmem>>
    %dma_start3A_35 = arith.constant 0 : i32
    %dma_start3A_36 = tpu.memref_slice %arg6[%dma_start3A, %dma_start3A_29, %dma_start3A_35] : memref<2x3x120xi32, #tpu.memory_space<vmem>> -> memref<1x1x120xi32, #tpu.memory_space<vmem>>
    %dma_start3A_37 = tpu.memref_squeeze %dma_start3A_36 : memref<1x1x120xi32, #tpu.memory_space<vmem>> -> memref<120xi32, #tpu.memory_space<vmem>>
    %dma_start3A_38 = arith.constant 0 : i32
    %dma_start3A_39 = arith.constant 0 : i32
    %dma_start3A_40 = tpu.memref_slice %arg2[%dma_start3A_38, %dma_start3A_39] : memref<10240x128xf32, #tpu.memory_space<hbm>> -> memref<10240x128xf32, #tpu.memory_space<hbm>>
    tpu.enqueue_indirect_dma source(%dma_start3A_40 : memref<10240x128xf32, #tpu.memory_space<hbm>>) target(%dma_start3A_34 : memref<120x128xf32, #tpu.memory_space<vmem>>) offsets(%dma_start3A_37 : memref<120xi32, #tpu.memory_space<vmem>>) semaphore(%arg10 : memref<!tpu.dma_semaphore, #tpu.memory_space<semaphore_mem>>)
    %dma_start3A_41 = arith.constant 0 : i32
    %dma_start3A_42 = arith.constant 1 : i32
    %dma_start3A_43 = arith.constant 1 : i32
    %dma_start3A_44 = arith.constant 0 : i32
    %dma_start3A_45 = arith.constant 0 : i32
    %dma_start3A_46 = tpu.memref_slice %arg8[%dma_start3A_43, %dma_start3A_44, %dma_start3A_45] : memref<3x120x128xf32, #tpu.memory_space<vmem>> -> memref<1x120x128xf32, #tpu.memory_space<vmem>>
    %dma_start3A_47 = tpu.memref_squeeze %dma_start3A_46 : memref<1x120x128xf32, #tpu.memory_space<vmem>> -> memref<120x128xf32, #tpu.memory_space<vmem>>
    %dma_start3A_48 = arith.constant 0 : i32
    %dma_start3A_49 = tpu.memref_slice %arg6[%dma_start3A_41, %dma_start3A_42, %dma_start3A_48] : memref<2x3x120xi32, #tpu.memory_space<vmem>> -> memref<1x1x120xi32, #tpu.memory_space<vmem>>
    %dma_start3A_50 = tpu.memref_squeeze %dma_start3A_49 : memref<1x1x120xi32, #tpu.memory_space<vmem>> -> memref<120xi32, #tpu.memory_space<vmem>>
    %dma_start3A_51 = arith.constant 0 : i32
    %dma_start3A_52 = arith.constant 0 : i32
    %dma_start3A_53 = tpu.memref_slice %arg2[%dma_start3A_51, %dma_start3A_52] : memref<10240x128xf32, #tpu.memory_space<hbm>> -> memref<10240x128xf32, #tpu.memory_space<hbm>>
    tpu.enqueue_indirect_dma source(%dma_start3A_53 : memref<10240x128xf32, #tpu.memory_space<hbm>>) target(%dma_start3A_47 : memref<120x128xf32, #tpu.memory_space<vmem>>) offsets(%dma_start3A_50 : memref<120xi32, #tpu.memory_space<vmem>>) semaphore(%arg11 : memref<!tpu.dma_semaphore, #tpu.memory_space<semaphore_mem>>)
    %dma_start3A_54 = arith.constant 0 : i32
    %dma_start3A_55 = arith.constant 2 : i32
    %dma_start3A_56 = arith.constant 2 : i32
    %dma_start3A_57 = arith.constant 0 : i32
    %dma_start3A_58 = arith.constant 0 : i32
    %dma_start3A_59 = tpu.memref_slice %arg8[%dma_start3A_56, %dma_start3A_57, %dma_start3A_58] : memref<3x120x128xf32, #tpu.memory_space<vmem>> -> memref<1x120x128xf32, #tpu.memory_space<vmem>>
    %dma_start3A_60 = tpu.memref_squeeze %dma_start3A_59 : memref<1x120x128xf32, #tpu.memory_space<vmem>> -> memref<120x128xf32, #tpu.memory_space<vmem>>
    %dma_start3A_61 = arith.constant 0 : i32
    %dma_start3A_62 = tpu.memref_slice %arg6[%dma_start3A_54, %dma_start3A_55, %dma_start3A_61] : memref<2x3x120xi32, #tpu.memory_space<vmem>> -> memref<1x1x120xi32, #tpu.memory_space<vmem>>
    %dma_start3A_63 = tpu.memref_squeeze %dma_start3A_62 : memref<1x1x120xi32, #tpu.memory_space<vmem>> -> memref<120xi32, #tpu.memory_space<vmem>>
    %dma_start3A_64 = arith.constant 0 : i32
    %dma_start3A_65 = arith.constant 0 : i32
    %dma_start3A_66 = tpu.memref_slice %arg2[%dma_start3A_64, %dma_start3A_65] : memref<10240x128xf32, #tpu.memory_space<hbm>> -> memref<10240x128xf32, #tpu.memory_space<hbm>>
    tpu.enqueue_indirect_dma source(%dma_start3A_66 : memref<10240x128xf32, #tpu.memory_space<hbm>>) target(%dma_start3A_60 : memref<120x128xf32, #tpu.memory_space<vmem>>) offsets(%dma_start3A_63 : memref<120xi32, #tpu.memory_space<vmem>>) semaphore(%arg12 : memref<!tpu.dma_semaphore, #tpu.memory_space<semaphore_mem>>)
    %scan3A_67 = arith.constant 0 : i32
    %scan3A_68 = arith.constant 0 : i32
    %scan3A_69 = arith.constant 28 : i32
    %scan3A_70 = arith.addi %scan3A_68, %scan3A_69 : i32
    %scan3A_71 = arith.constant 1 : i32
    scf.for %scan3A_74 = %scan3A_68 to %scan3A_70 step %scan3A_71  : i32 {
      %rem3A = arith.constant 2 : i32
      %rem3A_75 = arith.remsi %scan3A_74, %rem3A : i32
      %lt3A = arith.constant 27 : i32
      %lt3A_76 = arith.cmpi slt, %scan3A_74, %lt3A : i32
      %convert_element_type3A = arith.extui %lt3A_76 : i1 to i32
      %cond3A = arith.constant 0 : i32
      %cond3A_77 = arith.cmpi ne, %convert_element_type3A, %cond3A : i32
      scf.if %cond3A_77 {
        %add3A_205 = arith.constant 1 : i32
        %add3A_206 = arith.addi %scan3A_74, %add3A_205 : i32
        %sub3A = arith.constant 1 : i32
        %sub3A_207 = arith.subi %sub3A, %rem3A_75 : i32
        %dma_start3A_208 = arith.constant 0 : i32
        %dma_start3A_209 = arith.constant 0 : i32
        %dma_start3A_210 = tpu.memref_slice %arg6[%sub3A_207, %dma_start3A_208, %dma_start3A_209] : memref<2x3x120xi32, #tpu.memory_space<vmem>> -> memref<1x3x120xi32, #tpu.memory_space<vmem>>
        %dma_start3A_211 = tpu.memref_squeeze %dma_start3A_210 : memref<1x3x120xi32, #tpu.memory_space<vmem>> -> memref<3x120xi32, #tpu.memory_space<vmem>>
        %dma_start3A_212 = arith.constant 0 : i32
        %dma_start3A_213 = arith.constant 0 : i32
        %dma_start3A_214 = tpu.memref_slice %arg3[%add3A, %add3A_206, %dma_start3A_212, %dma_start3A_213] : memref<32x28x3x120xi32, #tpu.memory_space<hbm>> -> memref<1x1x3x120xi32, #tpu.memory_space<hbm>>
        %dma_start3A_215 = tpu.memref_squeeze %dma_start3A_214 : memref<1x1x3x120xi32, #tpu.memory_space<hbm>> -> memref<3x120xi32, #tpu.memory_space<hbm>>
        %dma_start3A_216 = arith.constant 0 : i32
        %dma_start3A_217 = arith.constant 0 : i32
        %dma_start3A_218 = tpu.memref_slice %arg6[%sub3A_207, %dma_start3A_216, %dma_start3A_217] : memref<2x3x120xi32, #tpu.memory_space<vmem>> -> memref<1x3x120xi32, #tpu.memory_space<vmem>>
        %dma_start3A_219 = tpu.memref_squeeze %dma_start3A_218 : memref<1x3x120xi32, #tpu.memory_space<vmem>> -> memref<3x120xi32, #tpu.memory_space<vmem>>
        %dma_start3A_220 = arith.constant 0 : i32
        %dma_start3A_221 = arith.constant 0 : i32
        %dma_start3A_222 = tpu.memref_slice %arg3[%add3A, %add3A_206, %dma_start3A_220, %dma_start3A_221] : memref<32x28x3x120xi32, #tpu.memory_space<hbm>> -> memref<1x1x3x120xi32, #tpu.memory_space<hbm>>
        %dma_start3A_223 = tpu.memref_squeeze %dma_start3A_222 : memref<1x1x3x120xi32, #tpu.memory_space<hbm>> -> memref<3x120xi32, #tpu.memory_space<hbm>>
        tpu.enqueue_dma source(%dma_start3A_223 : memref<3x120xi32, #tpu.memory_space<hbm>>) target(%dma_start3A_219 : memref<3x120xi32, #tpu.memory_space<vmem>>) target_semaphore(%arg16 : memref<!tpu.dma_semaphore, #tpu.memory_space<semaphore_mem>>)
        %add3A_224 = arith.constant 1 : i32
        %add3A_225 = arith.addi %scan3A_74, %add3A_224 : i32
        %sub3A_226 = arith.constant 1 : i32
        %sub3A_227 = arith.subi %sub3A_226, %rem3A_75 : i32
        %dma_start3A_228 = arith.constant 0 : i32
        %dma_start3A_229 = arith.constant 0 : i32
        %dma_start3A_230 = tpu.memref_slice %arg7[%sub3A_227, %dma_start3A_228, %dma_start3A_229] : memref<2x3x120xi32, #tpu.memory_space<vmem>> -> memref<1x3x120xi32, #tpu.memory_space<vmem>>
        %dma_start3A_231 = tpu.memref_squeeze %dma_start3A_230 : memref<1x3x120xi32, #tpu.memory_space<vmem>> -> memref<3x120xi32, #tpu.memory_space<vmem>>
        %dma_start3A_232 = arith.constant 0 : i32
        %dma_start3A_233 = arith.constant 0 : i32
        %dma_start3A_234 = tpu.memref_slice %arg4[%add3A, %add3A_225, %dma_start3A_232, %dma_start3A_233] : memref<32x28x3x120xi32, #tpu.memory_space<hbm>> -> memref<1x1x3x120xi32, #tpu.memory_space<hbm>>
        %dma_start3A_235 = tpu.memref_squeeze %dma_start3A_234 : memref<1x1x3x120xi32, #tpu.memory_space<hbm>> -> memref<3x120xi32, #tpu.memory_space<hbm>>
        %dma_start3A_236 = arith.constant 0 : i32
        %dma_start3A_237 = arith.constant 0 : i32
        %dma_start3A_238 = tpu.memref_slice %arg7[%sub3A_227, %dma_start3A_236, %dma_start3A_237] : memref<2x3x120xi32, #tpu.memory_space<vmem>> -> memref<1x3x120xi32, #tpu.memory_space<vmem>>
        %dma_start3A_239 = tpu.memref_squeeze %dma_start3A_238 : memref<1x3x120xi32, #tpu.memory_space<vmem>> -> memref<3x120xi32, #tpu.memory_space<vmem>>
        %dma_start3A_240 = arith.constant 0 : i32
        %dma_start3A_241 = arith.constant 0 : i32
        %dma_start3A_242 = tpu.memref_slice %arg4[%add3A, %add3A_225, %dma_start3A_240, %dma_start3A_241] : memref<32x28x3x120xi32, #tpu.memory_space<hbm>> -> memref<1x1x3x120xi32, #tpu.memory_space<hbm>>
        %dma_start3A_243 = tpu.memref_squeeze %dma_start3A_242 : memref<1x1x3x120xi32, #tpu.memory_space<hbm>> -> memref<3x120xi32, #tpu.memory_space<hbm>>
        tpu.enqueue_dma source(%dma_start3A_243 : memref<3x120xi32, #tpu.memory_space<hbm>>) target(%dma_start3A_239 : memref<3x120xi32, #tpu.memory_space<vmem>>) target_semaphore(%arg16 : memref<!tpu.dma_semaphore, #tpu.memory_space<semaphore_mem>>)
      } else {
      }
      %dma_wait3A = arith.constant 0 : i32
      %dma_wait3A_78 = arith.constant 0 : i32
      %dma_wait3A_79 = arith.constant 0 : i32
      %dma_wait3A_80 = arith.constant 0 : i32
      %dma_wait3A_81 = tpu.memref_slice %arg8[%dma_wait3A_78, %dma_wait3A_79, %dma_wait3A_80] : memref<3x120x128xf32, #tpu.memory_space<vmem>> -> memref<1x120x128xf32, #tpu.memory_space<vmem>>
      %dma_wait3A_82 = tpu.memref_squeeze %dma_wait3A_81 : memref<1x120x128xf32, #tpu.memory_space<vmem>> -> memref<120x128xf32, #tpu.memory_space<vmem>>
      %dma_wait3A_83 = arith.constant 0 : i32
      %dma_wait3A_84 = tpu.memref_slice %arg6[%rem3A_75, %dma_wait3A, %dma_wait3A_83] : memref<2x3x120xi32, #tpu.memory_space<vmem>> -> memref<1x1x120xi32, #tpu.memory_space<vmem>>
      %dma_wait3A_85 = tpu.memref_squeeze %dma_wait3A_84 : memref<1x1x120xi32, #tpu.memory_space<vmem>> -> memref<120xi32, #tpu.memory_space<vmem>>
      %dma_wait3A_86 = arith.constant 0 : i32
      %dma_wait3A_87 = arith.constant 0 : i32
      %dma_wait3A_88 = tpu.memref_slice %arg2[%dma_wait3A_86, %dma_wait3A_87] : memref<10240x128xf32, #tpu.memory_space<hbm>> -> memref<10240x128xf32, #tpu.memory_space<hbm>>
      tpu.wait_indirect_dma semaphore(%arg10 : memref<!tpu.dma_semaphore, #tpu.memory_space<semaphore_mem>>) src(%dma_wait3A_88 : memref<10240x128xf32, #tpu.memory_space<hbm>>) dst(%dma_wait3A_82 : memref<120x128xf32, #tpu.memory_space<vmem>>)
      %dma_start3A_89 = arith.constant 0 : i32
      %dma_start3A_90 = arith.constant 0 : i32
      %dma_start3A_91 = arith.constant 0 : i32
      %dma_start3A_92 = arith.constant 0 : i32
      %dma_start3A_93 = tpu.memref_slice %arg8[%dma_start3A_89, %dma_start3A_91, %dma_start3A_92] : memref<3x120x128xf32, #tpu.memory_space<vmem>> -> memref<1x120x128xf32, #tpu.memory_space<vmem>>
      %dma_start3A_94 = tpu.memref_squeeze %dma_start3A_93 : memref<1x120x128xf32, #tpu.memory_space<vmem>> -> memref<120x128xf32, #tpu.memory_space<vmem>>
      %dma_start3A_95 = arith.constant 0 : i32
      %dma_start3A_96 = tpu.memref_slice %arg7[%rem3A_75, %dma_start3A_90, %dma_start3A_95] : memref<2x3x120xi32, #tpu.memory_space<vmem>> -> memref<1x1x120xi32, #tpu.memory_space<vmem>>
      %dma_start3A_97 = tpu.memref_squeeze %dma_start3A_96 : memref<1x1x120xi32, #tpu.memory_space<vmem>> -> memref<120xi32, #tpu.memory_space<vmem>>
      %dma_start3A_98 = arith.constant 0 : i32
      %dma_start3A_99 = arith.constant 0 : i32
      %dma_start3A_100 = tpu.memref_slice %arg9[%dma_start3A_98, %dma_start3A_99] : memref<10112x128xf32, #tpu.memory_space<vmem_shared>> -> memref<10112x128xf32, #tpu.memory_space<vmem_shared>>
      tpu.enqueue_indirect_dma source(%dma_start3A_94 : memref<120x128xf32, #tpu.memory_space<vmem>>) target(%dma_start3A_100 : memref<10112x128xf32, #tpu.memory_space<vmem_shared>>) offsets(%dma_start3A_97 : memref<120xi32, #tpu.memory_space<vmem>>) semaphore(%arg13 : memref<!tpu.dma_semaphore, #tpu.memory_space<semaphore_mem>>) {add = true}
      %dma_wait3A_101 = arith.constant 1 : i32
      %dma_wait3A_102 = arith.constant 1 : i32
      %dma_wait3A_103 = arith.constant 0 : i32
      %dma_wait3A_104 = arith.constant 0 : i32
      %dma_wait3A_105 = tpu.memref_slice %arg8[%dma_wait3A_102, %dma_wait3A_103, %dma_wait3A_104] : memref<3x120x128xf32, #tpu.memory_space<vmem>> -> memref<1x120x128xf32, #tpu.memory_space<vmem>>
      %dma_wait3A_106 = tpu.memref_squeeze %dma_wait3A_105 : memref<1x120x128xf32, #tpu.memory_space<vmem>> -> memref<120x128xf32, #tpu.memory_space<vmem>>
      %dma_wait3A_107 = arith.constant 0 : i32
      %dma_wait3A_108 = tpu.memref_slice %arg6[%rem3A_75, %dma_wait3A_101, %dma_wait3A_107] : memref<2x3x120xi32, #tpu.memory_space<vmem>> -> memref<1x1x120xi32, #tpu.memory_space<vmem>>
      %dma_wait3A_109 = tpu.memref_squeeze %dma_wait3A_108 : memref<1x1x120xi32, #tpu.memory_space<vmem>> -> memref<120xi32, #tpu.memory_space<vmem>>
      %dma_wait3A_110 = arith.constant 0 : i32
      %dma_wait3A_111 = arith.constant 0 : i32
      %dma_wait3A_112 = tpu.memref_slice %arg2[%dma_wait3A_110, %dma_wait3A_111] : memref<10240x128xf32, #tpu.memory_space<hbm>> -> memref<10240x128xf32, #tpu.memory_space<hbm>>
      tpu.wait_indirect_dma semaphore(%arg11 : memref<!tpu.dma_semaphore, #tpu.memory_space<semaphore_mem>>) src(%dma_wait3A_112 : memref<10240x128xf32, #tpu.memory_space<hbm>>) dst(%dma_wait3A_106 : memref<120x128xf32, #tpu.memory_space<vmem>>)
      %dma_start3A_113 = arith.constant 1 : i32
      %dma_start3A_114 = arith.constant 1 : i32
      %dma_start3A_115 = arith.constant 0 : i32
      %dma_start3A_116 = arith.constant 0 : i32
      %dma_start3A_117 = tpu.memref_slice %arg8[%dma_start3A_113, %dma_start3A_115, %dma_start3A_116] : memref<3x120x128xf32, #tpu.memory_space<vmem>> -> memref<1x120x128xf32, #tpu.memory_space<vmem>>
      %dma_start3A_118 = tpu.memref_squeeze %dma_start3A_117 : memref<1x120x128xf32, #tpu.memory_space<vmem>> -> memref<120x128xf32, #tpu.memory_space<vmem>>
      %dma_start3A_119 = arith.constant 0 : i32
      %dma_start3A_120 = tpu.memref_slice %arg7[%rem3A_75, %dma_start3A_114, %dma_start3A_119] : memref<2x3x120xi32, #tpu.memory_space<vmem>> -> memref<1x1x120xi32, #tpu.memory_space<vmem>>
      %dma_start3A_121 = tpu.memref_squeeze %dma_start3A_120 : memref<1x1x120xi32, #tpu.memory_space<vmem>> -> memref<120xi32, #tpu.memory_space<vmem>>
      %dma_start3A_122 = arith.constant 0 : i32
      %dma_start3A_123 = arith.constant 0 : i32
      %dma_start3A_124 = tpu.memref_slice %arg9[%dma_start3A_122, %dma_start3A_123] : memref<10112x128xf32, #tpu.memory_space<vmem_shared>> -> memref<10112x128xf32, #tpu.memory_space<vmem_shared>>
      tpu.enqueue_indirect_dma source(%dma_start3A_118 : memref<120x128xf32, #tpu.memory_space<vmem>>) target(%dma_start3A_124 : memref<10112x128xf32, #tpu.memory_space<vmem_shared>>) offsets(%dma_start3A_121 : memref<120xi32, #tpu.memory_space<vmem>>) semaphore(%arg14 : memref<!tpu.dma_semaphore, #tpu.memory_space<semaphore_mem>>) {add = true}
      %dma_wait3A_125 = arith.constant 2 : i32
      %dma_wait3A_126 = arith.constant 2 : i32
      %dma_wait3A_127 = arith.constant 0 : i32
      %dma_wait3A_128 = arith.constant 0 : i32
      %dma_wait3A_129 = tpu.memref_slice %arg8[%dma_wait3A_126, %dma_wait3A_127, %dma_wait3A_128] : memref<3x120x128xf32, #tpu.memory_space<vmem>> -> memref<1x120x128xf32, #tpu.memory_space<vmem>>
      %dma_wait3A_130 = tpu.memref_squeeze %dma_wait3A_129 : memref<1x120x128xf32, #tpu.memory_space<vmem>> -> memref<120x128xf32, #tpu.memory_space<vmem>>
      %dma_wait3A_131 = arith.constant 0 : i32
      %dma_wait3A_132 = tpu.memref_slice %arg6[%rem3A_75, %dma_wait3A_125, %dma_wait3A_131] : memref<2x3x120xi32, #tpu.memory_space<vmem>> -> memref<1x1x120xi32, #tpu.memory_space<vmem>>
      %dma_wait3A_133 = tpu.memref_squeeze %dma_wait3A_132 : memref<1x1x120xi32, #tpu.memory_space<vmem>> -> memref<120xi32, #tpu.memory_space<vmem>>
      %dma_wait3A_134 = arith.constant 0 : i32
      %dma_wait3A_135 = arith.constant 0 : i32
      %dma_wait3A_136 = tpu.memref_slice %arg2[%dma_wait3A_134, %dma_wait3A_135] : memref<10240x128xf32, #tpu.memory_space<hbm>> -> memref<10240x128xf32, #tpu.memory_space<hbm>>
      tpu.wait_indirect_dma semaphore(%arg12 : memref<!tpu.dma_semaphore, #tpu.memory_space<semaphore_mem>>) src(%dma_wait3A_136 : memref<10240x128xf32, #tpu.memory_space<hbm>>) dst(%dma_wait3A_130 : memref<120x128xf32, #tpu.memory_space<vmem>>)
      %dma_start3A_137 = arith.constant 2 : i32
      %dma_start3A_138 = arith.constant 2 : i32
      %dma_start3A_139 = arith.constant 0 : i32
      %dma_start3A_140 = arith.constant 0 : i32
      %dma_start3A_141 = tpu.memref_slice %arg8[%dma_start3A_137, %dma_start3A_139, %dma_start3A_140] : memref<3x120x128xf32, #tpu.memory_space<vmem>> -> memref<1x120x128xf32, #tpu.memory_space<vmem>>
      %dma_start3A_142 = tpu.memref_squeeze %dma_start3A_141 : memref<1x120x128xf32, #tpu.memory_space<vmem>> -> memref<120x128xf32, #tpu.memory_space<vmem>>
      %dma_start3A_143 = arith.constant 0 : i32
      %dma_start3A_144 = tpu.memref_slice %arg7[%rem3A_75, %dma_start3A_138, %dma_start3A_143] : memref<2x3x120xi32, #tpu.memory_space<vmem>> -> memref<1x1x120xi32, #tpu.memory_space<vmem>>
      %dma_start3A_145 = tpu.memref_squeeze %dma_start3A_144 : memref<1x1x120xi32, #tpu.memory_space<vmem>> -> memref<120xi32, #tpu.memory_space<vmem>>
      %dma_start3A_146 = arith.constant 0 : i32
      %dma_start3A_147 = arith.constant 0 : i32
      %dma_start3A_148 = tpu.memref_slice %arg9[%dma_start3A_146, %dma_start3A_147] : memref<10112x128xf32, #tpu.memory_space<vmem_shared>> -> memref<10112x128xf32, #tpu.memory_space<vmem_shared>>
      tpu.enqueue_indirect_dma source(%dma_start3A_142 : memref<120x128xf32, #tpu.memory_space<vmem>>) target(%dma_start3A_148 : memref<10112x128xf32, #tpu.memory_space<vmem_shared>>) offsets(%dma_start3A_145 : memref<120xi32, #tpu.memory_space<vmem>>) semaphore(%arg15 : memref<!tpu.dma_semaphore, #tpu.memory_space<semaphore_mem>>) {add = true}
      %lt3A_149 = arith.constant 27 : i32
      %lt3A_150 = arith.cmpi slt, %scan3A_74, %lt3A_149 : i32
      %convert_element_type3A_151 = arith.extui %lt3A_150 : i1 to i32
      %cond3A_152 = arith.constant 0 : i32
      %cond3A_153 = arith.cmpi ne, %convert_element_type3A_151, %cond3A_152 : i32
      scf.if %cond3A_153 {
        %sub3A = arith.constant 1 : i32
        %sub3A_205 = arith.subi %sub3A, %rem3A_75 : i32
        %dma_wait3A_206 = arith.constant 0 : i32
        %dma_wait3A_207 = arith.constant 0 : i32
        %dma_wait3A_208 = arith.constant 0 : i32
        %dma_wait3A_209 = tpu.memref_slice %arg6[%sub3A_205, %dma_wait3A_207, %dma_wait3A_208] : memref<2x3x120xi32, #tpu.memory_space<vmem>> -> memref<1x3x120xi32, #tpu.memory_space<vmem>>
        %dma_wait3A_210 = tpu.memref_squeeze %dma_wait3A_209 : memref<1x3x120xi32, #tpu.memory_space<vmem>> -> memref<3x120xi32, #tpu.memory_space<vmem>>
        %dma_wait3A_211 = arith.constant 0 : i32
        %dma_wait3A_212 = arith.constant 0 : i32
        %dma_wait3A_213 = tpu.memref_slice %arg3[%add3A, %dma_wait3A_206, %dma_wait3A_211, %dma_wait3A_212] : memref<32x28x3x120xi32, #tpu.memory_space<hbm>> -> memref<1x1x3x120xi32, #tpu.memory_space<hbm>>
        %dma_wait3A_214 = tpu.memref_squeeze %dma_wait3A_213 : memref<1x1x3x120xi32, #tpu.memory_space<hbm>> -> memref<3x120xi32, #tpu.memory_space<hbm>>
        %dma_wait3A_215 = arith.constant 0 : i32
        %dma_wait3A_216 = arith.constant 0 : i32
        %dma_wait3A_217 = tpu.memref_slice %arg6[%sub3A_205, %dma_wait3A_215, %dma_wait3A_216] : memref<2x3x120xi32, #tpu.memory_space<vmem>> -> memref<1x3x120xi32, #tpu.memory_space<vmem>>
        %dma_wait3A_218 = tpu.memref_squeeze %dma_wait3A_217 : memref<1x3x120xi32, #tpu.memory_space<vmem>> -> memref<3x120xi32, #tpu.memory_space<vmem>>
        %dma_wait3A_219 = arith.constant 0 : i32
        %dma_wait3A_220 = arith.constant 0 : i32
        %dma_wait3A_221 = tpu.memref_slice %arg3[%add3A, %dma_wait3A_206, %dma_wait3A_219, %dma_wait3A_220] : memref<32x28x3x120xi32, #tpu.memory_space<hbm>> -> memref<1x1x3x120xi32, #tpu.memory_space<hbm>>
        %dma_wait3A_222 = tpu.memref_squeeze %dma_wait3A_221 : memref<1x1x3x120xi32, #tpu.memory_space<hbm>> -> memref<3x120xi32, #tpu.memory_space<hbm>>
        tpu.wait_dma2 semaphore(%arg16 : memref<!tpu.dma_semaphore, #tpu.memory_space<semaphore_mem>>) src(%dma_wait3A_222 : memref<3x120xi32, #tpu.memory_space<hbm>>) dst(%dma_wait3A_218 : memref<3x120xi32, #tpu.memory_space<vmem>>)
        %sub3A_223 = arith.constant 1 : i32
        %sub3A_224 = arith.subi %sub3A_223, %rem3A_75 : i32
        %dma_wait3A_225 = arith.constant 0 : i32
        %dma_wait3A_226 = arith.constant 0 : i32
        %dma_wait3A_227 = arith.constant 0 : i32
        %dma_wait3A_228 = tpu.memref_slice %arg7[%sub3A_224, %dma_wait3A_226, %dma_wait3A_227] : memref<2x3x120xi32, #tpu.memory_space<vmem>> -> memref<1x3x120xi32, #tpu.memory_space<vmem>>
        %dma_wait3A_229 = tpu.memref_squeeze %dma_wait3A_228 : memref<1x3x120xi32, #tpu.memory_space<vmem>> -> memref<3x120xi32, #tpu.memory_space<vmem>>
        %dma_wait3A_230 = arith.constant 0 : i32
        %dma_wait3A_231 = arith.constant 0 : i32
        %dma_wait3A_232 = tpu.memref_slice %arg4[%add3A, %dma_wait3A_225, %dma_wait3A_230, %dma_wait3A_231] : memref<32x28x3x120xi32, #tpu.memory_space<hbm>> -> memref<1x1x3x120xi32, #tpu.memory_space<hbm>>
        %dma_wait3A_233 = tpu.memref_squeeze %dma_wait3A_232 : memref<1x1x3x120xi32, #tpu.memory_space<hbm>> -> memref<3x120xi32, #tpu.memory_space<hbm>>
        %dma_wait3A_234 = arith.constant 0 : i32
        %dma_wait3A_235 = arith.constant 0 : i32
        %dma_wait3A_236 = tpu.memref_slice %arg7[%sub3A_224, %dma_wait3A_234, %dma_wait3A_235] : memref<2x3x120xi32, #tpu.memory_space<vmem>> -> memref<1x3x120xi32, #tpu.memory_space<vmem>>
        %dma_wait3A_237 = tpu.memref_squeeze %dma_wait3A_236 : memref<1x3x120xi32, #tpu.memory_space<vmem>> -> memref<3x120xi32, #tpu.memory_space<vmem>>
        %dma_wait3A_238 = arith.constant 0 : i32
        %dma_wait3A_239 = arith.constant 0 : i32
        %dma_wait3A_240 = tpu.memref_slice %arg4[%add3A, %dma_wait3A_225, %dma_wait3A_238, %dma_wait3A_239] : memref<32x28x3x120xi32, #tpu.memory_space<hbm>> -> memref<1x1x3x120xi32, #tpu.memory_space<hbm>>
        %dma_wait3A_241 = tpu.memref_squeeze %dma_wait3A_240 : memref<1x1x3x120xi32, #tpu.memory_space<hbm>> -> memref<3x120xi32, #tpu.memory_space<hbm>>
        tpu.wait_dma2 semaphore(%arg16 : memref<!tpu.dma_semaphore, #tpu.memory_space<semaphore_mem>>) src(%dma_wait3A_241 : memref<3x120xi32, #tpu.memory_space<hbm>>) dst(%dma_wait3A_237 : memref<3x120xi32, #tpu.memory_space<vmem>>)
      } else {
      }
      %dma_wait3A_154 = arith.constant 0 : i32
      %dma_wait3A_155 = arith.constant 0 : i32
      %dma_wait3A_156 = arith.constant 0 : i32
      %dma_wait3A_157 = arith.constant 0 : i32
      %dma_wait3A_158 = tpu.memref_slice %arg8[%dma_wait3A_154, %dma_wait3A_156, %dma_wait3A_157] : memref<3x120x128xf32, #tpu.memory_space<vmem>> -> memref<1x120x128xf32, #tpu.memory_space<vmem>>
      %dma_wait3A_159 = tpu.memref_squeeze %dma_wait3A_158 : memref<1x120x128xf32, #tpu.memory_space<vmem>> -> memref<120x128xf32, #tpu.memory_space<vmem>>
      %dma_wait3A_160 = arith.constant 0 : i32
      %dma_wait3A_161 = tpu.memref_slice %arg7[%rem3A_75, %dma_wait3A_155, %dma_wait3A_160] : memref<2x3x120xi32, #tpu.memory_space<vmem>> -> memref<1x1x120xi32, #tpu.memory_space<vmem>>
      %dma_wait3A_162 = tpu.memref_squeeze %dma_wait3A_161 : memref<1x1x120xi32, #tpu.memory_space<vmem>> -> memref<120xi32, #tpu.memory_space<vmem>>
      %dma_wait3A_163 = arith.constant 0 : i32
      %dma_wait3A_164 = arith.constant 0 : i32
      %dma_wait3A_165 = tpu.memref_slice %arg9[%dma_wait3A_163, %dma_wait3A_164] : memref<10112x128xf32, #tpu.memory_space<vmem_shared>> -> memref<10112x128xf32, #tpu.memory_space<vmem_shared>>
      tpu.wait_indirect_dma semaphore(%arg13 : memref<!tpu.dma_semaphore, #tpu.memory_space<semaphore_mem>>) src(%dma_wait3A_159 : memref<120x128xf32, #tpu.memory_space<vmem>>) dst(%dma_wait3A_165 : memref<10112x128xf32, #tpu.memory_space<vmem_shared>>)
      %lt3A_166 = arith.constant 27 : i32
      %lt3A_167 = arith.cmpi slt, %scan3A_74, %lt3A_166 : i32
      %convert_element_type3A_168 = arith.extui %lt3A_167 : i1 to i32
      %cond3A_169 = arith.constant 0 : i32
      %cond3A_170 = arith.cmpi ne, %convert_element_type3A_168, %cond3A_169 : i32
      scf.if %cond3A_170 {
        %sub3A = arith.constant 1 : i32
        %sub3A_205 = arith.subi %sub3A, %rem3A_75 : i32
        %dma_start3A_206 = arith.constant 0 : i32
        %dma_start3A_207 = arith.constant 0 : i32
        %dma_start3A_208 = arith.constant 0 : i32
        %dma_start3A_209 = arith.constant 0 : i32
        %dma_start3A_210 = tpu.memref_slice %arg8[%dma_start3A_207, %dma_start3A_208, %dma_start3A_209] : memref<3x120x128xf32, #tpu.memory_space<vmem>> -> memref<1x120x128xf32, #tpu.memory_space<vmem>>
        %dma_start3A_211 = tpu.memref_squeeze %dma_start3A_210 : memref<1x120x128xf32, #tpu.memory_space<vmem>> -> memref<120x128xf32, #tpu.memory_space<vmem>>
        %dma_start3A_212 = arith.constant 0 : i32
        %dma_start3A_213 = tpu.memref_slice %arg6[%sub3A_205, %dma_start3A_206, %dma_start3A_212] : memref<2x3x120xi32, #tpu.memory_space<vmem>> -> memref<1x1x120xi32, #tpu.memory_space<vmem>>
        %dma_start3A_214 = tpu.memref_squeeze %dma_start3A_213 : memref<1x1x120xi32, #tpu.memory_space<vmem>> -> memref<120xi32, #tpu.memory_space<vmem>>
        %dma_start3A_215 = arith.constant 0 : i32
        %dma_start3A_216 = arith.constant 0 : i32
        %dma_start3A_217 = tpu.memref_slice %arg2[%dma_start3A_215, %dma_start3A_216] : memref<10240x128xf32, #tpu.memory_space<hbm>> -> memref<10240x128xf32, #tpu.memory_space<hbm>>
        tpu.enqueue_indirect_dma source(%dma_start3A_217 : memref<10240x128xf32, #tpu.memory_space<hbm>>) target(%dma_start3A_211 : memref<120x128xf32, #tpu.memory_space<vmem>>) offsets(%dma_start3A_214 : memref<120xi32, #tpu.memory_space<vmem>>) semaphore(%arg10 : memref<!tpu.dma_semaphore, #tpu.memory_space<semaphore_mem>>)
      } else {
      }
      %dma_wait3A_171 = arith.constant 1 : i32
      %dma_wait3A_172 = arith.constant 1 : i32
      %dma_wait3A_173 = arith.constant 0 : i32
      %dma_wait3A_174 = arith.constant 0 : i32
      %dma_wait3A_175 = tpu.memref_slice %arg8[%dma_wait3A_171, %dma_wait3A_173, %dma_wait3A_174] : memref<3x120x128xf32, #tpu.memory_space<vmem>> -> memref<1x120x128xf32, #tpu.memory_space<vmem>>
      %dma_wait3A_176 = tpu.memref_squeeze %dma_wait3A_175 : memref<1x120x128xf32, #tpu.memory_space<vmem>> -> memref<120x128xf32, #tpu.memory_space<vmem>>
      %dma_wait3A_177 = arith.constant 0 : i32
      %dma_wait3A_178 = tpu.memref_slice %arg7[%rem3A_75, %dma_wait3A_172, %dma_wait3A_177] : memref<2x3x120xi32, #tpu.memory_space<vmem>> -> memref<1x1x120xi32, #tpu.memory_space<vmem>>
      %dma_wait3A_179 = tpu.memref_squeeze %dma_wait3A_178 : memref<1x1x120xi32, #tpu.memory_space<vmem>> -> memref<120xi32, #tpu.memory_space<vmem>>
      %dma_wait3A_180 = arith.constant 0 : i32
      %dma_wait3A_181 = arith.constant 0 : i32
      %dma_wait3A_182 = tpu.memref_slice %arg9[%dma_wait3A_180, %dma_wait3A_181] : memref<10112x128xf32, #tpu.memory_space<vmem_shared>> -> memref<10112x128xf32, #tpu.memory_space<vmem_shared>>
      tpu.wait_indirect_dma semaphore(%arg14 : memref<!tpu.dma_semaphore, #tpu.memory_space<semaphore_mem>>) src(%dma_wait3A_176 : memref<120x128xf32, #tpu.memory_space<vmem>>) dst(%dma_wait3A_182 : memref<10112x128xf32, #tpu.memory_space<vmem_shared>>)
      %lt3A_183 = arith.constant 27 : i32
      %lt3A_184 = arith.cmpi slt, %scan3A_74, %lt3A_183 : i32
      %convert_element_type3A_185 = arith.extui %lt3A_184 : i1 to i32
      %cond3A_186 = arith.constant 0 : i32
      %cond3A_187 = arith.cmpi ne, %convert_element_type3A_185, %cond3A_186 : i32
      scf.if %cond3A_187 {
        %sub3A = arith.constant 1 : i32
        %sub3A_205 = arith.subi %sub3A, %rem3A_75 : i32
        %dma_start3A_206 = arith.constant 1 : i32
        %dma_start3A_207 = arith.constant 1 : i32
        %dma_start3A_208 = arith.constant 0 : i32
        %dma_start3A_209 = arith.constant 0 : i32
        %dma_start3A_210 = tpu.memref_slice %arg8[%dma_start3A_207, %dma_start3A_208, %dma_start3A_209] : memref<3x120x128xf32, #tpu.memory_space<vmem>> -> memref<1x120x128xf32, #tpu.memory_space<vmem>>
        %dma_start3A_211 = tpu.memref_squeeze %dma_start3A_210 : memref<1x120x128xf32, #tpu.memory_space<vmem>> -> memref<120x128xf32, #tpu.memory_space<vmem>>
        %dma_start3A_212 = arith.constant 0 : i32
        %dma_start3A_213 = tpu.memref_slice %arg6[%sub3A_205, %dma_start3A_206, %dma_start3A_212] : memref<2x3x120xi32, #tpu.memory_space<vmem>> -> memref<1x1x120xi32, #tpu.memory_space<vmem>>
        %dma_start3A_214 = tpu.memref_squeeze %dma_start3A_213 : memref<1x1x120xi32, #tpu.memory_space<vmem>> -> memref<120xi32, #tpu.memory_space<vmem>>
        %dma_start3A_215 = arith.constant 0 : i32
        %dma_start3A_216 = arith.constant 0 : i32
        %dma_start3A_217 = tpu.memref_slice %arg2[%dma_start3A_215, %dma_start3A_216] : memref<10240x128xf32, #tpu.memory_space<hbm>> -> memref<10240x128xf32, #tpu.memory_space<hbm>>
        tpu.enqueue_indirect_dma source(%dma_start3A_217 : memref<10240x128xf32, #tpu.memory_space<hbm>>) target(%dma_start3A_211 : memref<120x128xf32, #tpu.memory_space<vmem>>) offsets(%dma_start3A_214 : memref<120xi32, #tpu.memory_space<vmem>>) semaphore(%arg11 : memref<!tpu.dma_semaphore, #tpu.memory_space<semaphore_mem>>)
      } else {
      }
      %dma_wait3A_188 = arith.constant 2 : i32
      %dma_wait3A_189 = arith.constant 2 : i32
      %dma_wait3A_190 = arith.constant 0 : i32
      %dma_wait3A_191 = arith.constant 0 : i32
      %dma_wait3A_192 = tpu.memref_slice %arg8[%dma_wait3A_188, %dma_wait3A_190, %dma_wait3A_191] : memref<3x120x128xf32, #tpu.memory_space<vmem>> -> memref<1x120x128xf32, #tpu.memory_space<vmem>>
      %dma_wait3A_193 = tpu.memref_squeeze %dma_wait3A_192 : memref<1x120x128xf32, #tpu.memory_space<vmem>> -> memref<120x128xf32, #tpu.memory_space<vmem>>
      %dma_wait3A_194 = arith.constant 0 : i32
      %dma_wait3A_195 = tpu.memref_slice %arg7[%rem3A_75, %dma_wait3A_189, %dma_wait3A_194] : memref<2x3x120xi32, #tpu.memory_space<vmem>> -> memref<1x1x120xi32, #tpu.memory_space<vmem>>
      %dma_wait3A_196 = tpu.memref_squeeze %dma_wait3A_195 : memref<1x1x120xi32, #tpu.memory_space<vmem>> -> memref<120xi32, #tpu.memory_space<vmem>>
      %dma_wait3A_197 = arith.constant 0 : i32
      %dma_wait3A_198 = arith.constant 0 : i32
      %dma_wait3A_199 = tpu.memref_slice %arg9[%dma_wait3A_197, %dma_wait3A_198] : memref<10112x128xf32, #tpu.memory_space<vmem_shared>> -> memref<10112x128xf32, #tpu.memory_space<vmem_shared>>
      tpu.wait_indirect_dma semaphore(%arg15 : memref<!tpu.dma_semaphore, #tpu.memory_space<semaphore_mem>>) src(%dma_wait3A_193 : memref<120x128xf32, #tpu.memory_space<vmem>>) dst(%dma_wait3A_199 : memref<10112x128xf32, #tpu.memory_space<vmem_shared>>)
      %lt3A_200 = arith.constant 27 : i32
      %lt3A_201 = arith.cmpi slt, %scan3A_74, %lt3A_200 : i32
      %convert_element_type3A_202 = arith.extui %lt3A_201 : i1 to i32
      %cond3A_203 = arith.constant 0 : i32
      %cond3A_204 = arith.cmpi ne, %convert_element_type3A_202, %cond3A_203 : i32
      scf.if %cond3A_204 {
        %sub3A = arith.constant 1 : i32
        %sub3A_205 = arith.subi %sub3A, %rem3A_75 : i32
        %dma_start3A_206 = arith.constant 2 : i32
        %dma_start3A_207 = arith.constant 2 : i32
        %dma_start3A_208 = arith.constant 0 : i32
        %dma_start3A_209 = arith.constant 0 : i32
        %dma_start3A_210 = tpu.memref_slice %arg8[%dma_start3A_207, %dma_start3A_208, %dma_start3A_209] : memref<3x120x128xf32, #tpu.memory_space<vmem>> -> memref<1x120x128xf32, #tpu.memory_space<vmem>>
        %dma_start3A_211 = tpu.memref_squeeze %dma_start3A_210 : memref<1x120x128xf32, #tpu.memory_space<vmem>> -> memref<120x128xf32, #tpu.memory_space<vmem>>
        %dma_start3A_212 = arith.constant 0 : i32
        %dma_start3A_213 = tpu.memref_slice %arg6[%sub3A_205, %dma_start3A_206, %dma_start3A_212] : memref<2x3x120xi32, #tpu.memory_space<vmem>> -> memref<1x1x120xi32, #tpu.memory_space<vmem>>
        %dma_start3A_214 = tpu.memref_squeeze %dma_start3A_213 : memref<1x1x120xi32, #tpu.memory_space<vmem>> -> memref<120xi32, #tpu.memory_space<vmem>>
        %dma_start3A_215 = arith.constant 0 : i32
        %dma_start3A_216 = arith.constant 0 : i32
        %dma_start3A_217 = tpu.memref_slice %arg2[%dma_start3A_215, %dma_start3A_216] : memref<10240x128xf32, #tpu.memory_space<hbm>> -> memref<10240x128xf32, #tpu.memory_space<hbm>>
        tpu.enqueue_indirect_dma source(%dma_start3A_217 : memref<10240x128xf32, #tpu.memory_space<hbm>>) target(%dma_start3A_211 : memref<120x128xf32, #tpu.memory_space<vmem>>) offsets(%dma_start3A_214 : memref<120xi32, #tpu.memory_space<vmem>>) semaphore(%arg12 : memref<!tpu.dma_semaphore, #tpu.memory_space<semaphore_mem>>)
      } else {
      }
    }
    %scan3A_72 = arith.constant 28 : i32
    %barrier3A_73 = arith.constant 0 : index
    tpu.barrier barrier_id(%barrier3A_73)
    "tpu.region"() ({
      %run_scoped3A_74 = tpu.sem_alloc : memref<!tpu.dma_semaphore, #tpu.memory_space<semaphore_mem>>
      %dma_start3A_75 = arith.constant 0 : i32
      %dma_start3A_76 = tpu.memref_slice %arg5[%arg0, %mul3A_7, %dma_start3A_75] : memref<2x10240x128xf32, #tpu.memory_space<hbm>> -> memref<1x632x128xf32, #tpu.memory_space<hbm>>
      %dma_start3A_77 = tpu.memref_squeeze %dma_start3A_76 : memref<1x632x128xf32, #tpu.memory_space<hbm>> -> memref<632x128xf32, #tpu.memory_space<hbm>>
      %dma_start3A_78 = arith.constant 0 : i32
      %dma_start3A_79 = tpu.memref_slice %arg9[%mul3A_7, %dma_start3A_78] : memref<10112x128xf32, #tpu.memory_space<vmem_shared>> -> memref<632x128xf32, #tpu.memory_space<vmem_shared>>
      tpu.enqueue_dma source(%dma_start3A_79 : memref<632x128xf32, #tpu.memory_space<vmem_shared>>) target(%dma_start3A_77 : memref<632x128xf32, #tpu.memory_space<hbm>>) target_semaphore(%run_scoped3A_74 : memref<!tpu.dma_semaphore, #tpu.memory_space<semaphore_mem>>)
      %dma_wait3A = arith.constant 0 : i32
      %dma_wait3A_80 = tpu.memref_slice %arg5[%arg0, %mul3A_7, %dma_wait3A] : memref<2x10240x128xf32, #tpu.memory_space<hbm>> -> memref<1x632x128xf32, #tpu.memory_space<hbm>>
      %dma_wait3A_81 = tpu.memref_squeeze %dma_wait3A_80 : memref<1x632x128xf32, #tpu.memory_space<hbm>> -> memref<632x128xf32, #tpu.memory_space<hbm>>
      %dma_wait3A_82 = arith.constant 0 : i32
      %dma_wait3A_83 = tpu.memref_slice %arg9[%mul3A_7, %dma_wait3A_82] : memref<10112x128xf32, #tpu.memory_space<vmem_shared>> -> memref<632x128xf32, #tpu.memory_space<vmem_shared>>
      tpu.wait_dma2 semaphore(%run_scoped3A_74 : memref<!tpu.dma_semaphore, #tpu.memory_space<semaphore_mem>>) src(%dma_wait3A_83 : memref<632x128xf32, #tpu.memory_space<vmem_shared>>) dst(%dma_wait3A_81 : memref<632x128xf32, #tpu.memory_space<hbm>>)
      tpu.yield
    }) : () -> ()
    return
  }
}

#map = affine_map<(d0, d1) -> (0, 0, 0)>
module attributes {stable_mosaic.version = 14 : i64} {
  func.func @_cnt_body(%arg0: i32, %arg1: i32, %arg2: memref<32x80x128xi32, #tpu.memory_space<hbm>>, %arg3: memref<32x80x128xi32, #tpu.memory_space<hbm>>, %arg4: memref<3x128x128xf32, #tpu.memory_space<hbm>>, %arg5: memref<2x10240x128xf32, #tpu.memory_space<hbm>>, %arg6: memref<80x128xi32, #tpu.memory_space<vmem>>, %arg7: memref<80x128xi32, #tpu.memory_space<vmem>>, %arg8: memref<128x128xf32, #tpu.memory_space<vmem>>, %arg9: memref<10240x128xf32, #tpu.memory_space<vmem_shared>>, %arg10: memref<!tpu.dma_semaphore, #tpu.memory_space<semaphore_mem>>) attributes {dimension_semantics = [#tpu.dimension_semantics<core_parallel>, #tpu.dimension_semantics<subcore_parallel>], iteration_bounds = array<i64: 2, 16>, scalar_prefetch = 0 : i64, scratch_operands = 5 : i64, tpu.core_type = #tpu.core_type<sc_vector_subcore>, window_params = [{transform_indices = #map}, {transform_indices = #map}, {transform_indices = #map}, {transform_indices = #map}]} {
    %mul3A = arith.constant 2 : i32
    %mul3A_0 = arith.muli %arg1, %mul3A : i32
    %add3A = arith.addi %mul3A_0, %arg0 : i32
    "tpu.region"() ({
      %run_scoped3A_27 = tpu.sem_alloc : memref<!tpu.dma_semaphore, #tpu.memory_space<semaphore_mem>>
      %dma_start3A = arith.constant 0 : i32
      %dma_start3A_28 = arith.constant 0 : i32
      %dma_start3A_29 = tpu.memref_slice %arg2[%add3A, %dma_start3A, %dma_start3A_28] : memref<32x80x128xi32, #tpu.memory_space<hbm>> -> memref<1x80x128xi32, #tpu.memory_space<hbm>>
      %dma_start3A_30 = tpu.memref_squeeze %dma_start3A_29 : memref<1x80x128xi32, #tpu.memory_space<hbm>> -> memref<80x128xi32, #tpu.memory_space<hbm>>
      %dma_start3A_31 = arith.constant 0 : i32
      %dma_start3A_32 = arith.constant 0 : i32
      %dma_start3A_33 = tpu.memref_slice %arg2[%add3A, %dma_start3A_31, %dma_start3A_32] : memref<32x80x128xi32, #tpu.memory_space<hbm>> -> memref<1x80x128xi32, #tpu.memory_space<hbm>>
      %dma_start3A_34 = tpu.memref_squeeze %dma_start3A_33 : memref<1x80x128xi32, #tpu.memory_space<hbm>> -> memref<80x128xi32, #tpu.memory_space<hbm>>
      tpu.enqueue_dma source(%dma_start3A_34 : memref<80x128xi32, #tpu.memory_space<hbm>>) target(%arg6 : memref<80x128xi32, #tpu.memory_space<vmem>>) target_semaphore(%run_scoped3A_27 : memref<!tpu.dma_semaphore, #tpu.memory_space<semaphore_mem>>)
      %dma_wait3A = arith.constant 0 : i32
      %dma_wait3A_35 = arith.constant 0 : i32
      %dma_wait3A_36 = tpu.memref_slice %arg2[%add3A, %dma_wait3A, %dma_wait3A_35] : memref<32x80x128xi32, #tpu.memory_space<hbm>> -> memref<1x80x128xi32, #tpu.memory_space<hbm>>
      %dma_wait3A_37 = tpu.memref_squeeze %dma_wait3A_36 : memref<1x80x128xi32, #tpu.memory_space<hbm>> -> memref<80x128xi32, #tpu.memory_space<hbm>>
      %dma_wait3A_38 = arith.constant 0 : i32
      %dma_wait3A_39 = arith.constant 0 : i32
      %dma_wait3A_40 = tpu.memref_slice %arg2[%add3A, %dma_wait3A_38, %dma_wait3A_39] : memref<32x80x128xi32, #tpu.memory_space<hbm>> -> memref<1x80x128xi32, #tpu.memory_space<hbm>>
      %dma_wait3A_41 = tpu.memref_squeeze %dma_wait3A_40 : memref<1x80x128xi32, #tpu.memory_space<hbm>> -> memref<80x128xi32, #tpu.memory_space<hbm>>
      tpu.wait_dma2 semaphore(%run_scoped3A_27 : memref<!tpu.dma_semaphore, #tpu.memory_space<semaphore_mem>>) src(%dma_wait3A_41 : memref<80x128xi32, #tpu.memory_space<hbm>>) dst(%arg6 : memref<80x128xi32, #tpu.memory_space<vmem>>)
      tpu.yield
    }) : () -> ()
    "tpu.region"() ({
      %run_scoped3A_27 = tpu.sem_alloc : memref<!tpu.dma_semaphore, #tpu.memory_space<semaphore_mem>>
      %dma_start3A = arith.constant 0 : i32
      %dma_start3A_28 = arith.constant 0 : i32
      %dma_start3A_29 = tpu.memref_slice %arg3[%add3A, %dma_start3A, %dma_start3A_28] : memref<32x80x128xi32, #tpu.memory_space<hbm>> -> memref<1x80x128xi32, #tpu.memory_space<hbm>>
      %dma_start3A_30 = tpu.memref_squeeze %dma_start3A_29 : memref<1x80x128xi32, #tpu.memory_space<hbm>> -> memref<80x128xi32, #tpu.memory_space<hbm>>
      %dma_start3A_31 = arith.constant 0 : i32
      %dma_start3A_32 = arith.constant 0 : i32
      %dma_start3A_33 = tpu.memref_slice %arg3[%add3A, %dma_start3A_31, %dma_start3A_32] : memref<32x80x128xi32, #tpu.memory_space<hbm>> -> memref<1x80x128xi32, #tpu.memory_space<hbm>>
      %dma_start3A_34 = tpu.memref_squeeze %dma_start3A_33 : memref<1x80x128xi32, #tpu.memory_space<hbm>> -> memref<80x128xi32, #tpu.memory_space<hbm>>
      tpu.enqueue_dma source(%dma_start3A_34 : memref<80x128xi32, #tpu.memory_space<hbm>>) target(%arg7 : memref<80x128xi32, #tpu.memory_space<vmem>>) target_semaphore(%run_scoped3A_27 : memref<!tpu.dma_semaphore, #tpu.memory_space<semaphore_mem>>)
      %dma_wait3A = arith.constant 0 : i32
      %dma_wait3A_35 = arith.constant 0 : i32
      %dma_wait3A_36 = tpu.memref_slice %arg3[%add3A, %dma_wait3A, %dma_wait3A_35] : memref<32x80x128xi32, #tpu.memory_space<hbm>> -> memref<1x80x128xi32, #tpu.memory_space<hbm>>
      %dma_wait3A_37 = tpu.memref_squeeze %dma_wait3A_36 : memref<1x80x128xi32, #tpu.memory_space<hbm>> -> memref<80x128xi32, #tpu.memory_space<hbm>>
      %dma_wait3A_38 = arith.constant 0 : i32
      %dma_wait3A_39 = arith.constant 0 : i32
      %dma_wait3A_40 = tpu.memref_slice %arg3[%add3A, %dma_wait3A_38, %dma_wait3A_39] : memref<32x80x128xi32, #tpu.memory_space<hbm>> -> memref<1x80x128xi32, #tpu.memory_space<hbm>>
      %dma_wait3A_41 = tpu.memref_squeeze %dma_wait3A_40 : memref<1x80x128xi32, #tpu.memory_space<hbm>> -> memref<80x128xi32, #tpu.memory_space<hbm>>
      tpu.wait_dma2 semaphore(%run_scoped3A_27 : memref<!tpu.dma_semaphore, #tpu.memory_space<semaphore_mem>>) src(%dma_wait3A_41 : memref<80x128xi32, #tpu.memory_space<hbm>>) dst(%arg7 : memref<80x128xi32, #tpu.memory_space<vmem>>)
      tpu.yield
    }) : () -> ()
    %run_scoped3A = arith.constant 0 : i32
    "tpu.region"() ({
      %run_scoped3A_27 = tpu.sem_alloc : memref<!tpu.dma_semaphore, #tpu.memory_space<semaphore_mem>>
      %dma_start3A = arith.constant 0 : i32
      %dma_start3A_28 = arith.constant 0 : i32
      %dma_start3A_29 = tpu.memref_slice %arg4[%run_scoped3A, %dma_start3A, %dma_start3A_28] : memref<3x128x128xf32, #tpu.memory_space<hbm>> -> memref<1x128x128xf32, #tpu.memory_space<hbm>>
      %dma_start3A_30 = tpu.memref_squeeze %dma_start3A_29 : memref<1x128x128xf32, #tpu.memory_space<hbm>> -> memref<128x128xf32, #tpu.memory_space<hbm>>
      %dma_start3A_31 = arith.constant 0 : i32
      %dma_start3A_32 = arith.constant 0 : i32
      %dma_start3A_33 = tpu.memref_slice %arg4[%run_scoped3A, %dma_start3A_31, %dma_start3A_32] : memref<3x128x128xf32, #tpu.memory_space<hbm>> -> memref<1x128x128xf32, #tpu.memory_space<hbm>>
      %dma_start3A_34 = tpu.memref_squeeze %dma_start3A_33 : memref<1x128x128xf32, #tpu.memory_space<hbm>> -> memref<128x128xf32, #tpu.memory_space<hbm>>
      tpu.enqueue_dma source(%dma_start3A_34 : memref<128x128xf32, #tpu.memory_space<hbm>>) target(%arg8 : memref<128x128xf32, #tpu.memory_space<vmem>>) target_semaphore(%run_scoped3A_27 : memref<!tpu.dma_semaphore, #tpu.memory_space<semaphore_mem>>)
      %dma_wait3A = arith.constant 0 : i32
      %dma_wait3A_35 = arith.constant 0 : i32
      %dma_wait3A_36 = tpu.memref_slice %arg4[%run_scoped3A, %dma_wait3A, %dma_wait3A_35] : memref<3x128x128xf32, #tpu.memory_space<hbm>> -> memref<1x128x128xf32, #tpu.memory_space<hbm>>
      %dma_wait3A_37 = tpu.memref_squeeze %dma_wait3A_36 : memref<1x128x128xf32, #tpu.memory_space<hbm>> -> memref<128x128xf32, #tpu.memory_space<hbm>>
      %dma_wait3A_38 = arith.constant 0 : i32
      %dma_wait3A_39 = arith.constant 0 : i32
      %dma_wait3A_40 = tpu.memref_slice %arg4[%run_scoped3A, %dma_wait3A_38, %dma_wait3A_39] : memref<3x128x128xf32, #tpu.memory_space<hbm>> -> memref<1x128x128xf32, #tpu.memory_space<hbm>>
      %dma_wait3A_41 = tpu.memref_squeeze %dma_wait3A_40 : memref<1x128x128xf32, #tpu.memory_space<hbm>> -> memref<128x128xf32, #tpu.memory_space<hbm>>
      tpu.wait_dma2 semaphore(%run_scoped3A_27 : memref<!tpu.dma_semaphore, #tpu.memory_space<semaphore_mem>>) src(%dma_wait3A_41 : memref<128x128xf32, #tpu.memory_space<hbm>>) dst(%arg8 : memref<128x128xf32, #tpu.memory_space<vmem>>)
      tpu.yield
    }) : () -> ()
    %mul3A_1 = arith.constant 640 : i32
    %mul3A_2 = arith.muli %arg1, %mul3A_1 : i32
    %add3A_3 = arith.constant 0 : i32
    %add3A_4 = arith.addi %mul3A_2, %add3A_3 : i32
    "tpu.region"() ({
      %run_scoped3A_27 = tpu.sem_alloc : memref<!tpu.dma_semaphore, #tpu.memory_space<semaphore_mem>>
      %dma_start3A = arith.constant 0 : i32
      %dma_start3A_28 = tpu.memref_slice %arg9[%add3A_4, %dma_start3A] : memref<10240x128xf32, #tpu.memory_space<vmem_shared>> -> memref<128x128xf32, #tpu.memory_space<vmem_shared>>
      %dma_start3A_29 = arith.constant 0 : i32
      %dma_start3A_30 = tpu.memref_slice %arg9[%add3A_4, %dma_start3A_29] : memref<10240x128xf32, #tpu.memory_space<vmem_shared>> -> memref<128x128xf32, #tpu.memory_space<vmem_shared>>
      tpu.enqueue_dma source(%arg8 : memref<128x128xf32, #tpu.memory_space<vmem>>) target(%dma_start3A_30 : memref<128x128xf32, #tpu.memory_space<vmem_shared>>) target_semaphore(%run_scoped3A_27 : memref<!tpu.dma_semaphore, #tpu.memory_space<semaphore_mem>>)
      %dma_wait3A = arith.constant 0 : i32
      %dma_wait3A_31 = tpu.memref_slice %arg9[%add3A_4, %dma_wait3A] : memref<10240x128xf32, #tpu.memory_space<vmem_shared>> -> memref<128x128xf32, #tpu.memory_space<vmem_shared>>
      %dma_wait3A_32 = arith.constant 0 : i32
      %dma_wait3A_33 = tpu.memref_slice %arg9[%add3A_4, %dma_wait3A_32] : memref<10240x128xf32, #tpu.memory_space<vmem_shared>> -> memref<128x128xf32, #tpu.memory_space<vmem_shared>>
      tpu.wait_dma2 semaphore(%run_scoped3A_27 : memref<!tpu.dma_semaphore, #tpu.memory_space<semaphore_mem>>) src(%arg8 : memref<128x128xf32, #tpu.memory_space<vmem>>) dst(%dma_wait3A_33 : memref<128x128xf32, #tpu.memory_space<vmem_shared>>)
      tpu.yield
    }) : () -> ()
    %add3A_5 = arith.constant 128 : i32
    %add3A_6 = arith.addi %mul3A_2, %add3A_5 : i32
    "tpu.region"() ({
      %run_scoped3A_27 = tpu.sem_alloc : memref<!tpu.dma_semaphore, #tpu.memory_space<semaphore_mem>>
      %dma_start3A = arith.constant 0 : i32
      %dma_start3A_28 = tpu.memref_slice %arg9[%add3A_6, %dma_start3A] : memref<10240x128xf32, #tpu.memory_space<vmem_shared>> -> memref<128x128xf32, #tpu.memory_space<vmem_shared>>
      %dma_start3A_29 = arith.constant 0 : i32
      %dma_start3A_30 = tpu.memref_slice %arg9[%add3A_6, %dma_start3A_29] : memref<10240x128xf32, #tpu.memory_space<vmem_shared>> -> memref<128x128xf32, #tpu.memory_space<vmem_shared>>
      tpu.enqueue_dma source(%arg8 : memref<128x128xf32, #tpu.memory_space<vmem>>) target(%dma_start3A_30 : memref<128x128xf32, #tpu.memory_space<vmem_shared>>) target_semaphore(%run_scoped3A_27 : memref<!tpu.dma_semaphore, #tpu.memory_space<semaphore_mem>>)
      %dma_wait3A = arith.constant 0 : i32
      %dma_wait3A_31 = tpu.memref_slice %arg9[%add3A_6, %dma_wait3A] : memref<10240x128xf32, #tpu.memory_space<vmem_shared>> -> memref<128x128xf32, #tpu.memory_space<vmem_shared>>
      %dma_wait3A_32 = arith.constant 0 : i32
      %dma_wait3A_33 = tpu.memref_slice %arg9[%add3A_6, %dma_wait3A_32] : memref<10240x128xf32, #tpu.memory_space<vmem_shared>> -> memref<128x128xf32, #tpu.memory_space<vmem_shared>>
      tpu.wait_dma2 semaphore(%run_scoped3A_27 : memref<!tpu.dma_semaphore, #tpu.memory_space<semaphore_mem>>) src(%arg8 : memref<128x128xf32, #tpu.memory_space<vmem>>) dst(%dma_wait3A_33 : memref<128x128xf32, #tpu.memory_space<vmem_shared>>)
      tpu.yield
    }) : () -> ()
    %add3A_7 = arith.constant 256 : i32
    %add3A_8 = arith.addi %mul3A_2, %add3A_7 : i32
    "tpu.region"() ({
      %run_scoped3A_27 = tpu.sem_alloc : memref<!tpu.dma_semaphore, #tpu.memory_space<semaphore_mem>>
      %dma_start3A = arith.constant 0 : i32
      %dma_start3A_28 = tpu.memref_slice %arg9[%add3A_8, %dma_start3A] : memref<10240x128xf32, #tpu.memory_space<vmem_shared>> -> memref<128x128xf32, #tpu.memory_space<vmem_shared>>
      %dma_start3A_29 = arith.constant 0 : i32
      %dma_start3A_30 = tpu.memref_slice %arg9[%add3A_8, %dma_start3A_29] : memref<10240x128xf32, #tpu.memory_space<vmem_shared>> -> memref<128x128xf32, #tpu.memory_space<vmem_shared>>
      tpu.enqueue_dma source(%arg8 : memref<128x128xf32, #tpu.memory_space<vmem>>) target(%dma_start3A_30 : memref<128x128xf32, #tpu.memory_space<vmem_shared>>) target_semaphore(%run_scoped3A_27 : memref<!tpu.dma_semaphore, #tpu.memory_space<semaphore_mem>>)
      %dma_wait3A = arith.constant 0 : i32
      %dma_wait3A_31 = tpu.memref_slice %arg9[%add3A_8, %dma_wait3A] : memref<10240x128xf32, #tpu.memory_space<vmem_shared>> -> memref<128x128xf32, #tpu.memory_space<vmem_shared>>
      %dma_wait3A_32 = arith.constant 0 : i32
      %dma_wait3A_33 = tpu.memref_slice %arg9[%add3A_8, %dma_wait3A_32] : memref<10240x128xf32, #tpu.memory_space<vmem_shared>> -> memref<128x128xf32, #tpu.memory_space<vmem_shared>>
      tpu.wait_dma2 semaphore(%run_scoped3A_27 : memref<!tpu.dma_semaphore, #tpu.memory_space<semaphore_mem>>) src(%arg8 : memref<128x128xf32, #tpu.memory_space<vmem>>) dst(%dma_wait3A_33 : memref<128x128xf32, #tpu.memory_space<vmem_shared>>)
      tpu.yield
    }) : () -> ()
    %add3A_9 = arith.constant 384 : i32
    %add3A_10 = arith.addi %mul3A_2, %add3A_9 : i32
    "tpu.region"() ({
      %run_scoped3A_27 = tpu.sem_alloc : memref<!tpu.dma_semaphore, #tpu.memory_space<semaphore_mem>>
      %dma_start3A = arith.constant 0 : i32
      %dma_start3A_28 = tpu.memref_slice %arg9[%add3A_10, %dma_start3A] : memref<10240x128xf32, #tpu.memory_space<vmem_shared>> -> memref<128x128xf32, #tpu.memory_space<vmem_shared>>
      %dma_start3A_29 = arith.constant 0 : i32
      %dma_start3A_30 = tpu.memref_slice %arg9[%add3A_10, %dma_start3A_29] : memref<10240x128xf32, #tpu.memory_space<vmem_shared>> -> memref<128x128xf32, #tpu.memory_space<vmem_shared>>
      tpu.enqueue_dma source(%arg8 : memref<128x128xf32, #tpu.memory_space<vmem>>) target(%dma_start3A_30 : memref<128x128xf32, #tpu.memory_space<vmem_shared>>) target_semaphore(%run_scoped3A_27 : memref<!tpu.dma_semaphore, #tpu.memory_space<semaphore_mem>>)
      %dma_wait3A = arith.constant 0 : i32
      %dma_wait3A_31 = tpu.memref_slice %arg9[%add3A_10, %dma_wait3A] : memref<10240x128xf32, #tpu.memory_space<vmem_shared>> -> memref<128x128xf32, #tpu.memory_space<vmem_shared>>
      %dma_wait3A_32 = arith.constant 0 : i32
      %dma_wait3A_33 = tpu.memref_slice %arg9[%add3A_10, %dma_wait3A_32] : memref<10240x128xf32, #tpu.memory_space<vmem_shared>> -> memref<128x128xf32, #tpu.memory_space<vmem_shared>>
      tpu.wait_dma2 semaphore(%run_scoped3A_27 : memref<!tpu.dma_semaphore, #tpu.memory_space<semaphore_mem>>) src(%arg8 : memref<128x128xf32, #tpu.memory_space<vmem>>) dst(%dma_wait3A_33 : memref<128x128xf32, #tpu.memory_space<vmem_shared>>)
      tpu.yield
    }) : () -> ()
    %add3A_11 = arith.constant 512 : i32
    %add3A_12 = arith.addi %mul3A_2, %add3A_11 : i32
    "tpu.region"() ({
      %run_scoped3A_27 = tpu.sem_alloc : memref<!tpu.dma_semaphore, #tpu.memory_space<semaphore_mem>>
      %dma_start3A = arith.constant 0 : i32
      %dma_start3A_28 = tpu.memref_slice %arg9[%add3A_12, %dma_start3A] : memref<10240x128xf32, #tpu.memory_space<vmem_shared>> -> memref<128x128xf32, #tpu.memory_space<vmem_shared>>
      %dma_start3A_29 = arith.constant 0 : i32
      %dma_start3A_30 = tpu.memref_slice %arg9[%add3A_12, %dma_start3A_29] : memref<10240x128xf32, #tpu.memory_space<vmem_shared>> -> memref<128x128xf32, #tpu.memory_space<vmem_shared>>
      tpu.enqueue_dma source(%arg8 : memref<128x128xf32, #tpu.memory_space<vmem>>) target(%dma_start3A_30 : memref<128x128xf32, #tpu.memory_space<vmem_shared>>) target_semaphore(%run_scoped3A_27 : memref<!tpu.dma_semaphore, #tpu.memory_space<semaphore_mem>>)
      %dma_wait3A = arith.constant 0 : i32
      %dma_wait3A_31 = tpu.memref_slice %arg9[%add3A_12, %dma_wait3A] : memref<10240x128xf32, #tpu.memory_space<vmem_shared>> -> memref<128x128xf32, #tpu.memory_space<vmem_shared>>
      %dma_wait3A_32 = arith.constant 0 : i32
      %dma_wait3A_33 = tpu.memref_slice %arg9[%add3A_12, %dma_wait3A_32] : memref<10240x128xf32, #tpu.memory_space<vmem_shared>> -> memref<128x128xf32, #tpu.memory_space<vmem_shared>>
      tpu.wait_dma2 semaphore(%run_scoped3A_27 : memref<!tpu.dma_semaphore, #tpu.memory_space<semaphore_mem>>) src(%arg8 : memref<128x128xf32, #tpu.memory_space<vmem>>) dst(%dma_wait3A_33 : memref<128x128xf32, #tpu.memory_space<vmem_shared>>)
      tpu.yield
    }) : () -> ()
    %barrier3A = arith.constant 0 : index
    tpu.barrier barrier_id(%barrier3A)
    %run_scoped3A_13 = arith.constant 1 : i32
    "tpu.region"() ({
      %run_scoped3A_27 = tpu.sem_alloc : memref<!tpu.dma_semaphore, #tpu.memory_space<semaphore_mem>>
      %dma_start3A = arith.constant 0 : i32
      %dma_start3A_28 = arith.constant 0 : i32
      %dma_start3A_29 = tpu.memref_slice %arg4[%run_scoped3A_13, %dma_start3A, %dma_start3A_28] : memref<3x128x128xf32, #tpu.memory_space<hbm>> -> memref<1x128x128xf32, #tpu.memory_space<hbm>>
      %dma_start3A_30 = tpu.memref_squeeze %dma_start3A_29 : memref<1x128x128xf32, #tpu.memory_space<hbm>> -> memref<128x128xf32, #tpu.memory_space<hbm>>
      %dma_start3A_31 = arith.constant 0 : i32
      %dma_start3A_32 = arith.constant 0 : i32
      %dma_start3A_33 = tpu.memref_slice %arg4[%run_scoped3A_13, %dma_start3A_31, %dma_start3A_32] : memref<3x128x128xf32, #tpu.memory_space<hbm>> -> memref<1x128x128xf32, #tpu.memory_space<hbm>>
      %dma_start3A_34 = tpu.memref_squeeze %dma_start3A_33 : memref<1x128x128xf32, #tpu.memory_space<hbm>> -> memref<128x128xf32, #tpu.memory_space<hbm>>
      tpu.enqueue_dma source(%dma_start3A_34 : memref<128x128xf32, #tpu.memory_space<hbm>>) target(%arg8 : memref<128x128xf32, #tpu.memory_space<vmem>>) target_semaphore(%run_scoped3A_27 : memref<!tpu.dma_semaphore, #tpu.memory_space<semaphore_mem>>)
      %dma_wait3A = arith.constant 0 : i32
      %dma_wait3A_35 = arith.constant 0 : i32
      %dma_wait3A_36 = tpu.memref_slice %arg4[%run_scoped3A_13, %dma_wait3A, %dma_wait3A_35] : memref<3x128x128xf32, #tpu.memory_space<hbm>> -> memref<1x128x128xf32, #tpu.memory_space<hbm>>
      %dma_wait3A_37 = tpu.memref_squeeze %dma_wait3A_36 : memref<1x128x128xf32, #tpu.memory_space<hbm>> -> memref<128x128xf32, #tpu.memory_space<hbm>>
      %dma_wait3A_38 = arith.constant 0 : i32
      %dma_wait3A_39 = arith.constant 0 : i32
      %dma_wait3A_40 = tpu.memref_slice %arg4[%run_scoped3A_13, %dma_wait3A_38, %dma_wait3A_39] : memref<3x128x128xf32, #tpu.memory_space<hbm>> -> memref<1x128x128xf32, #tpu.memory_space<hbm>>
      %dma_wait3A_41 = tpu.memref_squeeze %dma_wait3A_40 : memref<1x128x128xf32, #tpu.memory_space<hbm>> -> memref<128x128xf32, #tpu.memory_space<hbm>>
      tpu.wait_dma2 semaphore(%run_scoped3A_27 : memref<!tpu.dma_semaphore, #tpu.memory_space<semaphore_mem>>) src(%dma_wait3A_41 : memref<128x128xf32, #tpu.memory_space<hbm>>) dst(%arg8 : memref<128x128xf32, #tpu.memory_space<vmem>>)
      tpu.yield
    }) : () -> ()
    %scan3A = arith.constant 0 : i32
    %scan3A_14 = arith.constant 0 : i32
    %scan3A_15 = arith.constant 20 : i32
    %scan3A_16 = arith.addi %scan3A_14, %scan3A_15 : i32
    %scan3A_17 = arith.constant 1 : i32
    scf.for %scan3A_27 = %scan3A_14 to %scan3A_16 step %scan3A_17  : i32 {
      %mul3A_28 = arith.constant 4 : i32
      %mul3A_29 = arith.muli %scan3A_27, %mul3A_28 : i32
      %add3A_30 = arith.constant 0 : i32
      %add3A_31 = arith.addi %mul3A_29, %add3A_30 : i32
      %dma_start3A = arith.constant 0 : i32
      %dma_start3A_32 = tpu.memref_slice %arg6[%add3A_31, %dma_start3A] : memref<80x128xi32, #tpu.memory_space<vmem>> -> memref<1x128xi32, #tpu.memory_space<vmem>>
      %dma_start3A_33 = tpu.memref_squeeze %dma_start3A_32 : memref<1x128xi32, #tpu.memory_space<vmem>> -> memref<128xi32, #tpu.memory_space<vmem>>
      %dma_start3A_34 = arith.constant 0 : i32
      %dma_start3A_35 = arith.constant 0 : i32
      %dma_start3A_36 = tpu.memref_slice %arg9[%dma_start3A_34, %dma_start3A_35] : memref<10240x128xf32, #tpu.memory_space<vmem_shared>> -> memref<10240x128xf32, #tpu.memory_space<vmem_shared>>
      tpu.enqueue_indirect_dma source(%arg8 : memref<128x128xf32, #tpu.memory_space<vmem>>) target(%dma_start3A_36 : memref<10240x128xf32, #tpu.memory_space<vmem_shared>>) offsets(%dma_start3A_33 : memref<128xi32, #tpu.memory_space<vmem>>) semaphore(%arg10 : memref<!tpu.dma_semaphore, #tpu.memory_space<semaphore_mem>>) {add = true}
      %mul3A_37 = arith.constant 4 : i32
      %mul3A_38 = arith.muli %scan3A_27, %mul3A_37 : i32
      %add3A_39 = arith.constant 1 : i32
      %add3A_40 = arith.addi %mul3A_38, %add3A_39 : i32
      %dma_start3A_41 = arith.constant 0 : i32
      %dma_start3A_42 = tpu.memref_slice %arg6[%add3A_40, %dma_start3A_41] : memref<80x128xi32, #tpu.memory_space<vmem>> -> memref<1x128xi32, #tpu.memory_space<vmem>>
      %dma_start3A_43 = tpu.memref_squeeze %dma_start3A_42 : memref<1x128xi32, #tpu.memory_space<vmem>> -> memref<128xi32, #tpu.memory_space<vmem>>
      %dma_start3A_44 = arith.constant 0 : i32
      %dma_start3A_45 = arith.constant 0 : i32
      %dma_start3A_46 = tpu.memref_slice %arg9[%dma_start3A_44, %dma_start3A_45] : memref<10240x128xf32, #tpu.memory_space<vmem_shared>> -> memref<10240x128xf32, #tpu.memory_space<vmem_shared>>
      tpu.enqueue_indirect_dma source(%arg8 : memref<128x128xf32, #tpu.memory_space<vmem>>) target(%dma_start3A_46 : memref<10240x128xf32, #tpu.memory_space<vmem_shared>>) offsets(%dma_start3A_43 : memref<128xi32, #tpu.memory_space<vmem>>) semaphore(%arg10 : memref<!tpu.dma_semaphore, #tpu.memory_space<semaphore_mem>>) {add = true}
      %mul3A_47 = arith.constant 4 : i32
      %mul3A_48 = arith.muli %scan3A_27, %mul3A_47 : i32
      %add3A_49 = arith.constant 2 : i32
      %add3A_50 = arith.addi %mul3A_48, %add3A_49 : i32
      %dma_start3A_51 = arith.constant 0 : i32
      %dma_start3A_52 = tpu.memref_slice %arg6[%add3A_50, %dma_start3A_51] : memref<80x128xi32, #tpu.memory_space<vmem>> -> memref<1x128xi32, #tpu.memory_space<vmem>>
      %dma_start3A_53 = tpu.memref_squeeze %dma_start3A_52 : memref<1x128xi32, #tpu.memory_space<vmem>> -> memref<128xi32, #tpu.memory_space<vmem>>
      %dma_start3A_54 = arith.constant 0 : i32
      %dma_start3A_55 = arith.constant 0 : i32
      %dma_start3A_56 = tpu.memref_slice %arg9[%dma_start3A_54, %dma_start3A_55] : memref<10240x128xf32, #tpu.memory_space<vmem_shared>> -> memref<10240x128xf32, #tpu.memory_space<vmem_shared>>
      tpu.enqueue_indirect_dma source(%arg8 : memref<128x128xf32, #tpu.memory_space<vmem>>) target(%dma_start3A_56 : memref<10240x128xf32, #tpu.memory_space<vmem_shared>>) offsets(%dma_start3A_53 : memref<128xi32, #tpu.memory_space<vmem>>) semaphore(%arg10 : memref<!tpu.dma_semaphore, #tpu.memory_space<semaphore_mem>>) {add = true}
      %mul3A_57 = arith.constant 4 : i32
      %mul3A_58 = arith.muli %scan3A_27, %mul3A_57 : i32
      %add3A_59 = arith.constant 3 : i32
      %add3A_60 = arith.addi %mul3A_58, %add3A_59 : i32
      %dma_start3A_61 = arith.constant 0 : i32
      %dma_start3A_62 = tpu.memref_slice %arg6[%add3A_60, %dma_start3A_61] : memref<80x128xi32, #tpu.memory_space<vmem>> -> memref<1x128xi32, #tpu.memory_space<vmem>>
      %dma_start3A_63 = tpu.memref_squeeze %dma_start3A_62 : memref<1x128xi32, #tpu.memory_space<vmem>> -> memref<128xi32, #tpu.memory_space<vmem>>
      %dma_start3A_64 = arith.constant 0 : i32
      %dma_start3A_65 = arith.constant 0 : i32
      %dma_start3A_66 = tpu.memref_slice %arg9[%dma_start3A_64, %dma_start3A_65] : memref<10240x128xf32, #tpu.memory_space<vmem_shared>> -> memref<10240x128xf32, #tpu.memory_space<vmem_shared>>
      tpu.enqueue_indirect_dma source(%arg8 : memref<128x128xf32, #tpu.memory_space<vmem>>) target(%dma_start3A_66 : memref<10240x128xf32, #tpu.memory_space<vmem_shared>>) offsets(%dma_start3A_63 : memref<128xi32, #tpu.memory_space<vmem>>) semaphore(%arg10 : memref<!tpu.dma_semaphore, #tpu.memory_space<semaphore_mem>>) {add = true}
      %mul3A_67 = arith.constant 4 : i32
      %mul3A_68 = arith.muli %scan3A_27, %mul3A_67 : i32
      %add3A_69 = arith.constant 0 : i32
      %add3A_70 = arith.addi %mul3A_68, %add3A_69 : i32
      %dma_wait3A = arith.constant 0 : i32
      %dma_wait3A_71 = tpu.memref_slice %arg6[%add3A_70, %dma_wait3A] : memref<80x128xi32, #tpu.memory_space<vmem>> -> memref<1x128xi32, #tpu.memory_space<vmem>>
      %dma_wait3A_72 = tpu.memref_squeeze %dma_wait3A_71 : memref<1x128xi32, #tpu.memory_space<vmem>> -> memref<128xi32, #tpu.memory_space<vmem>>
      %dma_wait3A_73 = arith.constant 0 : i32
      %dma_wait3A_74 = arith.constant 0 : i32
      %dma_wait3A_75 = tpu.memref_slice %arg9[%dma_wait3A_73, %dma_wait3A_74] : memref<10240x128xf32, #tpu.memory_space<vmem_shared>> -> memref<10240x128xf32, #tpu.memory_space<vmem_shared>>
      tpu.wait_indirect_dma semaphore(%arg10 : memref<!tpu.dma_semaphore, #tpu.memory_space<semaphore_mem>>) src(%arg8 : memref<128x128xf32, #tpu.memory_space<vmem>>) dst(%dma_wait3A_75 : memref<10240x128xf32, #tpu.memory_space<vmem_shared>>)
      %mul3A_76 = arith.constant 4 : i32
      %mul3A_77 = arith.muli %scan3A_27, %mul3A_76 : i32
      %add3A_78 = arith.constant 1 : i32
      %add3A_79 = arith.addi %mul3A_77, %add3A_78 : i32
      %dma_wait3A_80 = arith.constant 0 : i32
      %dma_wait3A_81 = tpu.memref_slice %arg6[%add3A_79, %dma_wait3A_80] : memref<80x128xi32, #tpu.memory_space<vmem>> -> memref<1x128xi32, #tpu.memory_space<vmem>>
      %dma_wait3A_82 = tpu.memref_squeeze %dma_wait3A_81 : memref<1x128xi32, #tpu.memory_space<vmem>> -> memref<128xi32, #tpu.memory_space<vmem>>
      %dma_wait3A_83 = arith.constant 0 : i32
      %dma_wait3A_84 = arith.constant 0 : i32
      %dma_wait3A_85 = tpu.memref_slice %arg9[%dma_wait3A_83, %dma_wait3A_84] : memref<10240x128xf32, #tpu.memory_space<vmem_shared>> -> memref<10240x128xf32, #tpu.memory_space<vmem_shared>>
      tpu.wait_indirect_dma semaphore(%arg10 : memref<!tpu.dma_semaphore, #tpu.memory_space<semaphore_mem>>) src(%arg8 : memref<128x128xf32, #tpu.memory_space<vmem>>) dst(%dma_wait3A_85 : memref<10240x128xf32, #tpu.memory_space<vmem_shared>>)
      %mul3A_86 = arith.constant 4 : i32
      %mul3A_87 = arith.muli %scan3A_27, %mul3A_86 : i32
      %add3A_88 = arith.constant 2 : i32
      %add3A_89 = arith.addi %mul3A_87, %add3A_88 : i32
      %dma_wait3A_90 = arith.constant 0 : i32
      %dma_wait3A_91 = tpu.memref_slice %arg6[%add3A_89, %dma_wait3A_90] : memref<80x128xi32, #tpu.memory_space<vmem>> -> memref<1x128xi32, #tpu.memory_space<vmem>>
      %dma_wait3A_92 = tpu.memref_squeeze %dma_wait3A_91 : memref<1x128xi32, #tpu.memory_space<vmem>> -> memref<128xi32, #tpu.memory_space<vmem>>
      %dma_wait3A_93 = arith.constant 0 : i32
      %dma_wait3A_94 = arith.constant 0 : i32
      %dma_wait3A_95 = tpu.memref_slice %arg9[%dma_wait3A_93, %dma_wait3A_94] : memref<10240x128xf32, #tpu.memory_space<vmem_shared>> -> memref<10240x128xf32, #tpu.memory_space<vmem_shared>>
      tpu.wait_indirect_dma semaphore(%arg10 : memref<!tpu.dma_semaphore, #tpu.memory_space<semaphore_mem>>) src(%arg8 : memref<128x128xf32, #tpu.memory_space<vmem>>) dst(%dma_wait3A_95 : memref<10240x128xf32, #tpu.memory_space<vmem_shared>>)
      %mul3A_96 = arith.constant 4 : i32
      %mul3A_97 = arith.muli %scan3A_27, %mul3A_96 : i32
      %add3A_98 = arith.constant 3 : i32
      %add3A_99 = arith.addi %mul3A_97, %add3A_98 : i32
      %dma_wait3A_100 = arith.constant 0 : i32
      %dma_wait3A_101 = tpu.memref_slice %arg6[%add3A_99, %dma_wait3A_100] : memref<80x128xi32, #tpu.memory_space<vmem>> -> memref<1x128xi32, #tpu.memory_space<vmem>>
      %dma_wait3A_102 = tpu.memref_squeeze %dma_wait3A_101 : memref<1x128xi32, #tpu.memory_space<vmem>> -> memref<128xi32, #tpu.memory_space<vmem>>
      %dma_wait3A_103 = arith.constant 0 : i32
      %dma_wait3A_104 = arith.constant 0 : i32
      %dma_wait3A_105 = tpu.memref_slice %arg9[%dma_wait3A_103, %dma_wait3A_104] : memref<10240x128xf32, #tpu.memory_space<vmem_shared>> -> memref<10240x128xf32, #tpu.memory_space<vmem_shared>>
      tpu.wait_indirect_dma semaphore(%arg10 : memref<!tpu.dma_semaphore, #tpu.memory_space<semaphore_mem>>) src(%arg8 : memref<128x128xf32, #tpu.memory_space<vmem>>) dst(%dma_wait3A_105 : memref<10240x128xf32, #tpu.memory_space<vmem_shared>>)
    }
    %scan3A_18 = arith.constant 20 : i32
    %run_scoped3A_19 = arith.constant 2 : i32
    "tpu.region"() ({
      %run_scoped3A_27 = tpu.sem_alloc : memref<!tpu.dma_semaphore, #tpu.memory_space<semaphore_mem>>
      %dma_start3A = arith.constant 0 : i32
      %dma_start3A_28 = arith.constant 0 : i32
      %dma_start3A_29 = tpu.memref_slice %arg4[%run_scoped3A_19, %dma_start3A, %dma_start3A_28] : memref<3x128x128xf32, #tpu.memory_space<hbm>> -> memref<1x128x128xf32, #tpu.memory_space<hbm>>
      %dma_start3A_30 = tpu.memref_squeeze %dma_start3A_29 : memref<1x128x128xf32, #tpu.memory_space<hbm>> -> memref<128x128xf32, #tpu.memory_space<hbm>>
      %dma_start3A_31 = arith.constant 0 : i32
      %dma_start3A_32 = arith.constant 0 : i32
      %dma_start3A_33 = tpu.memref_slice %arg4[%run_scoped3A_19, %dma_start3A_31, %dma_start3A_32] : memref<3x128x128xf32, #tpu.memory_space<hbm>> -> memref<1x128x128xf32, #tpu.memory_space<hbm>>
      %dma_start3A_34 = tpu.memref_squeeze %dma_start3A_33 : memref<1x128x128xf32, #tpu.memory_space<hbm>> -> memref<128x128xf32, #tpu.memory_space<hbm>>
      tpu.enqueue_dma source(%dma_start3A_34 : memref<128x128xf32, #tpu.memory_space<hbm>>) target(%arg8 : memref<128x128xf32, #tpu.memory_space<vmem>>) target_semaphore(%run_scoped3A_27 : memref<!tpu.dma_semaphore, #tpu.memory_space<semaphore_mem>>)
      %dma_wait3A = arith.constant 0 : i32
      %dma_wait3A_35 = arith.constant 0 : i32
      %dma_wait3A_36 = tpu.memref_slice %arg4[%run_scoped3A_19, %dma_wait3A, %dma_wait3A_35] : memref<3x128x128xf32, #tpu.memory_space<hbm>> -> memref<1x128x128xf32, #tpu.memory_space<hbm>>
      %dma_wait3A_37 = tpu.memref_squeeze %dma_wait3A_36 : memref<1x128x128xf32, #tpu.memory_space<hbm>> -> memref<128x128xf32, #tpu.memory_space<hbm>>
      %dma_wait3A_38 = arith.constant 0 : i32
      %dma_wait3A_39 = arith.constant 0 : i32
      %dma_wait3A_40 = tpu.memref_slice %arg4[%run_scoped3A_19, %dma_wait3A_38, %dma_wait3A_39] : memref<3x128x128xf32, #tpu.memory_space<hbm>> -> memref<1x128x128xf32, #tpu.memory_space<hbm>>
      %dma_wait3A_41 = tpu.memref_squeeze %dma_wait3A_40 : memref<1x128x128xf32, #tpu.memory_space<hbm>> -> memref<128x128xf32, #tpu.memory_space<hbm>>
      tpu.wait_dma2 semaphore(%run_scoped3A_27 : memref<!tpu.dma_semaphore, #tpu.memory_space<semaphore_mem>>) src(%dma_wait3A_41 : memref<128x128xf32, #tpu.memory_space<hbm>>) dst(%arg8 : memref<128x128xf32, #tpu.memory_space<vmem>>)
      tpu.yield
    }) : () -> ()
    %scan3A_20 = arith.constant 0 : i32
    %scan3A_21 = arith.constant 0 : i32
    %scan3A_22 = arith.constant 20 : i32
    %scan3A_23 = arith.addi %scan3A_21, %scan3A_22 : i32
    %scan3A_24 = arith.constant 1 : i32
    scf.for %scan3A_27 = %scan3A_21 to %scan3A_23 step %scan3A_24  : i32 {
      %mul3A_28 = arith.constant 4 : i32
      %mul3A_29 = arith.muli %scan3A_27, %mul3A_28 : i32
      %add3A_30 = arith.constant 0 : i32
      %add3A_31 = arith.addi %mul3A_29, %add3A_30 : i32
      %dma_start3A = arith.constant 0 : i32
      %dma_start3A_32 = tpu.memref_slice %arg7[%add3A_31, %dma_start3A] : memref<80x128xi32, #tpu.memory_space<vmem>> -> memref<1x128xi32, #tpu.memory_space<vmem>>
      %dma_start3A_33 = tpu.memref_squeeze %dma_start3A_32 : memref<1x128xi32, #tpu.memory_space<vmem>> -> memref<128xi32, #tpu.memory_space<vmem>>
      %dma_start3A_34 = arith.constant 0 : i32
      %dma_start3A_35 = arith.constant 0 : i32
      %dma_start3A_36 = tpu.memref_slice %arg9[%dma_start3A_34, %dma_start3A_35] : memref<10240x128xf32, #tpu.memory_space<vmem_shared>> -> memref<10240x128xf32, #tpu.memory_space<vmem_shared>>
      tpu.enqueue_indirect_dma source(%arg8 : memref<128x128xf32, #tpu.memory_space<vmem>>) target(%dma_start3A_36 : memref<10240x128xf32, #tpu.memory_space<vmem_shared>>) offsets(%dma_start3A_33 : memref<128xi32, #tpu.memory_space<vmem>>) semaphore(%arg10 : memref<!tpu.dma_semaphore, #tpu.memory_space<semaphore_mem>>) {add = true}
      %mul3A_37 = arith.constant 4 : i32
      %mul3A_38 = arith.muli %scan3A_27, %mul3A_37 : i32
      %add3A_39 = arith.constant 1 : i32
      %add3A_40 = arith.addi %mul3A_38, %add3A_39 : i32
      %dma_start3A_41 = arith.constant 0 : i32
      %dma_start3A_42 = tpu.memref_slice %arg7[%add3A_40, %dma_start3A_41] : memref<80x128xi32, #tpu.memory_space<vmem>> -> memref<1x128xi32, #tpu.memory_space<vmem>>
      %dma_start3A_43 = tpu.memref_squeeze %dma_start3A_42 : memref<1x128xi32, #tpu.memory_space<vmem>> -> memref<128xi32, #tpu.memory_space<vmem>>
      %dma_start3A_44 = arith.constant 0 : i32
      %dma_start3A_45 = arith.constant 0 : i32
      %dma_start3A_46 = tpu.memref_slice %arg9[%dma_start3A_44, %dma_start3A_45] : memref<10240x128xf32, #tpu.memory_space<vmem_shared>> -> memref<10240x128xf32, #tpu.memory_space<vmem_shared>>
      tpu.enqueue_indirect_dma source(%arg8 : memref<128x128xf32, #tpu.memory_space<vmem>>) target(%dma_start3A_46 : memref<10240x128xf32, #tpu.memory_space<vmem_shared>>) offsets(%dma_start3A_43 : memref<128xi32, #tpu.memory_space<vmem>>) semaphore(%arg10 : memref<!tpu.dma_semaphore, #tpu.memory_space<semaphore_mem>>) {add = true}
      %mul3A_47 = arith.constant 4 : i32
      %mul3A_48 = arith.muli %scan3A_27, %mul3A_47 : i32
      %add3A_49 = arith.constant 2 : i32
      %add3A_50 = arith.addi %mul3A_48, %add3A_49 : i32
      %dma_start3A_51 = arith.constant 0 : i32
      %dma_start3A_52 = tpu.memref_slice %arg7[%add3A_50, %dma_start3A_51] : memref<80x128xi32, #tpu.memory_space<vmem>> -> memref<1x128xi32, #tpu.memory_space<vmem>>
      %dma_start3A_53 = tpu.memref_squeeze %dma_start3A_52 : memref<1x128xi32, #tpu.memory_space<vmem>> -> memref<128xi32, #tpu.memory_space<vmem>>
      %dma_start3A_54 = arith.constant 0 : i32
      %dma_start3A_55 = arith.constant 0 : i32
      %dma_start3A_56 = tpu.memref_slice %arg9[%dma_start3A_54, %dma_start3A_55] : memref<10240x128xf32, #tpu.memory_space<vmem_shared>> -> memref<10240x128xf32, #tpu.memory_space<vmem_shared>>
      tpu.enqueue_indirect_dma source(%arg8 : memref<128x128xf32, #tpu.memory_space<vmem>>) target(%dma_start3A_56 : memref<10240x128xf32, #tpu.memory_space<vmem_shared>>) offsets(%dma_start3A_53 : memref<128xi32, #tpu.memory_space<vmem>>) semaphore(%arg10 : memref<!tpu.dma_semaphore, #tpu.memory_space<semaphore_mem>>) {add = true}
      %mul3A_57 = arith.constant 4 : i32
      %mul3A_58 = arith.muli %scan3A_27, %mul3A_57 : i32
      %add3A_59 = arith.constant 3 : i32
      %add3A_60 = arith.addi %mul3A_58, %add3A_59 : i32
      %dma_start3A_61 = arith.constant 0 : i32
      %dma_start3A_62 = tpu.memref_slice %arg7[%add3A_60, %dma_start3A_61] : memref<80x128xi32, #tpu.memory_space<vmem>> -> memref<1x128xi32, #tpu.memory_space<vmem>>
      %dma_start3A_63 = tpu.memref_squeeze %dma_start3A_62 : memref<1x128xi32, #tpu.memory_space<vmem>> -> memref<128xi32, #tpu.memory_space<vmem>>
      %dma_start3A_64 = arith.constant 0 : i32
      %dma_start3A_65 = arith.constant 0 : i32
      %dma_start3A_66 = tpu.memref_slice %arg9[%dma_start3A_64, %dma_start3A_65] : memref<10240x128xf32, #tpu.memory_space<vmem_shared>> -> memref<10240x128xf32, #tpu.memory_space<vmem_shared>>
      tpu.enqueue_indirect_dma source(%arg8 : memref<128x128xf32, #tpu.memory_space<vmem>>) target(%dma_start3A_66 : memref<10240x128xf32, #tpu.memory_space<vmem_shared>>) offsets(%dma_start3A_63 : memref<128xi32, #tpu.memory_space<vmem>>) semaphore(%arg10 : memref<!tpu.dma_semaphore, #tpu.memory_space<semaphore_mem>>) {add = true}
      %mul3A_67 = arith.constant 4 : i32
      %mul3A_68 = arith.muli %scan3A_27, %mul3A_67 : i32
      %add3A_69 = arith.constant 0 : i32
      %add3A_70 = arith.addi %mul3A_68, %add3A_69 : i32
      %dma_wait3A = arith.constant 0 : i32
      %dma_wait3A_71 = tpu.memref_slice %arg7[%add3A_70, %dma_wait3A] : memref<80x128xi32, #tpu.memory_space<vmem>> -> memref<1x128xi32, #tpu.memory_space<vmem>>
      %dma_wait3A_72 = tpu.memref_squeeze %dma_wait3A_71 : memref<1x128xi32, #tpu.memory_space<vmem>> -> memref<128xi32, #tpu.memory_space<vmem>>
      %dma_wait3A_73 = arith.constant 0 : i32
      %dma_wait3A_74 = arith.constant 0 : i32
      %dma_wait3A_75 = tpu.memref_slice %arg9[%dma_wait3A_73, %dma_wait3A_74] : memref<10240x128xf32, #tpu.memory_space<vmem_shared>> -> memref<10240x128xf32, #tpu.memory_space<vmem_shared>>
      tpu.wait_indirect_dma semaphore(%arg10 : memref<!tpu.dma_semaphore, #tpu.memory_space<semaphore_mem>>) src(%arg8 : memref<128x128xf32, #tpu.memory_space<vmem>>) dst(%dma_wait3A_75 : memref<10240x128xf32, #tpu.memory_space<vmem_shared>>)
      %mul3A_76 = arith.constant 4 : i32
      %mul3A_77 = arith.muli %scan3A_27, %mul3A_76 : i32
      %add3A_78 = arith.constant 1 : i32
      %add3A_79 = arith.addi %mul3A_77, %add3A_78 : i32
      %dma_wait3A_80 = arith.constant 0 : i32
      %dma_wait3A_81 = tpu.memref_slice %arg7[%add3A_79, %dma_wait3A_80] : memref<80x128xi32, #tpu.memory_space<vmem>> -> memref<1x128xi32, #tpu.memory_space<vmem>>
      %dma_wait3A_82 = tpu.memref_squeeze %dma_wait3A_81 : memref<1x128xi32, #tpu.memory_space<vmem>> -> memref<128xi32, #tpu.memory_space<vmem>>
      %dma_wait3A_83 = arith.constant 0 : i32
      %dma_wait3A_84 = arith.constant 0 : i32
      %dma_wait3A_85 = tpu.memref_slice %arg9[%dma_wait3A_83, %dma_wait3A_84] : memref<10240x128xf32, #tpu.memory_space<vmem_shared>> -> memref<10240x128xf32, #tpu.memory_space<vmem_shared>>
      tpu.wait_indirect_dma semaphore(%arg10 : memref<!tpu.dma_semaphore, #tpu.memory_space<semaphore_mem>>) src(%arg8 : memref<128x128xf32, #tpu.memory_space<vmem>>) dst(%dma_wait3A_85 : memref<10240x128xf32, #tpu.memory_space<vmem_shared>>)
      %mul3A_86 = arith.constant 4 : i32
      %mul3A_87 = arith.muli %scan3A_27, %mul3A_86 : i32
      %add3A_88 = arith.constant 2 : i32
      %add3A_89 = arith.addi %mul3A_87, %add3A_88 : i32
      %dma_wait3A_90 = arith.constant 0 : i32
      %dma_wait3A_91 = tpu.memref_slice %arg7[%add3A_89, %dma_wait3A_90] : memref<80x128xi32, #tpu.memory_space<vmem>> -> memref<1x128xi32, #tpu.memory_space<vmem>>
      %dma_wait3A_92 = tpu.memref_squeeze %dma_wait3A_91 : memref<1x128xi32, #tpu.memory_space<vmem>> -> memref<128xi32, #tpu.memory_space<vmem>>
      %dma_wait3A_93 = arith.constant 0 : i32
      %dma_wait3A_94 = arith.constant 0 : i32
      %dma_wait3A_95 = tpu.memref_slice %arg9[%dma_wait3A_93, %dma_wait3A_94] : memref<10240x128xf32, #tpu.memory_space<vmem_shared>> -> memref<10240x128xf32, #tpu.memory_space<vmem_shared>>
      tpu.wait_indirect_dma semaphore(%arg10 : memref<!tpu.dma_semaphore, #tpu.memory_space<semaphore_mem>>) src(%arg8 : memref<128x128xf32, #tpu.memory_space<vmem>>) dst(%dma_wait3A_95 : memref<10240x128xf32, #tpu.memory_space<vmem_shared>>)
      %mul3A_96 = arith.constant 4 : i32
      %mul3A_97 = arith.muli %scan3A_27, %mul3A_96 : i32
      %add3A_98 = arith.constant 3 : i32
      %add3A_99 = arith.addi %mul3A_97, %add3A_98 : i32
      %dma_wait3A_100 = arith.constant 0 : i32
      %dma_wait3A_101 = tpu.memref_slice %arg7[%add3A_99, %dma_wait3A_100] : memref<80x128xi32, #tpu.memory_space<vmem>> -> memref<1x128xi32, #tpu.memory_space<vmem>>
      %dma_wait3A_102 = tpu.memref_squeeze %dma_wait3A_101 : memref<1x128xi32, #tpu.memory_space<vmem>> -> memref<128xi32, #tpu.memory_space<vmem>>
      %dma_wait3A_103 = arith.constant 0 : i32
      %dma_wait3A_104 = arith.constant 0 : i32
      %dma_wait3A_105 = tpu.memref_slice %arg9[%dma_wait3A_103, %dma_wait3A_104] : memref<10240x128xf32, #tpu.memory_space<vmem_shared>> -> memref<10240x128xf32, #tpu.memory_space<vmem_shared>>
      tpu.wait_indirect_dma semaphore(%arg10 : memref<!tpu.dma_semaphore, #tpu.memory_space<semaphore_mem>>) src(%arg8 : memref<128x128xf32, #tpu.memory_space<vmem>>) dst(%dma_wait3A_105 : memref<10240x128xf32, #tpu.memory_space<vmem_shared>>)
    }
    %scan3A_25 = arith.constant 20 : i32
    %barrier3A_26 = arith.constant 0 : index
    tpu.barrier barrier_id(%barrier3A_26)
    "tpu.region"() ({
      %run_scoped3A_27 = tpu.sem_alloc : memref<!tpu.dma_semaphore, #tpu.memory_space<semaphore_mem>>
      %dma_start3A = arith.constant 0 : i32
      %dma_start3A_28 = tpu.memref_slice %arg5[%arg0, %mul3A_2, %dma_start3A] : memref<2x10240x128xf32, #tpu.memory_space<hbm>> -> memref<1x640x128xf32, #tpu.memory_space<hbm>>
      %dma_start3A_29 = tpu.memref_squeeze %dma_start3A_28 : memref<1x640x128xf32, #tpu.memory_space<hbm>> -> memref<640x128xf32, #tpu.memory_space<hbm>>
      %dma_start3A_30 = arith.constant 0 : i32
      %dma_start3A_31 = tpu.memref_slice %arg9[%mul3A_2, %dma_start3A_30] : memref<10240x128xf32, #tpu.memory_space<vmem_shared>> -> memref<640x128xf32, #tpu.memory_space<vmem_shared>>
      tpu.enqueue_dma source(%dma_start3A_31 : memref<640x128xf32, #tpu.memory_space<vmem_shared>>) target(%dma_start3A_29 : memref<640x128xf32, #tpu.memory_space<hbm>>) target_semaphore(%run_scoped3A_27 : memref<!tpu.dma_semaphore, #tpu.memory_space<semaphore_mem>>)
      %dma_wait3A = arith.constant 0 : i32
      %dma_wait3A_32 = tpu.memref_slice %arg5[%arg0, %mul3A_2, %dma_wait3A] : memref<2x10240x128xf32, #tpu.memory_space<hbm>> -> memref<1x640x128xf32, #tpu.memory_space<hbm>>
      %dma_wait3A_33 = tpu.memref_squeeze %dma_wait3A_32 : memref<1x640x128xf32, #tpu.memory_space<hbm>> -> memref<640x128xf32, #tpu.memory_space<hbm>>
      %dma_wait3A_34 = arith.constant 0 : i32
      %dma_wait3A_35 = tpu.memref_slice %arg9[%mul3A_2, %dma_wait3A_34] : memref<10240x128xf32, #tpu.memory_space<vmem_shared>> -> memref<640x128xf32, #tpu.memory_space<vmem_shared>>
      tpu.wait_dma2 semaphore(%run_scoped3A_27 : memref<!tpu.dma_semaphore, #tpu.memory_space<semaphore_mem>>) src(%dma_wait3A_35 : memref<640x128xf32, #tpu.memory_space<vmem_shared>>) dst(%dma_wait3A_33 : memref<640x128xf32, #tpu.memory_space<hbm>>)
      tpu.yield
    }) : () -> ()
    return
  }
}

#map = affine_map<(d0, d1) -> (0, 0)>
#map1 = affine_map<(d0, d1) -> (0, 0, 0, 0)>
#map2 = affine_map<(d0, d1) -> (0, 0, 0)>
module attributes {stable_mosaic.version = 14 : i64} {
  func.func @_seg_body(%arg0: i32, %arg1: i32, %arg2: memref<10240x128xf32, #tpu.memory_space<hbm>>, %arg3: memref<32x28x3x120xi32, #tpu.memory_space<hbm>>, %arg4: memref<32x28x3x120xi32, #tpu.memory_space<hbm>>, %arg5: memref<2x10240x128xf32, #tpu.memory_space<hbm>>, %arg6: memref<2x3x120xi32, #tpu.memory_space<vmem>>, %arg7: memref<2x3x120xi32, #tpu.memory_space<vmem>>, %arg8: memref<3x120x128xf32, #tpu.memory_space<vmem>>, %arg9: memref<10112x128xf32, #tpu.memory_space<vmem_shared>>, %arg10: memref<!tpu.dma_semaphore, #tpu.memory_space<semaphore_mem>>, %arg11: memref<!tpu.dma_semaphore, #tpu.memory_space<semaphore_mem>>, %arg12: memref<!tpu.dma_semaphore, #tpu.memory_space<semaphore_mem>>, %arg13: memref<!tpu.dma_semaphore, #tpu.memory_space<semaphore_mem>>, %arg14: memref<!tpu.dma_semaphore, #tpu.memory_space<semaphore_mem>>, %arg15: memref<!tpu.dma_semaphore, #tpu.memory_space<semaphore_mem>>, %arg16: memref<!tpu.dma_semaphore, #tpu.memory_space<semaphore_mem>>) attributes {dimension_semantics = [#tpu.dimension_semantics<core_parallel>, #tpu.dimension_semantics<subcore_parallel>], iteration_bounds = array<i64: 2, 16>, scalar_prefetch = 0 : i64, scratch_operands = 11 : i64, tpu.core_type = #tpu.core_type<sc_vector_subcore>, window_params = [{transform_indices = #map}, {transform_indices = #map1}, {transform_indices = #map1}, {transform_indices = #map2}]} {
    %mul3A = arith.constant 2 : i32
    %mul3A_0 = arith.muli %arg1, %mul3A : i32
    %add3A = arith.addi %mul3A_0, %arg0 : i32
    %scan3A = arith.constant 0 : i32
    %scan3A_1 = arith.constant 0 : i32
    %scan3A_2 = arith.constant 120 : i32
    %scan3A_3 = arith.addi %scan3A_1, %scan3A_2 : i32
    %scan3A_4 = arith.constant 1 : i32
    scf.for %scan3A_74 = %scan3A_1 to %scan3A_3 step %scan3A_4  : i32 {
      %broadcast_in_dim3A = arith.constant 0.000000e+00 : f32
      %broadcast_in_dim3A_75 = vector.broadcast %broadcast_in_dim3A : f32 to vector<16xf32>
      %swap3A = arith.constant 0 : i32
      %swap3A_76 = arith.index_cast %swap3A : i32 to index
      %swap3A_77 = arith.index_cast %scan3A_74 : i32 to index
      %swap3A_78 = arith.constant 0 : index
      %swap3A_79 = tpu.vector_load %arg8[%swap3A_76, %swap3A_77, %swap3A_78] {strides = array<i32>} : memref<3x120x128xf32, #tpu.memory_space<vmem>>, vector<1x1x16xf32>,
      %swap3A_80 = vector.shape_cast %swap3A_79 : vector<1x1x16xf32> to vector<16xf32>
      %swap3A_81 = vector.shape_cast %broadcast_in_dim3A_75 : vector<16xf32> to vector<1x1x16xf32>
      tpu.vector_store %arg8[%swap3A_76, %swap3A_77, %swap3A_78], %swap3A_81 {strides = array<i32>} : memref<3x120x128xf32, #tpu.memory_space<vmem>>, vector<1x1x16xf32>,
      %broadcast_in_dim3A_82 = arith.constant 0.000000e+00 : f32
      %broadcast_in_dim3A_83 = vector.broadcast %broadcast_in_dim3A_82 : f32 to vector<16xf32>
      %swap3A_84 = arith.constant 0 : i32
      %swap3A_85 = arith.index_cast %swap3A_84 : i32 to index
      %swap3A_86 = arith.index_cast %scan3A_74 : i32 to index
      %swap3A_87 = arith.constant 16 : index
      %swap3A_88 = tpu.vector_load %arg8[%swap3A_85, %swap3A_86, %swap3A_87] {strides = array<i32>} : memref<3x120x128xf32, #tpu.memory_space<vmem>>, vector<1x1x16xf32>,
      %swap3A_89 = vector.shape_cast %swap3A_88 : vector<1x1x16xf32> to vector<16xf32>
      %swap3A_90 = vector.shape_cast %broadcast_in_dim3A_83 : vector<16xf32> to vector<1x1x16xf32>
      tpu.vector_store %arg8[%swap3A_85, %swap3A_86, %swap3A_87], %swap3A_90 {strides = array<i32>} : memref<3x120x128xf32, #tpu.memory_space<vmem>>, vector<1x1x16xf32>,
      %broadcast_in_dim3A_91 = arith.constant 0.000000e+00 : f32
      %broadcast_in_dim3A_92 = vector.broadcast %broadcast_in_dim3A_91 : f32 to vector<16xf32>
      %swap3A_93 = arith.constant 0 : i32
      %swap3A_94 = arith.index_cast %swap3A_93 : i32 to index
      %swap3A_95 = arith.index_cast %scan3A_74 : i32 to index
      %swap3A_96 = arith.constant 32 : index
      %swap3A_97 = tpu.vector_load %arg8[%swap3A_94, %swap3A_95, %swap3A_96] {strides = array<i32>} : memref<3x120x128xf32, #tpu.memory_space<vmem>>, vector<1x1x16xf32>,
      %swap3A_98 = vector.shape_cast %swap3A_97 : vector<1x1x16xf32> to vector<16xf32>
      %swap3A_99 = vector.shape_cast %broadcast_in_dim3A_92 : vector<16xf32> to vector<1x1x16xf32>
      tpu.vector_store %arg8[%swap3A_94, %swap3A_95, %swap3A_96], %swap3A_99 {strides = array<i32>} : memref<3x120x128xf32, #tpu.memory_space<vmem>>, vector<1x1x16xf32>,
      %broadcast_in_dim3A_100 = arith.constant 0.000000e+00 : f32
      %broadcast_in_dim3A_101 = vector.broadcast %broadcast_in_dim3A_100 : f32 to vector<16xf32>
      %swap3A_102 = arith.constant 0 : i32
      %swap3A_103 = arith.index_cast %swap3A_102 : i32 to index
      %swap3A_104 = arith.index_cast %scan3A_74 : i32 to index
      %swap3A_105 = arith.constant 48 : index
      %swap3A_106 = tpu.vector_load %arg8[%swap3A_103, %swap3A_104, %swap3A_105] {strides = array<i32>} : memref<3x120x128xf32, #tpu.memory_space<vmem>>, vector<1x1x16xf32>,
      %swap3A_107 = vector.shape_cast %swap3A_106 : vector<1x1x16xf32> to vector<16xf32>
      %swap3A_108 = vector.shape_cast %broadcast_in_dim3A_101 : vector<16xf32> to vector<1x1x16xf32>
      tpu.vector_store %arg8[%swap3A_103, %swap3A_104, %swap3A_105], %swap3A_108 {strides = array<i32>} : memref<3x120x128xf32, #tpu.memory_space<vmem>>, vector<1x1x16xf32>,
      %broadcast_in_dim3A_109 = arith.constant 0.000000e+00 : f32
      %broadcast_in_dim3A_110 = vector.broadcast %broadcast_in_dim3A_109 : f32 to vector<16xf32>
      %swap3A_111 = arith.constant 0 : i32
      %swap3A_112 = arith.index_cast %swap3A_111 : i32 to index
      %swap3A_113 = arith.index_cast %scan3A_74 : i32 to index
      %swap3A_114 = arith.constant 64 : index
      %swap3A_115 = tpu.vector_load %arg8[%swap3A_112, %swap3A_113, %swap3A_114] {strides = array<i32>} : memref<3x120x128xf32, #tpu.memory_space<vmem>>, vector<1x1x16xf32>,
      %swap3A_116 = vector.shape_cast %swap3A_115 : vector<1x1x16xf32> to vector<16xf32>
      %swap3A_117 = vector.shape_cast %broadcast_in_dim3A_110 : vector<16xf32> to vector<1x1x16xf32>
      tpu.vector_store %arg8[%swap3A_112, %swap3A_113, %swap3A_114], %swap3A_117 {strides = array<i32>} : memref<3x120x128xf32, #tpu.memory_space<vmem>>, vector<1x1x16xf32>,
      %broadcast_in_dim3A_118 = arith.constant 0.000000e+00 : f32
      %broadcast_in_dim3A_119 = vector.broadcast %broadcast_in_dim3A_118 : f32 to vector<16xf32>
      %swap3A_120 = arith.constant 0 : i32
      %swap3A_121 = arith.index_cast %swap3A_120 : i32 to index
      %swap3A_122 = arith.index_cast %scan3A_74 : i32 to index
      %swap3A_123 = arith.constant 80 : index
      %swap3A_124 = tpu.vector_load %arg8[%swap3A_121, %swap3A_122, %swap3A_123] {strides = array<i32>} : memref<3x120x128xf32, #tpu.memory_space<vmem>>, vector<1x1x16xf32>,
      %swap3A_125 = vector.shape_cast %swap3A_124 : vector<1x1x16xf32> to vector<16xf32>
      %swap3A_126 = vector.shape_cast %broadcast_in_dim3A_119 : vector<16xf32> to vector<1x1x16xf32>
      tpu.vector_store %arg8[%swap3A_121, %swap3A_122, %swap3A_123], %swap3A_126 {strides = array<i32>} : memref<3x120x128xf32, #tpu.memory_space<vmem>>, vector<1x1x16xf32>,
      %broadcast_in_dim3A_127 = arith.constant 0.000000e+00 : f32
      %broadcast_in_dim3A_128 = vector.broadcast %broadcast_in_dim3A_127 : f32 to vector<16xf32>
      %swap3A_129 = arith.constant 0 : i32
      %swap3A_130 = arith.index_cast %swap3A_129 : i32 to index
      %swap3A_131 = arith.index_cast %scan3A_74 : i32 to index
      %swap3A_132 = arith.constant 96 : index
      %swap3A_133 = tpu.vector_load %arg8[%swap3A_130, %swap3A_131, %swap3A_132] {strides = array<i32>} : memref<3x120x128xf32, #tpu.memory_space<vmem>>, vector<1x1x16xf32>,
      %swap3A_134 = vector.shape_cast %swap3A_133 : vector<1x1x16xf32> to vector<16xf32>
      %swap3A_135 = vector.shape_cast %broadcast_in_dim3A_128 : vector<16xf32> to vector<1x1x16xf32>
      tpu.vector_store %arg8[%swap3A_130, %swap3A_131, %swap3A_132], %swap3A_135 {strides = array<i32>} : memref<3x120x128xf32, #tpu.memory_space<vmem>>, vector<1x1x16xf32>,
      %broadcast_in_dim3A_136 = arith.constant 0.000000e+00 : f32
      %broadcast_in_dim3A_137 = vector.broadcast %broadcast_in_dim3A_136 : f32 to vector<16xf32>
      %swap3A_138 = arith.constant 0 : i32
      %swap3A_139 = arith.index_cast %swap3A_138 : i32 to index
      %swap3A_140 = arith.index_cast %scan3A_74 : i32 to index
      %swap3A_141 = arith.constant 112 : index
      %swap3A_142 = tpu.vector_load %arg8[%swap3A_139, %swap3A_140, %swap3A_141] {strides = array<i32>} : memref<3x120x128xf32, #tpu.memory_space<vmem>>, vector<1x1x16xf32>,
      %swap3A_143 = vector.shape_cast %swap3A_142 : vector<1x1x16xf32> to vector<16xf32>
      %swap3A_144 = vector.shape_cast %broadcast_in_dim3A_137 : vector<16xf32> to vector<1x1x16xf32>
      tpu.vector_store %arg8[%swap3A_139, %swap3A_140, %swap3A_141], %swap3A_144 {strides = array<i32>} : memref<3x120x128xf32, #tpu.memory_space<vmem>>, vector<1x1x16xf32>,
    }
    %scan3A_5 = arith.constant 120 : i32
    %mul3A_6 = arith.constant 632 : i32
    %mul3A_7 = arith.muli %arg1, %mul3A_6 : i32
    %add3A_8 = arith.constant 0 : i32
    %add3A_9 = arith.addi %mul3A_7, %add3A_8 : i32
    %run_scoped3A = arith.constant 0 : i32
    "tpu.region"() ({
      %run_scoped3A_74 = tpu.sem_alloc : memref<!tpu.dma_semaphore, #tpu.memory_space<semaphore_mem>>
      %dma_start3A_75 = arith.constant 0 : i32
      %dma_start3A_76 = arith.constant 0 : i32
      %dma_start3A_77 = tpu.memref_slice %arg8[%run_scoped3A, %dma_start3A_75, %dma_start3A_76] : memref<3x120x128xf32, #tpu.memory_space<vmem>> -> memref<1x120x128xf32, #tpu.memory_space<vmem>>
      %dma_start3A_78 = tpu.memref_squeeze %dma_start3A_77 : memref<1x120x128xf32, #tpu.memory_space<vmem>> -> memref<120x128xf32, #tpu.memory_space<vmem>>
      %dma_start3A_79 = arith.constant 0 : i32
      %dma_start3A_80 = tpu.memref_slice %arg9[%add3A_9, %dma_start3A_79] : memref<10112x128xf32, #tpu.memory_space<vmem_shared>> -> memref<120x128xf32, #tpu.memory_space<vmem_shared>>
      %dma_start3A_81 = arith.constant 0 : i32
      %dma_start3A_82 = tpu.memref_slice %arg9[%add3A_9, %dma_start3A_81] : memref<10112x128xf32, #tpu.memory_space<vmem_shared>> -> memref<120x128xf32, #tpu.memory_space<vmem_shared>>
      %dma_start3A_83 = arith.constant 0 : i32
      %dma_start3A_84 = arith.constant 0 : i32
      %dma_start3A_85 = tpu.memref_slice %arg8[%run_scoped3A, %dma_start3A_83, %dma_start3A_84] : memref<3x120x128xf32, #tpu.memory_space<vmem>> -> memref<1x120x128xf32, #tpu.memory_space<vmem>>
      %dma_start3A_86 = tpu.memref_squeeze %dma_start3A_85 : memref<1x120x128xf32, #tpu.memory_space<vmem>> -> memref<120x128xf32, #tpu.memory_space<vmem>>
      tpu.enqueue_dma source(%dma_start3A_86 : memref<120x128xf32, #tpu.memory_space<vmem>>) target(%dma_start3A_82 : memref<120x128xf32, #tpu.memory_space<vmem_shared>>) target_semaphore(%run_scoped3A_74 : memref<!tpu.dma_semaphore, #tpu.memory_space<semaphore_mem>>)
      %dma_wait3A = arith.constant 0 : i32
      %dma_wait3A_87 = arith.constant 0 : i32
      %dma_wait3A_88 = tpu.memref_slice %arg8[%run_scoped3A, %dma_wait3A, %dma_wait3A_87] : memref<3x120x128xf32, #tpu.memory_space<vmem>> -> memref<1x120x128xf32, #tpu.memory_space<vmem>>
      %dma_wait3A_89 = tpu.memref_squeeze %dma_wait3A_88 : memref<1x120x128xf32, #tpu.memory_space<vmem>> -> memref<120x128xf32, #tpu.memory_space<vmem>>
      %dma_wait3A_90 = arith.constant 0 : i32
      %dma_wait3A_91 = tpu.memref_slice %arg9[%add3A_9, %dma_wait3A_90] : memref<10112x128xf32, #tpu.memory_space<vmem_shared>> -> memref<120x128xf32, #tpu.memory_space<vmem_shared>>
      %dma_wait3A_92 = arith.constant 0 : i32
      %dma_wait3A_93 = tpu.memref_slice %arg9[%add3A_9, %dma_wait3A_92] : memref<10112x128xf32, #tpu.memory_space<vmem_shared>> -> memref<120x128xf32, #tpu.memory_space<vmem_shared>>
      %dma_wait3A_94 = arith.constant 0 : i32
      %dma_wait3A_95 = arith.constant 0 : i32
      %dma_wait3A_96 = tpu.memref_slice %arg8[%run_scoped3A, %dma_wait3A_94, %dma_wait3A_95] : memref<3x120x128xf32, #tpu.memory_space<vmem>> -> memref<1x120x128xf32, #tpu.memory_space<vmem>>
      %dma_wait3A_97 = tpu.memref_squeeze %dma_wait3A_96 : memref<1x120x128xf32, #tpu.memory_space<vmem>> -> memref<120x128xf32, #tpu.memory_space<vmem>>
      tpu.wait_dma2 semaphore(%run_scoped3A_74 : memref<!tpu.dma_semaphore, #tpu.memory_space<semaphore_mem>>) src(%dma_wait3A_97 : memref<120x128xf32, #tpu.memory_space<vmem>>) dst(%dma_wait3A_93 : memref<120x128xf32, #tpu.memory_space<vmem_shared>>)
      tpu.yield
    }) : () -> ()
    %add3A_10 = arith.constant 120 : i32
    %add3A_11 = arith.addi %mul3A_7, %add3A_10 : i32
    %run_scoped3A_12 = arith.constant 0 : i32
    "tpu.region"() ({
      %run_scoped3A_74 = tpu.sem_alloc : memref<!tpu.dma_semaphore, #tpu.memory_space<semaphore_mem>>
      %dma_start3A_75 = arith.constant 0 : i32
      %dma_start3A_76 = arith.constant 0 : i32
      %dma_start3A_77 = tpu.memref_slice %arg8[%run_scoped3A_12, %dma_start3A_75, %dma_start3A_76] : memref<3x120x128xf32, #tpu.memory_space<vmem>> -> memref<1x120x128xf32, #tpu.memory_space<vmem>>
      %dma_start3A_78 = tpu.memref_squeeze %dma_start3A_77 : memref<1x120x128xf32, #tpu.memory_space<vmem>> -> memref<120x128xf32, #tpu.memory_space<vmem>>
      %dma_start3A_79 = arith.constant 0 : i32
      %dma_start3A_80 = tpu.memref_slice %arg9[%add3A_11, %dma_start3A_79] : memref<10112x128xf32, #tpu.memory_space<vmem_shared>> -> memref<120x128xf32, #tpu.memory_space<vmem_shared>>
      %dma_start3A_81 = arith.constant 0 : i32
      %dma_start3A_82 = tpu.memref_slice %arg9[%add3A_11, %dma_start3A_81] : memref<10112x128xf32, #tpu.memory_space<vmem_shared>> -> memref<120x128xf32, #tpu.memory_space<vmem_shared>>
      %dma_start3A_83 = arith.constant 0 : i32
      %dma_start3A_84 = arith.constant 0 : i32
      %dma_start3A_85 = tpu.memref_slice %arg8[%run_scoped3A_12, %dma_start3A_83, %dma_start3A_84] : memref<3x120x128xf32, #tpu.memory_space<vmem>> -> memref<1x120x128xf32, #tpu.memory_space<vmem>>
      %dma_start3A_86 = tpu.memref_squeeze %dma_start3A_85 : memref<1x120x128xf32, #tpu.memory_space<vmem>> -> memref<120x128xf32, #tpu.memory_space<vmem>>
      tpu.enqueue_dma source(%dma_start3A_86 : memref<120x128xf32, #tpu.memory_space<vmem>>) target(%dma_start3A_82 : memref<120x128xf32, #tpu.memory_space<vmem_shared>>) target_semaphore(%run_scoped3A_74 : memref<!tpu.dma_semaphore, #tpu.memory_space<semaphore_mem>>)
      %dma_wait3A = arith.constant 0 : i32
      %dma_wait3A_87 = arith.constant 0 : i32
      %dma_wait3A_88 = tpu.memref_slice %arg8[%run_scoped3A_12, %dma_wait3A, %dma_wait3A_87] : memref<3x120x128xf32, #tpu.memory_space<vmem>> -> memref<1x120x128xf32, #tpu.memory_space<vmem>>
      %dma_wait3A_89 = tpu.memref_squeeze %dma_wait3A_88 : memref<1x120x128xf32, #tpu.memory_space<vmem>> -> memref<120x128xf32, #tpu.memory_space<vmem>>
      %dma_wait3A_90 = arith.constant 0 : i32
      %dma_wait3A_91 = tpu.memref_slice %arg9[%add3A_11, %dma_wait3A_90] : memref<10112x128xf32, #tpu.memory_space<vmem_shared>> -> memref<120x128xf32, #tpu.memory_space<vmem_shared>>
      %dma_wait3A_92 = arith.constant 0 : i32
      %dma_wait3A_93 = tpu.memref_slice %arg9[%add3A_11, %dma_wait3A_92] : memref<10112x128xf32, #tpu.memory_space<vmem_shared>> -> memref<120x128xf32, #tpu.memory_space<vmem_shared>>
      %dma_wait3A_94 = arith.constant 0 : i32
      %dma_wait3A_95 = arith.constant 0 : i32
      %dma_wait3A_96 = tpu.memref_slice %arg8[%run_scoped3A_12, %dma_wait3A_94, %dma_wait3A_95] : memref<3x120x128xf32, #tpu.memory_space<vmem>> -> memref<1x120x128xf32, #tpu.memory_space<vmem>>
      %dma_wait3A_97 = tpu.memref_squeeze %dma_wait3A_96 : memref<1x120x128xf32, #tpu.memory_space<vmem>> -> memref<120x128xf32, #tpu.memory_space<vmem>>
      tpu.wait_dma2 semaphore(%run_scoped3A_74 : memref<!tpu.dma_semaphore, #tpu.memory_space<semaphore_mem>>) src(%dma_wait3A_97 : memref<120x128xf32, #tpu.memory_space<vmem>>) dst(%dma_wait3A_93 : memref<120x128xf32, #tpu.memory_space<vmem_shared>>)
      tpu.yield
    }) : () -> ()
    %add3A_13 = arith.constant 240 : i32
    %add3A_14 = arith.addi %mul3A_7, %add3A_13 : i32
    %run_scoped3A_15 = arith.constant 0 : i32
    "tpu.region"() ({
      %run_scoped3A_74 = tpu.sem_alloc : memref<!tpu.dma_semaphore, #tpu.memory_space<semaphore_mem>>
      %dma_start3A_75 = arith.constant 0 : i32
      %dma_start3A_76 = arith.constant 0 : i32
      %dma_start3A_77 = tpu.memref_slice %arg8[%run_scoped3A_15, %dma_start3A_75, %dma_start3A_76] : memref<3x120x128xf32, #tpu.memory_space<vmem>> -> memref<1x120x128xf32, #tpu.memory_space<vmem>>
      %dma_start3A_78 = tpu.memref_squeeze %dma_start3A_77 : memref<1x120x128xf32, #tpu.memory_space<vmem>> -> memref<120x128xf32, #tpu.memory_space<vmem>>
      %dma_start3A_79 = arith.constant 0 : i32
      %dma_start3A_80 = tpu.memref_slice %arg9[%add3A_14, %dma_start3A_79] : memref<10112x128xf32, #tpu.memory_space<vmem_shared>> -> memref<120x128xf32, #tpu.memory_space<vmem_shared>>
      %dma_start3A_81 = arith.constant 0 : i32
      %dma_start3A_82 = tpu.memref_slice %arg9[%add3A_14, %dma_start3A_81] : memref<10112x128xf32, #tpu.memory_space<vmem_shared>> -> memref<120x128xf32, #tpu.memory_space<vmem_shared>>
      %dma_start3A_83 = arith.constant 0 : i32
      %dma_start3A_84 = arith.constant 0 : i32
      %dma_start3A_85 = tpu.memref_slice %arg8[%run_scoped3A_15, %dma_start3A_83, %dma_start3A_84] : memref<3x120x128xf32, #tpu.memory_space<vmem>> -> memref<1x120x128xf32, #tpu.memory_space<vmem>>
      %dma_start3A_86 = tpu.memref_squeeze %dma_start3A_85 : memref<1x120x128xf32, #tpu.memory_space<vmem>> -> memref<120x128xf32, #tpu.memory_space<vmem>>
      tpu.enqueue_dma source(%dma_start3A_86 : memref<120x128xf32, #tpu.memory_space<vmem>>) target(%dma_start3A_82 : memref<120x128xf32, #tpu.memory_space<vmem_shared>>) target_semaphore(%run_scoped3A_74 : memref<!tpu.dma_semaphore, #tpu.memory_space<semaphore_mem>>)
      %dma_wait3A = arith.constant 0 : i32
      %dma_wait3A_87 = arith.constant 0 : i32
      %dma_wait3A_88 = tpu.memref_slice %arg8[%run_scoped3A_15, %dma_wait3A, %dma_wait3A_87] : memref<3x120x128xf32, #tpu.memory_space<vmem>> -> memref<1x120x128xf32, #tpu.memory_space<vmem>>
      %dma_wait3A_89 = tpu.memref_squeeze %dma_wait3A_88 : memref<1x120x128xf32, #tpu.memory_space<vmem>> -> memref<120x128xf32, #tpu.memory_space<vmem>>
      %dma_wait3A_90 = arith.constant 0 : i32
      %dma_wait3A_91 = tpu.memref_slice %arg9[%add3A_14, %dma_wait3A_90] : memref<10112x128xf32, #tpu.memory_space<vmem_shared>> -> memref<120x128xf32, #tpu.memory_space<vmem_shared>>
      %dma_wait3A_92 = arith.constant 0 : i32
      %dma_wait3A_93 = tpu.memref_slice %arg9[%add3A_14, %dma_wait3A_92] : memref<10112x128xf32, #tpu.memory_space<vmem_shared>> -> memref<120x128xf32, #tpu.memory_space<vmem_shared>>
      %dma_wait3A_94 = arith.constant 0 : i32
      %dma_wait3A_95 = arith.constant 0 : i32
      %dma_wait3A_96 = tpu.memref_slice %arg8[%run_scoped3A_15, %dma_wait3A_94, %dma_wait3A_95] : memref<3x120x128xf32, #tpu.memory_space<vmem>> -> memref<1x120x128xf32, #tpu.memory_space<vmem>>
      %dma_wait3A_97 = tpu.memref_squeeze %dma_wait3A_96 : memref<1x120x128xf32, #tpu.memory_space<vmem>> -> memref<120x128xf32, #tpu.memory_space<vmem>>
      tpu.wait_dma2 semaphore(%run_scoped3A_74 : memref<!tpu.dma_semaphore, #tpu.memory_space<semaphore_mem>>) src(%dma_wait3A_97 : memref<120x128xf32, #tpu.memory_space<vmem>>) dst(%dma_wait3A_93 : memref<120x128xf32, #tpu.memory_space<vmem_shared>>)
      tpu.yield
    }) : () -> ()
    %add3A_16 = arith.constant 360 : i32
    %add3A_17 = arith.addi %mul3A_7, %add3A_16 : i32
    %run_scoped3A_18 = arith.constant 0 : i32
    "tpu.region"() ({
      %run_scoped3A_74 = tpu.sem_alloc : memref<!tpu.dma_semaphore, #tpu.memory_space<semaphore_mem>>
      %dma_start3A_75 = arith.constant 0 : i32
      %dma_start3A_76 = arith.constant 0 : i32
      %dma_start3A_77 = tpu.memref_slice %arg8[%run_scoped3A_18, %dma_start3A_75, %dma_start3A_76] : memref<3x120x128xf32, #tpu.memory_space<vmem>> -> memref<1x120x128xf32, #tpu.memory_space<vmem>>
      %dma_start3A_78 = tpu.memref_squeeze %dma_start3A_77 : memref<1x120x128xf32, #tpu.memory_space<vmem>> -> memref<120x128xf32, #tpu.memory_space<vmem>>
      %dma_start3A_79 = arith.constant 0 : i32
      %dma_start3A_80 = tpu.memref_slice %arg9[%add3A_17, %dma_start3A_79] : memref<10112x128xf32, #tpu.memory_space<vmem_shared>> -> memref<120x128xf32, #tpu.memory_space<vmem_shared>>
      %dma_start3A_81 = arith.constant 0 : i32
      %dma_start3A_82 = tpu.memref_slice %arg9[%add3A_17, %dma_start3A_81] : memref<10112x128xf32, #tpu.memory_space<vmem_shared>> -> memref<120x128xf32, #tpu.memory_space<vmem_shared>>
      %dma_start3A_83 = arith.constant 0 : i32
      %dma_start3A_84 = arith.constant 0 : i32
      %dma_start3A_85 = tpu.memref_slice %arg8[%run_scoped3A_18, %dma_start3A_83, %dma_start3A_84] : memref<3x120x128xf32, #tpu.memory_space<vmem>> -> memref<1x120x128xf32, #tpu.memory_space<vmem>>
      %dma_start3A_86 = tpu.memref_squeeze %dma_start3A_85 : memref<1x120x128xf32, #tpu.memory_space<vmem>> -> memref<120x128xf32, #tpu.memory_space<vmem>>
      tpu.enqueue_dma source(%dma_start3A_86 : memref<120x128xf32, #tpu.memory_space<vmem>>) target(%dma_start3A_82 : memref<120x128xf32, #tpu.memory_space<vmem_shared>>) target_semaphore(%run_scoped3A_74 : memref<!tpu.dma_semaphore, #tpu.memory_space<semaphore_mem>>)
      %dma_wait3A = arith.constant 0 : i32
      %dma_wait3A_87 = arith.constant 0 : i32
      %dma_wait3A_88 = tpu.memref_slice %arg8[%run_scoped3A_18, %dma_wait3A, %dma_wait3A_87] : memref<3x120x128xf32, #tpu.memory_space<vmem>> -> memref<1x120x128xf32, #tpu.memory_space<vmem>>
      %dma_wait3A_89 = tpu.memref_squeeze %dma_wait3A_88 : memref<1x120x128xf32, #tpu.memory_space<vmem>> -> memref<120x128xf32, #tpu.memory_space<vmem>>
      %dma_wait3A_90 = arith.constant 0 : i32
      %dma_wait3A_91 = tpu.memref_slice %arg9[%add3A_17, %dma_wait3A_90] : memref<10112x128xf32, #tpu.memory_space<vmem_shared>> -> memref<120x128xf32, #tpu.memory_space<vmem_shared>>
      %dma_wait3A_92 = arith.constant 0 : i32
      %dma_wait3A_93 = tpu.memref_slice %arg9[%add3A_17, %dma_wait3A_92] : memref<10112x128xf32, #tpu.memory_space<vmem_shared>> -> memref<120x128xf32, #tpu.memory_space<vmem_shared>>
      %dma_wait3A_94 = arith.constant 0 : i32
      %dma_wait3A_95 = arith.constant 0 : i32
      %dma_wait3A_96 = tpu.memref_slice %arg8[%run_scoped3A_18, %dma_wait3A_94, %dma_wait3A_95] : memref<3x120x128xf32, #tpu.memory_space<vmem>> -> memref<1x120x128xf32, #tpu.memory_space<vmem>>
      %dma_wait3A_97 = tpu.memref_squeeze %dma_wait3A_96 : memref<1x120x128xf32, #tpu.memory_space<vmem>> -> memref<120x128xf32, #tpu.memory_space<vmem>>
      tpu.wait_dma2 semaphore(%run_scoped3A_74 : memref<!tpu.dma_semaphore, #tpu.memory_space<semaphore_mem>>) src(%dma_wait3A_97 : memref<120x128xf32, #tpu.memory_space<vmem>>) dst(%dma_wait3A_93 : memref<120x128xf32, #tpu.memory_space<vmem_shared>>)
      tpu.yield
    }) : () -> ()
    %add3A_19 = arith.constant 480 : i32
    %add3A_20 = arith.addi %mul3A_7, %add3A_19 : i32
    %run_scoped3A_21 = arith.constant 0 : i32
    "tpu.region"() ({
      %run_scoped3A_74 = tpu.sem_alloc : memref<!tpu.dma_semaphore, #tpu.memory_space<semaphore_mem>>
      %dma_start3A_75 = arith.constant 0 : i32
      %dma_start3A_76 = arith.constant 0 : i32
      %dma_start3A_77 = tpu.memref_slice %arg8[%run_scoped3A_21, %dma_start3A_75, %dma_start3A_76] : memref<3x120x128xf32, #tpu.memory_space<vmem>> -> memref<1x120x128xf32, #tpu.memory_space<vmem>>
      %dma_start3A_78 = tpu.memref_squeeze %dma_start3A_77 : memref<1x120x128xf32, #tpu.memory_space<vmem>> -> memref<120x128xf32, #tpu.memory_space<vmem>>
      %dma_start3A_79 = arith.constant 0 : i32
      %dma_start3A_80 = tpu.memref_slice %arg9[%add3A_20, %dma_start3A_79] : memref<10112x128xf32, #tpu.memory_space<vmem_shared>> -> memref<120x128xf32, #tpu.memory_space<vmem_shared>>
      %dma_start3A_81 = arith.constant 0 : i32
      %dma_start3A_82 = tpu.memref_slice %arg9[%add3A_20, %dma_start3A_81] : memref<10112x128xf32, #tpu.memory_space<vmem_shared>> -> memref<120x128xf32, #tpu.memory_space<vmem_shared>>
      %dma_start3A_83 = arith.constant 0 : i32
      %dma_start3A_84 = arith.constant 0 : i32
      %dma_start3A_85 = tpu.memref_slice %arg8[%run_scoped3A_21, %dma_start3A_83, %dma_start3A_84] : memref<3x120x128xf32, #tpu.memory_space<vmem>> -> memref<1x120x128xf32, #tpu.memory_space<vmem>>
      %dma_start3A_86 = tpu.memref_squeeze %dma_start3A_85 : memref<1x120x128xf32, #tpu.memory_space<vmem>> -> memref<120x128xf32, #tpu.memory_space<vmem>>
      tpu.enqueue_dma source(%dma_start3A_86 : memref<120x128xf32, #tpu.memory_space<vmem>>) target(%dma_start3A_82 : memref<120x128xf32, #tpu.memory_space<vmem_shared>>) target_semaphore(%run_scoped3A_74 : memref<!tpu.dma_semaphore, #tpu.memory_space<semaphore_mem>>)
      %dma_wait3A = arith.constant 0 : i32
      %dma_wait3A_87 = arith.constant 0 : i32
      %dma_wait3A_88 = tpu.memref_slice %arg8[%run_scoped3A_21, %dma_wait3A, %dma_wait3A_87] : memref<3x120x128xf32, #tpu.memory_space<vmem>> -> memref<1x120x128xf32, #tpu.memory_space<vmem>>
      %dma_wait3A_89 = tpu.memref_squeeze %dma_wait3A_88 : memref<1x120x128xf32, #tpu.memory_space<vmem>> -> memref<120x128xf32, #tpu.memory_space<vmem>>
      %dma_wait3A_90 = arith.constant 0 : i32
      %dma_wait3A_91 = tpu.memref_slice %arg9[%add3A_20, %dma_wait3A_90] : memref<10112x128xf32, #tpu.memory_space<vmem_shared>> -> memref<120x128xf32, #tpu.memory_space<vmem_shared>>
      %dma_wait3A_92 = arith.constant 0 : i32
      %dma_wait3A_93 = tpu.memref_slice %arg9[%add3A_20, %dma_wait3A_92] : memref<10112x128xf32, #tpu.memory_space<vmem_shared>> -> memref<120x128xf32, #tpu.memory_space<vmem_shared>>
      %dma_wait3A_94 = arith.constant 0 : i32
      %dma_wait3A_95 = arith.constant 0 : i32
      %dma_wait3A_96 = tpu.memref_slice %arg8[%run_scoped3A_21, %dma_wait3A_94, %dma_wait3A_95] : memref<3x120x128xf32, #tpu.memory_space<vmem>> -> memref<1x120x128xf32, #tpu.memory_space<vmem>>
      %dma_wait3A_97 = tpu.memref_squeeze %dma_wait3A_96 : memref<1x120x128xf32, #tpu.memory_space<vmem>> -> memref<120x128xf32, #tpu.memory_space<vmem>>
      tpu.wait_dma2 semaphore(%run_scoped3A_74 : memref<!tpu.dma_semaphore, #tpu.memory_space<semaphore_mem>>) src(%dma_wait3A_97 : memref<120x128xf32, #tpu.memory_space<vmem>>) dst(%dma_wait3A_93 : memref<120x128xf32, #tpu.memory_space<vmem_shared>>)
      tpu.yield
    }) : () -> ()
    %add3A_22 = arith.constant 600 : i32
    %add3A_23 = arith.addi %mul3A_7, %add3A_22 : i32
    %run_scoped3A_24 = arith.constant 0 : i32
    "tpu.region"() ({
      %run_scoped3A_74 = tpu.sem_alloc : memref<!tpu.dma_semaphore, #tpu.memory_space<semaphore_mem>>
      %dma_start3A_75 = arith.constant 0 : i32
      %dma_start3A_76 = arith.constant 0 : i32
      %dma_start3A_77 = tpu.memref_slice %arg8[%run_scoped3A_24, %dma_start3A_75, %dma_start3A_76] : memref<3x120x128xf32, #tpu.memory_space<vmem>> -> memref<1x32x128xf32, #tpu.memory_space<vmem>>
      %dma_start3A_78 = tpu.memref_squeeze %dma_start3A_77 : memref<1x32x128xf32, #tpu.memory_space<vmem>> -> memref<32x128xf32, #tpu.memory_space<vmem>>
      %dma_start3A_79 = arith.constant 0 : i32
      %dma_start3A_80 = tpu.memref_slice %arg9[%add3A_23, %dma_start3A_79] : memref<10112x128xf32, #tpu.memory_space<vmem_shared>> -> memref<32x128xf32, #tpu.memory_space<vmem_shared>>
      %dma_start3A_81 = arith.constant 0 : i32
      %dma_start3A_82 = tpu.memref_slice %arg9[%add3A_23, %dma_start3A_81] : memref<10112x128xf32, #tpu.memory_space<vmem_shared>> -> memref<32x128xf32, #tpu.memory_space<vmem_shared>>
      %dma_start3A_83 = arith.constant 0 : i32
      %dma_start3A_84 = arith.constant 0 : i32
      %dma_start3A_85 = tpu.memref_slice %arg8[%run_scoped3A_24, %dma_start3A_83, %dma_start3A_84] : memref<3x120x128xf32, #tpu.memory_space<vmem>> -> memref<1x32x128xf32, #tpu.memory_space<vmem>>
      %dma_start3A_86 = tpu.memref_squeeze %dma_start3A_85 : memref<1x32x128xf32, #tpu.memory_space<vmem>> -> memref<32x128xf32, #tpu.memory_space<vmem>>
      tpu.enqueue_dma source(%dma_start3A_86 : memref<32x128xf32, #tpu.memory_space<vmem>>) target(%dma_start3A_82 : memref<32x128xf32, #tpu.memory_space<vmem_shared>>) target_semaphore(%run_scoped3A_74 : memref<!tpu.dma_semaphore, #tpu.memory_space<semaphore_mem>>)
      %dma_wait3A = arith.constant 0 : i32
      %dma_wait3A_87 = arith.constant 0 : i32
      %dma_wait3A_88 = tpu.memref_slice %arg8[%run_scoped3A_24, %dma_wait3A, %dma_wait3A_87] : memref<3x120x128xf32, #tpu.memory_space<vmem>> -> memref<1x32x128xf32, #tpu.memory_space<vmem>>
      %dma_wait3A_89 = tpu.memref_squeeze %dma_wait3A_88 : memref<1x32x128xf32, #tpu.memory_space<vmem>> -> memref<32x128xf32, #tpu.memory_space<vmem>>
      %dma_wait3A_90 = arith.constant 0 : i32
      %dma_wait3A_91 = tpu.memref_slice %arg9[%add3A_23, %dma_wait3A_90] : memref<10112x128xf32, #tpu.memory_space<vmem_shared>> -> memref<32x128xf32, #tpu.memory_space<vmem_shared>>
      %dma_wait3A_92 = arith.constant 0 : i32
      %dma_wait3A_93 = tpu.memref_slice %arg9[%add3A_23, %dma_wait3A_92] : memref<10112x128xf32, #tpu.memory_space<vmem_shared>> -> memref<32x128xf32, #tpu.memory_space<vmem_shared>>
      %dma_wait3A_94 = arith.constant 0 : i32
      %dma_wait3A_95 = arith.constant 0 : i32
      %dma_wait3A_96 = tpu.memref_slice %arg8[%run_scoped3A_24, %dma_wait3A_94, %dma_wait3A_95] : memref<3x120x128xf32, #tpu.memory_space<vmem>> -> memref<1x32x128xf32, #tpu.memory_space<vmem>>
      %dma_wait3A_97 = tpu.memref_squeeze %dma_wait3A_96 : memref<1x32x128xf32, #tpu.memory_space<vmem>> -> memref<32x128xf32, #tpu.memory_space<vmem>>
      tpu.wait_dma2 semaphore(%run_scoped3A_74 : memref<!tpu.dma_semaphore, #tpu.memory_space<semaphore_mem>>) src(%dma_wait3A_97 : memref<32x128xf32, #tpu.memory_space<vmem>>) dst(%dma_wait3A_93 : memref<32x128xf32, #tpu.memory_space<vmem_shared>>)
      tpu.yield
    }) : () -> ()
    %barrier3A = arith.constant 0 : index
    tpu.barrier barrier_id(%barrier3A)
    %run_scoped3A_25 = arith.constant 0 : i32
    %run_scoped3A_26 = arith.constant 0 : i32
    "tpu.region"() ({
      %run_scoped3A_74 = tpu.sem_alloc : memref<!tpu.dma_semaphore, #tpu.memory_space<semaphore_mem>>
      %dma_start3A_75 = arith.constant 0 : i32
      %dma_start3A_76 = arith.constant 0 : i32
      %dma_start3A_77 = tpu.memref_slice %arg6[%run_scoped3A_26, %dma_start3A_75, %dma_start3A_76] : memref<2x3x120xi32, #tpu.memory_space<vmem>> -> memref<1x3x120xi32, #tpu.memory_space<vmem>>
      %dma_start3A_78 = tpu.memref_squeeze %dma_start3A_77 : memref<1x3x120xi32, #tpu.memory_space<vmem>> -> memref<3x120xi32, #tpu.memory_space<vmem>>
      %dma_start3A_79 = arith.constant 0 : i32
      %dma_start3A_80 = arith.constant 0 : i32
      %dma_start3A_81 = tpu.memref_slice %arg3[%add3A, %run_scoped3A_25, %dma_start3A_79, %dma_start3A_80] : memref<32x28x3x120xi32, #tpu.memory_space<hbm>> -> memref<1x1x3x120xi32, #tpu.memory_space<hbm>>
      %dma_start3A_82 = tpu.memref_squeeze %dma_start3A_81 : memref<1x1x3x120xi32, #tpu.memory_space<hbm>> -> memref<3x120xi32, #tpu.memory_space<hbm>>
      %dma_start3A_83 = arith.constant 0 : i32
      %dma_start3A_84 = arith.constant 0 : i32
      %dma_start3A_85 = tpu.memref_slice %arg6[%run_scoped3A_26, %dma_start3A_83, %dma_start3A_84] : memref<2x3x120xi32, #tpu.memory_space<vmem>> -> memref<1x3x120xi32, #tpu.memory_space<vmem>>
      %dma_start3A_86 = tpu.memref_squeeze %dma_start3A_85 : memref<1x3x120xi32, #tpu.memory_space<vmem>> -> memref<3x120xi32, #tpu.memory_space<vmem>>
      %dma_start3A_87 = arith.constant 0 : i32
      %dma_start3A_88 = arith.constant 0 : i32
      %dma_start3A_89 = tpu.memref_slice %arg3[%add3A, %run_scoped3A_25, %dma_start3A_87, %dma_start3A_88] : memref<32x28x3x120xi32, #tpu.memory_space<hbm>> -> memref<1x1x3x120xi32, #tpu.memory_space<hbm>>
      %dma_start3A_90 = tpu.memref_squeeze %dma_start3A_89 : memref<1x1x3x120xi32, #tpu.memory_space<hbm>> -> memref<3x120xi32, #tpu.memory_space<hbm>>
      tpu.enqueue_dma source(%dma_start3A_90 : memref<3x120xi32, #tpu.memory_space<hbm>>) target(%dma_start3A_86 : memref<3x120xi32, #tpu.memory_space<vmem>>) target_semaphore(%run_scoped3A_74 : memref<!tpu.dma_semaphore, #tpu.memory_space<semaphore_mem>>)
      %dma_wait3A = arith.constant 0 : i32
      %dma_wait3A_91 = arith.constant 0 : i32
      %dma_wait3A_92 = tpu.memref_slice %arg6[%run_scoped3A_26, %dma_wait3A, %dma_wait3A_91] : memref<2x3x120xi32, #tpu.memory_space<vmem>> -> memref<1x3x120xi32, #tpu.memory_space<vmem>>
      %dma_wait3A_93 = tpu.memref_squeeze %dma_wait3A_92 : memref<1x3x120xi32, #tpu.memory_space<vmem>> -> memref<3x120xi32, #tpu.memory_space<vmem>>
      %dma_wait3A_94 = arith.constant 0 : i32
      %dma_wait3A_95 = arith.constant 0 : i32
      %dma_wait3A_96 = tpu.memref_slice %arg3[%add3A, %run_scoped3A_25, %dma_wait3A_94, %dma_wait3A_95] : memref<32x28x3x120xi32, #tpu.memory_space<hbm>> -> memref<1x1x3x120xi32, #tpu.memory_space<hbm>>
      %dma_wait3A_97 = tpu.memref_squeeze %dma_wait3A_96 : memref<1x1x3x120xi32, #tpu.memory_space<hbm>> -> memref<3x120xi32, #tpu.memory_space<hbm>>
      %dma_wait3A_98 = arith.constant 0 : i32
      %dma_wait3A_99 = arith.constant 0 : i32
      %dma_wait3A_100 = tpu.memref_slice %arg6[%run_scoped3A_26, %dma_wait3A_98, %dma_wait3A_99] : memref<2x3x120xi32, #tpu.memory_space<vmem>> -> memref<1x3x120xi32, #tpu.memory_space<vmem>>
      %dma_wait3A_101 = tpu.memref_squeeze %dma_wait3A_100 : memref<1x3x120xi32, #tpu.memory_space<vmem>> -> memref<3x120xi32, #tpu.memory_space<vmem>>
      %dma_wait3A_102 = arith.constant 0 : i32
      %dma_wait3A_103 = arith.constant 0 : i32
      %dma_wait3A_104 = tpu.memref_slice %arg3[%add3A, %run_scoped3A_25, %dma_wait3A_102, %dma_wait3A_103] : memref<32x28x3x120xi32, #tpu.memory_space<hbm>> -> memref<1x1x3x120xi32, #tpu.memory_space<hbm>>
      %dma_wait3A_105 = tpu.memref_squeeze %dma_wait3A_104 : memref<1x1x3x120xi32, #tpu.memory_space<hbm>> -> memref<3x120xi32, #tpu.memory_space<hbm>>
      tpu.wait_dma2 semaphore(%run_scoped3A_74 : memref<!tpu.dma_semaphore, #tpu.memory_space<semaphore_mem>>) src(%dma_wait3A_105 : memref<3x120xi32, #tpu.memory_space<hbm>>) dst(%dma_wait3A_101 : memref<3x120xi32, #tpu.memory_space<vmem>>)
      tpu.yield
    }) : () -> ()
    %run_scoped3A_27 = arith.constant 0 : i32
    %run_scoped3A_28 = arith.constant 0 : i32
    "tpu.region"() ({
      %run_scoped3A_74 = tpu.sem_alloc : memref<!tpu.dma_semaphore, #tpu.memory_space<semaphore_mem>>
      %dma_start3A_75 = arith.constant 0 : i32
      %dma_start3A_76 = arith.constant 0 : i32
      %dma_start3A_77 = tpu.memref_slice %arg7[%run_scoped3A_28, %dma_start3A_75, %dma_start3A_76] : memref<2x3x120xi32, #tpu.memory_space<vmem>> -> memref<1x3x120xi32, #tpu.memory_space<vmem>>
      %dma_start3A_78 = tpu.memref_squeeze %dma_start3A_77 : memref<1x3x120xi32, #tpu.memory_space<vmem>> -> memref<3x120xi32, #tpu.memory_space<vmem>>
      %dma_start3A_79 = arith.constant 0 : i32
      %dma_start3A_80 = arith.constant 0 : i32
      %dma_start3A_81 = tpu.memref_slice %arg4[%add3A, %run_scoped3A_27, %dma_start3A_79, %dma_start3A_80] : memref<32x28x3x120xi32, #tpu.memory_space<hbm>> -> memref<1x1x3x120xi32, #tpu.memory_space<hbm>>
      %dma_start3A_82 = tpu.memref_squeeze %dma_start3A_81 : memref<1x1x3x120xi32, #tpu.memory_space<hbm>> -> memref<3x120xi32, #tpu.memory_space<hbm>>
      %dma_start3A_83 = arith.constant 0 : i32
      %dma_start3A_84 = arith.constant 0 : i32
      %dma_start3A_85 = tpu.memref_slice %arg7[%run_scoped3A_28, %dma_start3A_83, %dma_start3A_84] : memref<2x3x120xi32, #tpu.memory_space<vmem>> -> memref<1x3x120xi32, #tpu.memory_space<vmem>>
      %dma_start3A_86 = tpu.memref_squeeze %dma_start3A_85 : memref<1x3x120xi32, #tpu.memory_space<vmem>> -> memref<3x120xi32, #tpu.memory_space<vmem>>
      %dma_start3A_87 = arith.constant 0 : i32
      %dma_start3A_88 = arith.constant 0 : i32
      %dma_start3A_89 = tpu.memref_slice %arg4[%add3A, %run_scoped3A_27, %dma_start3A_87, %dma_start3A_88] : memref<32x28x3x120xi32, #tpu.memory_space<hbm>> -> memref<1x1x3x120xi32, #tpu.memory_space<hbm>>
      %dma_start3A_90 = tpu.memref_squeeze %dma_start3A_89 : memref<1x1x3x120xi32, #tpu.memory_space<hbm>> -> memref<3x120xi32, #tpu.memory_space<hbm>>
      tpu.enqueue_dma source(%dma_start3A_90 : memref<3x120xi32, #tpu.memory_space<hbm>>) target(%dma_start3A_86 : memref<3x120xi32, #tpu.memory_space<vmem>>) target_semaphore(%run_scoped3A_74 : memref<!tpu.dma_semaphore, #tpu.memory_space<semaphore_mem>>)
      %dma_wait3A = arith.constant 0 : i32
      %dma_wait3A_91 = arith.constant 0 : i32
      %dma_wait3A_92 = tpu.memref_slice %arg7[%run_scoped3A_28, %dma_wait3A, %dma_wait3A_91] : memref<2x3x120xi32, #tpu.memory_space<vmem>> -> memref<1x3x120xi32, #tpu.memory_space<vmem>>
      %dma_wait3A_93 = tpu.memref_squeeze %dma_wait3A_92 : memref<1x3x120xi32, #tpu.memory_space<vmem>> -> memref<3x120xi32, #tpu.memory_space<vmem>>
      %dma_wait3A_94 = arith.constant 0 : i32
      %dma_wait3A_95 = arith.constant 0 : i32
      %dma_wait3A_96 = tpu.memref_slice %arg4[%add3A, %run_scoped3A_27, %dma_wait3A_94, %dma_wait3A_95] : memref<32x28x3x120xi32, #tpu.memory_space<hbm>> -> memref<1x1x3x120xi32, #tpu.memory_space<hbm>>
      %dma_wait3A_97 = tpu.memref_squeeze %dma_wait3A_96 : memref<1x1x3x120xi32, #tpu.memory_space<hbm>> -> memref<3x120xi32, #tpu.memory_space<hbm>>
      %dma_wait3A_98 = arith.constant 0 : i32
      %dma_wait3A_99 = arith.constant 0 : i32
      %dma_wait3A_100 = tpu.memref_slice %arg7[%run_scoped3A_28, %dma_wait3A_98, %dma_wait3A_99] : memref<2x3x120xi32, #tpu.memory_space<vmem>> -> memref<1x3x120xi32, #tpu.memory_space<vmem>>
      %dma_wait3A_101 = tpu.memref_squeeze %dma_wait3A_100 : memref<1x3x120xi32, #tpu.memory_space<vmem>> -> memref<3x120xi32, #tpu.memory_space<vmem>>
      %dma_wait3A_102 = arith.constant 0 : i32
      %dma_wait3A_103 = arith.constant 0 : i32
      %dma_wait3A_104 = tpu.memref_slice %arg4[%add3A, %run_scoped3A_27, %dma_wait3A_102, %dma_wait3A_103] : memref<32x28x3x120xi32, #tpu.memory_space<hbm>> -> memref<1x1x3x120xi32, #tpu.memory_space<hbm>>
      %dma_wait3A_105 = tpu.memref_squeeze %dma_wait3A_104 : memref<1x1x3x120xi32, #tpu.memory_space<hbm>> -> memref<3x120xi32, #tpu.memory_space<hbm>>
      tpu.wait_dma2 semaphore(%run_scoped3A_74 : memref<!tpu.dma_semaphore, #tpu.memory_space<semaphore_mem>>) src(%dma_wait3A_105 : memref<3x120xi32, #tpu.memory_space<hbm>>) dst(%dma_wait3A_101 : memref<3x120xi32, #tpu.memory_space<vmem>>)
      tpu.yield
    }) : () -> ()
    %dma_start3A = arith.constant 0 : i32
    %dma_start3A_29 = arith.constant 0 : i32
    %dma_start3A_30 = arith.constant 0 : i32
    %dma_start3A_31 = arith.constant 0 : i32
    %dma_start3A_32 = arith.constant 0 : i32
    %dma_start3A_33 = tpu.memref_slice %arg8[%dma_start3A_30, %dma_start3A_31, %dma_start3A_32] : memref<3x120x128xf32, #tpu.memory_space<vmem>> -> memref<1x120x128xf32, #tpu.memory_space<vmem>>
    %dma_start3A_34 = tpu.memref_squeeze %dma_start3A_33 : memref<1x120x128xf32, #tpu.memory_space<vmem>> -> memref<120x128xf32, #tpu.memory_space<vmem>>
    %dma_start3A_35 = arith.constant 0 : i32
    %dma_start3A_36 = tpu.memref_slice %arg6[%dma_start3A, %dma_start3A_29, %dma_start3A_35] : memref<2x3x120xi32, #tpu.memory_space<vmem>> -> memref<1x1x120xi32, #tpu.memory_space<vmem>>
    %dma_start3A_37 = tpu.memref_squeeze %dma_start3A_36 : memref<1x1x120xi32, #tpu.memory_space<vmem>> -> memref<120xi32, #tpu.memory_space<vmem>>
    %dma_start3A_38 = arith.constant 0 : i32
    %dma_start3A_39 = arith.constant 0 : i32
    %dma_start3A_40 = tpu.memref_slice %arg2[%dma_start3A_38, %dma_start3A_39] : memref<10240x128xf32, #tpu.memory_space<hbm>> -> memref<10240x128xf32, #tpu.memory_space<hbm>>
    tpu.enqueue_indirect_dma source(%dma_start3A_40 : memref<10240x128xf32, #tpu.memory_space<hbm>>) target(%dma_start3A_34 : memref<120x128xf32, #tpu.memory_space<vmem>>) offsets(%dma_start3A_37 : memref<120xi32, #tpu.memory_space<vmem>>) semaphore(%arg10 : memref<!tpu.dma_semaphore, #tpu.memory_space<semaphore_mem>>)
    %dma_start3A_41 = arith.constant 0 : i32
    %dma_start3A_42 = arith.constant 1 : i32
    %dma_start3A_43 = arith.constant 1 : i32
    %dma_start3A_44 = arith.constant 0 : i32
    %dma_start3A_45 = arith.constant 0 : i32
    %dma_start3A_46 = tpu.memref_slice %arg8[%dma_start3A_43, %dma_start3A_44, %dma_start3A_45] : memref<3x120x128xf32, #tpu.memory_space<vmem>> -> memref<1x120x128xf32, #tpu.memory_space<vmem>>
    %dma_start3A_47 = tpu.memref_squeeze %dma_start3A_46 : memref<1x120x128xf32, #tpu.memory_space<vmem>> -> memref<120x128xf32, #tpu.memory_space<vmem>>
    %dma_start3A_48 = arith.constant 0 : i32
    %dma_start3A_49 = tpu.memref_slice %arg6[%dma_start3A_41, %dma_start3A_42, %dma_start3A_48] : memref<2x3x120xi32, #tpu.memory_space<vmem>> -> memref<1x1x120xi32, #tpu.memory_space<vmem>>
    %dma_start3A_50 = tpu.memref_squeeze %dma_start3A_49 : memref<1x1x120xi32, #tpu.memory_space<vmem>> -> memref<120xi32, #tpu.memory_space<vmem>>
    %dma_start3A_51 = arith.constant 0 : i32
    %dma_start3A_52 = arith.constant 0 : i32
    %dma_start3A_53 = tpu.memref_slice %arg2[%dma_start3A_51, %dma_start3A_52] : memref<10240x128xf32, #tpu.memory_space<hbm>> -> memref<10240x128xf32, #tpu.memory_space<hbm>>
    tpu.enqueue_indirect_dma source(%dma_start3A_53 : memref<10240x128xf32, #tpu.memory_space<hbm>>) target(%dma_start3A_47 : memref<120x128xf32, #tpu.memory_space<vmem>>) offsets(%dma_start3A_50 : memref<120xi32, #tpu.memory_space<vmem>>) semaphore(%arg11 : memref<!tpu.dma_semaphore, #tpu.memory_space<semaphore_mem>>)
    %dma_start3A_54 = arith.constant 0 : i32
    %dma_start3A_55 = arith.constant 2 : i32
    %dma_start3A_56 = arith.constant 2 : i32
    %dma_start3A_57 = arith.constant 0 : i32
    %dma_start3A_58 = arith.constant 0 : i32
    %dma_start3A_59 = tpu.memref_slice %arg8[%dma_start3A_56, %dma_start3A_57, %dma_start3A_58] : memref<3x120x128xf32, #tpu.memory_space<vmem>> -> memref<1x120x128xf32, #tpu.memory_space<vmem>>
    %dma_start3A_60 = tpu.memref_squeeze %dma_start3A_59 : memref<1x120x128xf32, #tpu.memory_space<vmem>> -> memref<120x128xf32, #tpu.memory_space<vmem>>
    %dma_start3A_61 = arith.constant 0 : i32
    %dma_start3A_62 = tpu.memref_slice %arg6[%dma_start3A_54, %dma_start3A_55, %dma_start3A_61] : memref<2x3x120xi32, #tpu.memory_space<vmem>> -> memref<1x1x120xi32, #tpu.memory_space<vmem>>
    %dma_start3A_63 = tpu.memref_squeeze %dma_start3A_62 : memref<1x1x120xi32, #tpu.memory_space<vmem>> -> memref<120xi32, #tpu.memory_space<vmem>>
    %dma_start3A_64 = arith.constant 0 : i32
    %dma_start3A_65 = arith.constant 0 : i32
    %dma_start3A_66 = tpu.memref_slice %arg2[%dma_start3A_64, %dma_start3A_65] : memref<10240x128xf32, #tpu.memory_space<hbm>> -> memref<10240x128xf32, #tpu.memory_space<hbm>>
    tpu.enqueue_indirect_dma source(%dma_start3A_66 : memref<10240x128xf32, #tpu.memory_space<hbm>>) target(%dma_start3A_60 : memref<120x128xf32, #tpu.memory_space<vmem>>) offsets(%dma_start3A_63 : memref<120xi32, #tpu.memory_space<vmem>>) semaphore(%arg12 : memref<!tpu.dma_semaphore, #tpu.memory_space<semaphore_mem>>)
    %scan3A_67 = arith.constant 0 : i32
    %scan3A_68 = arith.constant 0 : i32
    %scan3A_69 = arith.constant 28 : i32
    %scan3A_70 = arith.addi %scan3A_68, %scan3A_69 : i32
    %scan3A_71 = arith.constant 1 : i32
    scf.for %scan3A_74 = %scan3A_68 to %scan3A_70 step %scan3A_71  : i32 {
      %rem3A = arith.constant 2 : i32
      %rem3A_75 = arith.remsi %scan3A_74, %rem3A : i32
      %lt3A = arith.constant 27 : i32
      %lt3A_76 = arith.cmpi slt, %scan3A_74, %lt3A : i32
      %convert_element_type3A = arith.extui %lt3A_76 : i1 to i32
      %cond3A = arith.constant 0 : i32
      %cond3A_77 = arith.cmpi ne, %convert_element_type3A, %cond3A : i32
      scf.if %cond3A_77 {
        %add3A_205 = arith.constant 1 : i32
        %add3A_206 = arith.addi %scan3A_74, %add3A_205 : i32
        %sub3A = arith.constant 1 : i32
        %sub3A_207 = arith.subi %sub3A, %rem3A_75 : i32
        %dma_start3A_208 = arith.constant 0 : i32
        %dma_start3A_209 = arith.constant 0 : i32
        %dma_start3A_210 = tpu.memref_slice %arg6[%sub3A_207, %dma_start3A_208, %dma_start3A_209] : memref<2x3x120xi32, #tpu.memory_space<vmem>> -> memref<1x3x120xi32, #tpu.memory_space<vmem>>
        %dma_start3A_211 = tpu.memref_squeeze %dma_start3A_210 : memref<1x3x120xi32, #tpu.memory_space<vmem>> -> memref<3x120xi32, #tpu.memory_space<vmem>>
        %dma_start3A_212 = arith.constant 0 : i32
        %dma_start3A_213 = arith.constant 0 : i32
        %dma_start3A_214 = tpu.memref_slice %arg3[%add3A, %add3A_206, %dma_start3A_212, %dma_start3A_213] : memref<32x28x3x120xi32, #tpu.memory_space<hbm>> -> memref<1x1x3x120xi32, #tpu.memory_space<hbm>>
        %dma_start3A_215 = tpu.memref_squeeze %dma_start3A_214 : memref<1x1x3x120xi32, #tpu.memory_space<hbm>> -> memref<3x120xi32, #tpu.memory_space<hbm>>
        %dma_start3A_216 = arith.constant 0 : i32
        %dma_start3A_217 = arith.constant 0 : i32
        %dma_start3A_218 = tpu.memref_slice %arg6[%sub3A_207, %dma_start3A_216, %dma_start3A_217] : memref<2x3x120xi32, #tpu.memory_space<vmem>> -> memref<1x3x120xi32, #tpu.memory_space<vmem>>
        %dma_start3A_219 = tpu.memref_squeeze %dma_start3A_218 : memref<1x3x120xi32, #tpu.memory_space<vmem>> -> memref<3x120xi32, #tpu.memory_space<vmem>>
        %dma_start3A_220 = arith.constant 0 : i32
        %dma_start3A_221 = arith.constant 0 : i32
        %dma_start3A_222 = tpu.memref_slice %arg3[%add3A, %add3A_206, %dma_start3A_220, %dma_start3A_221] : memref<32x28x3x120xi32, #tpu.memory_space<hbm>> -> memref<1x1x3x120xi32, #tpu.memory_space<hbm>>
        %dma_start3A_223 = tpu.memref_squeeze %dma_start3A_222 : memref<1x1x3x120xi32, #tpu.memory_space<hbm>> -> memref<3x120xi32, #tpu.memory_space<hbm>>
        tpu.enqueue_dma source(%dma_start3A_223 : memref<3x120xi32, #tpu.memory_space<hbm>>) target(%dma_start3A_219 : memref<3x120xi32, #tpu.memory_space<vmem>>) target_semaphore(%arg16 : memref<!tpu.dma_semaphore, #tpu.memory_space<semaphore_mem>>)
        %add3A_224 = arith.constant 1 : i32
        %add3A_225 = arith.addi %scan3A_74, %add3A_224 : i32
        %sub3A_226 = arith.constant 1 : i32
        %sub3A_227 = arith.subi %sub3A_226, %rem3A_75 : i32
        %dma_start3A_228 = arith.constant 0 : i32
        %dma_start3A_229 = arith.constant 0 : i32
        %dma_start3A_230 = tpu.memref_slice %arg7[%sub3A_227, %dma_start3A_228, %dma_start3A_229] : memref<2x3x120xi32, #tpu.memory_space<vmem>> -> memref<1x3x120xi32, #tpu.memory_space<vmem>>
        %dma_start3A_231 = tpu.memref_squeeze %dma_start3A_230 : memref<1x3x120xi32, #tpu.memory_space<vmem>> -> memref<3x120xi32, #tpu.memory_space<vmem>>
        %dma_start3A_232 = arith.constant 0 : i32
        %dma_start3A_233 = arith.constant 0 : i32
        %dma_start3A_234 = tpu.memref_slice %arg4[%add3A, %add3A_225, %dma_start3A_232, %dma_start3A_233] : memref<32x28x3x120xi32, #tpu.memory_space<hbm>> -> memref<1x1x3x120xi32, #tpu.memory_space<hbm>>
        %dma_start3A_235 = tpu.memref_squeeze %dma_start3A_234 : memref<1x1x3x120xi32, #tpu.memory_space<hbm>> -> memref<3x120xi32, #tpu.memory_space<hbm>>
        %dma_start3A_236 = arith.constant 0 : i32
        %dma_start3A_237 = arith.constant 0 : i32
        %dma_start3A_238 = tpu.memref_slice %arg7[%sub3A_227, %dma_start3A_236, %dma_start3A_237] : memref<2x3x120xi32, #tpu.memory_space<vmem>> -> memref<1x3x120xi32, #tpu.memory_space<vmem>>
        %dma_start3A_239 = tpu.memref_squeeze %dma_start3A_238 : memref<1x3x120xi32, #tpu.memory_space<vmem>> -> memref<3x120xi32, #tpu.memory_space<vmem>>
        %dma_start3A_240 = arith.constant 0 : i32
        %dma_start3A_241 = arith.constant 0 : i32
        %dma_start3A_242 = tpu.memref_slice %arg4[%add3A, %add3A_225, %dma_start3A_240, %dma_start3A_241] : memref<32x28x3x120xi32, #tpu.memory_space<hbm>> -> memref<1x1x3x120xi32, #tpu.memory_space<hbm>>
        %dma_start3A_243 = tpu.memref_squeeze %dma_start3A_242 : memref<1x1x3x120xi32, #tpu.memory_space<hbm>> -> memref<3x120xi32, #tpu.memory_space<hbm>>
        tpu.enqueue_dma source(%dma_start3A_243 : memref<3x120xi32, #tpu.memory_space<hbm>>) target(%dma_start3A_239 : memref<3x120xi32, #tpu.memory_space<vmem>>) target_semaphore(%arg16 : memref<!tpu.dma_semaphore, #tpu.memory_space<semaphore_mem>>)
      } else {
      }
      %dma_wait3A = arith.constant 0 : i32
      %dma_wait3A_78 = arith.constant 0 : i32
      %dma_wait3A_79 = arith.constant 0 : i32
      %dma_wait3A_80 = arith.constant 0 : i32
      %dma_wait3A_81 = tpu.memref_slice %arg8[%dma_wait3A_78, %dma_wait3A_79, %dma_wait3A_80] : memref<3x120x128xf32, #tpu.memory_space<vmem>> -> memref<1x120x128xf32, #tpu.memory_space<vmem>>
      %dma_wait3A_82 = tpu.memref_squeeze %dma_wait3A_81 : memref<1x120x128xf32, #tpu.memory_space<vmem>> -> memref<120x128xf32, #tpu.memory_space<vmem>>
      %dma_wait3A_83 = arith.constant 0 : i32
      %dma_wait3A_84 = tpu.memref_slice %arg6[%rem3A_75, %dma_wait3A, %dma_wait3A_83] : memref<2x3x120xi32, #tpu.memory_space<vmem>> -> memref<1x1x120xi32, #tpu.memory_space<vmem>>
      %dma_wait3A_85 = tpu.memref_squeeze %dma_wait3A_84 : memref<1x1x120xi32, #tpu.memory_space<vmem>> -> memref<120xi32, #tpu.memory_space<vmem>>
      %dma_wait3A_86 = arith.constant 0 : i32
      %dma_wait3A_87 = arith.constant 0 : i32
      %dma_wait3A_88 = tpu.memref_slice %arg2[%dma_wait3A_86, %dma_wait3A_87] : memref<10240x128xf32, #tpu.memory_space<hbm>> -> memref<10240x128xf32, #tpu.memory_space<hbm>>
      tpu.wait_indirect_dma semaphore(%arg10 : memref<!tpu.dma_semaphore, #tpu.memory_space<semaphore_mem>>) src(%dma_wait3A_88 : memref<10240x128xf32, #tpu.memory_space<hbm>>) dst(%dma_wait3A_82 : memref<120x128xf32, #tpu.memory_space<vmem>>)
      %dma_start3A_89 = arith.constant 0 : i32
      %dma_start3A_90 = arith.constant 0 : i32
      %dma_start3A_91 = arith.constant 0 : i32
      %dma_start3A_92 = arith.constant 0 : i32
      %dma_start3A_93 = tpu.memref_slice %arg8[%dma_start3A_89, %dma_start3A_91, %dma_start3A_92] : memref<3x120x128xf32, #tpu.memory_space<vmem>> -> memref<1x120x128xf32, #tpu.memory_space<vmem>>
      %dma_start3A_94 = tpu.memref_squeeze %dma_start3A_93 : memref<1x120x128xf32, #tpu.memory_space<vmem>> -> memref<120x128xf32, #tpu.memory_space<vmem>>
      %dma_start3A_95 = arith.constant 0 : i32
      %dma_start3A_96 = tpu.memref_slice %arg7[%rem3A_75, %dma_start3A_90, %dma_start3A_95] : memref<2x3x120xi32, #tpu.memory_space<vmem>> -> memref<1x1x120xi32, #tpu.memory_space<vmem>>
      %dma_start3A_97 = tpu.memref_squeeze %dma_start3A_96 : memref<1x1x120xi32, #tpu.memory_space<vmem>> -> memref<120xi32, #tpu.memory_space<vmem>>
      %dma_start3A_98 = arith.constant 0 : i32
      %dma_start3A_99 = arith.constant 0 : i32
      %dma_start3A_100 = tpu.memref_slice %arg9[%dma_start3A_98, %dma_start3A_99] : memref<10112x128xf32, #tpu.memory_space<vmem_shared>> -> memref<10112x128xf32, #tpu.memory_space<vmem_shared>>
      tpu.enqueue_indirect_dma source(%dma_start3A_94 : memref<120x128xf32, #tpu.memory_space<vmem>>) target(%dma_start3A_100 : memref<10112x128xf32, #tpu.memory_space<vmem_shared>>) offsets(%dma_start3A_97 : memref<120xi32, #tpu.memory_space<vmem>>) semaphore(%arg13 : memref<!tpu.dma_semaphore, #tpu.memory_space<semaphore_mem>>) {add = true}
      %dma_wait3A_101 = arith.constant 1 : i32
      %dma_wait3A_102 = arith.constant 1 : i32
      %dma_wait3A_103 = arith.constant 0 : i32
      %dma_wait3A_104 = arith.constant 0 : i32
      %dma_wait3A_105 = tpu.memref_slice %arg8[%dma_wait3A_102, %dma_wait3A_103, %dma_wait3A_104] : memref<3x120x128xf32, #tpu.memory_space<vmem>> -> memref<1x120x128xf32, #tpu.memory_space<vmem>>
      %dma_wait3A_106 = tpu.memref_squeeze %dma_wait3A_105 : memref<1x120x128xf32, #tpu.memory_space<vmem>> -> memref<120x128xf32, #tpu.memory_space<vmem>>
      %dma_wait3A_107 = arith.constant 0 : i32
      %dma_wait3A_108 = tpu.memref_slice %arg6[%rem3A_75, %dma_wait3A_101, %dma_wait3A_107] : memref<2x3x120xi32, #tpu.memory_space<vmem>> -> memref<1x1x120xi32, #tpu.memory_space<vmem>>
      %dma_wait3A_109 = tpu.memref_squeeze %dma_wait3A_108 : memref<1x1x120xi32, #tpu.memory_space<vmem>> -> memref<120xi32, #tpu.memory_space<vmem>>
      %dma_wait3A_110 = arith.constant 0 : i32
      %dma_wait3A_111 = arith.constant 0 : i32
      %dma_wait3A_112 = tpu.memref_slice %arg2[%dma_wait3A_110, %dma_wait3A_111] : memref<10240x128xf32, #tpu.memory_space<hbm>> -> memref<10240x128xf32, #tpu.memory_space<hbm>>
      tpu.wait_indirect_dma semaphore(%arg11 : memref<!tpu.dma_semaphore, #tpu.memory_space<semaphore_mem>>) src(%dma_wait3A_112 : memref<10240x128xf32, #tpu.memory_space<hbm>>) dst(%dma_wait3A_106 : memref<120x128xf32, #tpu.memory_space<vmem>>)
      %dma_start3A_113 = arith.constant 1 : i32
      %dma_start3A_114 = arith.constant 1 : i32
      %dma_start3A_115 = arith.constant 0 : i32
      %dma_start3A_116 = arith.constant 0 : i32
      %dma_start3A_117 = tpu.memref_slice %arg8[%dma_start3A_113, %dma_start3A_115, %dma_start3A_116] : memref<3x120x128xf32, #tpu.memory_space<vmem>> -> memref<1x120x128xf32, #tpu.memory_space<vmem>>
      %dma_start3A_118 = tpu.memref_squeeze %dma_start3A_117 : memref<1x120x128xf32, #tpu.memory_space<vmem>> -> memref<120x128xf32, #tpu.memory_space<vmem>>
      %dma_start3A_119 = arith.constant 0 : i32
      %dma_start3A_120 = tpu.memref_slice %arg7[%rem3A_75, %dma_start3A_114, %dma_start3A_119] : memref<2x3x120xi32, #tpu.memory_space<vmem>> -> memref<1x1x120xi32, #tpu.memory_space<vmem>>
      %dma_start3A_121 = tpu.memref_squeeze %dma_start3A_120 : memref<1x1x120xi32, #tpu.memory_space<vmem>> -> memref<120xi32, #tpu.memory_space<vmem>>
      %dma_start3A_122 = arith.constant 0 : i32
      %dma_start3A_123 = arith.constant 0 : i32
      %dma_start3A_124 = tpu.memref_slice %arg9[%dma_start3A_122, %dma_start3A_123] : memref<10112x128xf32, #tpu.memory_space<vmem_shared>> -> memref<10112x128xf32, #tpu.memory_space<vmem_shared>>
      tpu.enqueue_indirect_dma source(%dma_start3A_118 : memref<120x128xf32, #tpu.memory_space<vmem>>) target(%dma_start3A_124 : memref<10112x128xf32, #tpu.memory_space<vmem_shared>>) offsets(%dma_start3A_121 : memref<120xi32, #tpu.memory_space<vmem>>) semaphore(%arg14 : memref<!tpu.dma_semaphore, #tpu.memory_space<semaphore_mem>>) {add = true}
      %dma_wait3A_125 = arith.constant 2 : i32
      %dma_wait3A_126 = arith.constant 2 : i32
      %dma_wait3A_127 = arith.constant 0 : i32
      %dma_wait3A_128 = arith.constant 0 : i32
      %dma_wait3A_129 = tpu.memref_slice %arg8[%dma_wait3A_126, %dma_wait3A_127, %dma_wait3A_128] : memref<3x120x128xf32, #tpu.memory_space<vmem>> -> memref<1x120x128xf32, #tpu.memory_space<vmem>>
      %dma_wait3A_130 = tpu.memref_squeeze %dma_wait3A_129 : memref<1x120x128xf32, #tpu.memory_space<vmem>> -> memref<120x128xf32, #tpu.memory_space<vmem>>
      %dma_wait3A_131 = arith.constant 0 : i32
      %dma_wait3A_132 = tpu.memref_slice %arg6[%rem3A_75, %dma_wait3A_125, %dma_wait3A_131] : memref<2x3x120xi32, #tpu.memory_space<vmem>> -> memref<1x1x120xi32, #tpu.memory_space<vmem>>
      %dma_wait3A_133 = tpu.memref_squeeze %dma_wait3A_132 : memref<1x1x120xi32, #tpu.memory_space<vmem>> -> memref<120xi32, #tpu.memory_space<vmem>>
      %dma_wait3A_134 = arith.constant 0 : i32
      %dma_wait3A_135 = arith.constant 0 : i32
      %dma_wait3A_136 = tpu.memref_slice %arg2[%dma_wait3A_134, %dma_wait3A_135] : memref<10240x128xf32, #tpu.memory_space<hbm>> -> memref<10240x128xf32, #tpu.memory_space<hbm>>
      tpu.wait_indirect_dma semaphore(%arg12 : memref<!tpu.dma_semaphore, #tpu.memory_space<semaphore_mem>>) src(%dma_wait3A_136 : memref<10240x128xf32, #tpu.memory_space<hbm>>) dst(%dma_wait3A_130 : memref<120x128xf32, #tpu.memory_space<vmem>>)
      %dma_start3A_137 = arith.constant 2 : i32
      %dma_start3A_138 = arith.constant 2 : i32
      %dma_start3A_139 = arith.constant 0 : i32
      %dma_start3A_140 = arith.constant 0 : i32
      %dma_start3A_141 = tpu.memref_slice %arg8[%dma_start3A_137, %dma_start3A_139, %dma_start3A_140] : memref<3x120x128xf32, #tpu.memory_space<vmem>> -> memref<1x120x128xf32, #tpu.memory_space<vmem>>
      %dma_start3A_142 = tpu.memref_squeeze %dma_start3A_141 : memref<1x120x128xf32, #tpu.memory_space<vmem>> -> memref<120x128xf32, #tpu.memory_space<vmem>>
      %dma_start3A_143 = arith.constant 0 : i32
      %dma_start3A_144 = tpu.memref_slice %arg7[%rem3A_75, %dma_start3A_138, %dma_start3A_143] : memref<2x3x120xi32, #tpu.memory_space<vmem>> -> memref<1x1x120xi32, #tpu.memory_space<vmem>>
      %dma_start3A_145 = tpu.memref_squeeze %dma_start3A_144 : memref<1x1x120xi32, #tpu.memory_space<vmem>> -> memref<120xi32, #tpu.memory_space<vmem>>
      %dma_start3A_146 = arith.constant 0 : i32
      %dma_start3A_147 = arith.constant 0 : i32
      %dma_start3A_148 = tpu.memref_slice %arg9[%dma_start3A_146, %dma_start3A_147] : memref<10112x128xf32, #tpu.memory_space<vmem_shared>> -> memref<10112x128xf32, #tpu.memory_space<vmem_shared>>
      tpu.enqueue_indirect_dma source(%dma_start3A_142 : memref<120x128xf32, #tpu.memory_space<vmem>>) target(%dma_start3A_148 : memref<10112x128xf32, #tpu.memory_space<vmem_shared>>) offsets(%dma_start3A_145 : memref<120xi32, #tpu.memory_space<vmem>>) semaphore(%arg15 : memref<!tpu.dma_semaphore, #tpu.memory_space<semaphore_mem>>) {add = true}
      %lt3A_149 = arith.constant 27 : i32
      %lt3A_150 = arith.cmpi slt, %scan3A_74, %lt3A_149 : i32
      %convert_element_type3A_151 = arith.extui %lt3A_150 : i1 to i32
      %cond3A_152 = arith.constant 0 : i32
      %cond3A_153 = arith.cmpi ne, %convert_element_type3A_151, %cond3A_152 : i32
      scf.if %cond3A_153 {
        %sub3A = arith.constant 1 : i32
        %sub3A_205 = arith.subi %sub3A, %rem3A_75 : i32
        %dma_wait3A_206 = arith.constant 0 : i32
        %dma_wait3A_207 = arith.constant 0 : i32
        %dma_wait3A_208 = arith.constant 0 : i32
        %dma_wait3A_209 = tpu.memref_slice %arg6[%sub3A_205, %dma_wait3A_207, %dma_wait3A_208] : memref<2x3x120xi32, #tpu.memory_space<vmem>> -> memref<1x3x120xi32, #tpu.memory_space<vmem>>
        %dma_wait3A_210 = tpu.memref_squeeze %dma_wait3A_209 : memref<1x3x120xi32, #tpu.memory_space<vmem>> -> memref<3x120xi32, #tpu.memory_space<vmem>>
        %dma_wait3A_211 = arith.constant 0 : i32
        %dma_wait3A_212 = arith.constant 0 : i32
        %dma_wait3A_213 = tpu.memref_slice %arg3[%add3A, %dma_wait3A_206, %dma_wait3A_211, %dma_wait3A_212] : memref<32x28x3x120xi32, #tpu.memory_space<hbm>> -> memref<1x1x3x120xi32, #tpu.memory_space<hbm>>
        %dma_wait3A_214 = tpu.memref_squeeze %dma_wait3A_213 : memref<1x1x3x120xi32, #tpu.memory_space<hbm>> -> memref<3x120xi32, #tpu.memory_space<hbm>>
        %dma_wait3A_215 = arith.constant 0 : i32
        %dma_wait3A_216 = arith.constant 0 : i32
        %dma_wait3A_217 = tpu.memref_slice %arg6[%sub3A_205, %dma_wait3A_215, %dma_wait3A_216] : memref<2x3x120xi32, #tpu.memory_space<vmem>> -> memref<1x3x120xi32, #tpu.memory_space<vmem>>
        %dma_wait3A_218 = tpu.memref_squeeze %dma_wait3A_217 : memref<1x3x120xi32, #tpu.memory_space<vmem>> -> memref<3x120xi32, #tpu.memory_space<vmem>>
        %dma_wait3A_219 = arith.constant 0 : i32
        %dma_wait3A_220 = arith.constant 0 : i32
        %dma_wait3A_221 = tpu.memref_slice %arg3[%add3A, %dma_wait3A_206, %dma_wait3A_219, %dma_wait3A_220] : memref<32x28x3x120xi32, #tpu.memory_space<hbm>> -> memref<1x1x3x120xi32, #tpu.memory_space<hbm>>
        %dma_wait3A_222 = tpu.memref_squeeze %dma_wait3A_221 : memref<1x1x3x120xi32, #tpu.memory_space<hbm>> -> memref<3x120xi32, #tpu.memory_space<hbm>>
        tpu.wait_dma2 semaphore(%arg16 : memref<!tpu.dma_semaphore, #tpu.memory_space<semaphore_mem>>) src(%dma_wait3A_222 : memref<3x120xi32, #tpu.memory_space<hbm>>) dst(%dma_wait3A_218 : memref<3x120xi32, #tpu.memory_space<vmem>>)
        %sub3A_223 = arith.constant 1 : i32
        %sub3A_224 = arith.subi %sub3A_223, %rem3A_75 : i32
        %dma_wait3A_225 = arith.constant 0 : i32
        %dma_wait3A_226 = arith.constant 0 : i32
        %dma_wait3A_227 = arith.constant 0 : i32
        %dma_wait3A_228 = tpu.memref_slice %arg7[%sub3A_224, %dma_wait3A_226, %dma_wait3A_227] : memref<2x3x120xi32, #tpu.memory_space<vmem>> -> memref<1x3x120xi32, #tpu.memory_space<vmem>>
        %dma_wait3A_229 = tpu.memref_squeeze %dma_wait3A_228 : memref<1x3x120xi32, #tpu.memory_space<vmem>> -> memref<3x120xi32, #tpu.memory_space<vmem>>
        %dma_wait3A_230 = arith.constant 0 : i32
        %dma_wait3A_231 = arith.constant 0 : i32
        %dma_wait3A_232 = tpu.memref_slice %arg4[%add3A, %dma_wait3A_225, %dma_wait3A_230, %dma_wait3A_231] : memref<32x28x3x120xi32, #tpu.memory_space<hbm>> -> memref<1x1x3x120xi32, #tpu.memory_space<hbm>>
        %dma_wait3A_233 = tpu.memref_squeeze %dma_wait3A_232 : memref<1x1x3x120xi32, #tpu.memory_space<hbm>> -> memref<3x120xi32, #tpu.memory_space<hbm>>
        %dma_wait3A_234 = arith.constant 0 : i32
        %dma_wait3A_235 = arith.constant 0 : i32
        %dma_wait3A_236 = tpu.memref_slice %arg7[%sub3A_224, %dma_wait3A_234, %dma_wait3A_235] : memref<2x3x120xi32, #tpu.memory_space<vmem>> -> memref<1x3x120xi32, #tpu.memory_space<vmem>>
        %dma_wait3A_237 = tpu.memref_squeeze %dma_wait3A_236 : memref<1x3x120xi32, #tpu.memory_space<vmem>> -> memref<3x120xi32, #tpu.memory_space<vmem>>
        %dma_wait3A_238 = arith.constant 0 : i32
        %dma_wait3A_239 = arith.constant 0 : i32
        %dma_wait3A_240 = tpu.memref_slice %arg4[%add3A, %dma_wait3A_225, %dma_wait3A_238, %dma_wait3A_239] : memref<32x28x3x120xi32, #tpu.memory_space<hbm>> -> memref<1x1x3x120xi32, #tpu.memory_space<hbm>>
        %dma_wait3A_241 = tpu.memref_squeeze %dma_wait3A_240 : memref<1x1x3x120xi32, #tpu.memory_space<hbm>> -> memref<3x120xi32, #tpu.memory_space<hbm>>
        tpu.wait_dma2 semaphore(%arg16 : memref<!tpu.dma_semaphore, #tpu.memory_space<semaphore_mem>>) src(%dma_wait3A_241 : memref<3x120xi32, #tpu.memory_space<hbm>>) dst(%dma_wait3A_237 : memref<3x120xi32, #tpu.memory_space<vmem>>)
      } else {
      }
      %dma_wait3A_154 = arith.constant 0 : i32
      %dma_wait3A_155 = arith.constant 0 : i32
      %dma_wait3A_156 = arith.constant 0 : i32
      %dma_wait3A_157 = arith.constant 0 : i32
      %dma_wait3A_158 = tpu.memref_slice %arg8[%dma_wait3A_154, %dma_wait3A_156, %dma_wait3A_157] : memref<3x120x128xf32, #tpu.memory_space<vmem>> -> memref<1x120x128xf32, #tpu.memory_space<vmem>>
      %dma_wait3A_159 = tpu.memref_squeeze %dma_wait3A_158 : memref<1x120x128xf32, #tpu.memory_space<vmem>> -> memref<120x128xf32, #tpu.memory_space<vmem>>
      %dma_wait3A_160 = arith.constant 0 : i32
      %dma_wait3A_161 = tpu.memref_slice %arg7[%rem3A_75, %dma_wait3A_155, %dma_wait3A_160] : memref<2x3x120xi32, #tpu.memory_space<vmem>> -> memref<1x1x120xi32, #tpu.memory_space<vmem>>
      %dma_wait3A_162 = tpu.memref_squeeze %dma_wait3A_161 : memref<1x1x120xi32, #tpu.memory_space<vmem>> -> memref<120xi32, #tpu.memory_space<vmem>>
      %dma_wait3A_163 = arith.constant 0 : i32
      %dma_wait3A_164 = arith.constant 0 : i32
      %dma_wait3A_165 = tpu.memref_slice %arg9[%dma_wait3A_163, %dma_wait3A_164] : memref<10112x128xf32, #tpu.memory_space<vmem_shared>> -> memref<10112x128xf32, #tpu.memory_space<vmem_shared>>
      tpu.wait_indirect_dma semaphore(%arg13 : memref<!tpu.dma_semaphore, #tpu.memory_space<semaphore_mem>>) src(%dma_wait3A_159 : memref<120x128xf32, #tpu.memory_space<vmem>>) dst(%dma_wait3A_165 : memref<10112x128xf32, #tpu.memory_space<vmem_shared>>)
      %lt3A_166 = arith.constant 27 : i32
      %lt3A_167 = arith.cmpi slt, %scan3A_74, %lt3A_166 : i32
      %convert_element_type3A_168 = arith.extui %lt3A_167 : i1 to i32
      %cond3A_169 = arith.constant 0 : i32
      %cond3A_170 = arith.cmpi ne, %convert_element_type3A_168, %cond3A_169 : i32
      scf.if %cond3A_170 {
        %sub3A = arith.constant 1 : i32
        %sub3A_205 = arith.subi %sub3A, %rem3A_75 : i32
        %dma_start3A_206 = arith.constant 0 : i32
        %dma_start3A_207 = arith.constant 0 : i32
        %dma_start3A_208 = arith.constant 0 : i32
        %dma_start3A_209 = arith.constant 0 : i32
        %dma_start3A_210 = tpu.memref_slice %arg8[%dma_start3A_207, %dma_start3A_208, %dma_start3A_209] : memref<3x120x128xf32, #tpu.memory_space<vmem>> -> memref<1x120x128xf32, #tpu.memory_space<vmem>>
        %dma_start3A_211 = tpu.memref_squeeze %dma_start3A_210 : memref<1x120x128xf32, #tpu.memory_space<vmem>> -> memref<120x128xf32, #tpu.memory_space<vmem>>
        %dma_start3A_212 = arith.constant 0 : i32
        %dma_start3A_213 = tpu.memref_slice %arg6[%sub3A_205, %dma_start3A_206, %dma_start3A_212] : memref<2x3x120xi32, #tpu.memory_space<vmem>> -> memref<1x1x120xi32, #tpu.memory_space<vmem>>
        %dma_start3A_214 = tpu.memref_squeeze %dma_start3A_213 : memref<1x1x120xi32, #tpu.memory_space<vmem>> -> memref<120xi32, #tpu.memory_space<vmem>>
        %dma_start3A_215 = arith.constant 0 : i32
        %dma_start3A_216 = arith.constant 0 : i32
        %dma_start3A_217 = tpu.memref_slice %arg2[%dma_start3A_215, %dma_start3A_216] : memref<10240x128xf32, #tpu.memory_space<hbm>> -> memref<10240x128xf32, #tpu.memory_space<hbm>>
        tpu.enqueue_indirect_dma source(%dma_start3A_217 : memref<10240x128xf32, #tpu.memory_space<hbm>>) target(%dma_start3A_211 : memref<120x128xf32, #tpu.memory_space<vmem>>) offsets(%dma_start3A_214 : memref<120xi32, #tpu.memory_space<vmem>>) semaphore(%arg10 : memref<!tpu.dma_semaphore, #tpu.memory_space<semaphore_mem>>)
      } else {
      }
      %dma_wait3A_171 = arith.constant 1 : i32
      %dma_wait3A_172 = arith.constant 1 : i32
      %dma_wait3A_173 = arith.constant 0 : i32
      %dma_wait3A_174 = arith.constant 0 : i32
      %dma_wait3A_175 = tpu.memref_slice %arg8[%dma_wait3A_171, %dma_wait3A_173, %dma_wait3A_174] : memref<3x120x128xf32, #tpu.memory_space<vmem>> -> memref<1x120x128xf32, #tpu.memory_space<vmem>>
      %dma_wait3A_176 = tpu.memref_squeeze %dma_wait3A_175 : memref<1x120x128xf32, #tpu.memory_space<vmem>> -> memref<120x128xf32, #tpu.memory_space<vmem>>
      %dma_wait3A_177 = arith.constant 0 : i32
      %dma_wait3A_178 = tpu.memref_slice %arg7[%rem3A_75, %dma_wait3A_172, %dma_wait3A_177] : memref<2x3x120xi32, #tpu.memory_space<vmem>> -> memref<1x1x120xi32, #tpu.memory_space<vmem>>
      %dma_wait3A_179 = tpu.memref_squeeze %dma_wait3A_178 : memref<1x1x120xi32, #tpu.memory_space<vmem>> -> memref<120xi32, #tpu.memory_space<vmem>>
      %dma_wait3A_180 = arith.constant 0 : i32
      %dma_wait3A_181 = arith.constant 0 : i32
      %dma_wait3A_182 = tpu.memref_slice %arg9[%dma_wait3A_180, %dma_wait3A_181] : memref<10112x128xf32, #tpu.memory_space<vmem_shared>> -> memref<10112x128xf32, #tpu.memory_space<vmem_shared>>
      tpu.wait_indirect_dma semaphore(%arg14 : memref<!tpu.dma_semaphore, #tpu.memory_space<semaphore_mem>>) src(%dma_wait3A_176 : memref<120x128xf32, #tpu.memory_space<vmem>>) dst(%dma_wait3A_182 : memref<10112x128xf32, #tpu.memory_space<vmem_shared>>)
      %lt3A_183 = arith.constant 27 : i32
      %lt3A_184 = arith.cmpi slt, %scan3A_74, %lt3A_183 : i32
      %convert_element_type3A_185 = arith.extui %lt3A_184 : i1 to i32
      %cond3A_186 = arith.constant 0 : i32
      %cond3A_187 = arith.cmpi ne, %convert_element_type3A_185, %cond3A_186 : i32
      scf.if %cond3A_187 {
        %sub3A = arith.constant 1 : i32
        %sub3A_205 = arith.subi %sub3A, %rem3A_75 : i32
        %dma_start3A_206 = arith.constant 1 : i32
        %dma_start3A_207 = arith.constant 1 : i32
        %dma_start3A_208 = arith.constant 0 : i32
        %dma_start3A_209 = arith.constant 0 : i32
        %dma_start3A_210 = tpu.memref_slice %arg8[%dma_start3A_207, %dma_start3A_208, %dma_start3A_209] : memref<3x120x128xf32, #tpu.memory_space<vmem>> -> memref<1x120x128xf32, #tpu.memory_space<vmem>>
        %dma_start3A_211 = tpu.memref_squeeze %dma_start3A_210 : memref<1x120x128xf32, #tpu.memory_space<vmem>> -> memref<120x128xf32, #tpu.memory_space<vmem>>
        %dma_start3A_212 = arith.constant 0 : i32
        %dma_start3A_213 = tpu.memref_slice %arg6[%sub3A_205, %dma_start3A_206, %dma_start3A_212] : memref<2x3x120xi32, #tpu.memory_space<vmem>> -> memref<1x1x120xi32, #tpu.memory_space<vmem>>
        %dma_start3A_214 = tpu.memref_squeeze %dma_start3A_213 : memref<1x1x120xi32, #tpu.memory_space<vmem>> -> memref<120xi32, #tpu.memory_space<vmem>>
        %dma_start3A_215 = arith.constant 0 : i32
        %dma_start3A_216 = arith.constant 0 : i32
        %dma_start3A_217 = tpu.memref_slice %arg2[%dma_start3A_215, %dma_start3A_216] : memref<10240x128xf32, #tpu.memory_space<hbm>> -> memref<10240x128xf32, #tpu.memory_space<hbm>>
        tpu.enqueue_indirect_dma source(%dma_start3A_217 : memref<10240x128xf32, #tpu.memory_space<hbm>>) target(%dma_start3A_211 : memref<120x128xf32, #tpu.memory_space<vmem>>) offsets(%dma_start3A_214 : memref<120xi32, #tpu.memory_space<vmem>>) semaphore(%arg11 : memref<!tpu.dma_semaphore, #tpu.memory_space<semaphore_mem>>)
      } else {
      }
      %dma_wait3A_188 = arith.constant 2 : i32
      %dma_wait3A_189 = arith.constant 2 : i32
      %dma_wait3A_190 = arith.constant 0 : i32
      %dma_wait3A_191 = arith.constant 0 : i32
      %dma_wait3A_192 = tpu.memref_slice %arg8[%dma_wait3A_188, %dma_wait3A_190, %dma_wait3A_191] : memref<3x120x128xf32, #tpu.memory_space<vmem>> -> memref<1x120x128xf32, #tpu.memory_space<vmem>>
      %dma_wait3A_193 = tpu.memref_squeeze %dma_wait3A_192 : memref<1x120x128xf32, #tpu.memory_space<vmem>> -> memref<120x128xf32, #tpu.memory_space<vmem>>
      %dma_wait3A_194 = arith.constant 0 : i32
      %dma_wait3A_195 = tpu.memref_slice %arg7[%rem3A_75, %dma_wait3A_189, %dma_wait3A_194] : memref<2x3x120xi32, #tpu.memory_space<vmem>> -> memref<1x1x120xi32, #tpu.memory_space<vmem>>
      %dma_wait3A_196 = tpu.memref_squeeze %dma_wait3A_195 : memref<1x1x120xi32, #tpu.memory_space<vmem>> -> memref<120xi32, #tpu.memory_space<vmem>>
      %dma_wait3A_197 = arith.constant 0 : i32
      %dma_wait3A_198 = arith.constant 0 : i32
      %dma_wait3A_199 = tpu.memref_slice %arg9[%dma_wait3A_197, %dma_wait3A_198] : memref<10112x128xf32, #tpu.memory_space<vmem_shared>> -> memref<10112x128xf32, #tpu.memory_space<vmem_shared>>
      tpu.wait_indirect_dma semaphore(%arg15 : memref<!tpu.dma_semaphore, #tpu.memory_space<semaphore_mem>>) src(%dma_wait3A_193 : memref<120x128xf32, #tpu.memory_space<vmem>>) dst(%dma_wait3A_199 : memref<10112x128xf32, #tpu.memory_space<vmem_shared>>)
      %lt3A_200 = arith.constant 27 : i32
      %lt3A_201 = arith.cmpi slt, %scan3A_74, %lt3A_200 : i32
      %convert_element_type3A_202 = arith.extui %lt3A_201 : i1 to i32
      %cond3A_203 = arith.constant 0 : i32
      %cond3A_204 = arith.cmpi ne, %convert_element_type3A_202, %cond3A_203 : i32
      scf.if %cond3A_204 {
        %sub3A = arith.constant 1 : i32
        %sub3A_205 = arith.subi %sub3A, %rem3A_75 : i32
        %dma_start3A_206 = arith.constant 2 : i32
        %dma_start3A_207 = arith.constant 2 : i32
        %dma_start3A_208 = arith.constant 0 : i32
        %dma_start3A_209 = arith.constant 0 : i32
        %dma_start3A_210 = tpu.memref_slice %arg8[%dma_start3A_207, %dma_start3A_208, %dma_start3A_209] : memref<3x120x128xf32, #tpu.memory_space<vmem>> -> memref<1x120x128xf32, #tpu.memory_space<vmem>>
        %dma_start3A_211 = tpu.memref_squeeze %dma_start3A_210 : memref<1x120x128xf32, #tpu.memory_space<vmem>> -> memref<120x128xf32, #tpu.memory_space<vmem>>
        %dma_start3A_212 = arith.constant 0 : i32
        %dma_start3A_213 = tpu.memref_slice %arg6[%sub3A_205, %dma_start3A_206, %dma_start3A_212] : memref<2x3x120xi32, #tpu.memory_space<vmem>> -> memref<1x1x120xi32, #tpu.memory_space<vmem>>
        %dma_start3A_214 = tpu.memref_squeeze %dma_start3A_213 : memref<1x1x120xi32, #tpu.memory_space<vmem>> -> memref<120xi32, #tpu.memory_space<vmem>>
        %dma_start3A_215 = arith.constant 0 : i32
        %dma_start3A_216 = arith.constant 0 : i32
        %dma_start3A_217 = tpu.memref_slice %arg2[%dma_start3A_215, %dma_start3A_216] : memref<10240x128xf32, #tpu.memory_space<hbm>> -> memref<10240x128xf32, #tpu.memory_space<hbm>>
        tpu.enqueue_indirect_dma source(%dma_start3A_217 : memref<10240x128xf32, #tpu.memory_space<hbm>>) target(%dma_start3A_211 : memref<120x128xf32, #tpu.memory_space<vmem>>) offsets(%dma_start3A_214 : memref<120xi32, #tpu.memory_space<vmem>>) semaphore(%arg12 : memref<!tpu.dma_semaphore, #tpu.memory_space<semaphore_mem>>)
      } else {
      }
    }
    %scan3A_72 = arith.constant 28 : i32
    %barrier3A_73 = arith.constant 0 : index
    tpu.barrier barrier_id(%barrier3A_73)
    "tpu.region"() ({
      %run_scoped3A_74 = tpu.sem_alloc : memref<!tpu.dma_semaphore, #tpu.memory_space<semaphore_mem>>
      %dma_start3A_75 = arith.constant 0 : i32
      %dma_start3A_76 = tpu.memref_slice %arg5[%arg0, %mul3A_7, %dma_start3A_75] : memref<2x10240x128xf32, #tpu.memory_space<hbm>> -> memref<1x632x128xf32, #tpu.memory_space<hbm>>
      %dma_start3A_77 = tpu.memref_squeeze %dma_start3A_76 : memref<1x632x128xf32, #tpu.memory_space<hbm>> -> memref<632x128xf32, #tpu.memory_space<hbm>>
      %dma_start3A_78 = arith.constant 0 : i32
      %dma_start3A_79 = tpu.memref_slice %arg9[%mul3A_7, %dma_start3A_78] : memref<10112x128xf32, #tpu.memory_space<vmem_shared>> -> memref<632x128xf32, #tpu.memory_space<vmem_shared>>
      tpu.enqueue_dma source(%dma_start3A_79 : memref<632x128xf32, #tpu.memory_space<vmem_shared>>) target(%dma_start3A_77 : memref<632x128xf32, #tpu.memory_space<hbm>>) target_semaphore(%run_scoped3A_74 : memref<!tpu.dma_semaphore, #tpu.memory_space<semaphore_mem>>)
      %dma_wait3A = arith.constant 0 : i32
      %dma_wait3A_80 = tpu.memref_slice %arg5[%arg0, %mul3A_7, %dma_wait3A] : memref<2x10240x128xf32, #tpu.memory_space<hbm>> -> memref<1x632x128xf32, #tpu.memory_space<hbm>>
      %dma_wait3A_81 = tpu.memref_squeeze %dma_wait3A_80 : memref<1x632x128xf32, #tpu.memory_space<hbm>> -> memref<632x128xf32, #tpu.memory_space<hbm>>
      %dma_wait3A_82 = arith.constant 0 : i32
      %dma_wait3A_83 = tpu.memref_slice %arg9[%mul3A_7, %dma_wait3A_82] : memref<10112x128xf32, #tpu.memory_space<vmem_shared>> -> memref<632x128xf32, #tpu.memory_space<vmem_shared>>
      tpu.wait_dma2 semaphore(%run_scoped3A_74 : memref<!tpu.dma_semaphore, #tpu.memory_space<semaphore_mem>>) src(%dma_wait3A_83 : memref<632x128xf32, #tpu.memory_space<vmem_shared>>) dst(%dma_wait3A_81 : memref<632x128xf32, #tpu.memory_space<hbm>>)
      tpu.yield
    }) : () -> ()
    return
  }
}

#map = affine_map<(d0, d1) -> (0, 0)>
#map1 = affine_map<(d0, d1) -> (0, 0, 0, 0)>
#map2 = affine_map<(d0, d1) -> (0, 0, 0)>
module attributes {stable_mosaic.version = 14 : i64} {
  func.func @_seg_body(%arg0: i32, %arg1: i32, %arg2: memref<10240x128xf32, #tpu.memory_space<hbm>>, %arg3: memref<32x28x3x120xi32, #tpu.memory_space<hbm>>, %arg4: memref<32x28x3x120xi32, #tpu.memory_space<hbm>>, %arg5: memref<2x10240x128xf32, #tpu.memory_space<hbm>>, %arg6: memref<2x3x120xi32, #tpu.memory_space<vmem>>, %arg7: memref<2x3x120xi32, #tpu.memory_space<vmem>>, %arg8: memref<3x120x128xf32, #tpu.memory_space<vmem>>, %arg9: memref<10112x128xf32, #tpu.memory_space<vmem_shared>>, %arg10: memref<!tpu.dma_semaphore, #tpu.memory_space<semaphore_mem>>, %arg11: memref<!tpu.dma_semaphore, #tpu.memory_space<semaphore_mem>>, %arg12: memref<!tpu.dma_semaphore, #tpu.memory_space<semaphore_mem>>, %arg13: memref<!tpu.dma_semaphore, #tpu.memory_space<semaphore_mem>>, %arg14: memref<!tpu.dma_semaphore, #tpu.memory_space<semaphore_mem>>, %arg15: memref<!tpu.dma_semaphore, #tpu.memory_space<semaphore_mem>>, %arg16: memref<!tpu.dma_semaphore, #tpu.memory_space<semaphore_mem>>) attributes {dimension_semantics = [#tpu.dimension_semantics<core_parallel>, #tpu.dimension_semantics<subcore_parallel>], iteration_bounds = array<i64: 2, 16>, scalar_prefetch = 0 : i64, scratch_operands = 11 : i64, tpu.core_type = #tpu.core_type<sc_vector_subcore>, window_params = [{transform_indices = #map}, {transform_indices = #map1}, {transform_indices = #map1}, {transform_indices = #map2}]} {
    %mul3A = arith.constant 2 : i32
    %mul3A_0 = arith.muli %arg1, %mul3A : i32
    %add3A = arith.addi %mul3A_0, %arg0 : i32
    %scan3A = arith.constant 0 : i32
    %scan3A_1 = arith.constant 0 : i32
    %scan3A_2 = arith.constant 120 : i32
    %scan3A_3 = arith.addi %scan3A_1, %scan3A_2 : i32
    %scan3A_4 = arith.constant 1 : i32
    scf.for %scan3A_74 = %scan3A_1 to %scan3A_3 step %scan3A_4  : i32 {
      %broadcast_in_dim3A = arith.constant 0.000000e+00 : f32
      %broadcast_in_dim3A_75 = vector.broadcast %broadcast_in_dim3A : f32 to vector<16xf32>
      %swap3A = arith.constant 0 : i32
      %swap3A_76 = arith.index_cast %swap3A : i32 to index
      %swap3A_77 = arith.index_cast %scan3A_74 : i32 to index
      %swap3A_78 = arith.constant 0 : index
      %swap3A_79 = tpu.vector_load %arg8[%swap3A_76, %swap3A_77, %swap3A_78] {strides = array<i32>} : memref<3x120x128xf32, #tpu.memory_space<vmem>>, vector<1x1x16xf32>,
      %swap3A_80 = vector.shape_cast %swap3A_79 : vector<1x1x16xf32> to vector<16xf32>
      %swap3A_81 = vector.shape_cast %broadcast_in_dim3A_75 : vector<16xf32> to vector<1x1x16xf32>
      tpu.vector_store %arg8[%swap3A_76, %swap3A_77, %swap3A_78], %swap3A_81 {strides = array<i32>} : memref<3x120x128xf32, #tpu.memory_space<vmem>>, vector<1x1x16xf32>,
      %broadcast_in_dim3A_82 = arith.constant 0.000000e+00 : f32
      %broadcast_in_dim3A_83 = vector.broadcast %broadcast_in_dim3A_82 : f32 to vector<16xf32>
      %swap3A_84 = arith.constant 0 : i32
      %swap3A_85 = arith.index_cast %swap3A_84 : i32 to index
      %swap3A_86 = arith.index_cast %scan3A_74 : i32 to index
      %swap3A_87 = arith.constant 16 : index
      %swap3A_88 = tpu.vector_load %arg8[%swap3A_85, %swap3A_86, %swap3A_87] {strides = array<i32>} : memref<3x120x128xf32, #tpu.memory_space<vmem>>, vector<1x1x16xf32>,
      %swap3A_89 = vector.shape_cast %swap3A_88 : vector<1x1x16xf32> to vector<16xf32>
      %swap3A_90 = vector.shape_cast %broadcast_in_dim3A_83 : vector<16xf32> to vector<1x1x16xf32>
      tpu.vector_store %arg8[%swap3A_85, %swap3A_86, %swap3A_87], %swap3A_90 {strides = array<i32>} : memref<3x120x128xf32, #tpu.memory_space<vmem>>, vector<1x1x16xf32>,
      %broadcast_in_dim3A_91 = arith.constant 0.000000e+00 : f32
      %broadcast_in_dim3A_92 = vector.broadcast %broadcast_in_dim3A_91 : f32 to vector<16xf32>
      %swap3A_93 = arith.constant 0 : i32
      %swap3A_94 = arith.index_cast %swap3A_93 : i32 to index
      %swap3A_95 = arith.index_cast %scan3A_74 : i32 to index
      %swap3A_96 = arith.constant 32 : index
      %swap3A_97 = tpu.vector_load %arg8[%swap3A_94, %swap3A_95, %swap3A_96] {strides = array<i32>} : memref<3x120x128xf32, #tpu.memory_space<vmem>>, vector<1x1x16xf32>,
      %swap3A_98 = vector.shape_cast %swap3A_97 : vector<1x1x16xf32> to vector<16xf32>
      %swap3A_99 = vector.shape_cast %broadcast_in_dim3A_92 : vector<16xf32> to vector<1x1x16xf32>
      tpu.vector_store %arg8[%swap3A_94, %swap3A_95, %swap3A_96], %swap3A_99 {strides = array<i32>} : memref<3x120x128xf32, #tpu.memory_space<vmem>>, vector<1x1x16xf32>,
      %broadcast_in_dim3A_100 = arith.constant 0.000000e+00 : f32
      %broadcast_in_dim3A_101 = vector.broadcast %broadcast_in_dim3A_100 : f32 to vector<16xf32>
      %swap3A_102 = arith.constant 0 : i32
      %swap3A_103 = arith.index_cast %swap3A_102 : i32 to index
      %swap3A_104 = arith.index_cast %scan3A_74 : i32 to index
      %swap3A_105 = arith.constant 48 : index
      %swap3A_106 = tpu.vector_load %arg8[%swap3A_103, %swap3A_104, %swap3A_105] {strides = array<i32>} : memref<3x120x128xf32, #tpu.memory_space<vmem>>, vector<1x1x16xf32>,
      %swap3A_107 = vector.shape_cast %swap3A_106 : vector<1x1x16xf32> to vector<16xf32>
      %swap3A_108 = vector.shape_cast %broadcast_in_dim3A_101 : vector<16xf32> to vector<1x1x16xf32>
      tpu.vector_store %arg8[%swap3A_103, %swap3A_104, %swap3A_105], %swap3A_108 {strides = array<i32>} : memref<3x120x128xf32, #tpu.memory_space<vmem>>, vector<1x1x16xf32>,
      %broadcast_in_dim3A_109 = arith.constant 0.000000e+00 : f32
      %broadcast_in_dim3A_110 = vector.broadcast %broadcast_in_dim3A_109 : f32 to vector<16xf32>
      %swap3A_111 = arith.constant 0 : i32
      %swap3A_112 = arith.index_cast %swap3A_111 : i32 to index
      %swap3A_113 = arith.index_cast %scan3A_74 : i32 to index
      %swap3A_114 = arith.constant 64 : index
      %swap3A_115 = tpu.vector_load %arg8[%swap3A_112, %swap3A_113, %swap3A_114] {strides = array<i32>} : memref<3x120x128xf32, #tpu.memory_space<vmem>>, vector<1x1x16xf32>,
      %swap3A_116 = vector.shape_cast %swap3A_115 : vector<1x1x16xf32> to vector<16xf32>
      %swap3A_117 = vector.shape_cast %broadcast_in_dim3A_110 : vector<16xf32> to vector<1x1x16xf32>
      tpu.vector_store %arg8[%swap3A_112, %swap3A_113, %swap3A_114], %swap3A_117 {strides = array<i32>} : memref<3x120x128xf32, #tpu.memory_space<vmem>>, vector<1x1x16xf32>,
      %broadcast_in_dim3A_118 = arith.constant 0.000000e+00 : f32
      %broadcast_in_dim3A_119 = vector.broadcast %broadcast_in_dim3A_118 : f32 to vector<16xf32>
      %swap3A_120 = arith.constant 0 : i32
      %swap3A_121 = arith.index_cast %swap3A_120 : i32 to index
      %swap3A_122 = arith.index_cast %scan3A_74 : i32 to index
      %swap3A_123 = arith.constant 80 : index
      %swap3A_124 = tpu.vector_load %arg8[%swap3A_121, %swap3A_122, %swap3A_123] {strides = array<i32>} : memref<3x120x128xf32, #tpu.memory_space<vmem>>, vector<1x1x16xf32>,
      %swap3A_125 = vector.shape_cast %swap3A_124 : vector<1x1x16xf32> to vector<16xf32>
      %swap3A_126 = vector.shape_cast %broadcast_in_dim3A_119 : vector<16xf32> to vector<1x1x16xf32>
      tpu.vector_store %arg8[%swap3A_121, %swap3A_122, %swap3A_123], %swap3A_126 {strides = array<i32>} : memref<3x120x128xf32, #tpu.memory_space<vmem>>, vector<1x1x16xf32>,
      %broadcast_in_dim3A_127 = arith.constant 0.000000e+00 : f32
      %broadcast_in_dim3A_128 = vector.broadcast %broadcast_in_dim3A_127 : f32 to vector<16xf32>
      %swap3A_129 = arith.constant 0 : i32
      %swap3A_130 = arith.index_cast %swap3A_129 : i32 to index
      %swap3A_131 = arith.index_cast %scan3A_74 : i32 to index
      %swap3A_132 = arith.constant 96 : index
      %swap3A_133 = tpu.vector_load %arg8[%swap3A_130, %swap3A_131, %swap3A_132] {strides = array<i32>} : memref<3x120x128xf32, #tpu.memory_space<vmem>>, vector<1x1x16xf32>,
      %swap3A_134 = vector.shape_cast %swap3A_133 : vector<1x1x16xf32> to vector<16xf32>
      %swap3A_135 = vector.shape_cast %broadcast_in_dim3A_128 : vector<16xf32> to vector<1x1x16xf32>
      tpu.vector_store %arg8[%swap3A_130, %swap3A_131, %swap3A_132], %swap3A_135 {strides = array<i32>} : memref<3x120x128xf32, #tpu.memory_space<vmem>>, vector<1x1x16xf32>,
      %broadcast_in_dim3A_136 = arith.constant 0.000000e+00 : f32
      %broadcast_in_dim3A_137 = vector.broadcast %broadcast_in_dim3A_136 : f32 to vector<16xf32>
      %swap3A_138 = arith.constant 0 : i32
      %swap3A_139 = arith.index_cast %swap3A_138 : i32 to index
      %swap3A_140 = arith.index_cast %scan3A_74 : i32 to index
      %swap3A_141 = arith.constant 112 : index
      %swap3A_142 = tpu.vector_load %arg8[%swap3A_139, %swap3A_140, %swap3A_141] {strides = array<i32>} : memref<3x120x128xf32, #tpu.memory_space<vmem>>, vector<1x1x16xf32>,
      %swap3A_143 = vector.shape_cast %swap3A_142 : vector<1x1x16xf32> to vector<16xf32>
      %swap3A_144 = vector.shape_cast %broadcast_in_dim3A_137 : vector<16xf32> to vector<1x1x16xf32>
      tpu.vector_store %arg8[%swap3A_139, %swap3A_140, %swap3A_141], %swap3A_144 {strides = array<i32>} : memref<3x120x128xf32, #tpu.memory_space<vmem>>, vector<1x1x16xf32>,
    }
    %scan3A_5 = arith.constant 120 : i32
    %mul3A_6 = arith.constant 632 : i32
    %mul3A_7 = arith.muli %arg1, %mul3A_6 : i32
    %add3A_8 = arith.constant 0 : i32
    %add3A_9 = arith.addi %mul3A_7, %add3A_8 : i32
    %run_scoped3A = arith.constant 0 : i32
    "tpu.region"() ({
      %run_scoped3A_74 = tpu.sem_alloc : memref<!tpu.dma_semaphore, #tpu.memory_space<semaphore_mem>>
      %dma_start3A_75 = arith.constant 0 : i32
      %dma_start3A_76 = arith.constant 0 : i32
      %dma_start3A_77 = tpu.memref_slice %arg8[%run_scoped3A, %dma_start3A_75, %dma_start3A_76] : memref<3x120x128xf32, #tpu.memory_space<vmem>> -> memref<1x120x128xf32, #tpu.memory_space<vmem>>
      %dma_start3A_78 = tpu.memref_squeeze %dma_start3A_77 : memref<1x120x128xf32, #tpu.memory_space<vmem>> -> memref<120x128xf32, #tpu.memory_space<vmem>>
      %dma_start3A_79 = arith.constant 0 : i32
      %dma_start3A_80 = tpu.memref_slice %arg9[%add3A_9, %dma_start3A_79] : memref<10112x128xf32, #tpu.memory_space<vmem_shared>> -> memref<120x128xf32, #tpu.memory_space<vmem_shared>>
      %dma_start3A_81 = arith.constant 0 : i32
      %dma_start3A_82 = tpu.memref_slice %arg9[%add3A_9, %dma_start3A_81] : memref<10112x128xf32, #tpu.memory_space<vmem_shared>> -> memref<120x128xf32, #tpu.memory_space<vmem_shared>>
      %dma_start3A_83 = arith.constant 0 : i32
      %dma_start3A_84 = arith.constant 0 : i32
      %dma_start3A_85 = tpu.memref_slice %arg8[%run_scoped3A, %dma_start3A_83, %dma_start3A_84] : memref<3x120x128xf32, #tpu.memory_space<vmem>> -> memref<1x120x128xf32, #tpu.memory_space<vmem>>
      %dma_start3A_86 = tpu.memref_squeeze %dma_start3A_85 : memref<1x120x128xf32, #tpu.memory_space<vmem>> -> memref<120x128xf32, #tpu.memory_space<vmem>>
      tpu.enqueue_dma source(%dma_start3A_86 : memref<120x128xf32, #tpu.memory_space<vmem>>) target(%dma_start3A_82 : memref<120x128xf32, #tpu.memory_space<vmem_shared>>) target_semaphore(%run_scoped3A_74 : memref<!tpu.dma_semaphore, #tpu.memory_space<semaphore_mem>>)
      %dma_wait3A = arith.constant 0 : i32
      %dma_wait3A_87 = arith.constant 0 : i32
      %dma_wait3A_88 = tpu.memref_slice %arg8[%run_scoped3A, %dma_wait3A, %dma_wait3A_87] : memref<3x120x128xf32, #tpu.memory_space<vmem>> -> memref<1x120x128xf32, #tpu.memory_space<vmem>>
      %dma_wait3A_89 = tpu.memref_squeeze %dma_wait3A_88 : memref<1x120x128xf32, #tpu.memory_space<vmem>> -> memref<120x128xf32, #tpu.memory_space<vmem>>
      %dma_wait3A_90 = arith.constant 0 : i32
      %dma_wait3A_91 = tpu.memref_slice %arg9[%add3A_9, %dma_wait3A_90] : memref<10112x128xf32, #tpu.memory_space<vmem_shared>> -> memref<120x128xf32, #tpu.memory_space<vmem_shared>>
      %dma_wait3A_92 = arith.constant 0 : i32
      %dma_wait3A_93 = tpu.memref_slice %arg9[%add3A_9, %dma_wait3A_92] : memref<10112x128xf32, #tpu.memory_space<vmem_shared>> -> memref<120x128xf32, #tpu.memory_space<vmem_shared>>
      %dma_wait3A_94 = arith.constant 0 : i32
      %dma_wait3A_95 = arith.constant 0 : i32
      %dma_wait3A_96 = tpu.memref_slice %arg8[%run_scoped3A, %dma_wait3A_94, %dma_wait3A_95] : memref<3x120x128xf32, #tpu.memory_space<vmem>> -> memref<1x120x128xf32, #tpu.memory_space<vmem>>
      %dma_wait3A_97 = tpu.memref_squeeze %dma_wait3A_96 : memref<1x120x128xf32, #tpu.memory_space<vmem>> -> memref<120x128xf32, #tpu.memory_space<vmem>>
      tpu.wait_dma2 semaphore(%run_scoped3A_74 : memref<!tpu.dma_semaphore, #tpu.memory_space<semaphore_mem>>) src(%dma_wait3A_97 : memref<120x128xf32, #tpu.memory_space<vmem>>) dst(%dma_wait3A_93 : memref<120x128xf32, #tpu.memory_space<vmem_shared>>)
      tpu.yield
    }) : () -> ()
    %add3A_10 = arith.constant 120 : i32
    %add3A_11 = arith.addi %mul3A_7, %add3A_10 : i32
    %run_scoped3A_12 = arith.constant 0 : i32
    "tpu.region"() ({
      %run_scoped3A_74 = tpu.sem_alloc : memref<!tpu.dma_semaphore, #tpu.memory_space<semaphore_mem>>
      %dma_start3A_75 = arith.constant 0 : i32
      %dma_start3A_76 = arith.constant 0 : i32
      %dma_start3A_77 = tpu.memref_slice %arg8[%run_scoped3A_12, %dma_start3A_75, %dma_start3A_76] : memref<3x120x128xf32, #tpu.memory_space<vmem>> -> memref<1x120x128xf32, #tpu.memory_space<vmem>>
      %dma_start3A_78 = tpu.memref_squeeze %dma_start3A_77 : memref<1x120x128xf32, #tpu.memory_space<vmem>> -> memref<120x128xf32, #tpu.memory_space<vmem>>
      %dma_start3A_79 = arith.constant 0 : i32
      %dma_start3A_80 = tpu.memref_slice %arg9[%add3A_11, %dma_start3A_79] : memref<10112x128xf32, #tpu.memory_space<vmem_shared>> -> memref<120x128xf32, #tpu.memory_space<vmem_shared>>
      %dma_start3A_81 = arith.constant 0 : i32
      %dma_start3A_82 = tpu.memref_slice %arg9[%add3A_11, %dma_start3A_81] : memref<10112x128xf32, #tpu.memory_space<vmem_shared>> -> memref<120x128xf32, #tpu.memory_space<vmem_shared>>
      %dma_start3A_83 = arith.constant 0 : i32
      %dma_start3A_84 = arith.constant 0 : i32
      %dma_start3A_85 = tpu.memref_slice %arg8[%run_scoped3A_12, %dma_start3A_83, %dma_start3A_84] : memref<3x120x128xf32, #tpu.memory_space<vmem>> -> memref<1x120x128xf32, #tpu.memory_space<vmem>>
      %dma_start3A_86 = tpu.memref_squeeze %dma_start3A_85 : memref<1x120x128xf32, #tpu.memory_space<vmem>> -> memref<120x128xf32, #tpu.memory_space<vmem>>
      tpu.enqueue_dma source(%dma_start3A_86 : memref<120x128xf32, #tpu.memory_space<vmem>>) target(%dma_start3A_82 : memref<120x128xf32, #tpu.memory_space<vmem_shared>>) target_semaphore(%run_scoped3A_74 : memref<!tpu.dma_semaphore, #tpu.memory_space<semaphore_mem>>)
      %dma_wait3A = arith.constant 0 : i32
      %dma_wait3A_87 = arith.constant 0 : i32
      %dma_wait3A_88 = tpu.memref_slice %arg8[%run_scoped3A_12, %dma_wait3A, %dma_wait3A_87] : memref<3x120x128xf32, #tpu.memory_space<vmem>> -> memref<1x120x128xf32, #tpu.memory_space<vmem>>
      %dma_wait3A_89 = tpu.memref_squeeze %dma_wait3A_88 : memref<1x120x128xf32, #tpu.memory_space<vmem>> -> memref<120x128xf32, #tpu.memory_space<vmem>>
      %dma_wait3A_90 = arith.constant 0 : i32
      %dma_wait3A_91 = tpu.memref_slice %arg9[%add3A_11, %dma_wait3A_90] : memref<10112x128xf32, #tpu.memory_space<vmem_shared>> -> memref<120x128xf32, #tpu.memory_space<vmem_shared>>
      %dma_wait3A_92 = arith.constant 0 : i32
      %dma_wait3A_93 = tpu.memref_slice %arg9[%add3A_11, %dma_wait3A_92] : memref<10112x128xf32, #tpu.memory_space<vmem_shared>> -> memref<120x128xf32, #tpu.memory_space<vmem_shared>>
      %dma_wait3A_94 = arith.constant 0 : i32
      %dma_wait3A_95 = arith.constant 0 : i32
      %dma_wait3A_96 = tpu.memref_slice %arg8[%run_scoped3A_12, %dma_wait3A_94, %dma_wait3A_95] : memref<3x120x128xf32, #tpu.memory_space<vmem>> -> memref<1x120x128xf32, #tpu.memory_space<vmem>>
      %dma_wait3A_97 = tpu.memref_squeeze %dma_wait3A_96 : memref<1x120x128xf32, #tpu.memory_space<vmem>> -> memref<120x128xf32, #tpu.memory_space<vmem>>
      tpu.wait_dma2 semaphore(%run_scoped3A_74 : memref<!tpu.dma_semaphore, #tpu.memory_space<semaphore_mem>>) src(%dma_wait3A_97 : memref<120x128xf32, #tpu.memory_space<vmem>>) dst(%dma_wait3A_93 : memref<120x128xf32, #tpu.memory_space<vmem_shared>>)
      tpu.yield
    }) : () -> ()
    %add3A_13 = arith.constant 240 : i32
    %add3A_14 = arith.addi %mul3A_7, %add3A_13 : i32
    %run_scoped3A_15 = arith.constant 0 : i32
    "tpu.region"() ({
      %run_scoped3A_74 = tpu.sem_alloc : memref<!tpu.dma_semaphore, #tpu.memory_space<semaphore_mem>>
      %dma_start3A_75 = arith.constant 0 : i32
      %dma_start3A_76 = arith.constant 0 : i32
      %dma_start3A_77 = tpu.memref_slice %arg8[%run_scoped3A_15, %dma_start3A_75, %dma_start3A_76] : memref<3x120x128xf32, #tpu.memory_space<vmem>> -> memref<1x120x128xf32, #tpu.memory_space<vmem>>
      %dma_start3A_78 = tpu.memref_squeeze %dma_start3A_77 : memref<1x120x128xf32, #tpu.memory_space<vmem>> -> memref<120x128xf32, #tpu.memory_space<vmem>>
      %dma_start3A_79 = arith.constant 0 : i32
      %dma_start3A_80 = tpu.memref_slice %arg9[%add3A_14, %dma_start3A_79] : memref<10112x128xf32, #tpu.memory_space<vmem_shared>> -> memref<120x128xf32, #tpu.memory_space<vmem_shared>>
      %dma_start3A_81 = arith.constant 0 : i32
      %dma_start3A_82 = tpu.memref_slice %arg9[%add3A_14, %dma_start3A_81] : memref<10112x128xf32, #tpu.memory_space<vmem_shared>> -> memref<120x128xf32, #tpu.memory_space<vmem_shared>>
      %dma_start3A_83 = arith.constant 0 : i32
      %dma_start3A_84 = arith.constant 0 : i32
      %dma_start3A_85 = tpu.memref_slice %arg8[%run_scoped3A_15, %dma_start3A_83, %dma_start3A_84] : memref<3x120x128xf32, #tpu.memory_space<vmem>> -> memref<1x120x128xf32, #tpu.memory_space<vmem>>
      %dma_start3A_86 = tpu.memref_squeeze %dma_start3A_85 : memref<1x120x128xf32, #tpu.memory_space<vmem>> -> memref<120x128xf32, #tpu.memory_space<vmem>>
      tpu.enqueue_dma source(%dma_start3A_86 : memref<120x128xf32, #tpu.memory_space<vmem>>) target(%dma_start3A_82 : memref<120x128xf32, #tpu.memory_space<vmem_shared>>) target_semaphore(%run_scoped3A_74 : memref<!tpu.dma_semaphore, #tpu.memory_space<semaphore_mem>>)
      %dma_wait3A = arith.constant 0 : i32
      %dma_wait3A_87 = arith.constant 0 : i32
      %dma_wait3A_88 = tpu.memref_slice %arg8[%run_scoped3A_15, %dma_wait3A, %dma_wait3A_87] : memref<3x120x128xf32, #tpu.memory_space<vmem>> -> memref<1x120x128xf32, #tpu.memory_space<vmem>>
      %dma_wait3A_89 = tpu.memref_squeeze %dma_wait3A_88 : memref<1x120x128xf32, #tpu.memory_space<vmem>> -> memref<120x128xf32, #tpu.memory_space<vmem>>
      %dma_wait3A_90 = arith.constant 0 : i32
      %dma_wait3A_91 = tpu.memref_slice %arg9[%add3A_14, %dma_wait3A_90] : memref<10112x128xf32, #tpu.memory_space<vmem_shared>> -> memref<120x128xf32, #tpu.memory_space<vmem_shared>>
      %dma_wait3A_92 = arith.constant 0 : i32
      %dma_wait3A_93 = tpu.memref_slice %arg9[%add3A_14, %dma_wait3A_92] : memref<10112x128xf32, #tpu.memory_space<vmem_shared>> -> memref<120x128xf32, #tpu.memory_space<vmem_shared>>
      %dma_wait3A_94 = arith.constant 0 : i32
      %dma_wait3A_95 = arith.constant 0 : i32
      %dma_wait3A_96 = tpu.memref_slice %arg8[%run_scoped3A_15, %dma_wait3A_94, %dma_wait3A_95] : memref<3x120x128xf32, #tpu.memory_space<vmem>> -> memref<1x120x128xf32, #tpu.memory_space<vmem>>
      %dma_wait3A_97 = tpu.memref_squeeze %dma_wait3A_96 : memref<1x120x128xf32, #tpu.memory_space<vmem>> -> memref<120x128xf32, #tpu.memory_space<vmem>>
      tpu.wait_dma2 semaphore(%run_scoped3A_74 : memref<!tpu.dma_semaphore, #tpu.memory_space<semaphore_mem>>) src(%dma_wait3A_97 : memref<120x128xf32, #tpu.memory_space<vmem>>) dst(%dma_wait3A_93 : memref<120x128xf32, #tpu.memory_space<vmem_shared>>)
      tpu.yield
    }) : () -> ()
    %add3A_16 = arith.constant 360 : i32
    %add3A_17 = arith.addi %mul3A_7, %add3A_16 : i32
    %run_scoped3A_18 = arith.constant 0 : i32
    "tpu.region"() ({
      %run_scoped3A_74 = tpu.sem_alloc : memref<!tpu.dma_semaphore, #tpu.memory_space<semaphore_mem>>
      %dma_start3A_75 = arith.constant 0 : i32
      %dma_start3A_76 = arith.constant 0 : i32
      %dma_start3A_77 = tpu.memref_slice %arg8[%run_scoped3A_18, %dma_start3A_75, %dma_start3A_76] : memref<3x120x128xf32, #tpu.memory_space<vmem>> -> memref<1x120x128xf32, #tpu.memory_space<vmem>>
      %dma_start3A_78 = tpu.memref_squeeze %dma_start3A_77 : memref<1x120x128xf32, #tpu.memory_space<vmem>> -> memref<120x128xf32, #tpu.memory_space<vmem>>
      %dma_start3A_79 = arith.constant 0 : i32
      %dma_start3A_80 = tpu.memref_slice %arg9[%add3A_17, %dma_start3A_79] : memref<10112x128xf32, #tpu.memory_space<vmem_shared>> -> memref<120x128xf32, #tpu.memory_space<vmem_shared>>
      %dma_start3A_81 = arith.constant 0 : i32
      %dma_start3A_82 = tpu.memref_slice %arg9[%add3A_17, %dma_start3A_81] : memref<10112x128xf32, #tpu.memory_space<vmem_shared>> -> memref<120x128xf32, #tpu.memory_space<vmem_shared>>
      %dma_start3A_83 = arith.constant 0 : i32
      %dma_start3A_84 = arith.constant 0 : i32
      %dma_start3A_85 = tpu.memref_slice %arg8[%run_scoped3A_18, %dma_start3A_83, %dma_start3A_84] : memref<3x120x128xf32, #tpu.memory_space<vmem>> -> memref<1x120x128xf32, #tpu.memory_space<vmem>>
      %dma_start3A_86 = tpu.memref_squeeze %dma_start3A_85 : memref<1x120x128xf32, #tpu.memory_space<vmem>> -> memref<120x128xf32, #tpu.memory_space<vmem>>
      tpu.enqueue_dma source(%dma_start3A_86 : memref<120x128xf32, #tpu.memory_space<vmem>>) target(%dma_start3A_82 : memref<120x128xf32, #tpu.memory_space<vmem_shared>>) target_semaphore(%run_scoped3A_74 : memref<!tpu.dma_semaphore, #tpu.memory_space<semaphore_mem>>)
      %dma_wait3A = arith.constant 0 : i32
      %dma_wait3A_87 = arith.constant 0 : i32
      %dma_wait3A_88 = tpu.memref_slice %arg8[%run_scoped3A_18, %dma_wait3A, %dma_wait3A_87] : memref<3x120x128xf32, #tpu.memory_space<vmem>> -> memref<1x120x128xf32, #tpu.memory_space<vmem>>
      %dma_wait3A_89 = tpu.memref_squeeze %dma_wait3A_88 : memref<1x120x128xf32, #tpu.memory_space<vmem>> -> memref<120x128xf32, #tpu.memory_space<vmem>>
      %dma_wait3A_90 = arith.constant 0 : i32
      %dma_wait3A_91 = tpu.memref_slice %arg9[%add3A_17, %dma_wait3A_90] : memref<10112x128xf32, #tpu.memory_space<vmem_shared>> -> memref<120x128xf32, #tpu.memory_space<vmem_shared>>
      %dma_wait3A_92 = arith.constant 0 : i32
      %dma_wait3A_93 = tpu.memref_slice %arg9[%add3A_17, %dma_wait3A_92] : memref<10112x128xf32, #tpu.memory_space<vmem_shared>> -> memref<120x128xf32, #tpu.memory_space<vmem_shared>>
      %dma_wait3A_94 = arith.constant 0 : i32
      %dma_wait3A_95 = arith.constant 0 : i32
      %dma_wait3A_96 = tpu.memref_slice %arg8[%run_scoped3A_18, %dma_wait3A_94, %dma_wait3A_95] : memref<3x120x128xf32, #tpu.memory_space<vmem>> -> memref<1x120x128xf32, #tpu.memory_space<vmem>>
      %dma_wait3A_97 = tpu.memref_squeeze %dma_wait3A_96 : memref<1x120x128xf32, #tpu.memory_space<vmem>> -> memref<120x128xf32, #tpu.memory_space<vmem>>
      tpu.wait_dma2 semaphore(%run_scoped3A_74 : memref<!tpu.dma_semaphore, #tpu.memory_space<semaphore_mem>>) src(%dma_wait3A_97 : memref<120x128xf32, #tpu.memory_space<vmem>>) dst(%dma_wait3A_93 : memref<120x128xf32, #tpu.memory_space<vmem_shared>>)
      tpu.yield
    }) : () -> ()
    %add3A_19 = arith.constant 480 : i32
    %add3A_20 = arith.addi %mul3A_7, %add3A_19 : i32
    %run_scoped3A_21 = arith.constant 0 : i32
    "tpu.region"() ({
      %run_scoped3A_74 = tpu.sem_alloc : memref<!tpu.dma_semaphore, #tpu.memory_space<semaphore_mem>>
      %dma_start3A_75 = arith.constant 0 : i32
      %dma_start3A_76 = arith.constant 0 : i32
      %dma_start3A_77 = tpu.memref_slice %arg8[%run_scoped3A_21, %dma_start3A_75, %dma_start3A_76] : memref<3x120x128xf32, #tpu.memory_space<vmem>> -> memref<1x120x128xf32, #tpu.memory_space<vmem>>
      %dma_start3A_78 = tpu.memref_squeeze %dma_start3A_77 : memref<1x120x128xf32, #tpu.memory_space<vmem>> -> memref<120x128xf32, #tpu.memory_space<vmem>>
      %dma_start3A_79 = arith.constant 0 : i32
      %dma_start3A_80 = tpu.memref_slice %arg9[%add3A_20, %dma_start3A_79] : memref<10112x128xf32, #tpu.memory_space<vmem_shared>> -> memref<120x128xf32, #tpu.memory_space<vmem_shared>>
      %dma_start3A_81 = arith.constant 0 : i32
      %dma_start3A_82 = tpu.memref_slice %arg9[%add3A_20, %dma_start3A_81] : memref<10112x128xf32, #tpu.memory_space<vmem_shared>> -> memref<120x128xf32, #tpu.memory_space<vmem_shared>>
      %dma_start3A_83 = arith.constant 0 : i32
      %dma_start3A_84 = arith.constant 0 : i32
      %dma_start3A_85 = tpu.memref_slice %arg8[%run_scoped3A_21, %dma_start3A_83, %dma_start3A_84] : memref<3x120x128xf32, #tpu.memory_space<vmem>> -> memref<1x120x128xf32, #tpu.memory_space<vmem>>
      %dma_start3A_86 = tpu.memref_squeeze %dma_start3A_85 : memref<1x120x128xf32, #tpu.memory_space<vmem>> -> memref<120x128xf32, #tpu.memory_space<vmem>>
      tpu.enqueue_dma source(%dma_start3A_86 : memref<120x128xf32, #tpu.memory_space<vmem>>) target(%dma_start3A_82 : memref<120x128xf32, #tpu.memory_space<vmem_shared>>) target_semaphore(%run_scoped3A_74 : memref<!tpu.dma_semaphore, #tpu.memory_space<semaphore_mem>>)
      %dma_wait3A = arith.constant 0 : i32
      %dma_wait3A_87 = arith.constant 0 : i32
      %dma_wait3A_88 = tpu.memref_slice %arg8[%run_scoped3A_21, %dma_wait3A, %dma_wait3A_87] : memref<3x120x128xf32, #tpu.memory_space<vmem>> -> memref<1x120x128xf32, #tpu.memory_space<vmem>>
      %dma_wait3A_89 = tpu.memref_squeeze %dma_wait3A_88 : memref<1x120x128xf32, #tpu.memory_space<vmem>> -> memref<120x128xf32, #tpu.memory_space<vmem>>
      %dma_wait3A_90 = arith.constant 0 : i32
      %dma_wait3A_91 = tpu.memref_slice %arg9[%add3A_20, %dma_wait3A_90] : memref<10112x128xf32, #tpu.memory_space<vmem_shared>> -> memref<120x128xf32, #tpu.memory_space<vmem_shared>>
      %dma_wait3A_92 = arith.constant 0 : i32
      %dma_wait3A_93 = tpu.memref_slice %arg9[%add3A_20, %dma_wait3A_92] : memref<10112x128xf32, #tpu.memory_space<vmem_shared>> -> memref<120x128xf32, #tpu.memory_space<vmem_shared>>
      %dma_wait3A_94 = arith.constant 0 : i32
      %dma_wait3A_95 = arith.constant 0 : i32
      %dma_wait3A_96 = tpu.memref_slice %arg8[%run_scoped3A_21, %dma_wait3A_94, %dma_wait3A_95] : memref<3x120x128xf32, #tpu.memory_space<vmem>> -> memref<1x120x128xf32, #tpu.memory_space<vmem>>
      %dma_wait3A_97 = tpu.memref_squeeze %dma_wait3A_96 : memref<1x120x128xf32, #tpu.memory_space<vmem>> -> memref<120x128xf32, #tpu.memory_space<vmem>>
      tpu.wait_dma2 semaphore(%run_scoped3A_74 : memref<!tpu.dma_semaphore, #tpu.memory_space<semaphore_mem>>) src(%dma_wait3A_97 : memref<120x128xf32, #tpu.memory_space<vmem>>) dst(%dma_wait3A_93 : memref<120x128xf32, #tpu.memory_space<vmem_shared>>)
      tpu.yield
    }) : () -> ()
    %add3A_22 = arith.constant 600 : i32
    %add3A_23 = arith.addi %mul3A_7, %add3A_22 : i32
    %run_scoped3A_24 = arith.constant 0 : i32
    "tpu.region"() ({
      %run_scoped3A_74 = tpu.sem_alloc : memref<!tpu.dma_semaphore, #tpu.memory_space<semaphore_mem>>
      %dma_start3A_75 = arith.constant 0 : i32
      %dma_start3A_76 = arith.constant 0 : i32
      %dma_start3A_77 = tpu.memref_slice %arg8[%run_scoped3A_24, %dma_start3A_75, %dma_start3A_76] : memref<3x120x128xf32, #tpu.memory_space<vmem>> -> memref<1x32x128xf32, #tpu.memory_space<vmem>>
      %dma_start3A_78 = tpu.memref_squeeze %dma_start3A_77 : memref<1x32x128xf32, #tpu.memory_space<vmem>> -> memref<32x128xf32, #tpu.memory_space<vmem>>
      %dma_start3A_79 = arith.constant 0 : i32
      %dma_start3A_80 = tpu.memref_slice %arg9[%add3A_23, %dma_start3A_79] : memref<10112x128xf32, #tpu.memory_space<vmem_shared>> -> memref<32x128xf32, #tpu.memory_space<vmem_shared>>
      %dma_start3A_81 = arith.constant 0 : i32
      %dma_start3A_82 = tpu.memref_slice %arg9[%add3A_23, %dma_start3A_81] : memref<10112x128xf32, #tpu.memory_space<vmem_shared>> -> memref<32x128xf32, #tpu.memory_space<vmem_shared>>
      %dma_start3A_83 = arith.constant 0 : i32
      %dma_start3A_84 = arith.constant 0 : i32
      %dma_start3A_85 = tpu.memref_slice %arg8[%run_scoped3A_24, %dma_start3A_83, %dma_start3A_84] : memref<3x120x128xf32, #tpu.memory_space<vmem>> -> memref<1x32x128xf32, #tpu.memory_space<vmem>>
      %dma_start3A_86 = tpu.memref_squeeze %dma_start3A_85 : memref<1x32x128xf32, #tpu.memory_space<vmem>> -> memref<32x128xf32, #tpu.memory_space<vmem>>
      tpu.enqueue_dma source(%dma_start3A_86 : memref<32x128xf32, #tpu.memory_space<vmem>>) target(%dma_start3A_82 : memref<32x128xf32, #tpu.memory_space<vmem_shared>>) target_semaphore(%run_scoped3A_74 : memref<!tpu.dma_semaphore, #tpu.memory_space<semaphore_mem>>)
      %dma_wait3A = arith.constant 0 : i32
      %dma_wait3A_87 = arith.constant 0 : i32
      %dma_wait3A_88 = tpu.memref_slice %arg8[%run_scoped3A_24, %dma_wait3A, %dma_wait3A_87] : memref<3x120x128xf32, #tpu.memory_space<vmem>> -> memref<1x32x128xf32, #tpu.memory_space<vmem>>
      %dma_wait3A_89 = tpu.memref_squeeze %dma_wait3A_88 : memref<1x32x128xf32, #tpu.memory_space<vmem>> -> memref<32x128xf32, #tpu.memory_space<vmem>>
      %dma_wait3A_90 = arith.constant 0 : i32
      %dma_wait3A_91 = tpu.memref_slice %arg9[%add3A_23, %dma_wait3A_90] : memref<10112x128xf32, #tpu.memory_space<vmem_shared>> -> memref<32x128xf32, #tpu.memory_space<vmem_shared>>
      %dma_wait3A_92 = arith.constant 0 : i32
      %dma_wait3A_93 = tpu.memref_slice %arg9[%add3A_23, %dma_wait3A_92] : memref<10112x128xf32, #tpu.memory_space<vmem_shared>> -> memref<32x128xf32, #tpu.memory_space<vmem_shared>>
      %dma_wait3A_94 = arith.constant 0 : i32
      %dma_wait3A_95 = arith.constant 0 : i32
      %dma_wait3A_96 = tpu.memref_slice %arg8[%run_scoped3A_24, %dma_wait3A_94, %dma_wait3A_95] : memref<3x120x128xf32, #tpu.memory_space<vmem>> -> memref<1x32x128xf32, #tpu.memory_space<vmem>>
      %dma_wait3A_97 = tpu.memref_squeeze %dma_wait3A_96 : memref<1x32x128xf32, #tpu.memory_space<vmem>> -> memref<32x128xf32, #tpu.memory_space<vmem>>
      tpu.wait_dma2 semaphore(%run_scoped3A_74 : memref<!tpu.dma_semaphore, #tpu.memory_space<semaphore_mem>>) src(%dma_wait3A_97 : memref<32x128xf32, #tpu.memory_space<vmem>>) dst(%dma_wait3A_93 : memref<32x128xf32, #tpu.memory_space<vmem_shared>>)
      tpu.yield
    }) : () -> ()
    %barrier3A = arith.constant 0 : index
    tpu.barrier barrier_id(%barrier3A)
    %run_scoped3A_25 = arith.constant 0 : i32
    %run_scoped3A_26 = arith.constant 0 : i32
    "tpu.region"() ({
      %run_scoped3A_74 = tpu.sem_alloc : memref<!tpu.dma_semaphore, #tpu.memory_space<semaphore_mem>>
      %dma_start3A_75 = arith.constant 0 : i32
      %dma_start3A_76 = arith.constant 0 : i32
      %dma_start3A_77 = tpu.memref_slice %arg6[%run_scoped3A_26, %dma_start3A_75, %dma_start3A_76] : memref<2x3x120xi32, #tpu.memory_space<vmem>> -> memref<1x3x120xi32, #tpu.memory_space<vmem>>
      %dma_start3A_78 = tpu.memref_squeeze %dma_start3A_77 : memref<1x3x120xi32, #tpu.memory_space<vmem>> -> memref<3x120xi32, #tpu.memory_space<vmem>>
      %dma_start3A_79 = arith.constant 0 : i32
      %dma_start3A_80 = arith.constant 0 : i32
      %dma_start3A_81 = tpu.memref_slice %arg3[%add3A, %run_scoped3A_25, %dma_start3A_79, %dma_start3A_80] : memref<32x28x3x120xi32, #tpu.memory_space<hbm>> -> memref<1x1x3x120xi32, #tpu.memory_space<hbm>>
      %dma_start3A_82 = tpu.memref_squeeze %dma_start3A_81 : memref<1x1x3x120xi32, #tpu.memory_space<hbm>> -> memref<3x120xi32, #tpu.memory_space<hbm>>
      %dma_start3A_83 = arith.constant 0 : i32
      %dma_start3A_84 = arith.constant 0 : i32
      %dma_start3A_85 = tpu.memref_slice %arg6[%run_scoped3A_26, %dma_start3A_83, %dma_start3A_84] : memref<2x3x120xi32, #tpu.memory_space<vmem>> -> memref<1x3x120xi32, #tpu.memory_space<vmem>>
      %dma_start3A_86 = tpu.memref_squeeze %dma_start3A_85 : memref<1x3x120xi32, #tpu.memory_space<vmem>> -> memref<3x120xi32, #tpu.memory_space<vmem>>
      %dma_start3A_87 = arith.constant 0 : i32
      %dma_start3A_88 = arith.constant 0 : i32
      %dma_start3A_89 = tpu.memref_slice %arg3[%add3A, %run_scoped3A_25, %dma_start3A_87, %dma_start3A_88] : memref<32x28x3x120xi32, #tpu.memory_space<hbm>> -> memref<1x1x3x120xi32, #tpu.memory_space<hbm>>
      %dma_start3A_90 = tpu.memref_squeeze %dma_start3A_89 : memref<1x1x3x120xi32, #tpu.memory_space<hbm>> -> memref<3x120xi32, #tpu.memory_space<hbm>>
      tpu.enqueue_dma source(%dma_start3A_90 : memref<3x120xi32, #tpu.memory_space<hbm>>) target(%dma_start3A_86 : memref<3x120xi32, #tpu.memory_space<vmem>>) target_semaphore(%run_scoped3A_74 : memref<!tpu.dma_semaphore, #tpu.memory_space<semaphore_mem>>)
      %dma_wait3A = arith.constant 0 : i32
      %dma_wait3A_91 = arith.constant 0 : i32
      %dma_wait3A_92 = tpu.memref_slice %arg6[%run_scoped3A_26, %dma_wait3A, %dma_wait3A_91] : memref<2x3x120xi32, #tpu.memory_space<vmem>> -> memref<1x3x120xi32, #tpu.memory_space<vmem>>
      %dma_wait3A_93 = tpu.memref_squeeze %dma_wait3A_92 : memref<1x3x120xi32, #tpu.memory_space<vmem>> -> memref<3x120xi32, #tpu.memory_space<vmem>>
      %dma_wait3A_94 = arith.constant 0 : i32
      %dma_wait3A_95 = arith.constant 0 : i32
      %dma_wait3A_96 = tpu.memref_slice %arg3[%add3A, %run_scoped3A_25, %dma_wait3A_94, %dma_wait3A_95] : memref<32x28x3x120xi32, #tpu.memory_space<hbm>> -> memref<1x1x3x120xi32, #tpu.memory_space<hbm>>
      %dma_wait3A_97 = tpu.memref_squeeze %dma_wait3A_96 : memref<1x1x3x120xi32, #tpu.memory_space<hbm>> -> memref<3x120xi32, #tpu.memory_space<hbm>>
      %dma_wait3A_98 = arith.constant 0 : i32
      %dma_wait3A_99 = arith.constant 0 : i32
      %dma_wait3A_100 = tpu.memref_slice %arg6[%run_scoped3A_26, %dma_wait3A_98, %dma_wait3A_99] : memref<2x3x120xi32, #tpu.memory_space<vmem>> -> memref<1x3x120xi32, #tpu.memory_space<vmem>>
      %dma_wait3A_101 = tpu.memref_squeeze %dma_wait3A_100 : memref<1x3x120xi32, #tpu.memory_space<vmem>> -> memref<3x120xi32, #tpu.memory_space<vmem>>
      %dma_wait3A_102 = arith.constant 0 : i32
      %dma_wait3A_103 = arith.constant 0 : i32
      %dma_wait3A_104 = tpu.memref_slice %arg3[%add3A, %run_scoped3A_25, %dma_wait3A_102, %dma_wait3A_103] : memref<32x28x3x120xi32, #tpu.memory_space<hbm>> -> memref<1x1x3x120xi32, #tpu.memory_space<hbm>>
      %dma_wait3A_105 = tpu.memref_squeeze %dma_wait3A_104 : memref<1x1x3x120xi32, #tpu.memory_space<hbm>> -> memref<3x120xi32, #tpu.memory_space<hbm>>
      tpu.wait_dma2 semaphore(%run_scoped3A_74 : memref<!tpu.dma_semaphore, #tpu.memory_space<semaphore_mem>>) src(%dma_wait3A_105 : memref<3x120xi32, #tpu.memory_space<hbm>>) dst(%dma_wait3A_101 : memref<3x120xi32, #tpu.memory_space<vmem>>)
      tpu.yield
    }) : () -> ()
    %run_scoped3A_27 = arith.constant 0 : i32
    %run_scoped3A_28 = arith.constant 0 : i32
    "tpu.region"() ({
      %run_scoped3A_74 = tpu.sem_alloc : memref<!tpu.dma_semaphore, #tpu.memory_space<semaphore_mem>>
      %dma_start3A_75 = arith.constant 0 : i32
      %dma_start3A_76 = arith.constant 0 : i32
      %dma_start3A_77 = tpu.memref_slice %arg7[%run_scoped3A_28, %dma_start3A_75, %dma_start3A_76] : memref<2x3x120xi32, #tpu.memory_space<vmem>> -> memref<1x3x120xi32, #tpu.memory_space<vmem>>
      %dma_start3A_78 = tpu.memref_squeeze %dma_start3A_77 : memref<1x3x120xi32, #tpu.memory_space<vmem>> -> memref<3x120xi32, #tpu.memory_space<vmem>>
      %dma_start3A_79 = arith.constant 0 : i32
      %dma_start3A_80 = arith.constant 0 : i32
      %dma_start3A_81 = tpu.memref_slice %arg4[%add3A, %run_scoped3A_27, %dma_start3A_79, %dma_start3A_80] : memref<32x28x3x120xi32, #tpu.memory_space<hbm>> -> memref<1x1x3x120xi32, #tpu.memory_space<hbm>>
      %dma_start3A_82 = tpu.memref_squeeze %dma_start3A_81 : memref<1x1x3x120xi32, #tpu.memory_space<hbm>> -> memref<3x120xi32, #tpu.memory_space<hbm>>
      %dma_start3A_83 = arith.constant 0 : i32
      %dma_start3A_84 = arith.constant 0 : i32
      %dma_start3A_85 = tpu.memref_slice %arg7[%run_scoped3A_28, %dma_start3A_83, %dma_start3A_84] : memref<2x3x120xi32, #tpu.memory_space<vmem>> -> memref<1x3x120xi32, #tpu.memory_space<vmem>>
      %dma_start3A_86 = tpu.memref_squeeze %dma_start3A_85 : memref<1x3x120xi32, #tpu.memory_space<vmem>> -> memref<3x120xi32, #tpu.memory_space<vmem>>
      %dma_start3A_87 = arith.constant 0 : i32
      %dma_start3A_88 = arith.constant 0 : i32
      %dma_start3A_89 = tpu.memref_slice %arg4[%add3A, %run_scoped3A_27, %dma_start3A_87, %dma_start3A_88] : memref<32x28x3x120xi32, #tpu.memory_space<hbm>> -> memref<1x1x3x120xi32, #tpu.memory_space<hbm>>
      %dma_start3A_90 = tpu.memref_squeeze %dma_start3A_89 : memref<1x1x3x120xi32, #tpu.memory_space<hbm>> -> memref<3x120xi32, #tpu.memory_space<hbm>>
      tpu.enqueue_dma source(%dma_start3A_90 : memref<3x120xi32, #tpu.memory_space<hbm>>) target(%dma_start3A_86 : memref<3x120xi32, #tpu.memory_space<vmem>>) target_semaphore(%run_scoped3A_74 : memref<!tpu.dma_semaphore, #tpu.memory_space<semaphore_mem>>)
      %dma_wait3A = arith.constant 0 : i32
      %dma_wait3A_91 = arith.constant 0 : i32
      %dma_wait3A_92 = tpu.memref_slice %arg7[%run_scoped3A_28, %dma_wait3A, %dma_wait3A_91] : memref<2x3x120xi32, #tpu.memory_space<vmem>> -> memref<1x3x120xi32, #tpu.memory_space<vmem>>
      %dma_wait3A_93 = tpu.memref_squeeze %dma_wait3A_92 : memref<1x3x120xi32, #tpu.memory_space<vmem>> -> memref<3x120xi32, #tpu.memory_space<vmem>>
      %dma_wait3A_94 = arith.constant 0 : i32
      %dma_wait3A_95 = arith.constant 0 : i32
      %dma_wait3A_96 = tpu.memref_slice %arg4[%add3A, %run_scoped3A_27, %dma_wait3A_94, %dma_wait3A_95] : memref<32x28x3x120xi32, #tpu.memory_space<hbm>> -> memref<1x1x3x120xi32, #tpu.memory_space<hbm>>
      %dma_wait3A_97 = tpu.memref_squeeze %dma_wait3A_96 : memref<1x1x3x120xi32, #tpu.memory_space<hbm>> -> memref<3x120xi32, #tpu.memory_space<hbm>>
      %dma_wait3A_98 = arith.constant 0 : i32
      %dma_wait3A_99 = arith.constant 0 : i32
      %dma_wait3A_100 = tpu.memref_slice %arg7[%run_scoped3A_28, %dma_wait3A_98, %dma_wait3A_99] : memref<2x3x120xi32, #tpu.memory_space<vmem>> -> memref<1x3x120xi32, #tpu.memory_space<vmem>>
      %dma_wait3A_101 = tpu.memref_squeeze %dma_wait3A_100 : memref<1x3x120xi32, #tpu.memory_space<vmem>> -> memref<3x120xi32, #tpu.memory_space<vmem>>
      %dma_wait3A_102 = arith.constant 0 : i32
      %dma_wait3A_103 = arith.constant 0 : i32
      %dma_wait3A_104 = tpu.memref_slice %arg4[%add3A, %run_scoped3A_27, %dma_wait3A_102, %dma_wait3A_103] : memref<32x28x3x120xi32, #tpu.memory_space<hbm>> -> memref<1x1x3x120xi32, #tpu.memory_space<hbm>>
      %dma_wait3A_105 = tpu.memref_squeeze %dma_wait3A_104 : memref<1x1x3x120xi32, #tpu.memory_space<hbm>> -> memref<3x120xi32, #tpu.memory_space<hbm>>
      tpu.wait_dma2 semaphore(%run_scoped3A_74 : memref<!tpu.dma_semaphore, #tpu.memory_space<semaphore_mem>>) src(%dma_wait3A_105 : memref<3x120xi32, #tpu.memory_space<hbm>>) dst(%dma_wait3A_101 : memref<3x120xi32, #tpu.memory_space<vmem>>)
      tpu.yield
    }) : () -> ()
    %dma_start3A = arith.constant 0 : i32
    %dma_start3A_29 = arith.constant 0 : i32
    %dma_start3A_30 = arith.constant 0 : i32
    %dma_start3A_31 = arith.constant 0 : i32
    %dma_start3A_32 = arith.constant 0 : i32
    %dma_start3A_33 = tpu.memref_slice %arg8[%dma_start3A_30, %dma_start3A_31, %dma_start3A_32] : memref<3x120x128xf32, #tpu.memory_space<vmem>> -> memref<1x120x128xf32, #tpu.memory_space<vmem>>
    %dma_start3A_34 = tpu.memref_squeeze %dma_start3A_33 : memref<1x120x128xf32, #tpu.memory_space<vmem>> -> memref<120x128xf32, #tpu.memory_space<vmem>>
    %dma_start3A_35 = arith.constant 0 : i32
    %dma_start3A_36 = tpu.memref_slice %arg6[%dma_start3A, %dma_start3A_29, %dma_start3A_35] : memref<2x3x120xi32, #tpu.memory_space<vmem>> -> memref<1x1x120xi32, #tpu.memory_space<vmem>>
    %dma_start3A_37 = tpu.memref_squeeze %dma_start3A_36 : memref<1x1x120xi32, #tpu.memory_space<vmem>> -> memref<120xi32, #tpu.memory_space<vmem>>
    %dma_start3A_38 = arith.constant 0 : i32
    %dma_start3A_39 = arith.constant 0 : i32
    %dma_start3A_40 = tpu.memref_slice %arg2[%dma_start3A_38, %dma_start3A_39] : memref<10240x128xf32, #tpu.memory_space<hbm>> -> memref<10240x128xf32, #tpu.memory_space<hbm>>
    tpu.enqueue_indirect_dma source(%dma_start3A_40 : memref<10240x128xf32, #tpu.memory_space<hbm>>) target(%dma_start3A_34 : memref<120x128xf32, #tpu.memory_space<vmem>>) offsets(%dma_start3A_37 : memref<120xi32, #tpu.memory_space<vmem>>) semaphore(%arg10 : memref<!tpu.dma_semaphore, #tpu.memory_space<semaphore_mem>>)
    %dma_start3A_41 = arith.constant 0 : i32
    %dma_start3A_42 = arith.constant 1 : i32
    %dma_start3A_43 = arith.constant 1 : i32
    %dma_start3A_44 = arith.constant 0 : i32
    %dma_start3A_45 = arith.constant 0 : i32
    %dma_start3A_46 = tpu.memref_slice %arg8[%dma_start3A_43, %dma_start3A_44, %dma_start3A_45] : memref<3x120x128xf32, #tpu.memory_space<vmem>> -> memref<1x120x128xf32, #tpu.memory_space<vmem>>
    %dma_start3A_47 = tpu.memref_squeeze %dma_start3A_46 : memref<1x120x128xf32, #tpu.memory_space<vmem>> -> memref<120x128xf32, #tpu.memory_space<vmem>>
    %dma_start3A_48 = arith.constant 0 : i32
    %dma_start3A_49 = tpu.memref_slice %arg6[%dma_start3A_41, %dma_start3A_42, %dma_start3A_48] : memref<2x3x120xi32, #tpu.memory_space<vmem>> -> memref<1x1x120xi32, #tpu.memory_space<vmem>>
    %dma_start3A_50 = tpu.memref_squeeze %dma_start3A_49 : memref<1x1x120xi32, #tpu.memory_space<vmem>> -> memref<120xi32, #tpu.memory_space<vmem>>
    %dma_start3A_51 = arith.constant 0 : i32
    %dma_start3A_52 = arith.constant 0 : i32
    %dma_start3A_53 = tpu.memref_slice %arg2[%dma_start3A_51, %dma_start3A_52] : memref<10240x128xf32, #tpu.memory_space<hbm>> -> memref<10240x128xf32, #tpu.memory_space<hbm>>
    tpu.enqueue_indirect_dma source(%dma_start3A_53 : memref<10240x128xf32, #tpu.memory_space<hbm>>) target(%dma_start3A_47 : memref<120x128xf32, #tpu.memory_space<vmem>>) offsets(%dma_start3A_50 : memref<120xi32, #tpu.memory_space<vmem>>) semaphore(%arg11 : memref<!tpu.dma_semaphore, #tpu.memory_space<semaphore_mem>>)
    %dma_start3A_54 = arith.constant 0 : i32
    %dma_start3A_55 = arith.constant 2 : i32
    %dma_start3A_56 = arith.constant 2 : i32
    %dma_start3A_57 = arith.constant 0 : i32
    %dma_start3A_58 = arith.constant 0 : i32
    %dma_start3A_59 = tpu.memref_slice %arg8[%dma_start3A_56, %dma_start3A_57, %dma_start3A_58] : memref<3x120x128xf32, #tpu.memory_space<vmem>> -> memref<1x120x128xf32, #tpu.memory_space<vmem>>
    %dma_start3A_60 = tpu.memref_squeeze %dma_start3A_59 : memref<1x120x128xf32, #tpu.memory_space<vmem>> -> memref<120x128xf32, #tpu.memory_space<vmem>>
    %dma_start3A_61 = arith.constant 0 : i32
    %dma_start3A_62 = tpu.memref_slice %arg6[%dma_start3A_54, %dma_start3A_55, %dma_start3A_61] : memref<2x3x120xi32, #tpu.memory_space<vmem>> -> memref<1x1x120xi32, #tpu.memory_space<vmem>>
    %dma_start3A_63 = tpu.memref_squeeze %dma_start3A_62 : memref<1x1x120xi32, #tpu.memory_space<vmem>> -> memref<120xi32, #tpu.memory_space<vmem>>
    %dma_start3A_64 = arith.constant 0 : i32
    %dma_start3A_65 = arith.constant 0 : i32
    %dma_start3A_66 = tpu.memref_slice %arg2[%dma_start3A_64, %dma_start3A_65] : memref<10240x128xf32, #tpu.memory_space<hbm>> -> memref<10240x128xf32, #tpu.memory_space<hbm>>
    tpu.enqueue_indirect_dma source(%dma_start3A_66 : memref<10240x128xf32, #tpu.memory_space<hbm>>) target(%dma_start3A_60 : memref<120x128xf32, #tpu.memory_space<vmem>>) offsets(%dma_start3A_63 : memref<120xi32, #tpu.memory_space<vmem>>) semaphore(%arg12 : memref<!tpu.dma_semaphore, #tpu.memory_space<semaphore_mem>>)
    %scan3A_67 = arith.constant 0 : i32
    %scan3A_68 = arith.constant 0 : i32
    %scan3A_69 = arith.constant 28 : i32
    %scan3A_70 = arith.addi %scan3A_68, %scan3A_69 : i32
    %scan3A_71 = arith.constant 1 : i32
    scf.for %scan3A_74 = %scan3A_68 to %scan3A_70 step %scan3A_71  : i32 {
      %rem3A = arith.constant 2 : i32
      %rem3A_75 = arith.remsi %scan3A_74, %rem3A : i32
      %lt3A = arith.constant 27 : i32
      %lt3A_76 = arith.cmpi slt, %scan3A_74, %lt3A : i32
      %convert_element_type3A = arith.extui %lt3A_76 : i1 to i32
      %cond3A = arith.constant 0 : i32
      %cond3A_77 = arith.cmpi ne, %convert_element_type3A, %cond3A : i32
      scf.if %cond3A_77 {
        %add3A_205 = arith.constant 1 : i32
        %add3A_206 = arith.addi %scan3A_74, %add3A_205 : i32
        %sub3A = arith.constant 1 : i32
        %sub3A_207 = arith.subi %sub3A, %rem3A_75 : i32
        %dma_start3A_208 = arith.constant 0 : i32
        %dma_start3A_209 = arith.constant 0 : i32
        %dma_start3A_210 = tpu.memref_slice %arg6[%sub3A_207, %dma_start3A_208, %dma_start3A_209] : memref<2x3x120xi32, #tpu.memory_space<vmem>> -> memref<1x3x120xi32, #tpu.memory_space<vmem>>
        %dma_start3A_211 = tpu.memref_squeeze %dma_start3A_210 : memref<1x3x120xi32, #tpu.memory_space<vmem>> -> memref<3x120xi32, #tpu.memory_space<vmem>>
        %dma_start3A_212 = arith.constant 0 : i32
        %dma_start3A_213 = arith.constant 0 : i32
        %dma_start3A_214 = tpu.memref_slice %arg3[%add3A, %add3A_206, %dma_start3A_212, %dma_start3A_213] : memref<32x28x3x120xi32, #tpu.memory_space<hbm>> -> memref<1x1x3x120xi32, #tpu.memory_space<hbm>>
        %dma_start3A_215 = tpu.memref_squeeze %dma_start3A_214 : memref<1x1x3x120xi32, #tpu.memory_space<hbm>> -> memref<3x120xi32, #tpu.memory_space<hbm>>
        %dma_start3A_216 = arith.constant 0 : i32
        %dma_start3A_217 = arith.constant 0 : i32
        %dma_start3A_218 = tpu.memref_slice %arg6[%sub3A_207, %dma_start3A_216, %dma_start3A_217] : memref<2x3x120xi32, #tpu.memory_space<vmem>> -> memref<1x3x120xi32, #tpu.memory_space<vmem>>
        %dma_start3A_219 = tpu.memref_squeeze %dma_start3A_218 : memref<1x3x120xi32, #tpu.memory_space<vmem>> -> memref<3x120xi32, #tpu.memory_space<vmem>>
        %dma_start3A_220 = arith.constant 0 : i32
        %dma_start3A_221 = arith.constant 0 : i32
        %dma_start3A_222 = tpu.memref_slice %arg3[%add3A, %add3A_206, %dma_start3A_220, %dma_start3A_221] : memref<32x28x3x120xi32, #tpu.memory_space<hbm>> -> memref<1x1x3x120xi32, #tpu.memory_space<hbm>>
        %dma_start3A_223 = tpu.memref_squeeze %dma_start3A_222 : memref<1x1x3x120xi32, #tpu.memory_space<hbm>> -> memref<3x120xi32, #tpu.memory_space<hbm>>
        tpu.enqueue_dma source(%dma_start3A_223 : memref<3x120xi32, #tpu.memory_space<hbm>>) target(%dma_start3A_219 : memref<3x120xi32, #tpu.memory_space<vmem>>) target_semaphore(%arg16 : memref<!tpu.dma_semaphore, #tpu.memory_space<semaphore_mem>>)
        %add3A_224 = arith.constant 1 : i32
        %add3A_225 = arith.addi %scan3A_74, %add3A_224 : i32
        %sub3A_226 = arith.constant 1 : i32
        %sub3A_227 = arith.subi %sub3A_226, %rem3A_75 : i32
        %dma_start3A_228 = arith.constant 0 : i32
        %dma_start3A_229 = arith.constant 0 : i32
        %dma_start3A_230 = tpu.memref_slice %arg7[%sub3A_227, %dma_start3A_228, %dma_start3A_229] : memref<2x3x120xi32, #tpu.memory_space<vmem>> -> memref<1x3x120xi32, #tpu.memory_space<vmem>>
        %dma_start3A_231 = tpu.memref_squeeze %dma_start3A_230 : memref<1x3x120xi32, #tpu.memory_space<vmem>> -> memref<3x120xi32, #tpu.memory_space<vmem>>
        %dma_start3A_232 = arith.constant 0 : i32
        %dma_start3A_233 = arith.constant 0 : i32
        %dma_start3A_234 = tpu.memref_slice %arg4[%add3A, %add3A_225, %dma_start3A_232, %dma_start3A_233] : memref<32x28x3x120xi32, #tpu.memory_space<hbm>> -> memref<1x1x3x120xi32, #tpu.memory_space<hbm>>
        %dma_start3A_235 = tpu.memref_squeeze %dma_start3A_234 : memref<1x1x3x120xi32, #tpu.memory_space<hbm>> -> memref<3x120xi32, #tpu.memory_space<hbm>>
        %dma_start3A_236 = arith.constant 0 : i32
        %dma_start3A_237 = arith.constant 0 : i32
        %dma_start3A_238 = tpu.memref_slice %arg7[%sub3A_227, %dma_start3A_236, %dma_start3A_237] : memref<2x3x120xi32, #tpu.memory_space<vmem>> -> memref<1x3x120xi32, #tpu.memory_space<vmem>>
        %dma_start3A_239 = tpu.memref_squeeze %dma_start3A_238 : memref<1x3x120xi32, #tpu.memory_space<vmem>> -> memref<3x120xi32, #tpu.memory_space<vmem>>
        %dma_start3A_240 = arith.constant 0 : i32
        %dma_start3A_241 = arith.constant 0 : i32
        %dma_start3A_242 = tpu.memref_slice %arg4[%add3A, %add3A_225, %dma_start3A_240, %dma_start3A_241] : memref<32x28x3x120xi32, #tpu.memory_space<hbm>> -> memref<1x1x3x120xi32, #tpu.memory_space<hbm>>
        %dma_start3A_243 = tpu.memref_squeeze %dma_start3A_242 : memref<1x1x3x120xi32, #tpu.memory_space<hbm>> -> memref<3x120xi32, #tpu.memory_space<hbm>>
        tpu.enqueue_dma source(%dma_start3A_243 : memref<3x120xi32, #tpu.memory_space<hbm>>) target(%dma_start3A_239 : memref<3x120xi32, #tpu.memory_space<vmem>>) target_semaphore(%arg16 : memref<!tpu.dma_semaphore, #tpu.memory_space<semaphore_mem>>)
      } else {
      }
      %dma_wait3A = arith.constant 0 : i32
      %dma_wait3A_78 = arith.constant 0 : i32
      %dma_wait3A_79 = arith.constant 0 : i32
      %dma_wait3A_80 = arith.constant 0 : i32
      %dma_wait3A_81 = tpu.memref_slice %arg8[%dma_wait3A_78, %dma_wait3A_79, %dma_wait3A_80] : memref<3x120x128xf32, #tpu.memory_space<vmem>> -> memref<1x120x128xf32, #tpu.memory_space<vmem>>
      %dma_wait3A_82 = tpu.memref_squeeze %dma_wait3A_81 : memref<1x120x128xf32, #tpu.memory_space<vmem>> -> memref<120x128xf32, #tpu.memory_space<vmem>>
      %dma_wait3A_83 = arith.constant 0 : i32
      %dma_wait3A_84 = tpu.memref_slice %arg6[%rem3A_75, %dma_wait3A, %dma_wait3A_83] : memref<2x3x120xi32, #tpu.memory_space<vmem>> -> memref<1x1x120xi32, #tpu.memory_space<vmem>>
      %dma_wait3A_85 = tpu.memref_squeeze %dma_wait3A_84 : memref<1x1x120xi32, #tpu.memory_space<vmem>> -> memref<120xi32, #tpu.memory_space<vmem>>
      %dma_wait3A_86 = arith.constant 0 : i32
      %dma_wait3A_87 = arith.constant 0 : i32
      %dma_wait3A_88 = tpu.memref_slice %arg2[%dma_wait3A_86, %dma_wait3A_87] : memref<10240x128xf32, #tpu.memory_space<hbm>> -> memref<10240x128xf32, #tpu.memory_space<hbm>>
      tpu.wait_indirect_dma semaphore(%arg10 : memref<!tpu.dma_semaphore, #tpu.memory_space<semaphore_mem>>) src(%dma_wait3A_88 : memref<10240x128xf32, #tpu.memory_space<hbm>>) dst(%dma_wait3A_82 : memref<120x128xf32, #tpu.memory_space<vmem>>)
      %dma_start3A_89 = arith.constant 0 : i32
      %dma_start3A_90 = arith.constant 0 : i32
      %dma_start3A_91 = arith.constant 0 : i32
      %dma_start3A_92 = arith.constant 0 : i32
      %dma_start3A_93 = tpu.memref_slice %arg8[%dma_start3A_89, %dma_start3A_91, %dma_start3A_92] : memref<3x120x128xf32, #tpu.memory_space<vmem>> -> memref<1x120x128xf32, #tpu.memory_space<vmem>>
      %dma_start3A_94 = tpu.memref_squeeze %dma_start3A_93 : memref<1x120x128xf32, #tpu.memory_space<vmem>> -> memref<120x128xf32, #tpu.memory_space<vmem>>
      %dma_start3A_95 = arith.constant 0 : i32
      %dma_start3A_96 = tpu.memref_slice %arg7[%rem3A_75, %dma_start3A_90, %dma_start3A_95] : memref<2x3x120xi32, #tpu.memory_space<vmem>> -> memref<1x1x120xi32, #tpu.memory_space<vmem>>
      %dma_start3A_97 = tpu.memref_squeeze %dma_start3A_96 : memref<1x1x120xi32, #tpu.memory_space<vmem>> -> memref<120xi32, #tpu.memory_space<vmem>>
      %dma_start3A_98 = arith.constant 0 : i32
      %dma_start3A_99 = arith.constant 0 : i32
      %dma_start3A_100 = tpu.memref_slice %arg9[%dma_start3A_98, %dma_start3A_99] : memref<10112x128xf32, #tpu.memory_space<vmem_shared>> -> memref<10112x128xf32, #tpu.memory_space<vmem_shared>>
      tpu.enqueue_indirect_dma source(%dma_start3A_94 : memref<120x128xf32, #tpu.memory_space<vmem>>) target(%dma_start3A_100 : memref<10112x128xf32, #tpu.memory_space<vmem_shared>>) offsets(%dma_start3A_97 : memref<120xi32, #tpu.memory_space<vmem>>) semaphore(%arg13 : memref<!tpu.dma_semaphore, #tpu.memory_space<semaphore_mem>>) {add = true}
      %dma_wait3A_101 = arith.constant 1 : i32
      %dma_wait3A_102 = arith.constant 1 : i32
      %dma_wait3A_103 = arith.constant 0 : i32
      %dma_wait3A_104 = arith.constant 0 : i32
      %dma_wait3A_105 = tpu.memref_slice %arg8[%dma_wait3A_102, %dma_wait3A_103, %dma_wait3A_104] : memref<3x120x128xf32, #tpu.memory_space<vmem>> -> memref<1x120x128xf32, #tpu.memory_space<vmem>>
      %dma_wait3A_106 = tpu.memref_squeeze %dma_wait3A_105 : memref<1x120x128xf32, #tpu.memory_space<vmem>> -> memref<120x128xf32, #tpu.memory_space<vmem>>
      %dma_wait3A_107 = arith.constant 0 : i32
      %dma_wait3A_108 = tpu.memref_slice %arg6[%rem3A_75, %dma_wait3A_101, %dma_wait3A_107] : memref<2x3x120xi32, #tpu.memory_space<vmem>> -> memref<1x1x120xi32, #tpu.memory_space<vmem>>
      %dma_wait3A_109 = tpu.memref_squeeze %dma_wait3A_108 : memref<1x1x120xi32, #tpu.memory_space<vmem>> -> memref<120xi32, #tpu.memory_space<vmem>>
      %dma_wait3A_110 = arith.constant 0 : i32
      %dma_wait3A_111 = arith.constant 0 : i32
      %dma_wait3A_112 = tpu.memref_slice %arg2[%dma_wait3A_110, %dma_wait3A_111] : memref<10240x128xf32, #tpu.memory_space<hbm>> -> memref<10240x128xf32, #tpu.memory_space<hbm>>
      tpu.wait_indirect_dma semaphore(%arg11 : memref<!tpu.dma_semaphore, #tpu.memory_space<semaphore_mem>>) src(%dma_wait3A_112 : memref<10240x128xf32, #tpu.memory_space<hbm>>) dst(%dma_wait3A_106 : memref<120x128xf32, #tpu.memory_space<vmem>>)
      %dma_start3A_113 = arith.constant 1 : i32
      %dma_start3A_114 = arith.constant 1 : i32
      %dma_start3A_115 = arith.constant 0 : i32
      %dma_start3A_116 = arith.constant 0 : i32
      %dma_start3A_117 = tpu.memref_slice %arg8[%dma_start3A_113, %dma_start3A_115, %dma_start3A_116] : memref<3x120x128xf32, #tpu.memory_space<vmem>> -> memref<1x120x128xf32, #tpu.memory_space<vmem>>
      %dma_start3A_118 = tpu.memref_squeeze %dma_start3A_117 : memref<1x120x128xf32, #tpu.memory_space<vmem>> -> memref<120x128xf32, #tpu.memory_space<vmem>>
      %dma_start3A_119 = arith.constant 0 : i32
      %dma_start3A_120 = tpu.memref_slice %arg7[%rem3A_75, %dma_start3A_114, %dma_start3A_119] : memref<2x3x120xi32, #tpu.memory_space<vmem>> -> memref<1x1x120xi32, #tpu.memory_space<vmem>>
      %dma_start3A_121 = tpu.memref_squeeze %dma_start3A_120 : memref<1x1x120xi32, #tpu.memory_space<vmem>> -> memref<120xi32, #tpu.memory_space<vmem>>
      %dma_start3A_122 = arith.constant 0 : i32
      %dma_start3A_123 = arith.constant 0 : i32
      %dma_start3A_124 = tpu.memref_slice %arg9[%dma_start3A_122, %dma_start3A_123] : memref<10112x128xf32, #tpu.memory_space<vmem_shared>> -> memref<10112x128xf32, #tpu.memory_space<vmem_shared>>
      tpu.enqueue_indirect_dma source(%dma_start3A_118 : memref<120x128xf32, #tpu.memory_space<vmem>>) target(%dma_start3A_124 : memref<10112x128xf32, #tpu.memory_space<vmem_shared>>) offsets(%dma_start3A_121 : memref<120xi32, #tpu.memory_space<vmem>>) semaphore(%arg14 : memref<!tpu.dma_semaphore, #tpu.memory_space<semaphore_mem>>) {add = true}
      %dma_wait3A_125 = arith.constant 2 : i32
      %dma_wait3A_126 = arith.constant 2 : i32
      %dma_wait3A_127 = arith.constant 0 : i32
      %dma_wait3A_128 = arith.constant 0 : i32
      %dma_wait3A_129 = tpu.memref_slice %arg8[%dma_wait3A_126, %dma_wait3A_127, %dma_wait3A_128] : memref<3x120x128xf32, #tpu.memory_space<vmem>> -> memref<1x120x128xf32, #tpu.memory_space<vmem>>
      %dma_wait3A_130 = tpu.memref_squeeze %dma_wait3A_129 : memref<1x120x128xf32, #tpu.memory_space<vmem>> -> memref<120x128xf32, #tpu.memory_space<vmem>>
      %dma_wait3A_131 = arith.constant 0 : i32
      %dma_wait3A_132 = tpu.memref_slice %arg6[%rem3A_75, %dma_wait3A_125, %dma_wait3A_131] : memref<2x3x120xi32, #tpu.memory_space<vmem>> -> memref<1x1x120xi32, #tpu.memory_space<vmem>>
      %dma_wait3A_133 = tpu.memref_squeeze %dma_wait3A_132 : memref<1x1x120xi32, #tpu.memory_space<vmem>> -> memref<120xi32, #tpu.memory_space<vmem>>
      %dma_wait3A_134 = arith.constant 0 : i32
      %dma_wait3A_135 = arith.constant 0 : i32
      %dma_wait3A_136 = tpu.memref_slice %arg2[%dma_wait3A_134, %dma_wait3A_135] : memref<10240x128xf32, #tpu.memory_space<hbm>> -> memref<10240x128xf32, #tpu.memory_space<hbm>>
      tpu.wait_indirect_dma semaphore(%arg12 : memref<!tpu.dma_semaphore, #tpu.memory_space<semaphore_mem>>) src(%dma_wait3A_136 : memref<10240x128xf32, #tpu.memory_space<hbm>>) dst(%dma_wait3A_130 : memref<120x128xf32, #tpu.memory_space<vmem>>)
      %dma_start3A_137 = arith.constant 2 : i32
      %dma_start3A_138 = arith.constant 2 : i32
      %dma_start3A_139 = arith.constant 0 : i32
      %dma_start3A_140 = arith.constant 0 : i32
      %dma_start3A_141 = tpu.memref_slice %arg8[%dma_start3A_137, %dma_start3A_139, %dma_start3A_140] : memref<3x120x128xf32, #tpu.memory_space<vmem>> -> memref<1x120x128xf32, #tpu.memory_space<vmem>>
      %dma_start3A_142 = tpu.memref_squeeze %dma_start3A_141 : memref<1x120x128xf32, #tpu.memory_space<vmem>> -> memref<120x128xf32, #tpu.memory_space<vmem>>
      %dma_start3A_143 = arith.constant 0 : i32
      %dma_start3A_144 = tpu.memref_slice %arg7[%rem3A_75, %dma_start3A_138, %dma_start3A_143] : memref<2x3x120xi32, #tpu.memory_space<vmem>> -> memref<1x1x120xi32, #tpu.memory_space<vmem>>
      %dma_start3A_145 = tpu.memref_squeeze %dma_start3A_144 : memref<1x1x120xi32, #tpu.memory_space<vmem>> -> memref<120xi32, #tpu.memory_space<vmem>>
      %dma_start3A_146 = arith.constant 0 : i32
      %dma_start3A_147 = arith.constant 0 : i32
      %dma_start3A_148 = tpu.memref_slice %arg9[%dma_start3A_146, %dma_start3A_147] : memref<10112x128xf32, #tpu.memory_space<vmem_shared>> -> memref<10112x128xf32, #tpu.memory_space<vmem_shared>>
      tpu.enqueue_indirect_dma source(%dma_start3A_142 : memref<120x128xf32, #tpu.memory_space<vmem>>) target(%dma_start3A_148 : memref<10112x128xf32, #tpu.memory_space<vmem_shared>>) offsets(%dma_start3A_145 : memref<120xi32, #tpu.memory_space<vmem>>) semaphore(%arg15 : memref<!tpu.dma_semaphore, #tpu.memory_space<semaphore_mem>>) {add = true}
      %lt3A_149 = arith.constant 27 : i32
      %lt3A_150 = arith.cmpi slt, %scan3A_74, %lt3A_149 : i32
      %convert_element_type3A_151 = arith.extui %lt3A_150 : i1 to i32
      %cond3A_152 = arith.constant 0 : i32
      %cond3A_153 = arith.cmpi ne, %convert_element_type3A_151, %cond3A_152 : i32
      scf.if %cond3A_153 {
        %sub3A = arith.constant 1 : i32
        %sub3A_205 = arith.subi %sub3A, %rem3A_75 : i32
        %dma_wait3A_206 = arith.constant 0 : i32
        %dma_wait3A_207 = arith.constant 0 : i32
        %dma_wait3A_208 = arith.constant 0 : i32
        %dma_wait3A_209 = tpu.memref_slice %arg6[%sub3A_205, %dma_wait3A_207, %dma_wait3A_208] : memref<2x3x120xi32, #tpu.memory_space<vmem>> -> memref<1x3x120xi32, #tpu.memory_space<vmem>>
        %dma_wait3A_210 = tpu.memref_squeeze %dma_wait3A_209 : memref<1x3x120xi32, #tpu.memory_space<vmem>> -> memref<3x120xi32, #tpu.memory_space<vmem>>
        %dma_wait3A_211 = arith.constant 0 : i32
        %dma_wait3A_212 = arith.constant 0 : i32
        %dma_wait3A_213 = tpu.memref_slice %arg3[%add3A, %dma_wait3A_206, %dma_wait3A_211, %dma_wait3A_212] : memref<32x28x3x120xi32, #tpu.memory_space<hbm>> -> memref<1x1x3x120xi32, #tpu.memory_space<hbm>>
        %dma_wait3A_214 = tpu.memref_squeeze %dma_wait3A_213 : memref<1x1x3x120xi32, #tpu.memory_space<hbm>> -> memref<3x120xi32, #tpu.memory_space<hbm>>
        %dma_wait3A_215 = arith.constant 0 : i32
        %dma_wait3A_216 = arith.constant 0 : i32
        %dma_wait3A_217 = tpu.memref_slice %arg6[%sub3A_205, %dma_wait3A_215, %dma_wait3A_216] : memref<2x3x120xi32, #tpu.memory_space<vmem>> -> memref<1x3x120xi32, #tpu.memory_space<vmem>>
        %dma_wait3A_218 = tpu.memref_squeeze %dma_wait3A_217 : memref<1x3x120xi32, #tpu.memory_space<vmem>> -> memref<3x120xi32, #tpu.memory_space<vmem>>
        %dma_wait3A_219 = arith.constant 0 : i32
        %dma_wait3A_220 = arith.constant 0 : i32
        %dma_wait3A_221 = tpu.memref_slice %arg3[%add3A, %dma_wait3A_206, %dma_wait3A_219, %dma_wait3A_220] : memref<32x28x3x120xi32, #tpu.memory_space<hbm>> -> memref<1x1x3x120xi32, #tpu.memory_space<hbm>>
        %dma_wait3A_222 = tpu.memref_squeeze %dma_wait3A_221 : memref<1x1x3x120xi32, #tpu.memory_space<hbm>> -> memref<3x120xi32, #tpu.memory_space<hbm>>
        tpu.wait_dma2 semaphore(%arg16 : memref<!tpu.dma_semaphore, #tpu.memory_space<semaphore_mem>>) src(%dma_wait3A_222 : memref<3x120xi32, #tpu.memory_space<hbm>>) dst(%dma_wait3A_218 : memref<3x120xi32, #tpu.memory_space<vmem>>)
        %sub3A_223 = arith.constant 1 : i32
        %sub3A_224 = arith.subi %sub3A_223, %rem3A_75 : i32
        %dma_wait3A_225 = arith.constant 0 : i32
        %dma_wait3A_226 = arith.constant 0 : i32
        %dma_wait3A_227 = arith.constant 0 : i32
        %dma_wait3A_228 = tpu.memref_slice %arg7[%sub3A_224, %dma_wait3A_226, %dma_wait3A_227] : memref<2x3x120xi32, #tpu.memory_space<vmem>> -> memref<1x3x120xi32, #tpu.memory_space<vmem>>
        %dma_wait3A_229 = tpu.memref_squeeze %dma_wait3A_228 : memref<1x3x120xi32, #tpu.memory_space<vmem>> -> memref<3x120xi32, #tpu.memory_space<vmem>>
        %dma_wait3A_230 = arith.constant 0 : i32
        %dma_wait3A_231 = arith.constant 0 : i32
        %dma_wait3A_232 = tpu.memref_slice %arg4[%add3A, %dma_wait3A_225, %dma_wait3A_230, %dma_wait3A_231] : memref<32x28x3x120xi32, #tpu.memory_space<hbm>> -> memref<1x1x3x120xi32, #tpu.memory_space<hbm>>
        %dma_wait3A_233 = tpu.memref_squeeze %dma_wait3A_232 : memref<1x1x3x120xi32, #tpu.memory_space<hbm>> -> memref<3x120xi32, #tpu.memory_space<hbm>>
        %dma_wait3A_234 = arith.constant 0 : i32
        %dma_wait3A_235 = arith.constant 0 : i32
        %dma_wait3A_236 = tpu.memref_slice %arg7[%sub3A_224, %dma_wait3A_234, %dma_wait3A_235] : memref<2x3x120xi32, #tpu.memory_space<vmem>> -> memref<1x3x120xi32, #tpu.memory_space<vmem>>
        %dma_wait3A_237 = tpu.memref_squeeze %dma_wait3A_236 : memref<1x3x120xi32, #tpu.memory_space<vmem>> -> memref<3x120xi32, #tpu.memory_space<vmem>>
        %dma_wait3A_238 = arith.constant 0 : i32
        %dma_wait3A_239 = arith.constant 0 : i32
        %dma_wait3A_240 = tpu.memref_slice %arg4[%add3A, %dma_wait3A_225, %dma_wait3A_238, %dma_wait3A_239] : memref<32x28x3x120xi32, #tpu.memory_space<hbm>> -> memref<1x1x3x120xi32, #tpu.memory_space<hbm>>
        %dma_wait3A_241 = tpu.memref_squeeze %dma_wait3A_240 : memref<1x1x3x120xi32, #tpu.memory_space<hbm>> -> memref<3x120xi32, #tpu.memory_space<hbm>>
        tpu.wait_dma2 semaphore(%arg16 : memref<!tpu.dma_semaphore, #tpu.memory_space<semaphore_mem>>) src(%dma_wait3A_241 : memref<3x120xi32, #tpu.memory_space<hbm>>) dst(%dma_wait3A_237 : memref<3x120xi32, #tpu.memory_space<vmem>>)
      } else {
      }
      %dma_wait3A_154 = arith.constant 0 : i32
      %dma_wait3A_155 = arith.constant 0 : i32
      %dma_wait3A_156 = arith.constant 0 : i32
      %dma_wait3A_157 = arith.constant 0 : i32
      %dma_wait3A_158 = tpu.memref_slice %arg8[%dma_wait3A_154, %dma_wait3A_156, %dma_wait3A_157] : memref<3x120x128xf32, #tpu.memory_space<vmem>> -> memref<1x120x128xf32, #tpu.memory_space<vmem>>
      %dma_wait3A_159 = tpu.memref_squeeze %dma_wait3A_158 : memref<1x120x128xf32, #tpu.memory_space<vmem>> -> memref<120x128xf32, #tpu.memory_space<vmem>>
      %dma_wait3A_160 = arith.constant 0 : i32
      %dma_wait3A_161 = tpu.memref_slice %arg7[%rem3A_75, %dma_wait3A_155, %dma_wait3A_160] : memref<2x3x120xi32, #tpu.memory_space<vmem>> -> memref<1x1x120xi32, #tpu.memory_space<vmem>>
      %dma_wait3A_162 = tpu.memref_squeeze %dma_wait3A_161 : memref<1x1x120xi32, #tpu.memory_space<vmem>> -> memref<120xi32, #tpu.memory_space<vmem>>
      %dma_wait3A_163 = arith.constant 0 : i32
      %dma_wait3A_164 = arith.constant 0 : i32
      %dma_wait3A_165 = tpu.memref_slice %arg9[%dma_wait3A_163, %dma_wait3A_164] : memref<10112x128xf32, #tpu.memory_space<vmem_shared>> -> memref<10112x128xf32, #tpu.memory_space<vmem_shared>>
      tpu.wait_indirect_dma semaphore(%arg13 : memref<!tpu.dma_semaphore, #tpu.memory_space<semaphore_mem>>) src(%dma_wait3A_159 : memref<120x128xf32, #tpu.memory_space<vmem>>) dst(%dma_wait3A_165 : memref<10112x128xf32, #tpu.memory_space<vmem_shared>>)
      %lt3A_166 = arith.constant 27 : i32
      %lt3A_167 = arith.cmpi slt, %scan3A_74, %lt3A_166 : i32
      %convert_element_type3A_168 = arith.extui %lt3A_167 : i1 to i32
      %cond3A_169 = arith.constant 0 : i32
      %cond3A_170 = arith.cmpi ne, %convert_element_type3A_168, %cond3A_169 : i32
      scf.if %cond3A_170 {
        %sub3A = arith.constant 1 : i32
        %sub3A_205 = arith.subi %sub3A, %rem3A_75 : i32
        %dma_start3A_206 = arith.constant 0 : i32
        %dma_start3A_207 = arith.constant 0 : i32
        %dma_start3A_208 = arith.constant 0 : i32
        %dma_start3A_209 = arith.constant 0 : i32
        %dma_start3A_210 = tpu.memref_slice %arg8[%dma_start3A_207, %dma_start3A_208, %dma_start3A_209] : memref<3x120x128xf32, #tpu.memory_space<vmem>> -> memref<1x120x128xf32, #tpu.memory_space<vmem>>
        %dma_start3A_211 = tpu.memref_squeeze %dma_start3A_210 : memref<1x120x128xf32, #tpu.memory_space<vmem>> -> memref<120x128xf32, #tpu.memory_space<vmem>>
        %dma_start3A_212 = arith.constant 0 : i32
        %dma_start3A_213 = tpu.memref_slice %arg6[%sub3A_205, %dma_start3A_206, %dma_start3A_212] : memref<2x3x120xi32, #tpu.memory_space<vmem>> -> memref<1x1x120xi32, #tpu.memory_space<vmem>>
        %dma_start3A_214 = tpu.memref_squeeze %dma_start3A_213 : memref<1x1x120xi32, #tpu.memory_space<vmem>> -> memref<120xi32, #tpu.memory_space<vmem>>
        %dma_start3A_215 = arith.constant 0 : i32
        %dma_start3A_216 = arith.constant 0 : i32
        %dma_start3A_217 = tpu.memref_slice %arg2[%dma_start3A_215, %dma_start3A_216] : memref<10240x128xf32, #tpu.memory_space<hbm>> -> memref<10240x128xf32, #tpu.memory_space<hbm>>
        tpu.enqueue_indirect_dma source(%dma_start3A_217 : memref<10240x128xf32, #tpu.memory_space<hbm>>) target(%dma_start3A_211 : memref<120x128xf32, #tpu.memory_space<vmem>>) offsets(%dma_start3A_214 : memref<120xi32, #tpu.memory_space<vmem>>) semaphore(%arg10 : memref<!tpu.dma_semaphore, #tpu.memory_space<semaphore_mem>>)
      } else {
      }
      %dma_wait3A_171 = arith.constant 1 : i32
      %dma_wait3A_172 = arith.constant 1 : i32
      %dma_wait3A_173 = arith.constant 0 : i32
      %dma_wait3A_174 = arith.constant 0 : i32
      %dma_wait3A_175 = tpu.memref_slice %arg8[%dma_wait3A_171, %dma_wait3A_173, %dma_wait3A_174] : memref<3x120x128xf32, #tpu.memory_space<vmem>> -> memref<1x120x128xf32, #tpu.memory_space<vmem>>
      %dma_wait3A_176 = tpu.memref_squeeze %dma_wait3A_175 : memref<1x120x128xf32, #tpu.memory_space<vmem>> -> memref<120x128xf32, #tpu.memory_space<vmem>>
      %dma_wait3A_177 = arith.constant 0 : i32
      %dma_wait3A_178 = tpu.memref_slice %arg7[%rem3A_75, %dma_wait3A_172, %dma_wait3A_177] : memref<2x3x120xi32, #tpu.memory_space<vmem>> -> memref<1x1x120xi32, #tpu.memory_space<vmem>>
      %dma_wait3A_179 = tpu.memref_squeeze %dma_wait3A_178 : memref<1x1x120xi32, #tpu.memory_space<vmem>> -> memref<120xi32, #tpu.memory_space<vmem>>
      %dma_wait3A_180 = arith.constant 0 : i32
      %dma_wait3A_181 = arith.constant 0 : i32
      %dma_wait3A_182 = tpu.memref_slice %arg9[%dma_wait3A_180, %dma_wait3A_181] : memref<10112x128xf32, #tpu.memory_space<vmem_shared>> -> memref<10112x128xf32, #tpu.memory_space<vmem_shared>>
      tpu.wait_indirect_dma semaphore(%arg14 : memref<!tpu.dma_semaphore, #tpu.memory_space<semaphore_mem>>) src(%dma_wait3A_176 : memref<120x128xf32, #tpu.memory_space<vmem>>) dst(%dma_wait3A_182 : memref<10112x128xf32, #tpu.memory_space<vmem_shared>>)
      %lt3A_183 = arith.constant 27 : i32
      %lt3A_184 = arith.cmpi slt, %scan3A_74, %lt3A_183 : i32
      %convert_element_type3A_185 = arith.extui %lt3A_184 : i1 to i32
      %cond3A_186 = arith.constant 0 : i32
      %cond3A_187 = arith.cmpi ne, %convert_element_type3A_185, %cond3A_186 : i32
      scf.if %cond3A_187 {
        %sub3A = arith.constant 1 : i32
        %sub3A_205 = arith.subi %sub3A, %rem3A_75 : i32
        %dma_start3A_206 = arith.constant 1 : i32
        %dma_start3A_207 = arith.constant 1 : i32
        %dma_start3A_208 = arith.constant 0 : i32
        %dma_start3A_209 = arith.constant 0 : i32
        %dma_start3A_210 = tpu.memref_slice %arg8[%dma_start3A_207, %dma_start3A_208, %dma_start3A_209] : memref<3x120x128xf32, #tpu.memory_space<vmem>> -> memref<1x120x128xf32, #tpu.memory_space<vmem>>
        %dma_start3A_211 = tpu.memref_squeeze %dma_start3A_210 : memref<1x120x128xf32, #tpu.memory_space<vmem>> -> memref<120x128xf32, #tpu.memory_space<vmem>>
        %dma_start3A_212 = arith.constant 0 : i32
        %dma_start3A_213 = tpu.memref_slice %arg6[%sub3A_205, %dma_start3A_206, %dma_start3A_212] : memref<2x3x120xi32, #tpu.memory_space<vmem>> -> memref<1x1x120xi32, #tpu.memory_space<vmem>>
        %dma_start3A_214 = tpu.memref_squeeze %dma_start3A_213 : memref<1x1x120xi32, #tpu.memory_space<vmem>> -> memref<120xi32, #tpu.memory_space<vmem>>
        %dma_start3A_215 = arith.constant 0 : i32
        %dma_start3A_216 = arith.constant 0 : i32
        %dma_start3A_217 = tpu.memref_slice %arg2[%dma_start3A_215, %dma_start3A_216] : memref<10240x128xf32, #tpu.memory_space<hbm>> -> memref<10240x128xf32, #tpu.memory_space<hbm>>
        tpu.enqueue_indirect_dma source(%dma_start3A_217 : memref<10240x128xf32, #tpu.memory_space<hbm>>) target(%dma_start3A_211 : memref<120x128xf32, #tpu.memory_space<vmem>>) offsets(%dma_start3A_214 : memref<120xi32, #tpu.memory_space<vmem>>) semaphore(%arg11 : memref<!tpu.dma_semaphore, #tpu.memory_space<semaphore_mem>>)
      } else {
      }
      %dma_wait3A_188 = arith.constant 2 : i32
      %dma_wait3A_189 = arith.constant 2 : i32
      %dma_wait3A_190 = arith.constant 0 : i32
      %dma_wait3A_191 = arith.constant 0 : i32
      %dma_wait3A_192 = tpu.memref_slice %arg8[%dma_wait3A_188, %dma_wait3A_190, %dma_wait3A_191] : memref<3x120x128xf32, #tpu.memory_space<vmem>> -> memref<1x120x128xf32, #tpu.memory_space<vmem>>
      %dma_wait3A_193 = tpu.memref_squeeze %dma_wait3A_192 : memref<1x120x128xf32, #tpu.memory_space<vmem>> -> memref<120x128xf32, #tpu.memory_space<vmem>>
      %dma_wait3A_194 = arith.constant 0 : i32
      %dma_wait3A_195 = tpu.memref_slice %arg7[%rem3A_75, %dma_wait3A_189, %dma_wait3A_194] : memref<2x3x120xi32, #tpu.memory_space<vmem>> -> memref<1x1x120xi32, #tpu.memory_space<vmem>>
      %dma_wait3A_196 = tpu.memref_squeeze %dma_wait3A_195 : memref<1x1x120xi32, #tpu.memory_space<vmem>> -> memref<120xi32, #tpu.memory_space<vmem>>
      %dma_wait3A_197 = arith.constant 0 : i32
      %dma_wait3A_198 = arith.constant 0 : i32
      %dma_wait3A_199 = tpu.memref_slice %arg9[%dma_wait3A_197, %dma_wait3A_198] : memref<10112x128xf32, #tpu.memory_space<vmem_shared>> -> memref<10112x128xf32, #tpu.memory_space<vmem_shared>>
      tpu.wait_indirect_dma semaphore(%arg15 : memref<!tpu.dma_semaphore, #tpu.memory_space<semaphore_mem>>) src(%dma_wait3A_193 : memref<120x128xf32, #tpu.memory_space<vmem>>) dst(%dma_wait3A_199 : memref<10112x128xf32, #tpu.memory_space<vmem_shared>>)
      %lt3A_200 = arith.constant 27 : i32
      %lt3A_201 = arith.cmpi slt, %scan3A_74, %lt3A_200 : i32
      %convert_element_type3A_202 = arith.extui %lt3A_201 : i1 to i32
      %cond3A_203 = arith.constant 0 : i32
      %cond3A_204 = arith.cmpi ne, %convert_element_type3A_202, %cond3A_203 : i32
      scf.if %cond3A_204 {
        %sub3A = arith.constant 1 : i32
        %sub3A_205 = arith.subi %sub3A, %rem3A_75 : i32
        %dma_start3A_206 = arith.constant 2 : i32
        %dma_start3A_207 = arith.constant 2 : i32
        %dma_start3A_208 = arith.constant 0 : i32
        %dma_start3A_209 = arith.constant 0 : i32
        %dma_start3A_210 = tpu.memref_slice %arg8[%dma_start3A_207, %dma_start3A_208, %dma_start3A_209] : memref<3x120x128xf32, #tpu.memory_space<vmem>> -> memref<1x120x128xf32, #tpu.memory_space<vmem>>
        %dma_start3A_211 = tpu.memref_squeeze %dma_start3A_210 : memref<1x120x128xf32, #tpu.memory_space<vmem>> -> memref<120x128xf32, #tpu.memory_space<vmem>>
        %dma_start3A_212 = arith.constant 0 : i32
        %dma_start3A_213 = tpu.memref_slice %arg6[%sub3A_205, %dma_start3A_206, %dma_start3A_212] : memref<2x3x120xi32, #tpu.memory_space<vmem>> -> memref<1x1x120xi32, #tpu.memory_space<vmem>>
        %dma_start3A_214 = tpu.memref_squeeze %dma_start3A_213 : memref<1x1x120xi32, #tpu.memory_space<vmem>> -> memref<120xi32, #tpu.memory_space<vmem>>
        %dma_start3A_215 = arith.constant 0 : i32
        %dma_start3A_216 = arith.constant 0 : i32
        %dma_start3A_217 = tpu.memref_slice %arg2[%dma_start3A_215, %dma_start3A_216] : memref<10240x128xf32, #tpu.memory_space<hbm>> -> memref<10240x128xf32, #tpu.memory_space<hbm>>
        tpu.enqueue_indirect_dma source(%dma_start3A_217 : memref<10240x128xf32, #tpu.memory_space<hbm>>) target(%dma_start3A_211 : memref<120x128xf32, #tpu.memory_space<vmem>>) offsets(%dma_start3A_214 : memref<120xi32, #tpu.memory_space<vmem>>) semaphore(%arg12 : memref<!tpu.dma_semaphore, #tpu.memory_space<semaphore_mem>>)
      } else {
      }
    }
    %scan3A_72 = arith.constant 28 : i32
    %barrier3A_73 = arith.constant 0 : index
    tpu.barrier barrier_id(%barrier3A_73)
    "tpu.region"() ({
      %run_scoped3A_74 = tpu.sem_alloc : memref<!tpu.dma_semaphore, #tpu.memory_space<semaphore_mem>>
      %dma_start3A_75 = arith.constant 0 : i32
      %dma_start3A_76 = tpu.memref_slice %arg5[%arg0, %mul3A_7, %dma_start3A_75] : memref<2x10240x128xf32, #tpu.memory_space<hbm>> -> memref<1x632x128xf32, #tpu.memory_space<hbm>>
      %dma_start3A_77 = tpu.memref_squeeze %dma_start3A_76 : memref<1x632x128xf32, #tpu.memory_space<hbm>> -> memref<632x128xf32, #tpu.memory_space<hbm>>
      %dma_start3A_78 = arith.constant 0 : i32
      %dma_start3A_79 = tpu.memref_slice %arg9[%mul3A_7, %dma_start3A_78] : memref<10112x128xf32, #tpu.memory_space<vmem_shared>> -> memref<632x128xf32, #tpu.memory_space<vmem_shared>>
      tpu.enqueue_dma source(%dma_start3A_79 : memref<632x128xf32, #tpu.memory_space<vmem_shared>>) target(%dma_start3A_77 : memref<632x128xf32, #tpu.memory_space<hbm>>) target_semaphore(%run_scoped3A_74 : memref<!tpu.dma_semaphore, #tpu.memory_space<semaphore_mem>>)
      %dma_wait3A = arith.constant 0 : i32
      %dma_wait3A_80 = tpu.memref_slice %arg5[%arg0, %mul3A_7, %dma_wait3A] : memref<2x10240x128xf32, #tpu.memory_space<hbm>> -> memref<1x632x128xf32, #tpu.memory_space<hbm>>
      %dma_wait3A_81 = tpu.memref_squeeze %dma_wait3A_80 : memref<1x632x128xf32, #tpu.memory_space<hbm>> -> memref<632x128xf32, #tpu.memory_space<hbm>>
      %dma_wait3A_82 = arith.constant 0 : i32
      %dma_wait3A_83 = tpu.memref_slice %arg9[%mul3A_7, %dma_wait3A_82] : memref<10112x128xf32, #tpu.memory_space<vmem_shared>> -> memref<632x128xf32, #tpu.memory_space<vmem_shared>>
      tpu.wait_dma2 semaphore(%run_scoped3A_74 : memref<!tpu.dma_semaphore, #tpu.memory_space<semaphore_mem>>) src(%dma_wait3A_83 : memref<632x128xf32, #tpu.memory_space<vmem_shared>>) dst(%dma_wait3A_81 : memref<632x128xf32, #tpu.memory_space<hbm>>)
      tpu.yield
    }) : () -> ()
    return
  }
}

#map = affine_map<(d0, d1) -> (0, 0)>
#map1 = affine_map<(d0, d1) -> (0, 0, 0, 0)>
#map2 = affine_map<(d0, d1) -> (0, 0, 0)>
module attributes {stable_mosaic.version = 14 : i64} {
  func.func @_seg_body(%arg0: i32, %arg1: i32, %arg2: memref<10240x128xf32, #tpu.memory_space<hbm>>, %arg3: memref<32x28x3x120xi32, #tpu.memory_space<hbm>>, %arg4: memref<32x28x3x120xi32, #tpu.memory_space<hbm>>, %arg5: memref<2x10240x128xf32, #tpu.memory_space<hbm>>, %arg6: memref<2x3x120xi32, #tpu.memory_space<vmem>>, %arg7: memref<2x3x120xi32, #tpu.memory_space<vmem>>, %arg8: memref<3x120x128xf32, #tpu.memory_space<vmem>>, %arg9: memref<10112x128xf32, #tpu.memory_space<vmem_shared>>, %arg10: memref<!tpu.dma_semaphore, #tpu.memory_space<semaphore_mem>>, %arg11: memref<!tpu.dma_semaphore, #tpu.memory_space<semaphore_mem>>, %arg12: memref<!tpu.dma_semaphore, #tpu.memory_space<semaphore_mem>>, %arg13: memref<!tpu.dma_semaphore, #tpu.memory_space<semaphore_mem>>, %arg14: memref<!tpu.dma_semaphore, #tpu.memory_space<semaphore_mem>>, %arg15: memref<!tpu.dma_semaphore, #tpu.memory_space<semaphore_mem>>, %arg16: memref<!tpu.dma_semaphore, #tpu.memory_space<semaphore_mem>>) attributes {dimension_semantics = [#tpu.dimension_semantics<core_parallel>, #tpu.dimension_semantics<subcore_parallel>], iteration_bounds = array<i64: 2, 16>, scalar_prefetch = 0 : i64, scratch_operands = 11 : i64, tpu.core_type = #tpu.core_type<sc_vector_subcore>, window_params = [{transform_indices = #map}, {transform_indices = #map1}, {transform_indices = #map1}, {transform_indices = #map2}]} {
    %mul3A = arith.constant 2 : i32
    %mul3A_0 = arith.muli %arg1, %mul3A : i32
    %add3A = arith.addi %mul3A_0, %arg0 : i32
    %scan3A = arith.constant 0 : i32
    %scan3A_1 = arith.constant 0 : i32
    %scan3A_2 = arith.constant 120 : i32
    %scan3A_3 = arith.addi %scan3A_1, %scan3A_2 : i32
    %scan3A_4 = arith.constant 1 : i32
    scf.for %scan3A_74 = %scan3A_1 to %scan3A_3 step %scan3A_4  : i32 {
      %broadcast_in_dim3A = arith.constant 0.000000e+00 : f32
      %broadcast_in_dim3A_75 = vector.broadcast %broadcast_in_dim3A : f32 to vector<16xf32>
      %swap3A = arith.constant 0 : i32
      %swap3A_76 = arith.index_cast %swap3A : i32 to index
      %swap3A_77 = arith.index_cast %scan3A_74 : i32 to index
      %swap3A_78 = arith.constant 0 : index
      %swap3A_79 = tpu.vector_load %arg8[%swap3A_76, %swap3A_77, %swap3A_78] {strides = array<i32>} : memref<3x120x128xf32, #tpu.memory_space<vmem>>, vector<1x1x16xf32>,
      %swap3A_80 = vector.shape_cast %swap3A_79 : vector<1x1x16xf32> to vector<16xf32>
      %swap3A_81 = vector.shape_cast %broadcast_in_dim3A_75 : vector<16xf32> to vector<1x1x16xf32>
      tpu.vector_store %arg8[%swap3A_76, %swap3A_77, %swap3A_78], %swap3A_81 {strides = array<i32>} : memref<3x120x128xf32, #tpu.memory_space<vmem>>, vector<1x1x16xf32>,
      %broadcast_in_dim3A_82 = arith.constant 0.000000e+00 : f32
      %broadcast_in_dim3A_83 = vector.broadcast %broadcast_in_dim3A_82 : f32 to vector<16xf32>
      %swap3A_84 = arith.constant 0 : i32
      %swap3A_85 = arith.index_cast %swap3A_84 : i32 to index
      %swap3A_86 = arith.index_cast %scan3A_74 : i32 to index
      %swap3A_87 = arith.constant 16 : index
      %swap3A_88 = tpu.vector_load %arg8[%swap3A_85, %swap3A_86, %swap3A_87] {strides = array<i32>} : memref<3x120x128xf32, #tpu.memory_space<vmem>>, vector<1x1x16xf32>,
      %swap3A_89 = vector.shape_cast %swap3A_88 : vector<1x1x16xf32> to vector<16xf32>
      %swap3A_90 = vector.shape_cast %broadcast_in_dim3A_83 : vector<16xf32> to vector<1x1x16xf32>
      tpu.vector_store %arg8[%swap3A_85, %swap3A_86, %swap3A_87], %swap3A_90 {strides = array<i32>} : memref<3x120x128xf32, #tpu.memory_space<vmem>>, vector<1x1x16xf32>,
      %broadcast_in_dim3A_91 = arith.constant 0.000000e+00 : f32
      %broadcast_in_dim3A_92 = vector.broadcast %broadcast_in_dim3A_91 : f32 to vector<16xf32>
      %swap3A_93 = arith.constant 0 : i32
      %swap3A_94 = arith.index_cast %swap3A_93 : i32 to index
      %swap3A_95 = arith.index_cast %scan3A_74 : i32 to index
      %swap3A_96 = arith.constant 32 : index
      %swap3A_97 = tpu.vector_load %arg8[%swap3A_94, %swap3A_95, %swap3A_96] {strides = array<i32>} : memref<3x120x128xf32, #tpu.memory_space<vmem>>, vector<1x1x16xf32>,
      %swap3A_98 = vector.shape_cast %swap3A_97 : vector<1x1x16xf32> to vector<16xf32>
      %swap3A_99 = vector.shape_cast %broadcast_in_dim3A_92 : vector<16xf32> to vector<1x1x16xf32>
      tpu.vector_store %arg8[%swap3A_94, %swap3A_95, %swap3A_96], %swap3A_99 {strides = array<i32>} : memref<3x120x128xf32, #tpu.memory_space<vmem>>, vector<1x1x16xf32>,
      %broadcast_in_dim3A_100 = arith.constant 0.000000e+00 : f32
      %broadcast_in_dim3A_101 = vector.broadcast %broadcast_in_dim3A_100 : f32 to vector<16xf32>
      %swap3A_102 = arith.constant 0 : i32
      %swap3A_103 = arith.index_cast %swap3A_102 : i32 to index
      %swap3A_104 = arith.index_cast %scan3A_74 : i32 to index
      %swap3A_105 = arith.constant 48 : index
      %swap3A_106 = tpu.vector_load %arg8[%swap3A_103, %swap3A_104, %swap3A_105] {strides = array<i32>} : memref<3x120x128xf32, #tpu.memory_space<vmem>>, vector<1x1x16xf32>,
      %swap3A_107 = vector.shape_cast %swap3A_106 : vector<1x1x16xf32> to vector<16xf32>
      %swap3A_108 = vector.shape_cast %broadcast_in_dim3A_101 : vector<16xf32> to vector<1x1x16xf32>
      tpu.vector_store %arg8[%swap3A_103, %swap3A_104, %swap3A_105], %swap3A_108 {strides = array<i32>} : memref<3x120x128xf32, #tpu.memory_space<vmem>>, vector<1x1x16xf32>,
      %broadcast_in_dim3A_109 = arith.constant 0.000000e+00 : f32
      %broadcast_in_dim3A_110 = vector.broadcast %broadcast_in_dim3A_109 : f32 to vector<16xf32>
      %swap3A_111 = arith.constant 0 : i32
      %swap3A_112 = arith.index_cast %swap3A_111 : i32 to index
      %swap3A_113 = arith.index_cast %scan3A_74 : i32 to index
      %swap3A_114 = arith.constant 64 : index
      %swap3A_115 = tpu.vector_load %arg8[%swap3A_112, %swap3A_113, %swap3A_114] {strides = array<i32>} : memref<3x120x128xf32, #tpu.memory_space<vmem>>, vector<1x1x16xf32>,
      %swap3A_116 = vector.shape_cast %swap3A_115 : vector<1x1x16xf32> to vector<16xf32>
      %swap3A_117 = vector.shape_cast %broadcast_in_dim3A_110 : vector<16xf32> to vector<1x1x16xf32>
      tpu.vector_store %arg8[%swap3A_112, %swap3A_113, %swap3A_114], %swap3A_117 {strides = array<i32>} : memref<3x120x128xf32, #tpu.memory_space<vmem>>, vector<1x1x16xf32>,
      %broadcast_in_dim3A_118 = arith.constant 0.000000e+00 : f32
      %broadcast_in_dim3A_119 = vector.broadcast %broadcast_in_dim3A_118 : f32 to vector<16xf32>
      %swap3A_120 = arith.constant 0 : i32
      %swap3A_121 = arith.index_cast %swap3A_120 : i32 to index
      %swap3A_122 = arith.index_cast %scan3A_74 : i32 to index
      %swap3A_123 = arith.constant 80 : index
      %swap3A_124 = tpu.vector_load %arg8[%swap3A_121, %swap3A_122, %swap3A_123] {strides = array<i32>} : memref<3x120x128xf32, #tpu.memory_space<vmem>>, vector<1x1x16xf32>,
      %swap3A_125 = vector.shape_cast %swap3A_124 : vector<1x1x16xf32> to vector<16xf32>
      %swap3A_126 = vector.shape_cast %broadcast_in_dim3A_119 : vector<16xf32> to vector<1x1x16xf32>
      tpu.vector_store %arg8[%swap3A_121, %swap3A_122, %swap3A_123], %swap3A_126 {strides = array<i32>} : memref<3x120x128xf32, #tpu.memory_space<vmem>>, vector<1x1x16xf32>,
      %broadcast_in_dim3A_127 = arith.constant 0.000000e+00 : f32
      %broadcast_in_dim3A_128 = vector.broadcast %broadcast_in_dim3A_127 : f32 to vector<16xf32>
      %swap3A_129 = arith.constant 0 : i32
      %swap3A_130 = arith.index_cast %swap3A_129 : i32 to index
      %swap3A_131 = arith.index_cast %scan3A_74 : i32 to index
      %swap3A_132 = arith.constant 96 : index
      %swap3A_133 = tpu.vector_load %arg8[%swap3A_130, %swap3A_131, %swap3A_132] {strides = array<i32>} : memref<3x120x128xf32, #tpu.memory_space<vmem>>, vector<1x1x16xf32>,
      %swap3A_134 = vector.shape_cast %swap3A_133 : vector<1x1x16xf32> to vector<16xf32>
      %swap3A_135 = vector.shape_cast %broadcast_in_dim3A_128 : vector<16xf32> to vector<1x1x16xf32>
      tpu.vector_store %arg8[%swap3A_130, %swap3A_131, %swap3A_132], %swap3A_135 {strides = array<i32>} : memref<3x120x128xf32, #tpu.memory_space<vmem>>, vector<1x1x16xf32>,
      %broadcast_in_dim3A_136 = arith.constant 0.000000e+00 : f32
      %broadcast_in_dim3A_137 = vector.broadcast %broadcast_in_dim3A_136 : f32 to vector<16xf32>
      %swap3A_138 = arith.constant 0 : i32
      %swap3A_139 = arith.index_cast %swap3A_138 : i32 to index
      %swap3A_140 = arith.index_cast %scan3A_74 : i32 to index
      %swap3A_141 = arith.constant 112 : index
      %swap3A_142 = tpu.vector_load %arg8[%swap3A_139, %swap3A_140, %swap3A_141] {strides = array<i32>} : memref<3x120x128xf32, #tpu.memory_space<vmem>>, vector<1x1x16xf32>,
      %swap3A_143 = vector.shape_cast %swap3A_142 : vector<1x1x16xf32> to vector<16xf32>
      %swap3A_144 = vector.shape_cast %broadcast_in_dim3A_137 : vector<16xf32> to vector<1x1x16xf32>
      tpu.vector_store %arg8[%swap3A_139, %swap3A_140, %swap3A_141], %swap3A_144 {strides = array<i32>} : memref<3x120x128xf32, #tpu.memory_space<vmem>>, vector<1x1x16xf32>,
    }
    %scan3A_5 = arith.constant 120 : i32
    %mul3A_6 = arith.constant 632 : i32
    %mul3A_7 = arith.muli %arg1, %mul3A_6 : i32
    %add3A_8 = arith.constant 0 : i32
    %add3A_9 = arith.addi %mul3A_7, %add3A_8 : i32
    %run_scoped3A = arith.constant 0 : i32
    "tpu.region"() ({
      %run_scoped3A_74 = tpu.sem_alloc : memref<!tpu.dma_semaphore, #tpu.memory_space<semaphore_mem>>
      %dma_start3A_75 = arith.constant 0 : i32
      %dma_start3A_76 = arith.constant 0 : i32
      %dma_start3A_77 = tpu.memref_slice %arg8[%run_scoped3A, %dma_start3A_75, %dma_start3A_76] : memref<3x120x128xf32, #tpu.memory_space<vmem>> -> memref<1x120x128xf32, #tpu.memory_space<vmem>>
      %dma_start3A_78 = tpu.memref_squeeze %dma_start3A_77 : memref<1x120x128xf32, #tpu.memory_space<vmem>> -> memref<120x128xf32, #tpu.memory_space<vmem>>
      %dma_start3A_79 = arith.constant 0 : i32
      %dma_start3A_80 = tpu.memref_slice %arg9[%add3A_9, %dma_start3A_79] : memref<10112x128xf32, #tpu.memory_space<vmem_shared>> -> memref<120x128xf32, #tpu.memory_space<vmem_shared>>
      %dma_start3A_81 = arith.constant 0 : i32
      %dma_start3A_82 = tpu.memref_slice %arg9[%add3A_9, %dma_start3A_81] : memref<10112x128xf32, #tpu.memory_space<vmem_shared>> -> memref<120x128xf32, #tpu.memory_space<vmem_shared>>
      %dma_start3A_83 = arith.constant 0 : i32
      %dma_start3A_84 = arith.constant 0 : i32
      %dma_start3A_85 = tpu.memref_slice %arg8[%run_scoped3A, %dma_start3A_83, %dma_start3A_84] : memref<3x120x128xf32, #tpu.memory_space<vmem>> -> memref<1x120x128xf32, #tpu.memory_space<vmem>>
      %dma_start3A_86 = tpu.memref_squeeze %dma_start3A_85 : memref<1x120x128xf32, #tpu.memory_space<vmem>> -> memref<120x128xf32, #tpu.memory_space<vmem>>
      tpu.enqueue_dma source(%dma_start3A_86 : memref<120x128xf32, #tpu.memory_space<vmem>>) target(%dma_start3A_82 : memref<120x128xf32, #tpu.memory_space<vmem_shared>>) target_semaphore(%run_scoped3A_74 : memref<!tpu.dma_semaphore, #tpu.memory_space<semaphore_mem>>)
      %dma_wait3A = arith.constant 0 : i32
      %dma_wait3A_87 = arith.constant 0 : i32
      %dma_wait3A_88 = tpu.memref_slice %arg8[%run_scoped3A, %dma_wait3A, %dma_wait3A_87] : memref<3x120x128xf32, #tpu.memory_space<vmem>> -> memref<1x120x128xf32, #tpu.memory_space<vmem>>
      %dma_wait3A_89 = tpu.memref_squeeze %dma_wait3A_88 : memref<1x120x128xf32, #tpu.memory_space<vmem>> -> memref<120x128xf32, #tpu.memory_space<vmem>>
      %dma_wait3A_90 = arith.constant 0 : i32
      %dma_wait3A_91 = tpu.memref_slice %arg9[%add3A_9, %dma_wait3A_90] : memref<10112x128xf32, #tpu.memory_space<vmem_shared>> -> memref<120x128xf32, #tpu.memory_space<vmem_shared>>
      %dma_wait3A_92 = arith.constant 0 : i32
      %dma_wait3A_93 = tpu.memref_slice %arg9[%add3A_9, %dma_wait3A_92] : memref<10112x128xf32, #tpu.memory_space<vmem_shared>> -> memref<120x128xf32, #tpu.memory_space<vmem_shared>>
      %dma_wait3A_94 = arith.constant 0 : i32
      %dma_wait3A_95 = arith.constant 0 : i32
      %dma_wait3A_96 = tpu.memref_slice %arg8[%run_scoped3A, %dma_wait3A_94, %dma_wait3A_95] : memref<3x120x128xf32, #tpu.memory_space<vmem>> -> memref<1x120x128xf32, #tpu.memory_space<vmem>>
      %dma_wait3A_97 = tpu.memref_squeeze %dma_wait3A_96 : memref<1x120x128xf32, #tpu.memory_space<vmem>> -> memref<120x128xf32, #tpu.memory_space<vmem>>
      tpu.wait_dma2 semaphore(%run_scoped3A_74 : memref<!tpu.dma_semaphore, #tpu.memory_space<semaphore_mem>>) src(%dma_wait3A_97 : memref<120x128xf32, #tpu.memory_space<vmem>>) dst(%dma_wait3A_93 : memref<120x128xf32, #tpu.memory_space<vmem_shared>>)
      tpu.yield
    }) : () -> ()
    %add3A_10 = arith.constant 120 : i32
    %add3A_11 = arith.addi %mul3A_7, %add3A_10 : i32
    %run_scoped3A_12 = arith.constant 0 : i32
    "tpu.region"() ({
      %run_scoped3A_74 = tpu.sem_alloc : memref<!tpu.dma_semaphore, #tpu.memory_space<semaphore_mem>>
      %dma_start3A_75 = arith.constant 0 : i32
      %dma_start3A_76 = arith.constant 0 : i32
      %dma_start3A_77 = tpu.memref_slice %arg8[%run_scoped3A_12, %dma_start3A_75, %dma_start3A_76] : memref<3x120x128xf32, #tpu.memory_space<vmem>> -> memref<1x120x128xf32, #tpu.memory_space<vmem>>
      %dma_start3A_78 = tpu.memref_squeeze %dma_start3A_77 : memref<1x120x128xf32, #tpu.memory_space<vmem>> -> memref<120x128xf32, #tpu.memory_space<vmem>>
      %dma_start3A_79 = arith.constant 0 : i32
      %dma_start3A_80 = tpu.memref_slice %arg9[%add3A_11, %dma_start3A_79] : memref<10112x128xf32, #tpu.memory_space<vmem_shared>> -> memref<120x128xf32, #tpu.memory_space<vmem_shared>>
      %dma_start3A_81 = arith.constant 0 : i32
      %dma_start3A_82 = tpu.memref_slice %arg9[%add3A_11, %dma_start3A_81] : memref<10112x128xf32, #tpu.memory_space<vmem_shared>> -> memref<120x128xf32, #tpu.memory_space<vmem_shared>>
      %dma_start3A_83 = arith.constant 0 : i32
      %dma_start3A_84 = arith.constant 0 : i32
      %dma_start3A_85 = tpu.memref_slice %arg8[%run_scoped3A_12, %dma_start3A_83, %dma_start3A_84] : memref<3x120x128xf32, #tpu.memory_space<vmem>> -> memref<1x120x128xf32, #tpu.memory_space<vmem>>
      %dma_start3A_86 = tpu.memref_squeeze %dma_start3A_85 : memref<1x120x128xf32, #tpu.memory_space<vmem>> -> memref<120x128xf32, #tpu.memory_space<vmem>>
      tpu.enqueue_dma source(%dma_start3A_86 : memref<120x128xf32, #tpu.memory_space<vmem>>) target(%dma_start3A_82 : memref<120x128xf32, #tpu.memory_space<vmem_shared>>) target_semaphore(%run_scoped3A_74 : memref<!tpu.dma_semaphore, #tpu.memory_space<semaphore_mem>>)
      %dma_wait3A = arith.constant 0 : i32
      %dma_wait3A_87 = arith.constant 0 : i32
      %dma_wait3A_88 = tpu.memref_slice %arg8[%run_scoped3A_12, %dma_wait3A, %dma_wait3A_87] : memref<3x120x128xf32, #tpu.memory_space<vmem>> -> memref<1x120x128xf32, #tpu.memory_space<vmem>>
      %dma_wait3A_89 = tpu.memref_squeeze %dma_wait3A_88 : memref<1x120x128xf32, #tpu.memory_space<vmem>> -> memref<120x128xf32, #tpu.memory_space<vmem>>
      %dma_wait3A_90 = arith.constant 0 : i32
      %dma_wait3A_91 = tpu.memref_slice %arg9[%add3A_11, %dma_wait3A_90] : memref<10112x128xf32, #tpu.memory_space<vmem_shared>> -> memref<120x128xf32, #tpu.memory_space<vmem_shared>>
      %dma_wait3A_92 = arith.constant 0 : i32
      %dma_wait3A_93 = tpu.memref_slice %arg9[%add3A_11, %dma_wait3A_92] : memref<10112x128xf32, #tpu.memory_space<vmem_shared>> -> memref<120x128xf32, #tpu.memory_space<vmem_shared>>
      %dma_wait3A_94 = arith.constant 0 : i32
      %dma_wait3A_95 = arith.constant 0 : i32
      %dma_wait3A_96 = tpu.memref_slice %arg8[%run_scoped3A_12, %dma_wait3A_94, %dma_wait3A_95] : memref<3x120x128xf32, #tpu.memory_space<vmem>> -> memref<1x120x128xf32, #tpu.memory_space<vmem>>
      %dma_wait3A_97 = tpu.memref_squeeze %dma_wait3A_96 : memref<1x120x128xf32, #tpu.memory_space<vmem>> -> memref<120x128xf32, #tpu.memory_space<vmem>>
      tpu.wait_dma2 semaphore(%run_scoped3A_74 : memref<!tpu.dma_semaphore, #tpu.memory_space<semaphore_mem>>) src(%dma_wait3A_97 : memref<120x128xf32, #tpu.memory_space<vmem>>) dst(%dma_wait3A_93 : memref<120x128xf32, #tpu.memory_space<vmem_shared>>)
      tpu.yield
    }) : () -> ()
    %add3A_13 = arith.constant 240 : i32
    %add3A_14 = arith.addi %mul3A_7, %add3A_13 : i32
    %run_scoped3A_15 = arith.constant 0 : i32
    "tpu.region"() ({
      %run_scoped3A_74 = tpu.sem_alloc : memref<!tpu.dma_semaphore, #tpu.memory_space<semaphore_mem>>
      %dma_start3A_75 = arith.constant 0 : i32
      %dma_start3A_76 = arith.constant 0 : i32
      %dma_start3A_77 = tpu.memref_slice %arg8[%run_scoped3A_15, %dma_start3A_75, %dma_start3A_76] : memref<3x120x128xf32, #tpu.memory_space<vmem>> -> memref<1x120x128xf32, #tpu.memory_space<vmem>>
      %dma_start3A_78 = tpu.memref_squeeze %dma_start3A_77 : memref<1x120x128xf32, #tpu.memory_space<vmem>> -> memref<120x128xf32, #tpu.memory_space<vmem>>
      %dma_start3A_79 = arith.constant 0 : i32
      %dma_start3A_80 = tpu.memref_slice %arg9[%add3A_14, %dma_start3A_79] : memref<10112x128xf32, #tpu.memory_space<vmem_shared>> -> memref<120x128xf32, #tpu.memory_space<vmem_shared>>
      %dma_start3A_81 = arith.constant 0 : i32
      %dma_start3A_82 = tpu.memref_slice %arg9[%add3A_14, %dma_start3A_81] : memref<10112x128xf32, #tpu.memory_space<vmem_shared>> -> memref<120x128xf32, #tpu.memory_space<vmem_shared>>
      %dma_start3A_83 = arith.constant 0 : i32
      %dma_start3A_84 = arith.constant 0 : i32
      %dma_start3A_85 = tpu.memref_slice %arg8[%run_scoped3A_15, %dma_start3A_83, %dma_start3A_84] : memref<3x120x128xf32, #tpu.memory_space<vmem>> -> memref<1x120x128xf32, #tpu.memory_space<vmem>>
      %dma_start3A_86 = tpu.memref_squeeze %dma_start3A_85 : memref<1x120x128xf32, #tpu.memory_space<vmem>> -> memref<120x128xf32, #tpu.memory_space<vmem>>
      tpu.enqueue_dma source(%dma_start3A_86 : memref<120x128xf32, #tpu.memory_space<vmem>>) target(%dma_start3A_82 : memref<120x128xf32, #tpu.memory_space<vmem_shared>>) target_semaphore(%run_scoped3A_74 : memref<!tpu.dma_semaphore, #tpu.memory_space<semaphore_mem>>)
      %dma_wait3A = arith.constant 0 : i32
      %dma_wait3A_87 = arith.constant 0 : i32
      %dma_wait3A_88 = tpu.memref_slice %arg8[%run_scoped3A_15, %dma_wait3A, %dma_wait3A_87] : memref<3x120x128xf32, #tpu.memory_space<vmem>> -> memref<1x120x128xf32, #tpu.memory_space<vmem>>
      %dma_wait3A_89 = tpu.memref_squeeze %dma_wait3A_88 : memref<1x120x128xf32, #tpu.memory_space<vmem>> -> memref<120x128xf32, #tpu.memory_space<vmem>>
      %dma_wait3A_90 = arith.constant 0 : i32
      %dma_wait3A_91 = tpu.memref_slice %arg9[%add3A_14, %dma_wait3A_90] : memref<10112x128xf32, #tpu.memory_space<vmem_shared>> -> memref<120x128xf32, #tpu.memory_space<vmem_shared>>
      %dma_wait3A_92 = arith.constant 0 : i32
      %dma_wait3A_93 = tpu.memref_slice %arg9[%add3A_14, %dma_wait3A_92] : memref<10112x128xf32, #tpu.memory_space<vmem_shared>> -> memref<120x128xf32, #tpu.memory_space<vmem_shared>>
      %dma_wait3A_94 = arith.constant 0 : i32
      %dma_wait3A_95 = arith.constant 0 : i32
      %dma_wait3A_96 = tpu.memref_slice %arg8[%run_scoped3A_15, %dma_wait3A_94, %dma_wait3A_95] : memref<3x120x128xf32, #tpu.memory_space<vmem>> -> memref<1x120x128xf32, #tpu.memory_space<vmem>>
      %dma_wait3A_97 = tpu.memref_squeeze %dma_wait3A_96 : memref<1x120x128xf32, #tpu.memory_space<vmem>> -> memref<120x128xf32, #tpu.memory_space<vmem>>
      tpu.wait_dma2 semaphore(%run_scoped3A_74 : memref<!tpu.dma_semaphore, #tpu.memory_space<semaphore_mem>>) src(%dma_wait3A_97 : memref<120x128xf32, #tpu.memory_space<vmem>>) dst(%dma_wait3A_93 : memref<120x128xf32, #tpu.memory_space<vmem_shared>>)
      tpu.yield
    }) : () -> ()
    %add3A_16 = arith.constant 360 : i32
    %add3A_17 = arith.addi %mul3A_7, %add3A_16 : i32
    %run_scoped3A_18 = arith.constant 0 : i32
    "tpu.region"() ({
      %run_scoped3A_74 = tpu.sem_alloc : memref<!tpu.dma_semaphore, #tpu.memory_space<semaphore_mem>>
      %dma_start3A_75 = arith.constant 0 : i32
      %dma_start3A_76 = arith.constant 0 : i32
      %dma_start3A_77 = tpu.memref_slice %arg8[%run_scoped3A_18, %dma_start3A_75, %dma_start3A_76] : memref<3x120x128xf32, #tpu.memory_space<vmem>> -> memref<1x120x128xf32, #tpu.memory_space<vmem>>
      %dma_start3A_78 = tpu.memref_squeeze %dma_start3A_77 : memref<1x120x128xf32, #tpu.memory_space<vmem>> -> memref<120x128xf32, #tpu.memory_space<vmem>>
      %dma_start3A_79 = arith.constant 0 : i32
      %dma_start3A_80 = tpu.memref_slice %arg9[%add3A_17, %dma_start3A_79] : memref<10112x128xf32, #tpu.memory_space<vmem_shared>> -> memref<120x128xf32, #tpu.memory_space<vmem_shared>>
      %dma_start3A_81 = arith.constant 0 : i32
      %dma_start3A_82 = tpu.memref_slice %arg9[%add3A_17, %dma_start3A_81] : memref<10112x128xf32, #tpu.memory_space<vmem_shared>> -> memref<120x128xf32, #tpu.memory_space<vmem_shared>>
      %dma_start3A_83 = arith.constant 0 : i32
      %dma_start3A_84 = arith.constant 0 : i32
      %dma_start3A_85 = tpu.memref_slice %arg8[%run_scoped3A_18, %dma_start3A_83, %dma_start3A_84] : memref<3x120x128xf32, #tpu.memory_space<vmem>> -> memref<1x120x128xf32, #tpu.memory_space<vmem>>
      %dma_start3A_86 = tpu.memref_squeeze %dma_start3A_85 : memref<1x120x128xf32, #tpu.memory_space<vmem>> -> memref<120x128xf32, #tpu.memory_space<vmem>>
      tpu.enqueue_dma source(%dma_start3A_86 : memref<120x128xf32, #tpu.memory_space<vmem>>) target(%dma_start3A_82 : memref<120x128xf32, #tpu.memory_space<vmem_shared>>) target_semaphore(%run_scoped3A_74 : memref<!tpu.dma_semaphore, #tpu.memory_space<semaphore_mem>>)
      %dma_wait3A = arith.constant 0 : i32
      %dma_wait3A_87 = arith.constant 0 : i32
      %dma_wait3A_88 = tpu.memref_slice %arg8[%run_scoped3A_18, %dma_wait3A, %dma_wait3A_87] : memref<3x120x128xf32, #tpu.memory_space<vmem>> -> memref<1x120x128xf32, #tpu.memory_space<vmem>>
      %dma_wait3A_89 = tpu.memref_squeeze %dma_wait3A_88 : memref<1x120x128xf32, #tpu.memory_space<vmem>> -> memref<120x128xf32, #tpu.memory_space<vmem>>
      %dma_wait3A_90 = arith.constant 0 : i32
      %dma_wait3A_91 = tpu.memref_slice %arg9[%add3A_17, %dma_wait3A_90] : memref<10112x128xf32, #tpu.memory_space<vmem_shared>> -> memref<120x128xf32, #tpu.memory_space<vmem_shared>>
      %dma_wait3A_92 = arith.constant 0 : i32
      %dma_wait3A_93 = tpu.memref_slice %arg9[%add3A_17, %dma_wait3A_92] : memref<10112x128xf32, #tpu.memory_space<vmem_shared>> -> memref<120x128xf32, #tpu.memory_space<vmem_shared>>
      %dma_wait3A_94 = arith.constant 0 : i32
      %dma_wait3A_95 = arith.constant 0 : i32
      %dma_wait3A_96 = tpu.memref_slice %arg8[%run_scoped3A_18, %dma_wait3A_94, %dma_wait3A_95] : memref<3x120x128xf32, #tpu.memory_space<vmem>> -> memref<1x120x128xf32, #tpu.memory_space<vmem>>
      %dma_wait3A_97 = tpu.memref_squeeze %dma_wait3A_96 : memref<1x120x128xf32, #tpu.memory_space<vmem>> -> memref<120x128xf32, #tpu.memory_space<vmem>>
      tpu.wait_dma2 semaphore(%run_scoped3A_74 : memref<!tpu.dma_semaphore, #tpu.memory_space<semaphore_mem>>) src(%dma_wait3A_97 : memref<120x128xf32, #tpu.memory_space<vmem>>) dst(%dma_wait3A_93 : memref<120x128xf32, #tpu.memory_space<vmem_shared>>)
      tpu.yield
    }) : () -> ()
    %add3A_19 = arith.constant 480 : i32
    %add3A_20 = arith.addi %mul3A_7, %add3A_19 : i32
    %run_scoped3A_21 = arith.constant 0 : i32
    "tpu.region"() ({
      %run_scoped3A_74 = tpu.sem_alloc : memref<!tpu.dma_semaphore, #tpu.memory_space<semaphore_mem>>
      %dma_start3A_75 = arith.constant 0 : i32
      %dma_start3A_76 = arith.constant 0 : i32
      %dma_start3A_77 = tpu.memref_slice %arg8[%run_scoped3A_21, %dma_start3A_75, %dma_start3A_76] : memref<3x120x128xf32, #tpu.memory_space<vmem>> -> memref<1x120x128xf32, #tpu.memory_space<vmem>>
      %dma_start3A_78 = tpu.memref_squeeze %dma_start3A_77 : memref<1x120x128xf32, #tpu.memory_space<vmem>> -> memref<120x128xf32, #tpu.memory_space<vmem>>
      %dma_start3A_79 = arith.constant 0 : i32
      %dma_start3A_80 = tpu.memref_slice %arg9[%add3A_20, %dma_start3A_79] : memref<10112x128xf32, #tpu.memory_space<vmem_shared>> -> memref<120x128xf32, #tpu.memory_space<vmem_shared>>
      %dma_start3A_81 = arith.constant 0 : i32
      %dma_start3A_82 = tpu.memref_slice %arg9[%add3A_20, %dma_start3A_81] : memref<10112x128xf32, #tpu.memory_space<vmem_shared>> -> memref<120x128xf32, #tpu.memory_space<vmem_shared>>
      %dma_start3A_83 = arith.constant 0 : i32
      %dma_start3A_84 = arith.constant 0 : i32
      %dma_start3A_85 = tpu.memref_slice %arg8[%run_scoped3A_21, %dma_start3A_83, %dma_start3A_84] : memref<3x120x128xf32, #tpu.memory_space<vmem>> -> memref<1x120x128xf32, #tpu.memory_space<vmem>>
      %dma_start3A_86 = tpu.memref_squeeze %dma_start3A_85 : memref<1x120x128xf32, #tpu.memory_space<vmem>> -> memref<120x128xf32, #tpu.memory_space<vmem>>
      tpu.enqueue_dma source(%dma_start3A_86 : memref<120x128xf32, #tpu.memory_space<vmem>>) target(%dma_start3A_82 : memref<120x128xf32, #tpu.memory_space<vmem_shared>>) target_semaphore(%run_scoped3A_74 : memref<!tpu.dma_semaphore, #tpu.memory_space<semaphore_mem>>)
      %dma_wait3A = arith.constant 0 : i32
      %dma_wait3A_87 = arith.constant 0 : i32
      %dma_wait3A_88 = tpu.memref_slice %arg8[%run_scoped3A_21, %dma_wait3A, %dma_wait3A_87] : memref<3x120x128xf32, #tpu.memory_space<vmem>> -> memref<1x120x128xf32, #tpu.memory_space<vmem>>
      %dma_wait3A_89 = tpu.memref_squeeze %dma_wait3A_88 : memref<1x120x128xf32, #tpu.memory_space<vmem>> -> memref<120x128xf32, #tpu.memory_space<vmem>>
      %dma_wait3A_90 = arith.constant 0 : i32
      %dma_wait3A_91 = tpu.memref_slice %arg9[%add3A_20, %dma_wait3A_90] : memref<10112x128xf32, #tpu.memory_space<vmem_shared>> -> memref<120x128xf32, #tpu.memory_space<vmem_shared>>
      %dma_wait3A_92 = arith.constant 0 : i32
      %dma_wait3A_93 = tpu.memref_slice %arg9[%add3A_20, %dma_wait3A_92] : memref<10112x128xf32, #tpu.memory_space<vmem_shared>> -> memref<120x128xf32, #tpu.memory_space<vmem_shared>>
      %dma_wait3A_94 = arith.constant 0 : i32
      %dma_wait3A_95 = arith.constant 0 : i32
      %dma_wait3A_96 = tpu.memref_slice %arg8[%run_scoped3A_21, %dma_wait3A_94, %dma_wait3A_95] : memref<3x120x128xf32, #tpu.memory_space<vmem>> -> memref<1x120x128xf32, #tpu.memory_space<vmem>>
      %dma_wait3A_97 = tpu.memref_squeeze %dma_wait3A_96 : memref<1x120x128xf32, #tpu.memory_space<vmem>> -> memref<120x128xf32, #tpu.memory_space<vmem>>
      tpu.wait_dma2 semaphore(%run_scoped3A_74 : memref<!tpu.dma_semaphore, #tpu.memory_space<semaphore_mem>>) src(%dma_wait3A_97 : memref<120x128xf32, #tpu.memory_space<vmem>>) dst(%dma_wait3A_93 : memref<120x128xf32, #tpu.memory_space<vmem_shared>>)
      tpu.yield
    }) : () -> ()
    %add3A_22 = arith.constant 600 : i32
    %add3A_23 = arith.addi %mul3A_7, %add3A_22 : i32
    %run_scoped3A_24 = arith.constant 0 : i32
    "tpu.region"() ({
      %run_scoped3A_74 = tpu.sem_alloc : memref<!tpu.dma_semaphore, #tpu.memory_space<semaphore_mem>>
      %dma_start3A_75 = arith.constant 0 : i32
      %dma_start3A_76 = arith.constant 0 : i32
      %dma_start3A_77 = tpu.memref_slice %arg8[%run_scoped3A_24, %dma_start3A_75, %dma_start3A_76] : memref<3x120x128xf32, #tpu.memory_space<vmem>> -> memref<1x32x128xf32, #tpu.memory_space<vmem>>
      %dma_start3A_78 = tpu.memref_squeeze %dma_start3A_77 : memref<1x32x128xf32, #tpu.memory_space<vmem>> -> memref<32x128xf32, #tpu.memory_space<vmem>>
      %dma_start3A_79 = arith.constant 0 : i32
      %dma_start3A_80 = tpu.memref_slice %arg9[%add3A_23, %dma_start3A_79] : memref<10112x128xf32, #tpu.memory_space<vmem_shared>> -> memref<32x128xf32, #tpu.memory_space<vmem_shared>>
      %dma_start3A_81 = arith.constant 0 : i32
      %dma_start3A_82 = tpu.memref_slice %arg9[%add3A_23, %dma_start3A_81] : memref<10112x128xf32, #tpu.memory_space<vmem_shared>> -> memref<32x128xf32, #tpu.memory_space<vmem_shared>>
      %dma_start3A_83 = arith.constant 0 : i32
      %dma_start3A_84 = arith.constant 0 : i32
      %dma_start3A_85 = tpu.memref_slice %arg8[%run_scoped3A_24, %dma_start3A_83, %dma_start3A_84] : memref<3x120x128xf32, #tpu.memory_space<vmem>> -> memref<1x32x128xf32, #tpu.memory_space<vmem>>
      %dma_start3A_86 = tpu.memref_squeeze %dma_start3A_85 : memref<1x32x128xf32, #tpu.memory_space<vmem>> -> memref<32x128xf32, #tpu.memory_space<vmem>>
      tpu.enqueue_dma source(%dma_start3A_86 : memref<32x128xf32, #tpu.memory_space<vmem>>) target(%dma_start3A_82 : memref<32x128xf32, #tpu.memory_space<vmem_shared>>) target_semaphore(%run_scoped3A_74 : memref<!tpu.dma_semaphore, #tpu.memory_space<semaphore_mem>>)
      %dma_wait3A = arith.constant 0 : i32
      %dma_wait3A_87 = arith.constant 0 : i32
      %dma_wait3A_88 = tpu.memref_slice %arg8[%run_scoped3A_24, %dma_wait3A, %dma_wait3A_87] : memref<3x120x128xf32, #tpu.memory_space<vmem>> -> memref<1x32x128xf32, #tpu.memory_space<vmem>>
      %dma_wait3A_89 = tpu.memref_squeeze %dma_wait3A_88 : memref<1x32x128xf32, #tpu.memory_space<vmem>> -> memref<32x128xf32, #tpu.memory_space<vmem>>
      %dma_wait3A_90 = arith.constant 0 : i32
      %dma_wait3A_91 = tpu.memref_slice %arg9[%add3A_23, %dma_wait3A_90] : memref<10112x128xf32, #tpu.memory_space<vmem_shared>> -> memref<32x128xf32, #tpu.memory_space<vmem_shared>>
      %dma_wait3A_92 = arith.constant 0 : i32
      %dma_wait3A_93 = tpu.memref_slice %arg9[%add3A_23, %dma_wait3A_92] : memref<10112x128xf32, #tpu.memory_space<vmem_shared>> -> memref<32x128xf32, #tpu.memory_space<vmem_shared>>
      %dma_wait3A_94 = arith.constant 0 : i32
      %dma_wait3A_95 = arith.constant 0 : i32
      %dma_wait3A_96 = tpu.memref_slice %arg8[%run_scoped3A_24, %dma_wait3A_94, %dma_wait3A_95] : memref<3x120x128xf32, #tpu.memory_space<vmem>> -> memref<1x32x128xf32, #tpu.memory_space<vmem>>
      %dma_wait3A_97 = tpu.memref_squeeze %dma_wait3A_96 : memref<1x32x128xf32, #tpu.memory_space<vmem>> -> memref<32x128xf32, #tpu.memory_space<vmem>>
      tpu.wait_dma2 semaphore(%run_scoped3A_74 : memref<!tpu.dma_semaphore, #tpu.memory_space<semaphore_mem>>) src(%dma_wait3A_97 : memref<32x128xf32, #tpu.memory_space<vmem>>) dst(%dma_wait3A_93 : memref<32x128xf32, #tpu.memory_space<vmem_shared>>)
      tpu.yield
    }) : () -> ()
    %barrier3A = arith.constant 0 : index
    tpu.barrier barrier_id(%barrier3A)
    %run_scoped3A_25 = arith.constant 0 : i32
    %run_scoped3A_26 = arith.constant 0 : i32
    "tpu.region"() ({
      %run_scoped3A_74 = tpu.sem_alloc : memref<!tpu.dma_semaphore, #tpu.memory_space<semaphore_mem>>
      %dma_start3A_75 = arith.constant 0 : i32
      %dma_start3A_76 = arith.constant 0 : i32
      %dma_start3A_77 = tpu.memref_slice %arg6[%run_scoped3A_26, %dma_start3A_75, %dma_start3A_76] : memref<2x3x120xi32, #tpu.memory_space<vmem>> -> memref<1x3x120xi32, #tpu.memory_space<vmem>>
      %dma_start3A_78 = tpu.memref_squeeze %dma_start3A_77 : memref<1x3x120xi32, #tpu.memory_space<vmem>> -> memref<3x120xi32, #tpu.memory_space<vmem>>
      %dma_start3A_79 = arith.constant 0 : i32
      %dma_start3A_80 = arith.constant 0 : i32
      %dma_start3A_81 = tpu.memref_slice %arg3[%add3A, %run_scoped3A_25, %dma_start3A_79, %dma_start3A_80] : memref<32x28x3x120xi32, #tpu.memory_space<hbm>> -> memref<1x1x3x120xi32, #tpu.memory_space<hbm>>
      %dma_start3A_82 = tpu.memref_squeeze %dma_start3A_81 : memref<1x1x3x120xi32, #tpu.memory_space<hbm>> -> memref<3x120xi32, #tpu.memory_space<hbm>>
      %dma_start3A_83 = arith.constant 0 : i32
      %dma_start3A_84 = arith.constant 0 : i32
      %dma_start3A_85 = tpu.memref_slice %arg6[%run_scoped3A_26, %dma_start3A_83, %dma_start3A_84] : memref<2x3x120xi32, #tpu.memory_space<vmem>> -> memref<1x3x120xi32, #tpu.memory_space<vmem>>
      %dma_start3A_86 = tpu.memref_squeeze %dma_start3A_85 : memref<1x3x120xi32, #tpu.memory_space<vmem>> -> memref<3x120xi32, #tpu.memory_space<vmem>>
      %dma_start3A_87 = arith.constant 0 : i32
      %dma_start3A_88 = arith.constant 0 : i32
      %dma_start3A_89 = tpu.memref_slice %arg3[%add3A, %run_scoped3A_25, %dma_start3A_87, %dma_start3A_88] : memref<32x28x3x120xi32, #tpu.memory_space<hbm>> -> memref<1x1x3x120xi32, #tpu.memory_space<hbm>>
      %dma_start3A_90 = tpu.memref_squeeze %dma_start3A_89 : memref<1x1x3x120xi32, #tpu.memory_space<hbm>> -> memref<3x120xi32, #tpu.memory_space<hbm>>
      tpu.enqueue_dma source(%dma_start3A_90 : memref<3x120xi32, #tpu.memory_space<hbm>>) target(%dma_start3A_86 : memref<3x120xi32, #tpu.memory_space<vmem>>) target_semaphore(%run_scoped3A_74 : memref<!tpu.dma_semaphore, #tpu.memory_space<semaphore_mem>>)
      %dma_wait3A = arith.constant 0 : i32
      %dma_wait3A_91 = arith.constant 0 : i32
      %dma_wait3A_92 = tpu.memref_slice %arg6[%run_scoped3A_26, %dma_wait3A, %dma_wait3A_91] : memref<2x3x120xi32, #tpu.memory_space<vmem>> -> memref<1x3x120xi32, #tpu.memory_space<vmem>>
      %dma_wait3A_93 = tpu.memref_squeeze %dma_wait3A_92 : memref<1x3x120xi32, #tpu.memory_space<vmem>> -> memref<3x120xi32, #tpu.memory_space<vmem>>
      %dma_wait3A_94 = arith.constant 0 : i32
      %dma_wait3A_95 = arith.constant 0 : i32
      %dma_wait3A_96 = tpu.memref_slice %arg3[%add3A, %run_scoped3A_25, %dma_wait3A_94, %dma_wait3A_95] : memref<32x28x3x120xi32, #tpu.memory_space<hbm>> -> memref<1x1x3x120xi32, #tpu.memory_space<hbm>>
      %dma_wait3A_97 = tpu.memref_squeeze %dma_wait3A_96 : memref<1x1x3x120xi32, #tpu.memory_space<hbm>> -> memref<3x120xi32, #tpu.memory_space<hbm>>
      %dma_wait3A_98 = arith.constant 0 : i32
      %dma_wait3A_99 = arith.constant 0 : i32
      %dma_wait3A_100 = tpu.memref_slice %arg6[%run_scoped3A_26, %dma_wait3A_98, %dma_wait3A_99] : memref<2x3x120xi32, #tpu.memory_space<vmem>> -> memref<1x3x120xi32, #tpu.memory_space<vmem>>
      %dma_wait3A_101 = tpu.memref_squeeze %dma_wait3A_100 : memref<1x3x120xi32, #tpu.memory_space<vmem>> -> memref<3x120xi32, #tpu.memory_space<vmem>>
      %dma_wait3A_102 = arith.constant 0 : i32
      %dma_wait3A_103 = arith.constant 0 : i32
      %dma_wait3A_104 = tpu.memref_slice %arg3[%add3A, %run_scoped3A_25, %dma_wait3A_102, %dma_wait3A_103] : memref<32x28x3x120xi32, #tpu.memory_space<hbm>> -> memref<1x1x3x120xi32, #tpu.memory_space<hbm>>
      %dma_wait3A_105 = tpu.memref_squeeze %dma_wait3A_104 : memref<1x1x3x120xi32, #tpu.memory_space<hbm>> -> memref<3x120xi32, #tpu.memory_space<hbm>>
      tpu.wait_dma2 semaphore(%run_scoped3A_74 : memref<!tpu.dma_semaphore, #tpu.memory_space<semaphore_mem>>) src(%dma_wait3A_105 : memref<3x120xi32, #tpu.memory_space<hbm>>) dst(%dma_wait3A_101 : memref<3x120xi32, #tpu.memory_space<vmem>>)
      tpu.yield
    }) : () -> ()
    %run_scoped3A_27 = arith.constant 0 : i32
    %run_scoped3A_28 = arith.constant 0 : i32
    "tpu.region"() ({
      %run_scoped3A_74 = tpu.sem_alloc : memref<!tpu.dma_semaphore, #tpu.memory_space<semaphore_mem>>
      %dma_start3A_75 = arith.constant 0 : i32
      %dma_start3A_76 = arith.constant 0 : i32
      %dma_start3A_77 = tpu.memref_slice %arg7[%run_scoped3A_28, %dma_start3A_75, %dma_start3A_76] : memref<2x3x120xi32, #tpu.memory_space<vmem>> -> memref<1x3x120xi32, #tpu.memory_space<vmem>>
      %dma_start3A_78 = tpu.memref_squeeze %dma_start3A_77 : memref<1x3x120xi32, #tpu.memory_space<vmem>> -> memref<3x120xi32, #tpu.memory_space<vmem>>
      %dma_start3A_79 = arith.constant 0 : i32
      %dma_start3A_80 = arith.constant 0 : i32
      %dma_start3A_81 = tpu.memref_slice %arg4[%add3A, %run_scoped3A_27, %dma_start3A_79, %dma_start3A_80] : memref<32x28x3x120xi32, #tpu.memory_space<hbm>> -> memref<1x1x3x120xi32, #tpu.memory_space<hbm>>
      %dma_start3A_82 = tpu.memref_squeeze %dma_start3A_81 : memref<1x1x3x120xi32, #tpu.memory_space<hbm>> -> memref<3x120xi32, #tpu.memory_space<hbm>>
      %dma_start3A_83 = arith.constant 0 : i32
      %dma_start3A_84 = arith.constant 0 : i32
      %dma_start3A_85 = tpu.memref_slice %arg7[%run_scoped3A_28, %dma_start3A_83, %dma_start3A_84] : memref<2x3x120xi32, #tpu.memory_space<vmem>> -> memref<1x3x120xi32, #tpu.memory_space<vmem>>
      %dma_start3A_86 = tpu.memref_squeeze %dma_start3A_85 : memref<1x3x120xi32, #tpu.memory_space<vmem>> -> memref<3x120xi32, #tpu.memory_space<vmem>>
      %dma_start3A_87 = arith.constant 0 : i32
      %dma_start3A_88 = arith.constant 0 : i32
      %dma_start3A_89 = tpu.memref_slice %arg4[%add3A, %run_scoped3A_27, %dma_start3A_87, %dma_start3A_88] : memref<32x28x3x120xi32, #tpu.memory_space<hbm>> -> memref<1x1x3x120xi32, #tpu.memory_space<hbm>>
      %dma_start3A_90 = tpu.memref_squeeze %dma_start3A_89 : memref<1x1x3x120xi32, #tpu.memory_space<hbm>> -> memref<3x120xi32, #tpu.memory_space<hbm>>
      tpu.enqueue_dma source(%dma_start3A_90 : memref<3x120xi32, #tpu.memory_space<hbm>>) target(%dma_start3A_86 : memref<3x120xi32, #tpu.memory_space<vmem>>) target_semaphore(%run_scoped3A_74 : memref<!tpu.dma_semaphore, #tpu.memory_space<semaphore_mem>>)
      %dma_wait3A = arith.constant 0 : i32
      %dma_wait3A_91 = arith.constant 0 : i32
      %dma_wait3A_92 = tpu.memref_slice %arg7[%run_scoped3A_28, %dma_wait3A, %dma_wait3A_91] : memref<2x3x120xi32, #tpu.memory_space<vmem>> -> memref<1x3x120xi32, #tpu.memory_space<vmem>>
      %dma_wait3A_93 = tpu.memref_squeeze %dma_wait3A_92 : memref<1x3x120xi32, #tpu.memory_space<vmem>> -> memref<3x120xi32, #tpu.memory_space<vmem>>
      %dma_wait3A_94 = arith.constant 0 : i32
      %dma_wait3A_95 = arith.constant 0 : i32
      %dma_wait3A_96 = tpu.memref_slice %arg4[%add3A, %run_scoped3A_27, %dma_wait3A_94, %dma_wait3A_95] : memref<32x28x3x120xi32, #tpu.memory_space<hbm>> -> memref<1x1x3x120xi32, #tpu.memory_space<hbm>>
      %dma_wait3A_97 = tpu.memref_squeeze %dma_wait3A_96 : memref<1x1x3x120xi32, #tpu.memory_space<hbm>> -> memref<3x120xi32, #tpu.memory_space<hbm>>
      %dma_wait3A_98 = arith.constant 0 : i32
      %dma_wait3A_99 = arith.constant 0 : i32
      %dma_wait3A_100 = tpu.memref_slice %arg7[%run_scoped3A_28, %dma_wait3A_98, %dma_wait3A_99] : memref<2x3x120xi32, #tpu.memory_space<vmem>> -> memref<1x3x120xi32, #tpu.memory_space<vmem>>
      %dma_wait3A_101 = tpu.memref_squeeze %dma_wait3A_100 : memref<1x3x120xi32, #tpu.memory_space<vmem>> -> memref<3x120xi32, #tpu.memory_space<vmem>>
      %dma_wait3A_102 = arith.constant 0 : i32
      %dma_wait3A_103 = arith.constant 0 : i32
      %dma_wait3A_104 = tpu.memref_slice %arg4[%add3A, %run_scoped3A_27, %dma_wait3A_102, %dma_wait3A_103] : memref<32x28x3x120xi32, #tpu.memory_space<hbm>> -> memref<1x1x3x120xi32, #tpu.memory_space<hbm>>
      %dma_wait3A_105 = tpu.memref_squeeze %dma_wait3A_104 : memref<1x1x3x120xi32, #tpu.memory_space<hbm>> -> memref<3x120xi32, #tpu.memory_space<hbm>>
      tpu.wait_dma2 semaphore(%run_scoped3A_74 : memref<!tpu.dma_semaphore, #tpu.memory_space<semaphore_mem>>) src(%dma_wait3A_105 : memref<3x120xi32, #tpu.memory_space<hbm>>) dst(%dma_wait3A_101 : memref<3x120xi32, #tpu.memory_space<vmem>>)
      tpu.yield
    }) : () -> ()
    %dma_start3A = arith.constant 0 : i32
    %dma_start3A_29 = arith.constant 0 : i32
    %dma_start3A_30 = arith.constant 0 : i32
    %dma_start3A_31 = arith.constant 0 : i32
    %dma_start3A_32 = arith.constant 0 : i32
    %dma_start3A_33 = tpu.memref_slice %arg8[%dma_start3A_30, %dma_start3A_31, %dma_start3A_32] : memref<3x120x128xf32, #tpu.memory_space<vmem>> -> memref<1x120x128xf32, #tpu.memory_space<vmem>>
    %dma_start3A_34 = tpu.memref_squeeze %dma_start3A_33 : memref<1x120x128xf32, #tpu.memory_space<vmem>> -> memref<120x128xf32, #tpu.memory_space<vmem>>
    %dma_start3A_35 = arith.constant 0 : i32
    %dma_start3A_36 = tpu.memref_slice %arg6[%dma_start3A, %dma_start3A_29, %dma_start3A_35] : memref<2x3x120xi32, #tpu.memory_space<vmem>> -> memref<1x1x120xi32, #tpu.memory_space<vmem>>
    %dma_start3A_37 = tpu.memref_squeeze %dma_start3A_36 : memref<1x1x120xi32, #tpu.memory_space<vmem>> -> memref<120xi32, #tpu.memory_space<vmem>>
    %dma_start3A_38 = arith.constant 0 : i32
    %dma_start3A_39 = arith.constant 0 : i32
    %dma_start3A_40 = tpu.memref_slice %arg2[%dma_start3A_38, %dma_start3A_39] : memref<10240x128xf32, #tpu.memory_space<hbm>> -> memref<10240x128xf32, #tpu.memory_space<hbm>>
    tpu.enqueue_indirect_dma source(%dma_start3A_40 : memref<10240x128xf32, #tpu.memory_space<hbm>>) target(%dma_start3A_34 : memref<120x128xf32, #tpu.memory_space<vmem>>) offsets(%dma_start3A_37 : memref<120xi32, #tpu.memory_space<vmem>>) semaphore(%arg10 : memref<!tpu.dma_semaphore, #tpu.memory_space<semaphore_mem>>)
    %dma_start3A_41 = arith.constant 0 : i32
    %dma_start3A_42 = arith.constant 1 : i32
    %dma_start3A_43 = arith.constant 1 : i32
    %dma_start3A_44 = arith.constant 0 : i32
    %dma_start3A_45 = arith.constant 0 : i32
    %dma_start3A_46 = tpu.memref_slice %arg8[%dma_start3A_43, %dma_start3A_44, %dma_start3A_45] : memref<3x120x128xf32, #tpu.memory_space<vmem>> -> memref<1x120x128xf32, #tpu.memory_space<vmem>>
    %dma_start3A_47 = tpu.memref_squeeze %dma_start3A_46 : memref<1x120x128xf32, #tpu.memory_space<vmem>> -> memref<120x128xf32, #tpu.memory_space<vmem>>
    %dma_start3A_48 = arith.constant 0 : i32
    %dma_start3A_49 = tpu.memref_slice %arg6[%dma_start3A_41, %dma_start3A_42, %dma_start3A_48] : memref<2x3x120xi32, #tpu.memory_space<vmem>> -> memref<1x1x120xi32, #tpu.memory_space<vmem>>
    %dma_start3A_50 = tpu.memref_squeeze %dma_start3A_49 : memref<1x1x120xi32, #tpu.memory_space<vmem>> -> memref<120xi32, #tpu.memory_space<vmem>>
    %dma_start3A_51 = arith.constant 0 : i32
    %dma_start3A_52 = arith.constant 0 : i32
    %dma_start3A_53 = tpu.memref_slice %arg2[%dma_start3A_51, %dma_start3A_52] : memref<10240x128xf32, #tpu.memory_space<hbm>> -> memref<10240x128xf32, #tpu.memory_space<hbm>>
    tpu.enqueue_indirect_dma source(%dma_start3A_53 : memref<10240x128xf32, #tpu.memory_space<hbm>>) target(%dma_start3A_47 : memref<120x128xf32, #tpu.memory_space<vmem>>) offsets(%dma_start3A_50 : memref<120xi32, #tpu.memory_space<vmem>>) semaphore(%arg11 : memref<!tpu.dma_semaphore, #tpu.memory_space<semaphore_mem>>)
    %dma_start3A_54 = arith.constant 0 : i32
    %dma_start3A_55 = arith.constant 2 : i32
    %dma_start3A_56 = arith.constant 2 : i32
    %dma_start3A_57 = arith.constant 0 : i32
    %dma_start3A_58 = arith.constant 0 : i32
    %dma_start3A_59 = tpu.memref_slice %arg8[%dma_start3A_56, %dma_start3A_57, %dma_start3A_58] : memref<3x120x128xf32, #tpu.memory_space<vmem>> -> memref<1x120x128xf32, #tpu.memory_space<vmem>>
    %dma_start3A_60 = tpu.memref_squeeze %dma_start3A_59 : memref<1x120x128xf32, #tpu.memory_space<vmem>> -> memref<120x128xf32, #tpu.memory_space<vmem>>
    %dma_start3A_61 = arith.constant 0 : i32
    %dma_start3A_62 = tpu.memref_slice %arg6[%dma_start3A_54, %dma_start3A_55, %dma_start3A_61] : memref<2x3x120xi32, #tpu.memory_space<vmem>> -> memref<1x1x120xi32, #tpu.memory_space<vmem>>
    %dma_start3A_63 = tpu.memref_squeeze %dma_start3A_62 : memref<1x1x120xi32, #tpu.memory_space<vmem>> -> memref<120xi32, #tpu.memory_space<vmem>>
    %dma_start3A_64 = arith.constant 0 : i32
    %dma_start3A_65 = arith.constant 0 : i32
    %dma_start3A_66 = tpu.memref_slice %arg2[%dma_start3A_64, %dma_start3A_65] : memref<10240x128xf32, #tpu.memory_space<hbm>> -> memref<10240x128xf32, #tpu.memory_space<hbm>>
    tpu.enqueue_indirect_dma source(%dma_start3A_66 : memref<10240x128xf32, #tpu.memory_space<hbm>>) target(%dma_start3A_60 : memref<120x128xf32, #tpu.memory_space<vmem>>) offsets(%dma_start3A_63 : memref<120xi32, #tpu.memory_space<vmem>>) semaphore(%arg12 : memref<!tpu.dma_semaphore, #tpu.memory_space<semaphore_mem>>)
    %scan3A_67 = arith.constant 0 : i32
    %scan3A_68 = arith.constant 0 : i32
    %scan3A_69 = arith.constant 28 : i32
    %scan3A_70 = arith.addi %scan3A_68, %scan3A_69 : i32
    %scan3A_71 = arith.constant 1 : i32
    scf.for %scan3A_74 = %scan3A_68 to %scan3A_70 step %scan3A_71  : i32 {
      %rem3A = arith.constant 2 : i32
      %rem3A_75 = arith.remsi %scan3A_74, %rem3A : i32
      %lt3A = arith.constant 27 : i32
      %lt3A_76 = arith.cmpi slt, %scan3A_74, %lt3A : i32
      %convert_element_type3A = arith.extui %lt3A_76 : i1 to i32
      %cond3A = arith.constant 0 : i32
      %cond3A_77 = arith.cmpi ne, %convert_element_type3A, %cond3A : i32
      scf.if %cond3A_77 {
        %add3A_205 = arith.constant 1 : i32
        %add3A_206 = arith.addi %scan3A_74, %add3A_205 : i32
        %sub3A = arith.constant 1 : i32
        %sub3A_207 = arith.subi %sub3A, %rem3A_75 : i32
        %dma_start3A_208 = arith.constant 0 : i32
        %dma_start3A_209 = arith.constant 0 : i32
        %dma_start3A_210 = tpu.memref_slice %arg6[%sub3A_207, %dma_start3A_208, %dma_start3A_209] : memref<2x3x120xi32, #tpu.memory_space<vmem>> -> memref<1x3x120xi32, #tpu.memory_space<vmem>>
        %dma_start3A_211 = tpu.memref_squeeze %dma_start3A_210 : memref<1x3x120xi32, #tpu.memory_space<vmem>> -> memref<3x120xi32, #tpu.memory_space<vmem>>
        %dma_start3A_212 = arith.constant 0 : i32
        %dma_start3A_213 = arith.constant 0 : i32
        %dma_start3A_214 = tpu.memref_slice %arg3[%add3A, %add3A_206, %dma_start3A_212, %dma_start3A_213] : memref<32x28x3x120xi32, #tpu.memory_space<hbm>> -> memref<1x1x3x120xi32, #tpu.memory_space<hbm>>
        %dma_start3A_215 = tpu.memref_squeeze %dma_start3A_214 : memref<1x1x3x120xi32, #tpu.memory_space<hbm>> -> memref<3x120xi32, #tpu.memory_space<hbm>>
        %dma_start3A_216 = arith.constant 0 : i32
        %dma_start3A_217 = arith.constant 0 : i32
        %dma_start3A_218 = tpu.memref_slice %arg6[%sub3A_207, %dma_start3A_216, %dma_start3A_217] : memref<2x3x120xi32, #tpu.memory_space<vmem>> -> memref<1x3x120xi32, #tpu.memory_space<vmem>>
        %dma_start3A_219 = tpu.memref_squeeze %dma_start3A_218 : memref<1x3x120xi32, #tpu.memory_space<vmem>> -> memref<3x120xi32, #tpu.memory_space<vmem>>
        %dma_start3A_220 = arith.constant 0 : i32
        %dma_start3A_221 = arith.constant 0 : i32
        %dma_start3A_222 = tpu.memref_slice %arg3[%add3A, %add3A_206, %dma_start3A_220, %dma_start3A_221] : memref<32x28x3x120xi32, #tpu.memory_space<hbm>> -> memref<1x1x3x120xi32, #tpu.memory_space<hbm>>
        %dma_start3A_223 = tpu.memref_squeeze %dma_start3A_222 : memref<1x1x3x120xi32, #tpu.memory_space<hbm>> -> memref<3x120xi32, #tpu.memory_space<hbm>>
        tpu.enqueue_dma source(%dma_start3A_223 : memref<3x120xi32, #tpu.memory_space<hbm>>) target(%dma_start3A_219 : memref<3x120xi32, #tpu.memory_space<vmem>>) target_semaphore(%arg16 : memref<!tpu.dma_semaphore, #tpu.memory_space<semaphore_mem>>)
        %add3A_224 = arith.constant 1 : i32
        %add3A_225 = arith.addi %scan3A_74, %add3A_224 : i32
        %sub3A_226 = arith.constant 1 : i32
        %sub3A_227 = arith.subi %sub3A_226, %rem3A_75 : i32
        %dma_start3A_228 = arith.constant 0 : i32
        %dma_start3A_229 = arith.constant 0 : i32
        %dma_start3A_230 = tpu.memref_slice %arg7[%sub3A_227, %dma_start3A_228, %dma_start3A_229] : memref<2x3x120xi32, #tpu.memory_space<vmem>> -> memref<1x3x120xi32, #tpu.memory_space<vmem>>
        %dma_start3A_231 = tpu.memref_squeeze %dma_start3A_230 : memref<1x3x120xi32, #tpu.memory_space<vmem>> -> memref<3x120xi32, #tpu.memory_space<vmem>>
        %dma_start3A_232 = arith.constant 0 : i32
        %dma_start3A_233 = arith.constant 0 : i32
        %dma_start3A_234 = tpu.memref_slice %arg4[%add3A, %add3A_225, %dma_start3A_232, %dma_start3A_233] : memref<32x28x3x120xi32, #tpu.memory_space<hbm>> -> memref<1x1x3x120xi32, #tpu.memory_space<hbm>>
        %dma_start3A_235 = tpu.memref_squeeze %dma_start3A_234 : memref<1x1x3x120xi32, #tpu.memory_space<hbm>> -> memref<3x120xi32, #tpu.memory_space<hbm>>
        %dma_start3A_236 = arith.constant 0 : i32
        %dma_start3A_237 = arith.constant 0 : i32
        %dma_start3A_238 = tpu.memref_slice %arg7[%sub3A_227, %dma_start3A_236, %dma_start3A_237] : memref<2x3x120xi32, #tpu.memory_space<vmem>> -> memref<1x3x120xi32, #tpu.memory_space<vmem>>
        %dma_start3A_239 = tpu.memref_squeeze %dma_start3A_238 : memref<1x3x120xi32, #tpu.memory_space<vmem>> -> memref<3x120xi32, #tpu.memory_space<vmem>>
        %dma_start3A_240 = arith.constant 0 : i32
        %dma_start3A_241 = arith.constant 0 : i32
        %dma_start3A_242 = tpu.memref_slice %arg4[%add3A, %add3A_225, %dma_start3A_240, %dma_start3A_241] : memref<32x28x3x120xi32, #tpu.memory_space<hbm>> -> memref<1x1x3x120xi32, #tpu.memory_space<hbm>>
        %dma_start3A_243 = tpu.memref_squeeze %dma_start3A_242 : memref<1x1x3x120xi32, #tpu.memory_space<hbm>> -> memref<3x120xi32, #tpu.memory_space<hbm>>
        tpu.enqueue_dma source(%dma_start3A_243 : memref<3x120xi32, #tpu.memory_space<hbm>>) target(%dma_start3A_239 : memref<3x120xi32, #tpu.memory_space<vmem>>) target_semaphore(%arg16 : memref<!tpu.dma_semaphore, #tpu.memory_space<semaphore_mem>>)
      } else {
      }
      %dma_wait3A = arith.constant 0 : i32
      %dma_wait3A_78 = arith.constant 0 : i32
      %dma_wait3A_79 = arith.constant 0 : i32
      %dma_wait3A_80 = arith.constant 0 : i32
      %dma_wait3A_81 = tpu.memref_slice %arg8[%dma_wait3A_78, %dma_wait3A_79, %dma_wait3A_80] : memref<3x120x128xf32, #tpu.memory_space<vmem>> -> memref<1x120x128xf32, #tpu.memory_space<vmem>>
      %dma_wait3A_82 = tpu.memref_squeeze %dma_wait3A_81 : memref<1x120x128xf32, #tpu.memory_space<vmem>> -> memref<120x128xf32, #tpu.memory_space<vmem>>
      %dma_wait3A_83 = arith.constant 0 : i32
      %dma_wait3A_84 = tpu.memref_slice %arg6[%rem3A_75, %dma_wait3A, %dma_wait3A_83] : memref<2x3x120xi32, #tpu.memory_space<vmem>> -> memref<1x1x120xi32, #tpu.memory_space<vmem>>
      %dma_wait3A_85 = tpu.memref_squeeze %dma_wait3A_84 : memref<1x1x120xi32, #tpu.memory_space<vmem>> -> memref<120xi32, #tpu.memory_space<vmem>>
      %dma_wait3A_86 = arith.constant 0 : i32
      %dma_wait3A_87 = arith.constant 0 : i32
      %dma_wait3A_88 = tpu.memref_slice %arg2[%dma_wait3A_86, %dma_wait3A_87] : memref<10240x128xf32, #tpu.memory_space<hbm>> -> memref<10240x128xf32, #tpu.memory_space<hbm>>
      tpu.wait_indirect_dma semaphore(%arg10 : memref<!tpu.dma_semaphore, #tpu.memory_space<semaphore_mem>>) src(%dma_wait3A_88 : memref<10240x128xf32, #tpu.memory_space<hbm>>) dst(%dma_wait3A_82 : memref<120x128xf32, #tpu.memory_space<vmem>>)
      %dma_start3A_89 = arith.constant 0 : i32
      %dma_start3A_90 = arith.constant 0 : i32
      %dma_start3A_91 = arith.constant 0 : i32
      %dma_start3A_92 = arith.constant 0 : i32
      %dma_start3A_93 = tpu.memref_slice %arg8[%dma_start3A_89, %dma_start3A_91, %dma_start3A_92] : memref<3x120x128xf32, #tpu.memory_space<vmem>> -> memref<1x120x128xf32, #tpu.memory_space<vmem>>
      %dma_start3A_94 = tpu.memref_squeeze %dma_start3A_93 : memref<1x120x128xf32, #tpu.memory_space<vmem>> -> memref<120x128xf32, #tpu.memory_space<vmem>>
      %dma_start3A_95 = arith.constant 0 : i32
      %dma_start3A_96 = tpu.memref_slice %arg7[%rem3A_75, %dma_start3A_90, %dma_start3A_95] : memref<2x3x120xi32, #tpu.memory_space<vmem>> -> memref<1x1x120xi32, #tpu.memory_space<vmem>>
      %dma_start3A_97 = tpu.memref_squeeze %dma_start3A_96 : memref<1x1x120xi32, #tpu.memory_space<vmem>> -> memref<120xi32, #tpu.memory_space<vmem>>
      %dma_start3A_98 = arith.constant 0 : i32
      %dma_start3A_99 = arith.constant 0 : i32
      %dma_start3A_100 = tpu.memref_slice %arg9[%dma_start3A_98, %dma_start3A_99] : memref<10112x128xf32, #tpu.memory_space<vmem_shared>> -> memref<10112x128xf32, #tpu.memory_space<vmem_shared>>
      tpu.enqueue_indirect_dma source(%dma_start3A_94 : memref<120x128xf32, #tpu.memory_space<vmem>>) target(%dma_start3A_100 : memref<10112x128xf32, #tpu.memory_space<vmem_shared>>) offsets(%dma_start3A_97 : memref<120xi32, #tpu.memory_space<vmem>>) semaphore(%arg13 : memref<!tpu.dma_semaphore, #tpu.memory_space<semaphore_mem>>) {add = true}
      %dma_wait3A_101 = arith.constant 1 : i32
      %dma_wait3A_102 = arith.constant 1 : i32
      %dma_wait3A_103 = arith.constant 0 : i32
      %dma_wait3A_104 = arith.constant 0 : i32
      %dma_wait3A_105 = tpu.memref_slice %arg8[%dma_wait3A_102, %dma_wait3A_103, %dma_wait3A_104] : memref<3x120x128xf32, #tpu.memory_space<vmem>> -> memref<1x120x128xf32, #tpu.memory_space<vmem>>
      %dma_wait3A_106 = tpu.memref_squeeze %dma_wait3A_105 : memref<1x120x128xf32, #tpu.memory_space<vmem>> -> memref<120x128xf32, #tpu.memory_space<vmem>>
      %dma_wait3A_107 = arith.constant 0 : i32
      %dma_wait3A_108 = tpu.memref_slice %arg6[%rem3A_75, %dma_wait3A_101, %dma_wait3A_107] : memref<2x3x120xi32, #tpu.memory_space<vmem>> -> memref<1x1x120xi32, #tpu.memory_space<vmem>>
      %dma_wait3A_109 = tpu.memref_squeeze %dma_wait3A_108 : memref<1x1x120xi32, #tpu.memory_space<vmem>> -> memref<120xi32, #tpu.memory_space<vmem>>
      %dma_wait3A_110 = arith.constant 0 : i32
      %dma_wait3A_111 = arith.constant 0 : i32
      %dma_wait3A_112 = tpu.memref_slice %arg2[%dma_wait3A_110, %dma_wait3A_111] : memref<10240x128xf32, #tpu.memory_space<hbm>> -> memref<10240x128xf32, #tpu.memory_space<hbm>>
      tpu.wait_indirect_dma semaphore(%arg11 : memref<!tpu.dma_semaphore, #tpu.memory_space<semaphore_mem>>) src(%dma_wait3A_112 : memref<10240x128xf32, #tpu.memory_space<hbm>>) dst(%dma_wait3A_106 : memref<120x128xf32, #tpu.memory_space<vmem>>)
      %dma_start3A_113 = arith.constant 1 : i32
      %dma_start3A_114 = arith.constant 1 : i32
      %dma_start3A_115 = arith.constant 0 : i32
      %dma_start3A_116 = arith.constant 0 : i32
      %dma_start3A_117 = tpu.memref_slice %arg8[%dma_start3A_113, %dma_start3A_115, %dma_start3A_116] : memref<3x120x128xf32, #tpu.memory_space<vmem>> -> memref<1x120x128xf32, #tpu.memory_space<vmem>>
      %dma_start3A_118 = tpu.memref_squeeze %dma_start3A_117 : memref<1x120x128xf32, #tpu.memory_space<vmem>> -> memref<120x128xf32, #tpu.memory_space<vmem>>
      %dma_start3A_119 = arith.constant 0 : i32
      %dma_start3A_120 = tpu.memref_slice %arg7[%rem3A_75, %dma_start3A_114, %dma_start3A_119] : memref<2x3x120xi32, #tpu.memory_space<vmem>> -> memref<1x1x120xi32, #tpu.memory_space<vmem>>
      %dma_start3A_121 = tpu.memref_squeeze %dma_start3A_120 : memref<1x1x120xi32, #tpu.memory_space<vmem>> -> memref<120xi32, #tpu.memory_space<vmem>>
      %dma_start3A_122 = arith.constant 0 : i32
      %dma_start3A_123 = arith.constant 0 : i32
      %dma_start3A_124 = tpu.memref_slice %arg9[%dma_start3A_122, %dma_start3A_123] : memref<10112x128xf32, #tpu.memory_space<vmem_shared>> -> memref<10112x128xf32, #tpu.memory_space<vmem_shared>>
      tpu.enqueue_indirect_dma source(%dma_start3A_118 : memref<120x128xf32, #tpu.memory_space<vmem>>) target(%dma_start3A_124 : memref<10112x128xf32, #tpu.memory_space<vmem_shared>>) offsets(%dma_start3A_121 : memref<120xi32, #tpu.memory_space<vmem>>) semaphore(%arg14 : memref<!tpu.dma_semaphore, #tpu.memory_space<semaphore_mem>>) {add = true}
      %dma_wait3A_125 = arith.constant 2 : i32
      %dma_wait3A_126 = arith.constant 2 : i32
      %dma_wait3A_127 = arith.constant 0 : i32
      %dma_wait3A_128 = arith.constant 0 : i32
      %dma_wait3A_129 = tpu.memref_slice %arg8[%dma_wait3A_126, %dma_wait3A_127, %dma_wait3A_128] : memref<3x120x128xf32, #tpu.memory_space<vmem>> -> memref<1x120x128xf32, #tpu.memory_space<vmem>>
      %dma_wait3A_130 = tpu.memref_squeeze %dma_wait3A_129 : memref<1x120x128xf32, #tpu.memory_space<vmem>> -> memref<120x128xf32, #tpu.memory_space<vmem>>
      %dma_wait3A_131 = arith.constant 0 : i32
      %dma_wait3A_132 = tpu.memref_slice %arg6[%rem3A_75, %dma_wait3A_125, %dma_wait3A_131] : memref<2x3x120xi32, #tpu.memory_space<vmem>> -> memref<1x1x120xi32, #tpu.memory_space<vmem>>
      %dma_wait3A_133 = tpu.memref_squeeze %dma_wait3A_132 : memref<1x1x120xi32, #tpu.memory_space<vmem>> -> memref<120xi32, #tpu.memory_space<vmem>>
      %dma_wait3A_134 = arith.constant 0 : i32
      %dma_wait3A_135 = arith.constant 0 : i32
      %dma_wait3A_136 = tpu.memref_slice %arg2[%dma_wait3A_134, %dma_wait3A_135] : memref<10240x128xf32, #tpu.memory_space<hbm>> -> memref<10240x128xf32, #tpu.memory_space<hbm>>
      tpu.wait_indirect_dma semaphore(%arg12 : memref<!tpu.dma_semaphore, #tpu.memory_space<semaphore_mem>>) src(%dma_wait3A_136 : memref<10240x128xf32, #tpu.memory_space<hbm>>) dst(%dma_wait3A_130 : memref<120x128xf32, #tpu.memory_space<vmem>>)
      %dma_start3A_137 = arith.constant 2 : i32
      %dma_start3A_138 = arith.constant 2 : i32
      %dma_start3A_139 = arith.constant 0 : i32
      %dma_start3A_140 = arith.constant 0 : i32
      %dma_start3A_141 = tpu.memref_slice %arg8[%dma_start3A_137, %dma_start3A_139, %dma_start3A_140] : memref<3x120x128xf32, #tpu.memory_space<vmem>> -> memref<1x120x128xf32, #tpu.memory_space<vmem>>
      %dma_start3A_142 = tpu.memref_squeeze %dma_start3A_141 : memref<1x120x128xf32, #tpu.memory_space<vmem>> -> memref<120x128xf32, #tpu.memory_space<vmem>>
      %dma_start3A_143 = arith.constant 0 : i32
      %dma_start3A_144 = tpu.memref_slice %arg7[%rem3A_75, %dma_start3A_138, %dma_start3A_143] : memref<2x3x120xi32, #tpu.memory_space<vmem>> -> memref<1x1x120xi32, #tpu.memory_space<vmem>>
      %dma_start3A_145 = tpu.memref_squeeze %dma_start3A_144 : memref<1x1x120xi32, #tpu.memory_space<vmem>> -> memref<120xi32, #tpu.memory_space<vmem>>
      %dma_start3A_146 = arith.constant 0 : i32
      %dma_start3A_147 = arith.constant 0 : i32
      %dma_start3A_148 = tpu.memref_slice %arg9[%dma_start3A_146, %dma_start3A_147] : memref<10112x128xf32, #tpu.memory_space<vmem_shared>> -> memref<10112x128xf32, #tpu.memory_space<vmem_shared>>
      tpu.enqueue_indirect_dma source(%dma_start3A_142 : memref<120x128xf32, #tpu.memory_space<vmem>>) target(%dma_start3A_148 : memref<10112x128xf32, #tpu.memory_space<vmem_shared>>) offsets(%dma_start3A_145 : memref<120xi32, #tpu.memory_space<vmem>>) semaphore(%arg15 : memref<!tpu.dma_semaphore, #tpu.memory_space<semaphore_mem>>) {add = true}
      %lt3A_149 = arith.constant 27 : i32
      %lt3A_150 = arith.cmpi slt, %scan3A_74, %lt3A_149 : i32
      %convert_element_type3A_151 = arith.extui %lt3A_150 : i1 to i32
      %cond3A_152 = arith.constant 0 : i32
      %cond3A_153 = arith.cmpi ne, %convert_element_type3A_151, %cond3A_152 : i32
      scf.if %cond3A_153 {
        %sub3A = arith.constant 1 : i32
        %sub3A_205 = arith.subi %sub3A, %rem3A_75 : i32
        %dma_wait3A_206 = arith.constant 0 : i32
        %dma_wait3A_207 = arith.constant 0 : i32
        %dma_wait3A_208 = arith.constant 0 : i32
        %dma_wait3A_209 = tpu.memref_slice %arg6[%sub3A_205, %dma_wait3A_207, %dma_wait3A_208] : memref<2x3x120xi32, #tpu.memory_space<vmem>> -> memref<1x3x120xi32, #tpu.memory_space<vmem>>
        %dma_wait3A_210 = tpu.memref_squeeze %dma_wait3A_209 : memref<1x3x120xi32, #tpu.memory_space<vmem>> -> memref<3x120xi32, #tpu.memory_space<vmem>>
        %dma_wait3A_211 = arith.constant 0 : i32
        %dma_wait3A_212 = arith.constant 0 : i32
        %dma_wait3A_213 = tpu.memref_slice %arg3[%add3A, %dma_wait3A_206, %dma_wait3A_211, %dma_wait3A_212] : memref<32x28x3x120xi32, #tpu.memory_space<hbm>> -> memref<1x1x3x120xi32, #tpu.memory_space<hbm>>
        %dma_wait3A_214 = tpu.memref_squeeze %dma_wait3A_213 : memref<1x1x3x120xi32, #tpu.memory_space<hbm>> -> memref<3x120xi32, #tpu.memory_space<hbm>>
        %dma_wait3A_215 = arith.constant 0 : i32
        %dma_wait3A_216 = arith.constant 0 : i32
        %dma_wait3A_217 = tpu.memref_slice %arg6[%sub3A_205, %dma_wait3A_215, %dma_wait3A_216] : memref<2x3x120xi32, #tpu.memory_space<vmem>> -> memref<1x3x120xi32, #tpu.memory_space<vmem>>
        %dma_wait3A_218 = tpu.memref_squeeze %dma_wait3A_217 : memref<1x3x120xi32, #tpu.memory_space<vmem>> -> memref<3x120xi32, #tpu.memory_space<vmem>>
        %dma_wait3A_219 = arith.constant 0 : i32
        %dma_wait3A_220 = arith.constant 0 : i32
        %dma_wait3A_221 = tpu.memref_slice %arg3[%add3A, %dma_wait3A_206, %dma_wait3A_219, %dma_wait3A_220] : memref<32x28x3x120xi32, #tpu.memory_space<hbm>> -> memref<1x1x3x120xi32, #tpu.memory_space<hbm>>
        %dma_wait3A_222 = tpu.memref_squeeze %dma_wait3A_221 : memref<1x1x3x120xi32, #tpu.memory_space<hbm>> -> memref<3x120xi32, #tpu.memory_space<hbm>>
        tpu.wait_dma2 semaphore(%arg16 : memref<!tpu.dma_semaphore, #tpu.memory_space<semaphore_mem>>) src(%dma_wait3A_222 : memref<3x120xi32, #tpu.memory_space<hbm>>) dst(%dma_wait3A_218 : memref<3x120xi32, #tpu.memory_space<vmem>>)
        %sub3A_223 = arith.constant 1 : i32
        %sub3A_224 = arith.subi %sub3A_223, %rem3A_75 : i32
        %dma_wait3A_225 = arith.constant 0 : i32
        %dma_wait3A_226 = arith.constant 0 : i32
        %dma_wait3A_227 = arith.constant 0 : i32
        %dma_wait3A_228 = tpu.memref_slice %arg7[%sub3A_224, %dma_wait3A_226, %dma_wait3A_227] : memref<2x3x120xi32, #tpu.memory_space<vmem>> -> memref<1x3x120xi32, #tpu.memory_space<vmem>>
        %dma_wait3A_229 = tpu.memref_squeeze %dma_wait3A_228 : memref<1x3x120xi32, #tpu.memory_space<vmem>> -> memref<3x120xi32, #tpu.memory_space<vmem>>
        %dma_wait3A_230 = arith.constant 0 : i32
        %dma_wait3A_231 = arith.constant 0 : i32
        %dma_wait3A_232 = tpu.memref_slice %arg4[%add3A, %dma_wait3A_225, %dma_wait3A_230, %dma_wait3A_231] : memref<32x28x3x120xi32, #tpu.memory_space<hbm>> -> memref<1x1x3x120xi32, #tpu.memory_space<hbm>>
        %dma_wait3A_233 = tpu.memref_squeeze %dma_wait3A_232 : memref<1x1x3x120xi32, #tpu.memory_space<hbm>> -> memref<3x120xi32, #tpu.memory_space<hbm>>
        %dma_wait3A_234 = arith.constant 0 : i32
        %dma_wait3A_235 = arith.constant 0 : i32
        %dma_wait3A_236 = tpu.memref_slice %arg7[%sub3A_224, %dma_wait3A_234, %dma_wait3A_235] : memref<2x3x120xi32, #tpu.memory_space<vmem>> -> memref<1x3x120xi32, #tpu.memory_space<vmem>>
        %dma_wait3A_237 = tpu.memref_squeeze %dma_wait3A_236 : memref<1x3x120xi32, #tpu.memory_space<vmem>> -> memref<3x120xi32, #tpu.memory_space<vmem>>
        %dma_wait3A_238 = arith.constant 0 : i32
        %dma_wait3A_239 = arith.constant 0 : i32
        %dma_wait3A_240 = tpu.memref_slice %arg4[%add3A, %dma_wait3A_225, %dma_wait3A_238, %dma_wait3A_239] : memref<32x28x3x120xi32, #tpu.memory_space<hbm>> -> memref<1x1x3x120xi32, #tpu.memory_space<hbm>>
        %dma_wait3A_241 = tpu.memref_squeeze %dma_wait3A_240 : memref<1x1x3x120xi32, #tpu.memory_space<hbm>> -> memref<3x120xi32, #tpu.memory_space<hbm>>
        tpu.wait_dma2 semaphore(%arg16 : memref<!tpu.dma_semaphore, #tpu.memory_space<semaphore_mem>>) src(%dma_wait3A_241 : memref<3x120xi32, #tpu.memory_space<hbm>>) dst(%dma_wait3A_237 : memref<3x120xi32, #tpu.memory_space<vmem>>)
      } else {
      }
      %dma_wait3A_154 = arith.constant 0 : i32
      %dma_wait3A_155 = arith.constant 0 : i32
      %dma_wait3A_156 = arith.constant 0 : i32
      %dma_wait3A_157 = arith.constant 0 : i32
      %dma_wait3A_158 = tpu.memref_slice %arg8[%dma_wait3A_154, %dma_wait3A_156, %dma_wait3A_157] : memref<3x120x128xf32, #tpu.memory_space<vmem>> -> memref<1x120x128xf32, #tpu.memory_space<vmem>>
      %dma_wait3A_159 = tpu.memref_squeeze %dma_wait3A_158 : memref<1x120x128xf32, #tpu.memory_space<vmem>> -> memref<120x128xf32, #tpu.memory_space<vmem>>
      %dma_wait3A_160 = arith.constant 0 : i32
      %dma_wait3A_161 = tpu.memref_slice %arg7[%rem3A_75, %dma_wait3A_155, %dma_wait3A_160] : memref<2x3x120xi32, #tpu.memory_space<vmem>> -> memref<1x1x120xi32, #tpu.memory_space<vmem>>
      %dma_wait3A_162 = tpu.memref_squeeze %dma_wait3A_161 : memref<1x1x120xi32, #tpu.memory_space<vmem>> -> memref<120xi32, #tpu.memory_space<vmem>>
      %dma_wait3A_163 = arith.constant 0 : i32
      %dma_wait3A_164 = arith.constant 0 : i32
      %dma_wait3A_165 = tpu.memref_slice %arg9[%dma_wait3A_163, %dma_wait3A_164] : memref<10112x128xf32, #tpu.memory_space<vmem_shared>> -> memref<10112x128xf32, #tpu.memory_space<vmem_shared>>
      tpu.wait_indirect_dma semaphore(%arg13 : memref<!tpu.dma_semaphore, #tpu.memory_space<semaphore_mem>>) src(%dma_wait3A_159 : memref<120x128xf32, #tpu.memory_space<vmem>>) dst(%dma_wait3A_165 : memref<10112x128xf32, #tpu.memory_space<vmem_shared>>)
      %lt3A_166 = arith.constant 27 : i32
      %lt3A_167 = arith.cmpi slt, %scan3A_74, %lt3A_166 : i32
      %convert_element_type3A_168 = arith.extui %lt3A_167 : i1 to i32
      %cond3A_169 = arith.constant 0 : i32
      %cond3A_170 = arith.cmpi ne, %convert_element_type3A_168, %cond3A_169 : i32
      scf.if %cond3A_170 {
        %sub3A = arith.constant 1 : i32
        %sub3A_205 = arith.subi %sub3A, %rem3A_75 : i32
        %dma_start3A_206 = arith.constant 0 : i32
        %dma_start3A_207 = arith.constant 0 : i32
        %dma_start3A_208 = arith.constant 0 : i32
        %dma_start3A_209 = arith.constant 0 : i32
        %dma_start3A_210 = tpu.memref_slice %arg8[%dma_start3A_207, %dma_start3A_208, %dma_start3A_209] : memref<3x120x128xf32, #tpu.memory_space<vmem>> -> memref<1x120x128xf32, #tpu.memory_space<vmem>>
        %dma_start3A_211 = tpu.memref_squeeze %dma_start3A_210 : memref<1x120x128xf32, #tpu.memory_space<vmem>> -> memref<120x128xf32, #tpu.memory_space<vmem>>
        %dma_start3A_212 = arith.constant 0 : i32
        %dma_start3A_213 = tpu.memref_slice %arg6[%sub3A_205, %dma_start3A_206, %dma_start3A_212] : memref<2x3x120xi32, #tpu.memory_space<vmem>> -> memref<1x1x120xi32, #tpu.memory_space<vmem>>
        %dma_start3A_214 = tpu.memref_squeeze %dma_start3A_213 : memref<1x1x120xi32, #tpu.memory_space<vmem>> -> memref<120xi32, #tpu.memory_space<vmem>>
        %dma_start3A_215 = arith.constant 0 : i32
        %dma_start3A_216 = arith.constant 0 : i32
        %dma_start3A_217 = tpu.memref_slice %arg2[%dma_start3A_215, %dma_start3A_216] : memref<10240x128xf32, #tpu.memory_space<hbm>> -> memref<10240x128xf32, #tpu.memory_space<hbm>>
        tpu.enqueue_indirect_dma source(%dma_start3A_217 : memref<10240x128xf32, #tpu.memory_space<hbm>>) target(%dma_start3A_211 : memref<120x128xf32, #tpu.memory_space<vmem>>) offsets(%dma_start3A_214 : memref<120xi32, #tpu.memory_space<vmem>>) semaphore(%arg10 : memref<!tpu.dma_semaphore, #tpu.memory_space<semaphore_mem>>)
      } else {
      }
      %dma_wait3A_171 = arith.constant 1 : i32
      %dma_wait3A_172 = arith.constant 1 : i32
      %dma_wait3A_173 = arith.constant 0 : i32
      %dma_wait3A_174 = arith.constant 0 : i32
      %dma_wait3A_175 = tpu.memref_slice %arg8[%dma_wait3A_171, %dma_wait3A_173, %dma_wait3A_174] : memref<3x120x128xf32, #tpu.memory_space<vmem>> -> memref<1x120x128xf32, #tpu.memory_space<vmem>>
      %dma_wait3A_176 = tpu.memref_squeeze %dma_wait3A_175 : memref<1x120x128xf32, #tpu.memory_space<vmem>> -> memref<120x128xf32, #tpu.memory_space<vmem>>
      %dma_wait3A_177 = arith.constant 0 : i32
      %dma_wait3A_178 = tpu.memref_slice %arg7[%rem3A_75, %dma_wait3A_172, %dma_wait3A_177] : memref<2x3x120xi32, #tpu.memory_space<vmem>> -> memref<1x1x120xi32, #tpu.memory_space<vmem>>
      %dma_wait3A_179 = tpu.memref_squeeze %dma_wait3A_178 : memref<1x1x120xi32, #tpu.memory_space<vmem>> -> memref<120xi32, #tpu.memory_space<vmem>>
      %dma_wait3A_180 = arith.constant 0 : i32
      %dma_wait3A_181 = arith.constant 0 : i32
      %dma_wait3A_182 = tpu.memref_slice %arg9[%dma_wait3A_180, %dma_wait3A_181] : memref<10112x128xf32, #tpu.memory_space<vmem_shared>> -> memref<10112x128xf32, #tpu.memory_space<vmem_shared>>
      tpu.wait_indirect_dma semaphore(%arg14 : memref<!tpu.dma_semaphore, #tpu.memory_space<semaphore_mem>>) src(%dma_wait3A_176 : memref<120x128xf32, #tpu.memory_space<vmem>>) dst(%dma_wait3A_182 : memref<10112x128xf32, #tpu.memory_space<vmem_shared>>)
      %lt3A_183 = arith.constant 27 : i32
      %lt3A_184 = arith.cmpi slt, %scan3A_74, %lt3A_183 : i32
      %convert_element_type3A_185 = arith.extui %lt3A_184 : i1 to i32
      %cond3A_186 = arith.constant 0 : i32
      %cond3A_187 = arith.cmpi ne, %convert_element_type3A_185, %cond3A_186 : i32
      scf.if %cond3A_187 {
        %sub3A = arith.constant 1 : i32
        %sub3A_205 = arith.subi %sub3A, %rem3A_75 : i32
        %dma_start3A_206 = arith.constant 1 : i32
        %dma_start3A_207 = arith.constant 1 : i32
        %dma_start3A_208 = arith.constant 0 : i32
        %dma_start3A_209 = arith.constant 0 : i32
        %dma_start3A_210 = tpu.memref_slice %arg8[%dma_start3A_207, %dma_start3A_208, %dma_start3A_209] : memref<3x120x128xf32, #tpu.memory_space<vmem>> -> memref<1x120x128xf32, #tpu.memory_space<vmem>>
        %dma_start3A_211 = tpu.memref_squeeze %dma_start3A_210 : memref<1x120x128xf32, #tpu.memory_space<vmem>> -> memref<120x128xf32, #tpu.memory_space<vmem>>
        %dma_start3A_212 = arith.constant 0 : i32
        %dma_start3A_213 = tpu.memref_slice %arg6[%sub3A_205, %dma_start3A_206, %dma_start3A_212] : memref<2x3x120xi32, #tpu.memory_space<vmem>> -> memref<1x1x120xi32, #tpu.memory_space<vmem>>
        %dma_start3A_214 = tpu.memref_squeeze %dma_start3A_213 : memref<1x1x120xi32, #tpu.memory_space<vmem>> -> memref<120xi32, #tpu.memory_space<vmem>>
        %dma_start3A_215 = arith.constant 0 : i32
        %dma_start3A_216 = arith.constant 0 : i32
        %dma_start3A_217 = tpu.memref_slice %arg2[%dma_start3A_215, %dma_start3A_216] : memref<10240x128xf32, #tpu.memory_space<hbm>> -> memref<10240x128xf32, #tpu.memory_space<hbm>>
        tpu.enqueue_indirect_dma source(%dma_start3A_217 : memref<10240x128xf32, #tpu.memory_space<hbm>>) target(%dma_start3A_211 : memref<120x128xf32, #tpu.memory_space<vmem>>) offsets(%dma_start3A_214 : memref<120xi32, #tpu.memory_space<vmem>>) semaphore(%arg11 : memref<!tpu.dma_semaphore, #tpu.memory_space<semaphore_mem>>)
      } else {
      }
      %dma_wait3A_188 = arith.constant 2 : i32
      %dma_wait3A_189 = arith.constant 2 : i32
      %dma_wait3A_190 = arith.constant 0 : i32
      %dma_wait3A_191 = arith.constant 0 : i32
      %dma_wait3A_192 = tpu.memref_slice %arg8[%dma_wait3A_188, %dma_wait3A_190, %dma_wait3A_191] : memref<3x120x128xf32, #tpu.memory_space<vmem>> -> memref<1x120x128xf32, #tpu.memory_space<vmem>>
      %dma_wait3A_193 = tpu.memref_squeeze %dma_wait3A_192 : memref<1x120x128xf32, #tpu.memory_space<vmem>> -> memref<120x128xf32, #tpu.memory_space<vmem>>
      %dma_wait3A_194 = arith.constant 0 : i32
      %dma_wait3A_195 = tpu.memref_slice %arg7[%rem3A_75, %dma_wait3A_189, %dma_wait3A_194] : memref<2x3x120xi32, #tpu.memory_space<vmem>> -> memref<1x1x120xi32, #tpu.memory_space<vmem>>
      %dma_wait3A_196 = tpu.memref_squeeze %dma_wait3A_195 : memref<1x1x120xi32, #tpu.memory_space<vmem>> -> memref<120xi32, #tpu.memory_space<vmem>>
      %dma_wait3A_197 = arith.constant 0 : i32
      %dma_wait3A_198 = arith.constant 0 : i32
      %dma_wait3A_199 = tpu.memref_slice %arg9[%dma_wait3A_197, %dma_wait3A_198] : memref<10112x128xf32, #tpu.memory_space<vmem_shared>> -> memref<10112x128xf32, #tpu.memory_space<vmem_shared>>
      tpu.wait_indirect_dma semaphore(%arg15 : memref<!tpu.dma_semaphore, #tpu.memory_space<semaphore_mem>>) src(%dma_wait3A_193 : memref<120x128xf32, #tpu.memory_space<vmem>>) dst(%dma_wait3A_199 : memref<10112x128xf32, #tpu.memory_space<vmem_shared>>)
      %lt3A_200 = arith.constant 27 : i32
      %lt3A_201 = arith.cmpi slt, %scan3A_74, %lt3A_200 : i32
      %convert_element_type3A_202 = arith.extui %lt3A_201 : i1 to i32
      %cond3A_203 = arith.constant 0 : i32
      %cond3A_204 = arith.cmpi ne, %convert_element_type3A_202, %cond3A_203 : i32
      scf.if %cond3A_204 {
        %sub3A = arith.constant 1 : i32
        %sub3A_205 = arith.subi %sub3A, %rem3A_75 : i32
        %dma_start3A_206 = arith.constant 2 : i32
        %dma_start3A_207 = arith.constant 2 : i32
        %dma_start3A_208 = arith.constant 0 : i32
        %dma_start3A_209 = arith.constant 0 : i32
        %dma_start3A_210 = tpu.memref_slice %arg8[%dma_start3A_207, %dma_start3A_208, %dma_start3A_209] : memref<3x120x128xf32, #tpu.memory_space<vmem>> -> memref<1x120x128xf32, #tpu.memory_space<vmem>>
        %dma_start3A_211 = tpu.memref_squeeze %dma_start3A_210 : memref<1x120x128xf32, #tpu.memory_space<vmem>> -> memref<120x128xf32, #tpu.memory_space<vmem>>
        %dma_start3A_212 = arith.constant 0 : i32
        %dma_start3A_213 = tpu.memref_slice %arg6[%sub3A_205, %dma_start3A_206, %dma_start3A_212] : memref<2x3x120xi32, #tpu.memory_space<vmem>> -> memref<1x1x120xi32, #tpu.memory_space<vmem>>
        %dma_start3A_214 = tpu.memref_squeeze %dma_start3A_213 : memref<1x1x120xi32, #tpu.memory_space<vmem>> -> memref<120xi32, #tpu.memory_space<vmem>>
        %dma_start3A_215 = arith.constant 0 : i32
        %dma_start3A_216 = arith.constant 0 : i32
        %dma_start3A_217 = tpu.memref_slice %arg2[%dma_start3A_215, %dma_start3A_216] : memref<10240x128xf32, #tpu.memory_space<hbm>> -> memref<10240x128xf32, #tpu.memory_space<hbm>>
        tpu.enqueue_indirect_dma source(%dma_start3A_217 : memref<10240x128xf32, #tpu.memory_space<hbm>>) target(%dma_start3A_211 : memref<120x128xf32, #tpu.memory_space<vmem>>) offsets(%dma_start3A_214 : memref<120xi32, #tpu.memory_space<vmem>>) semaphore(%arg12 : memref<!tpu.dma_semaphore, #tpu.memory_space<semaphore_mem>>)
      } else {
      }
    }
    %scan3A_72 = arith.constant 28 : i32
    %barrier3A_73 = arith.constant 0 : index
    tpu.barrier barrier_id(%barrier3A_73)
    "tpu.region"() ({
      %run_scoped3A_74 = tpu.sem_alloc : memref<!tpu.dma_semaphore, #tpu.memory_space<semaphore_mem>>
      %dma_start3A_75 = arith.constant 0 : i32
      %dma_start3A_76 = tpu.memref_slice %arg5[%arg0, %mul3A_7, %dma_start3A_75] : memref<2x10240x128xf32, #tpu.memory_space<hbm>> -> memref<1x632x128xf32, #tpu.memory_space<hbm>>
      %dma_start3A_77 = tpu.memref_squeeze %dma_start3A_76 : memref<1x632x128xf32, #tpu.memory_space<hbm>> -> memref<632x128xf32, #tpu.memory_space<hbm>>
      %dma_start3A_78 = arith.constant 0 : i32
      %dma_start3A_79 = tpu.memref_slice %arg9[%mul3A_7, %dma_start3A_78] : memref<10112x128xf32, #tpu.memory_space<vmem_shared>> -> memref<632x128xf32, #tpu.memory_space<vmem_shared>>
      tpu.enqueue_dma source(%dma_start3A_79 : memref<632x128xf32, #tpu.memory_space<vmem_shared>>) target(%dma_start3A_77 : memref<632x128xf32, #tpu.memory_space<hbm>>) target_semaphore(%run_scoped3A_74 : memref<!tpu.dma_semaphore, #tpu.memory_space<semaphore_mem>>)
      %dma_wait3A = arith.constant 0 : i32
      %dma_wait3A_80 = tpu.memref_slice %arg5[%arg0, %mul3A_7, %dma_wait3A] : memref<2x10240x128xf32, #tpu.memory_space<hbm>> -> memref<1x632x128xf32, #tpu.memory_space<hbm>>
      %dma_wait3A_81 = tpu.memref_squeeze %dma_wait3A_80 : memref<1x632x128xf32, #tpu.memory_space<hbm>> -> memref<632x128xf32, #tpu.memory_space<hbm>>
      %dma_wait3A_82 = arith.constant 0 : i32
      %dma_wait3A_83 = tpu.memref_slice %arg9[%mul3A_7, %dma_wait3A_82] : memref<10112x128xf32, #tpu.memory_space<vmem_shared>> -> memref<632x128xf32, #tpu.memory_space<vmem_shared>>
      tpu.wait_dma2 semaphore(%run_scoped3A_74 : memref<!tpu.dma_semaphore, #tpu.memory_space<semaphore_mem>>) src(%dma_wait3A_83 : memref<632x128xf32, #tpu.memory_space<vmem_shared>>) dst(%dma_wait3A_81 : memref<632x128xf32, #tpu.memory_space<hbm>>)
      tpu.yield
    }) : () -> ()
    return
  }
}

module attributes {stable_mosaic.version = 14 : i64} {
  func.func @_enc_body(%arg0: i32, %arg1: memref<1024x128xf32, #tpu.memory_space<vmem>>, %arg2: memref<128x128xf32, #tpu.memory_space<vmem>>, %arg3: memref<1x128xf32, #tpu.memory_space<vmem>>, %arg4: memref<128x128xf32, #tpu.memory_space<vmem>>, %arg5: memref<1x128xf32, #tpu.memory_space<vmem>>, %arg6: memref<1024x128xf32, #tpu.memory_space<vmem>>) attributes {dimension_semantics = [#tpu.dimension_semantics<arbitrary>], iteration_bounds = array<i64: 10>, scalar_prefetch = 0 : i64, scratch_operands = 0 : i64, tpu.core_type = #tpu.core_type<tc>, window_params = [{transform_indices = @transform_0, window_bounds = array<i64: 1024, 128>}, {pipeline_mode = #tpu.pipeline_mode<synchronous>, transform_indices = @transform_1, window_bounds = array<i64: 128, 128>}, {pipeline_mode = #tpu.pipeline_mode<synchronous>, transform_indices = @transform_2, window_bounds = array<i64: 1, 128>}, {pipeline_mode = #tpu.pipeline_mode<synchronous>, transform_indices = @transform_3, window_bounds = array<i64: 128, 128>}, {pipeline_mode = #tpu.pipeline_mode<synchronous>, transform_indices = @transform_4, window_bounds = array<i64: 1, 128>}, {transform_indices = @transform_5, window_bounds = array<i64: 1024, 128>}]} {
    %get3A = arith.constant 0 : index
    %get3A_0 = arith.constant 0 : index
    %get3A_1 = vector.load %arg1[%get3A, %get3A_0] : memref<1024x128xf32, #tpu.memory_space<vmem>>, vector<1024x128xf32>
    %get3A_2 = arith.constant 0 : index
    %get3A_3 = arith.constant 0 : index
    %get3A_4 = vector.load %arg2[%get3A_2, %get3A_3] : memref<128x128xf32, #tpu.memory_space<vmem>>, vector<128x128xf32>
    %dot_general3A = arith.constant dense<0.000000e+00> : vector<1024x128xf32>
    %dot_general3A_5 = tpu.matmul %get3A_1, %get3A_4, %dot_general3A {dimension_numbers = #tpu.dot_dimension_numbers<[1], [0], [0], [1], [0, 0, 1, 1], [], []>, transpose_lhs_hint = false} : vector<1024x128xf32>, vector<128x128xf32>, vector<1024x128xf32> -> vector<1024x128xf32>
    %get3A_6 = arith.constant 0 : index
    %get3A_7 = arith.constant 0 : index
    %get3A_8 = vector.load %arg3[%get3A_6, %get3A_7] : memref<1x128xf32, #tpu.memory_space<vmem>>, vector<1x128xf32>
    %add3A = vector.broadcast %get3A_8 : vector<1x128xf32> to vector<1024x128xf32>
    %add3A_9 = arith.addf %dot_general3A_5, %add3A : vector<1024x128xf32>
    %max3A = arith.constant 0.000000e+00 : f32
    %max3A_10 = vector.broadcast %max3A : f32 to vector<1024x128xf32>
    %max3A_11 = arith.maximumf %add3A_9, %max3A_10 : vector<1024x128xf32>
    %get3A_12 = arith.constant 0 : index
    %get3A_13 = arith.constant 0 : index
    %get3A_14 = vector.load %arg4[%get3A_12, %get3A_13] : memref<128x128xf32, #tpu.memory_space<vmem>>, vector<128x128xf32>
    %dot_general3A_15 = arith.constant dense<0.000000e+00> : vector<1024x128xf32>
    %dot_general3A_16 = tpu.matmul %max3A_11, %get3A_14, %dot_general3A_15 {dimension_numbers = #tpu.dot_dimension_numbers<[1], [0], [0], [1], [0, 0, 1, 1], [], []>, transpose_lhs_hint = false} : vector<1024x128xf32>, vector<128x128xf32>, vector<1024x128xf32> -> vector<1024x128xf32>
    %get3A_17 = arith.constant 0 : index
    %get3A_18 = arith.constant 0 : index
    %get3A_19 = vector.load %arg5[%get3A_17, %get3A_18] : memref<1x128xf32, #tpu.memory_space<vmem>>, vector<1x128xf32>
    %add3A_20 = vector.broadcast %get3A_19 : vector<1x128xf32> to vector<1024x128xf32>
    %add3A_21 = arith.addf %dot_general3A_16, %add3A_20 : vector<1024x128xf32>
    %max3A_22 = arith.constant 0.000000e+00 : f32
    %max3A_23 = vector.broadcast %max3A_22 : f32 to vector<1024x128xf32>
    %max3A_24 = arith.maximumf %add3A_21, %max3A_23 : vector<1024x128xf32>
    %swap3A = arith.constant 0 : index
    %swap3A_25 = arith.constant 0 : index
    %swap3A_26 = vector.load %arg6[%swap3A, %swap3A_25] : memref<1024x128xf32, #tpu.memory_space<vmem>>, vector<1024x128xf32>
    tpu.vector_store %arg6[%swap3A, %swap3A_25], %max3A_24 {strides = array<i32>} : memref<1024x128xf32, #tpu.memory_space<vmem>>, vector<1024x128xf32>,
    return
  }
  func.func @transform_0(%arg0: i32) -> (i32, i32) {
    %c0_i32 = arith.constant 0 : i32
    %c0_i32_0 = arith.constant 0 : i32
    return %arg0, %c0_i32 : i32, i32
  }
  func.func @transform_1(%arg0: i32) -> (i32, i32) {
    %c0_i32 = arith.constant 0 : i32
    %c0_i32_0 = arith.constant 0 : i32
    %c0_i32_1 = arith.constant 0 : i32
    return %c0_i32, %c0_i32_0 : i32, i32
  }
  func.func @transform_2(%arg0: i32) -> (i32, i32) {
    %c0_i32 = arith.constant 0 : i32
    %c0_i32_0 = arith.constant 0 : i32
    %c0_i32_1 = arith.constant 0 : i32
    return %c0_i32, %c0_i32_0 : i32, i32
  }
  func.func @transform_3(%arg0: i32) -> (i32, i32) {
    %c0_i32 = arith.constant 0 : i32
    %c0_i32_0 = arith.constant 0 : i32
    %c0_i32_1 = arith.constant 0 : i32
    return %c0_i32, %c0_i32_0 : i32, i32
  }
  func.func @transform_4(%arg0: i32) -> (i32, i32) {
    %c0_i32 = arith.constant 0 : i32
    %c0_i32_0 = arith.constant 0 : i32
    %c0_i32_1 = arith.constant 0 : i32
    return %c0_i32, %c0_i32_0 : i32, i32
  }
  func.func @transform_5(%arg0: i32) -> (i32, i32) {
    %c0_i32 = arith.constant 0 : i32
    %c0_i32_0 = arith.constant 0 : i32
    return %arg0, %c0_i32 : i32, i32
  }
}

module attributes {stable_mosaic.version = 14 : i64} {
  func.func @_upd_body(%arg0: i32, %arg1: memref<1280x128xf32, #tpu.memory_space<vmem>>, %arg2: memref<2x1280x128xf32, #tpu.memory_space<vmem>>, %arg3: memref<2x1280x128xf32, #tpu.memory_space<vmem>>, %arg4: memref<128x128xf32, #tpu.memory_space<vmem>>, %arg5: memref<1x128xf32, #tpu.memory_space<vmem>>, %arg6: memref<1280x128xf32, #tpu.memory_space<vmem>>) attributes {dimension_semantics = [#tpu.dimension_semantics<arbitrary>], iteration_bounds = array<i64: 8>, scalar_prefetch = 0 : i64, scratch_operands = 0 : i64, tpu.core_type = #tpu.core_type<tc>, window_params = [{transform_indices = @transform_0, window_bounds = array<i64: 1280, 128>}, {transform_indices = @transform_1, window_bounds = array<i64: 2, 1280, 128>}, {transform_indices = @transform_2, window_bounds = array<i64: 2, 1280, 128>}, {pipeline_mode = #tpu.pipeline_mode<synchronous>, transform_indices = @transform_3, window_bounds = array<i64: 128, 128>}, {pipeline_mode = #tpu.pipeline_mode<synchronous>, transform_indices = @transform_4, window_bounds = array<i64: 1, 128>}, {transform_indices = @transform_5, window_bounds = array<i64: 1280, 128>}]} {
    %get3A = arith.constant 0 : index
    %get3A_0 = arith.constant 0 : index
    %get3A_1 = arith.constant 0 : index
    %get3A_2 = vector.load %arg2[%get3A, %get3A_0, %get3A_1] : memref<2x1280x128xf32, #tpu.memory_space<vmem>>, vector<1x1280x128xf32>
    %get3A_3 = vector.shape_cast %get3A_2 : vector<1x1280x128xf32> to vector<1280x128xf32>
    %get3A_4 = arith.constant 1 : index
    %get3A_5 = arith.constant 0 : index
    %get3A_6 = arith.constant 0 : index
    %get3A_7 = vector.load %arg2[%get3A_4, %get3A_5, %get3A_6] : memref<2x1280x128xf32, #tpu.memory_space<vmem>>, vector<1x1280x128xf32>
    %get3A_8 = vector.shape_cast %get3A_7 : vector<1x1280x128xf32> to vector<1280x128xf32>
    %add3A = arith.addf %get3A_3, %get3A_8 : vector<1280x128xf32>
    %get3A_9 = arith.constant 0 : index
    %get3A_10 = arith.constant 0 : index
    %get3A_11 = arith.constant 1 : index
    %get3A_12 = vector.load %arg3[%get3A_9, %get3A_10, %get3A_11] : memref<2x1280x128xf32, #tpu.memory_space<vmem>>, vector<1x1280x1xf32>
    %get3A_13 = vector.shape_cast %get3A_12 : vector<1x1280x1xf32> to vector<1280x1xf32>
    %get3A_14 = arith.constant 1 : index
    %get3A_15 = arith.constant 0 : index
    %get3A_16 = arith.constant 1 : index
    %get3A_17 = vector.load %arg3[%get3A_14, %get3A_15, %get3A_16] : memref<2x1280x128xf32, #tpu.memory_space<vmem>>, vector<1x1280x1xf32>
    %get3A_18 = vector.shape_cast %get3A_17 : vector<1x1280x1xf32> to vector<1280x1xf32>
    %add3A_19 = arith.addf %get3A_13, %get3A_18 : vector<1280x1xf32>
    %max3A = arith.constant 1.000000e+00 : f32
    %max3A_20 = vector.broadcast %max3A : f32 to vector<1280x1xf32>
    %max3A_21 = arith.maximumf %add3A_19, %max3A_20 : vector<1280x1xf32>
    %div3A = vector.broadcast %max3A_21 : vector<1280x1xf32> to vector<1280x128xf32>
    %div3A_22 = arith.divf %add3A, %div3A : vector<1280x128xf32>
    %get3A_23 = arith.constant 0 : index
    %get3A_24 = arith.constant 0 : index
    %get3A_25 = vector.load %arg1[%get3A_23, %get3A_24] : memref<1280x128xf32, #tpu.memory_space<vmem>>, vector<1280x128xf32>
    %get3A_26 = arith.constant 0 : index
    %get3A_27 = arith.constant 0 : index
    %get3A_28 = vector.load %arg4[%get3A_26, %get3A_27] : memref<128x128xf32, #tpu.memory_space<vmem>>, vector<128x128xf32>
    %dot_general3A = arith.constant dense<0.000000e+00> : vector<1280x128xf32>
    %dot_general3A_29 = tpu.matmul %div3A_22, %get3A_28, %dot_general3A {dimension_numbers = #tpu.dot_dimension_numbers<[1], [0], [0], [1], [0, 0, 1, 1], [], []>, transpose_lhs_hint = false} : vector<1280x128xf32>, vector<128x128xf32>, vector<1280x128xf32> -> vector<1280x128xf32>
    %add3A_30 = arith.addf %get3A_25, %dot_general3A_29 : vector<1280x128xf32>
    %get3A_31 = arith.constant 0 : index
    %get3A_32 = arith.constant 0 : index
    %get3A_33 = vector.load %arg5[%get3A_31, %get3A_32] : memref<1x128xf32, #tpu.memory_space<vmem>>, vector<1x128xf32>
    %add3A_34 = vector.broadcast %get3A_33 : vector<1x128xf32> to vector<1280x128xf32>
    %add3A_35 = arith.addf %add3A_30, %add3A_34 : vector<1280x128xf32>
    %max3A_36 = arith.constant 0.000000e+00 : f32
    %max3A_37 = vector.broadcast %max3A_36 : f32 to vector<1280x128xf32>
    %max3A_38 = arith.maximumf %add3A_35, %max3A_37 : vector<1280x128xf32>
    %swap3A = arith.constant 0 : index
    %swap3A_39 = arith.constant 0 : index
    %swap3A_40 = vector.load %arg6[%swap3A, %swap3A_39] : memref<1280x128xf32, #tpu.memory_space<vmem>>, vector<1280x128xf32>
    tpu.vector_store %arg6[%swap3A, %swap3A_39], %max3A_38 {strides = array<i32>} : memref<1280x128xf32, #tpu.memory_space<vmem>>, vector<1280x128xf32>,
    return
  }
  func.func @transform_0(%arg0: i32) -> (i32, i32) {
    %c0_i32 = arith.constant 0 : i32
    %c0_i32_0 = arith.constant 0 : i32
    return %arg0, %c0_i32 : i32, i32
  }
  func.func @transform_1(%arg0: i32) -> (i32, i32, i32) {
    %c0_i32 = arith.constant 0 : i32
    %c0_i32_0 = arith.constant 0 : i32
    %c0_i32_1 = arith.constant 0 : i32
    return %c0_i32, %arg0, %c0_i32_0 : i32, i32, i32
  }
  func.func @transform_2(%arg0: i32) -> (i32, i32, i32) {
    %c0_i32 = arith.constant 0 : i32
    %c0_i32_0 = arith.constant 0 : i32
    %c0_i32_1 = arith.constant 0 : i32
    return %c0_i32, %arg0, %c0_i32_0 : i32, i32, i32
  }
  func.func @transform_3(%arg0: i32) -> (i32, i32) {
    %c0_i32 = arith.constant 0 : i32
    %c0_i32_0 = arith.constant 0 : i32
    %c0_i32_1 = arith.constant 0 : i32
    return %c0_i32, %c0_i32_0 : i32, i32
  }
  func.func @transform_4(%arg0: i32) -> (i32, i32) {
    %c0_i32 = arith.constant 0 : i32
    %c0_i32_0 = arith.constant 0 : i32
    %c0_i32_1 = arith.constant 0 : i32
    return %c0_i32, %c0_i32_0 : i32, i32
  }
  func.func @transform_5(%arg0: i32) -> (i32, i32) {
    %c0_i32 = arith.constant 0 : i32
    %c0_i32_0 = arith.constant 0 : i32
    return %arg0, %c0_i32 : i32, i32
  }
}

module attributes {stable_mosaic.version = 14 : i64} {
  func.func @_upd_body(%arg0: i32, %arg1: memref<1280x128xf32, #tpu.memory_space<vmem>>, %arg2: memref<2x1280x128xf32, #tpu.memory_space<vmem>>, %arg3: memref<2x1280x128xf32, #tpu.memory_space<vmem>>, %arg4: memref<128x128xf32, #tpu.memory_space<vmem>>, %arg5: memref<1x128xf32, #tpu.memory_space<vmem>>, %arg6: memref<1280x128xf32, #tpu.memory_space<vmem>>) attributes {dimension_semantics = [#tpu.dimension_semantics<arbitrary>], iteration_bounds = array<i64: 8>, scalar_prefetch = 0 : i64, scratch_operands = 0 : i64, tpu.core_type = #tpu.core_type<tc>, window_params = [{transform_indices = @transform_0, window_bounds = array<i64: 1280, 128>}, {transform_indices = @transform_1, window_bounds = array<i64: 2, 1280, 128>}, {transform_indices = @transform_2, window_bounds = array<i64: 2, 1280, 128>}, {pipeline_mode = #tpu.pipeline_mode<synchronous>, transform_indices = @transform_3, window_bounds = array<i64: 128, 128>}, {pipeline_mode = #tpu.pipeline_mode<synchronous>, transform_indices = @transform_4, window_bounds = array<i64: 1, 128>}, {transform_indices = @transform_5, window_bounds = array<i64: 1280, 128>}]} {
    %get3A = arith.constant 0 : index
    %get3A_0 = arith.constant 0 : index
    %get3A_1 = arith.constant 0 : index
    %get3A_2 = vector.load %arg2[%get3A, %get3A_0, %get3A_1] : memref<2x1280x128xf32, #tpu.memory_space<vmem>>, vector<1x1280x128xf32>
    %get3A_3 = vector.shape_cast %get3A_2 : vector<1x1280x128xf32> to vector<1280x128xf32>
    %get3A_4 = arith.constant 1 : index
    %get3A_5 = arith.constant 0 : index
    %get3A_6 = arith.constant 0 : index
    %get3A_7 = vector.load %arg2[%get3A_4, %get3A_5, %get3A_6] : memref<2x1280x128xf32, #tpu.memory_space<vmem>>, vector<1x1280x128xf32>
    %get3A_8 = vector.shape_cast %get3A_7 : vector<1x1280x128xf32> to vector<1280x128xf32>
    %add3A = arith.addf %get3A_3, %get3A_8 : vector<1280x128xf32>
    %get3A_9 = arith.constant 0 : index
    %get3A_10 = arith.constant 0 : index
    %get3A_11 = arith.constant 0 : index
    %get3A_12 = vector.load %arg3[%get3A_9, %get3A_10, %get3A_11] : memref<2x1280x128xf32, #tpu.memory_space<vmem>>, vector<1x1280x1xf32>
    %get3A_13 = vector.shape_cast %get3A_12 : vector<1x1280x1xf32> to vector<1280x1xf32>
    %get3A_14 = arith.constant 1 : index
    %get3A_15 = arith.constant 0 : index
    %get3A_16 = arith.constant 0 : index
    %get3A_17 = vector.load %arg3[%get3A_14, %get3A_15, %get3A_16] : memref<2x1280x128xf32, #tpu.memory_space<vmem>>, vector<1x1280x1xf32>
    %get3A_18 = vector.shape_cast %get3A_17 : vector<1x1280x1xf32> to vector<1280x1xf32>
    %add3A_19 = arith.addf %get3A_13, %get3A_18 : vector<1280x1xf32>
    %max3A = arith.constant 1.000000e+00 : f32
    %max3A_20 = vector.broadcast %max3A : f32 to vector<1280x1xf32>
    %max3A_21 = arith.maximumf %add3A_19, %max3A_20 : vector<1280x1xf32>
    %div3A = vector.broadcast %max3A_21 : vector<1280x1xf32> to vector<1280x128xf32>
    %div3A_22 = arith.divf %add3A, %div3A : vector<1280x128xf32>
    %get3A_23 = arith.constant 0 : index
    %get3A_24 = arith.constant 0 : index
    %get3A_25 = vector.load %arg1[%get3A_23, %get3A_24] : memref<1280x128xf32, #tpu.memory_space<vmem>>, vector<1280x128xf32>
    %get3A_26 = arith.constant 0 : index
    %get3A_27 = arith.constant 0 : index
    %get3A_28 = vector.load %arg4[%get3A_26, %get3A_27] : memref<128x128xf32, #tpu.memory_space<vmem>>, vector<128x128xf32>
    %dot_general3A = arith.constant dense<0.000000e+00> : vector<1280x128xf32>
    %dot_general3A_29 = tpu.matmul %div3A_22, %get3A_28, %dot_general3A {dimension_numbers = #tpu.dot_dimension_numbers<[1], [0], [0], [1], [0, 0, 1, 1], [], []>, transpose_lhs_hint = false} : vector<1280x128xf32>, vector<128x128xf32>, vector<1280x128xf32> -> vector<1280x128xf32>
    %add3A_30 = arith.addf %get3A_25, %dot_general3A_29 : vector<1280x128xf32>
    %get3A_31 = arith.constant 0 : index
    %get3A_32 = arith.constant 0 : index
    %get3A_33 = vector.load %arg5[%get3A_31, %get3A_32] : memref<1x128xf32, #tpu.memory_space<vmem>>, vector<1x128xf32>
    %add3A_34 = vector.broadcast %get3A_33 : vector<1x128xf32> to vector<1280x128xf32>
    %add3A_35 = arith.addf %add3A_30, %add3A_34 : vector<1280x128xf32>
    %max3A_36 = arith.constant 0.000000e+00 : f32
    %max3A_37 = vector.broadcast %max3A_36 : f32 to vector<1280x128xf32>
    %max3A_38 = arith.maximumf %add3A_35, %max3A_37 : vector<1280x128xf32>
    %swap3A = arith.constant 0 : index
    %swap3A_39 = arith.constant 0 : index
    %swap3A_40 = vector.load %arg6[%swap3A, %swap3A_39] : memref<1280x128xf32, #tpu.memory_space<vmem>>, vector<1280x128xf32>
    tpu.vector_store %arg6[%swap3A, %swap3A_39], %max3A_38 {strides = array<i32>} : memref<1280x128xf32, #tpu.memory_space<vmem>>, vector<1280x128xf32>,
    return
  }
  func.func @transform_0(%arg0: i32) -> (i32, i32) {
    %c0_i32 = arith.constant 0 : i32
    %c0_i32_0 = arith.constant 0 : i32
    return %arg0, %c0_i32 : i32, i32
  }
  func.func @transform_1(%arg0: i32) -> (i32, i32, i32) {
    %c0_i32 = arith.constant 0 : i32
    %c0_i32_0 = arith.constant 0 : i32
    %c0_i32_1 = arith.constant 0 : i32
    return %c0_i32, %arg0, %c0_i32_0 : i32, i32, i32
  }
  func.func @transform_2(%arg0: i32) -> (i32, i32, i32) {
    %c0_i32 = arith.constant 0 : i32
    %c0_i32_0 = arith.constant 0 : i32
    %c0_i32_1 = arith.constant 0 : i32
    return %c0_i32, %arg0, %c0_i32_0 : i32, i32, i32
  }
  func.func @transform_3(%arg0: i32) -> (i32, i32) {
    %c0_i32 = arith.constant 0 : i32
    %c0_i32_0 = arith.constant 0 : i32
    %c0_i32_1 = arith.constant 0 : i32
    return %c0_i32, %c0_i32_0 : i32, i32
  }
  func.func @transform_4(%arg0: i32) -> (i32, i32) {
    %c0_i32 = arith.constant 0 : i32
    %c0_i32_0 = arith.constant 0 : i32
    %c0_i32_1 = arith.constant 0 : i32
    return %c0_i32, %c0_i32_0 : i32, i32
  }
  func.func @transform_5(%arg0: i32) -> (i32, i32) {
    %c0_i32 = arith.constant 0 : i32
    %c0_i32_0 = arith.constant 0 : i32
    return %arg0, %c0_i32 : i32, i32
  }
}

module attributes {stable_mosaic.version = 14 : i64} {
  func.func @_pool_body(%arg0: i32, %arg1: memref<1000x128xf32, #tpu.memory_space<vmem>>, %arg2: memref<1000x128xf32, #tpu.memory_space<vmem>>, %arg3: memref<1x1x1000xi32, #tpu.memory_space<vmem>>, %arg4: memref<1x1x1000xi32, #tpu.memory_space<vmem>>, %arg5: memref<256x512xf32, #tpu.memory_space<vmem>>, %arg6: memref<1x512xf32, #tpu.memory_space<vmem>>, %arg7: memref<512x128xf32, #tpu.memory_space<vmem>>, %arg8: memref<1x128xf32, #tpu.memory_space<vmem>>, %arg9: memref<64x128xf32, #tpu.memory_space<vmem>>, %arg10: memref<64x128xf32, #tpu.memory_space<vmem>>, %arg11: memref<64x128xf32, #tpu.memory_space<vmem>>, %arg12: memref<64x128xf32, #tpu.memory_space<vmem>>, %arg13: memref<64x128xf32, #tpu.memory_space<vmem>>) attributes {dimension_semantics = [#tpu.dimension_semantics<arbitrary>], iteration_bounds = array<i64: 10>, scalar_prefetch = 0 : i64, scratch_operands = 4 : i64, tpu.core_type = #tpu.core_type<tc>, window_params = [{transform_indices = @transform_0, window_bounds = array<i64: 1000, 128>}, {transform_indices = @transform_1, window_bounds = array<i64: 1000, 128>}, {transform_indices = @transform_2, window_bounds = array<i64: 1, 1, 1000>}, {transform_indices = @transform_3, window_bounds = array<i64: 1, 1, 1000>}, {pipeline_mode = #tpu.pipeline_mode<synchronous>, transform_indices = @transform_4, window_bounds = array<i64: 256, 512>}, {pipeline_mode = #tpu.pipeline_mode<synchronous>, transform_indices = @transform_5, window_bounds = array<i64: 1, 512>}, {pipeline_mode = #tpu.pipeline_mode<synchronous>, transform_indices = @transform_6, window_bounds = array<i64: 512, 128>}, {pipeline_mode = #tpu.pipeline_mode<synchronous>, transform_indices = @transform_7, window_bounds = array<i64: 1, 128>}, {pipeline_mode = #tpu.pipeline_mode<synchronous>, transform_indices = @transform_8, window_bounds = array<i64: 64, 128>}]} {
    %eq3A = arith.constant 0 : i32
    %eq3A_0 = arith.cmpi eq, %arg0, %eq3A : i32
    %convert_element_type3A = arith.extui %eq3A_0 : i1 to i32
    %cond3A = arith.constant 0 : i32
    %cond3A_1 = arith.cmpi ne, %convert_element_type3A, %cond3A : i32
    scf.if %cond3A_1 {
      %broadcast_in_dim3A_69 = arith.constant 0.000000e+00 : f32
      %broadcast_in_dim3A_70 = vector.broadcast %broadcast_in_dim3A_69 : f32 to vector<64x128xf32>
      %swap3A_71 = arith.constant 0 : index
      %swap3A_72 = arith.constant 0 : index
      %swap3A_73 = vector.load %arg10[%swap3A_71, %swap3A_72] : memref<64x128xf32, #tpu.memory_space<vmem>>, vector<64x128xf32>
      tpu.vector_store %arg10[%swap3A_71, %swap3A_72], %broadcast_in_dim3A_70 {strides = array<i32>} : memref<64x128xf32, #tpu.memory_space<vmem>>, vector<64x128xf32>,
      %broadcast_in_dim3A_74 = arith.constant 0.000000e+00 : f32
      %broadcast_in_dim3A_75 = vector.broadcast %broadcast_in_dim3A_74 : f32 to vector<64x128xf32>
      %swap3A_76 = arith.constant 0 : index
      %swap3A_77 = arith.constant 0 : index
      %swap3A_78 = vector.load %arg11[%swap3A_76, %swap3A_77] : memref<64x128xf32, #tpu.memory_space<vmem>>, vector<64x128xf32>
      tpu.vector_store %arg11[%swap3A_76, %swap3A_77], %broadcast_in_dim3A_75 {strides = array<i32>} : memref<64x128xf32, #tpu.memory_space<vmem>>, vector<64x128xf32>,
      %broadcast_in_dim3A_79 = arith.constant 0.000000e+00 : f32
      %broadcast_in_dim3A_80 = vector.broadcast %broadcast_in_dim3A_79 : f32 to vector<64x128xf32>
      %swap3A_81 = arith.constant 0 : index
      %swap3A_82 = arith.constant 0 : index
      %swap3A_83 = vector.load %arg12[%swap3A_81, %swap3A_82] : memref<64x128xf32, #tpu.memory_space<vmem>>, vector<64x128xf32>
      tpu.vector_store %arg12[%swap3A_81, %swap3A_82], %broadcast_in_dim3A_80 {strides = array<i32>} : memref<64x128xf32, #tpu.memory_space<vmem>>, vector<64x128xf32>,
      %broadcast_in_dim3A_84 = arith.constant 0.000000e+00 : f32
      %broadcast_in_dim3A_85 = vector.broadcast %broadcast_in_dim3A_84 : f32 to vector<64x128xf32>
      %swap3A_86 = arith.constant 0 : index
      %swap3A_87 = arith.constant 0 : index
      %swap3A_88 = vector.load %arg13[%swap3A_86, %swap3A_87] : memref<64x128xf32, #tpu.memory_space<vmem>>, vector<64x128xf32>
      tpu.vector_store %arg13[%swap3A_86, %swap3A_87], %broadcast_in_dim3A_85 {strides = array<i32>} : memref<64x128xf32, #tpu.memory_space<vmem>>, vector<64x128xf32>,
    } else {
    }
    %iota3A = tpu.iota {dimensions = array<i32: 0>} : vector<64x1000xi32>
    %get3A = arith.constant 0 : index
    %get3A_2 = arith.constant 0 : index
    %get3A_3 = arith.constant 0 : index
    %get3A_4 = vector.load %arg3[%get3A, %get3A_2, %get3A_3] : memref<1x1x1000xi32, #tpu.memory_space<vmem>>, vector<1x1x1000xi32>
    %get3A_5 = vector.shape_cast %get3A_4 : vector<1x1x1000xi32> to vector<1000xi32>
    %broadcast_in_dim3A = vector.shape_cast %get3A_5 : vector<1000xi32> to vector<1x1000xi32>
    %eq3A_6 = vector.broadcast %broadcast_in_dim3A : vector<1x1000xi32> to vector<64x1000xi32>
    %eq3A_7 = arith.cmpi eq, %iota3A, %eq3A_6 : vector<64x1000xi32>
    %convert_element_type3A_8 = arith.extui %eq3A_7 : vector<64x1000xi1> to vector<64x1000xi32>
    %convert_element_type3A_9 = arith.sitofp %convert_element_type3A_8 : vector<64x1000xi32> to vector<64x1000xf32>
    %get3A_10 = arith.constant 0 : index
    %get3A_11 = arith.constant 0 : index
    %get3A_12 = arith.constant 0 : index
    %get3A_13 = vector.load %arg4[%get3A_10, %get3A_11, %get3A_12] : memref<1x1x1000xi32, #tpu.memory_space<vmem>>, vector<1x1x1000xi32>
    %get3A_14 = vector.shape_cast %get3A_13 : vector<1x1x1000xi32> to vector<1000xi32>
    %broadcast_in_dim3A_15 = vector.shape_cast %get3A_14 : vector<1000xi32> to vector<1x1000xi32>
    %eq3A_16 = vector.broadcast %broadcast_in_dim3A_15 : vector<1x1000xi32> to vector<64x1000xi32>
    %eq3A_17 = arith.cmpi eq, %iota3A, %eq3A_16 : vector<64x1000xi32>
    %convert_element_type3A_18 = arith.extui %eq3A_17 : vector<64x1000xi1> to vector<64x1000xi32>
    %convert_element_type3A_19 = arith.sitofp %convert_element_type3A_18 : vector<64x1000xi32> to vector<64x1000xf32>
    %get3A_20 = arith.constant 0 : index
    %get3A_21 = arith.constant 0 : index
    %get3A_22 = vector.load %arg10[%get3A_20, %get3A_21] : memref<64x128xf32, #tpu.memory_space<vmem>>, vector<64x128xf32>
    %get3A_23 = arith.constant 0 : index
    %get3A_24 = arith.constant 0 : index
    %get3A_25 = vector.load %arg1[%get3A_23, %get3A_24] : memref<1000x128xf32, #tpu.memory_space<vmem>>, vector<1000x128xf32>
    %dot_general3A = arith.constant dense<0.000000e+00> : vector<64x128xf32>
    %dot_general3A_26 = tpu.matmul %convert_element_type3A_9, %get3A_25, %dot_general3A {dimension_numbers = #tpu.dot_dimension_numbers<[1], [0], [0], [1], [0, 0, 1, 1], [], []>, transpose_lhs_hint = false} : vector<64x1000xf32>, vector<1000x128xf32>, vector<64x128xf32> -> vector<64x128xf32>
    %add3A = arith.addf %get3A_22, %dot_general3A_26 : vector<64x128xf32>
    %swap3A = arith.constant 0 : index
    %swap3A_27 = arith.constant 0 : index
    %swap3A_28 = vector.load %arg10[%swap3A, %swap3A_27] : memref<64x128xf32, #tpu.memory_space<vmem>>, vector<64x128xf32>
    tpu.vector_store %arg10[%swap3A, %swap3A_27], %add3A {strides = array<i32>} : memref<64x128xf32, #tpu.memory_space<vmem>>, vector<64x128xf32>,
    %get3A_29 = arith.constant 0 : index
    %get3A_30 = arith.constant 0 : index
    %get3A_31 = vector.load %arg11[%get3A_29, %get3A_30] : memref<64x128xf32, #tpu.memory_space<vmem>>, vector<64x128xf32>
    %get3A_32 = arith.constant 0 : index
    %get3A_33 = arith.constant 0 : index
    %get3A_34 = vector.load %arg2[%get3A_32, %get3A_33] : memref<1000x128xf32, #tpu.memory_space<vmem>>, vector<1000x128xf32>
    %dot_general3A_35 = arith.constant dense<0.000000e+00> : vector<64x128xf32>
    %dot_general3A_36 = tpu.matmul %convert_element_type3A_19, %get3A_34, %dot_general3A_35 {dimension_numbers = #tpu.dot_dimension_numbers<[1], [0], [0], [1], [0, 0, 1, 1], [], []>, transpose_lhs_hint = false} : vector<64x1000xf32>, vector<1000x128xf32>, vector<64x128xf32> -> vector<64x128xf32>
    %add3A_37 = arith.addf %get3A_31, %dot_general3A_36 : vector<64x128xf32>
    %swap3A_38 = arith.constant 0 : index
    %swap3A_39 = arith.constant 0 : index
    %swap3A_40 = vector.load %arg11[%swap3A_38, %swap3A_39] : memref<64x128xf32, #tpu.memory_space<vmem>>, vector<64x128xf32>
    tpu.vector_store %arg11[%swap3A_38, %swap3A_39], %add3A_37 {strides = array<i32>} : memref<64x128xf32, #tpu.memory_space<vmem>>, vector<64x128xf32>,
    %get3A_41 = arith.constant 0 : index
    %get3A_42 = arith.constant 0 : index
    %get3A_43 = vector.load %arg12[%get3A_41, %get3A_42] : memref<64x128xf32, #tpu.memory_space<vmem>>, vector<64x128xf32>
    %reduce_sum3A = arith.constant dense<0.000000e+00> : vector<64xf32>
    %reduce_sum3A_44 = vector.multi_reduction <add>, %convert_element_type3A_9, %reduce_sum3A [1] : vector<64x1000xf32> to vector<64xf32>
    %broadcast_in_dim3A_45 = vector.shape_cast %reduce_sum3A_44 : vector<64xf32> to vector<64x1xf32>
    %broadcast_in_dim3A_46 = vector.shape_cast %broadcast_in_dim3A_45 : vector<64x1xf32> to vector<64x1xf32>
    %broadcast_in_dim3A_47 = vector.broadcast %broadcast_in_dim3A_46 : vector<64x1xf32> to vector<64x128xf32>
    %add3A_48 = arith.addf %get3A_43, %broadcast_in_dim3A_47 : vector<64x128xf32>
    %swap3A_49 = arith.constant 0 : index
    %swap3A_50 = arith.constant 0 : index
    %swap3A_51 = vector.load %arg12[%swap3A_49, %swap3A_50] : memref<64x128xf32, #tpu.memory_space<vmem>>, vector<64x128xf32>
    tpu.vector_store %arg12[%swap3A_49, %swap3A_50], %add3A_48 {strides = array<i32>} : memref<64x128xf32, #tpu.memory_space<vmem>>, vector<64x128xf32>,
    %get3A_52 = arith.constant 0 : index
    %get3A_53 = arith.constant 0 : index
    %get3A_54 = vector.load %arg13[%get3A_52, %get3A_53] : memref<64x128xf32, #tpu.memory_space<vmem>>, vector<64x128xf32>
    %reduce_sum3A_55 = arith.constant dense<0.000000e+00> : vector<64xf32>
    %reduce_sum3A_56 = vector.multi_reduction <add>, %convert_element_type3A_19, %reduce_sum3A_55 [1] : vector<64x1000xf32> to vector<64xf32>
    %broadcast_in_dim3A_57 = vector.shape_cast %reduce_sum3A_56 : vector<64xf32> to vector<64x1xf32>
    %broadcast_in_dim3A_58 = vector.shape_cast %broadcast_in_dim3A_57 : vector<64x1xf32> to vector<64x1xf32>
    %broadcast_in_dim3A_59 = vector.broadcast %broadcast_in_dim3A_58 : vector<64x1xf32> to vector<64x128xf32>
    %add3A_60 = arith.addf %get3A_54, %broadcast_in_dim3A_59 : vector<64x128xf32>
    %swap3A_61 = arith.constant 0 : index
    %swap3A_62 = arith.constant 0 : index
    %swap3A_63 = vector.load %arg13[%swap3A_61, %swap3A_62] : memref<64x128xf32, #tpu.memory_space<vmem>>, vector<64x128xf32>
    tpu.vector_store %arg13[%swap3A_61, %swap3A_62], %add3A_60 {strides = array<i32>} : memref<64x128xf32, #tpu.memory_space<vmem>>, vector<64x128xf32>,
    %eq3A_64 = arith.constant 9 : i32
    %eq3A_65 = arith.cmpi eq, %arg0, %eq3A_64 : i32
    %convert_element_type3A_66 = arith.extui %eq3A_65 : i1 to i32
    %cond3A_67 = arith.constant 0 : i32
    %cond3A_68 = arith.cmpi ne, %convert_element_type3A_66, %cond3A_67 : i32
    scf.if %cond3A_68 {
      %get3A_69 = arith.constant 0 : index
      %get3A_70 = arith.constant 0 : index
      %get3A_71 = vector.load %arg10[%get3A_69, %get3A_70] : memref<64x128xf32, #tpu.memory_space<vmem>>, vector<64x128xf32>
      %get3A_72 = arith.constant 0 : index
      %get3A_73 = arith.constant 0 : index
      %get3A_74 = vector.load %arg12[%get3A_72, %get3A_73] : memref<64x128xf32, #tpu.memory_space<vmem>>, vector<64x128xf32>
      %max3A = arith.constant 1.000000e+00 : f32
      %max3A_75 = vector.broadcast %max3A : f32 to vector<64x128xf32>
      %max3A_76 = arith.maximumf %get3A_74, %max3A_75 : vector<64x128xf32>
      %div3A = arith.divf %get3A_71, %max3A_76 : vector<64x128xf32>
      %get3A_77 = arith.constant 0 : index
      %get3A_78 = arith.constant 0 : index
      %get3A_79 = vector.load %arg11[%get3A_77, %get3A_78] : memref<64x128xf32, #tpu.memory_space<vmem>>, vector<64x128xf32>
      %get3A_80 = arith.constant 0 : index
      %get3A_81 = arith.constant 0 : index
      %get3A_82 = vector.load %arg13[%get3A_80, %get3A_81] : memref<64x128xf32, #tpu.memory_space<vmem>>, vector<64x128xf32>
      %max3A_83 = arith.constant 1.000000e+00 : f32
      %max3A_84 = vector.broadcast %max3A_83 : f32 to vector<64x128xf32>
      %max3A_85 = arith.maximumf %get3A_82, %max3A_84 : vector<64x128xf32>
      %div3A_86 = arith.divf %get3A_79, %max3A_85 : vector<64x128xf32>
      %concatenate3A = tpu.concatenate %div3A, %div3A_86 in 1 : vector<64x128xf32>, vector<64x128xf32> -> vector<64x256xf32>
      %get3A_87 = arith.constant 0 : index
      %get3A_88 = arith.constant 0 : index
      %get3A_89 = vector.load %arg5[%get3A_87, %get3A_88] : memref<256x512xf32, #tpu.memory_space<vmem>>, vector<256x512xf32>
      %dot_general3A_90 = arith.constant dense<0.000000e+00> : vector<64x512xf32>
      %dot_general3A_91 = tpu.matmul %concatenate3A, %get3A_89, %dot_general3A_90 {dimension_numbers = #tpu.dot_dimension_numbers<[1], [0], [0], [1], [0, 0, 1, 1], [], []>, transpose_lhs_hint = false} : vector<64x256xf32>, vector<256x512xf32>, vector<64x512xf32> -> vector<64x512xf32>
      %get3A_92 = arith.constant 0 : index
      %get3A_93 = arith.constant 0 : index
      %get3A_94 = vector.load %arg6[%get3A_92, %get3A_93] : memref<1x512xf32, #tpu.memory_space<vmem>>, vector<1x512xf32>
      %add3A_95 = vector.broadcast %get3A_94 : vector<1x512xf32> to vector<64x512xf32>
      %add3A_96 = arith.addf %dot_general3A_91, %add3A_95 : vector<64x512xf32>
      %max3A_97 = arith.constant 0.000000e+00 : f32
      %max3A_98 = vector.broadcast %max3A_97 : f32 to vector<64x512xf32>
      %max3A_99 = arith.maximumf %add3A_96, %max3A_98 : vector<64x512xf32>
      %get3A_100 = arith.constant 0 : index
      %get3A_101 = arith.constant 0 : index
      %get3A_102 = vector.load %arg7[%get3A_100, %get3A_101] : memref<512x128xf32, #tpu.memory_space<vmem>>, vector<512x128xf32>
      %dot_general3A_103 = arith.constant dense<0.000000e+00> : vector<64x128xf32>
      %dot_general3A_104 = tpu.matmul %max3A_99, %get3A_102, %dot_general3A_103 {dimension_numbers = #tpu.dot_dimension_numbers<[1], [0], [0], [1], [0, 0, 1, 1], [], []>, transpose_lhs_hint = false} : vector<64x512xf32>, vector<512x128xf32>, vector<64x128xf32> -> vector<64x128xf32>
      %get3A_105 = arith.constant 0 : index
      %get3A_106 = arith.constant 0 : index
      %get3A_107 = vector.load %arg8[%get3A_105, %get3A_106] : memref<1x128xf32, #tpu.memory_space<vmem>>, vector<1x128xf32>
      %add3A_108 = vector.broadcast %get3A_107 : vector<1x128xf32> to vector<64x128xf32>
      %add3A_109 = arith.addf %dot_general3A_104, %add3A_108 : vector<64x128xf32>
      %swap3A_110 = arith.constant 0 : index
      %swap3A_111 = arith.constant 0 : index
      %swap3A_112 = vector.load %arg9[%swap3A_110, %swap3A_111] : memref<64x128xf32, #tpu.memory_space<vmem>>, vector<64x128xf32>
      tpu.vector_store %arg9[%swap3A_110, %swap3A_111], %add3A_109 {strides = array<i32>} : memref<64x128xf32, #tpu.memory_space<vmem>>, vector<64x128xf32>,
    } else {
    }
    return
  }
  func.func @transform_0(%arg0: i32) -> (i32, i32) {
    %c0_i32 = arith.constant 0 : i32
    %c0_i32_0 = arith.constant 0 : i32
    return %arg0, %c0_i32 : i32, i32
  }
  func.func @transform_1(%arg0: i32) -> (i32, i32) {
    %c0_i32 = arith.constant 0 : i32
    %c0_i32_0 = arith.constant 0 : i32
    return %arg0, %c0_i32 : i32, i32
  }
  func.func @transform_2(%arg0: i32) -> (i32, i32, i32) {
    %c0_i32 = arith.constant 0 : i32
    %c0_i32_0 = arith.constant 0 : i32
    %c0_i32_1 = arith.constant 0 : i32
    return %arg0, %c0_i32, %c0_i32_0 : i32, i32, i32
  }
  func.func @transform_3(%arg0: i32) -> (i32, i32, i32) {
    %c0_i32 = arith.constant 0 : i32
    %c0_i32_0 = arith.constant 0 : i32
    %c0_i32_1 = arith.constant 0 : i32
    return %arg0, %c0_i32, %c0_i32_0 : i32, i32, i32
  }
  func.func @transform_4(%arg0: i32) -> (i32, i32) {
    %c0_i32 = arith.constant 0 : i32
    %c0_i32_0 = arith.constant 0 : i32
    %c0_i32_1 = arith.constant 0 : i32
    return %c0_i32, %c0_i32_0 : i32, i32
  }
  func.func @transform_5(%arg0: i32) -> (i32, i32) {
    %c0_i32 = arith.constant 0 : i32
    %c0_i32_0 = arith.constant 0 : i32
    %c0_i32_1 = arith.constant 0 : i32
    return %c0_i32, %c0_i32_0 : i32, i32
  }
  func.func @transform_6(%arg0: i32) -> (i32, i32) {
    %c0_i32 = arith.constant 0 : i32
    %c0_i32_0 = arith.constant 0 : i32
    %c0_i32_1 = arith.constant 0 : i32
    return %c0_i32, %c0_i32_0 : i32, i32
  }
  func.func @transform_7(%arg0: i32) -> (i32, i32) {
    %c0_i32 = arith.constant 0 : i32
    %c0_i32_0 = arith.constant 0 : i32
    %c0_i32_1 = arith.constant 0 : i32
    return %c0_i32, %c0_i32_0 : i32, i32
  }
  func.func @transform_8(%arg0: i32) -> (i32, i32) {
    %c0_i32 = arith.constant 0 : i32
    %c0_i32_0 = arith.constant 0 : i32
    %c0_i32_1 = arith.constant 0 : i32
    return %c0_i32, %c0_i32_0 : i32, i32
  }
}

</mosaic_0001>

<sc_bundles>
// kernel: kernel.14.cloned.1.call-start
scs
__scs_entry_jumppad:
0x0: {  	(pc) =	sbr.rel $0x88, $3  }
0x1: {  	(tag) =	ssettag $0x0;
	lr =	simm.s32 $0x1  }
0x2: {  	[smem:$0x3F88] =	sst lr;
	_ =	strace $0xD0000000  }
0x3: {  	_ = 	snop  }
0x4: {  	_ = 	snop  }
0x5: {  	_ = 	snop  }
0x6: {  	_ = 	snop  }
0x7: {  	_ = 	snop  }
__scs_overlays_trampoline_lowered:
0x8: {  	[smem:$0x3F97] =	sst s0  }
0x9: {  	[smem:$0x3F98] =	sst s1  }
0xa: {  	[smem:$0x3F99] =	sst s2  }
0xb: {  	[smem:$0x3F9A] =	sst s3  }
0xc: {  	[smem:$0x3F9B] =	sst s4  }
0xd: {  	[smem:$0x3F9C] =	sst s5  }
0xe: {  	[smem:$0x3F9D] =	sst s6  }
0xf: {  	[smem:$0x3F9E] =	sst s7  }
0x10: {  	[smem:$0x3F9F] =	sst s8  }
0x11: {  	[smem:$0x3FA0] =	sst s9;
	s0 =	simm.s32 @!p0 $0x0  }
0x12: {  	s1 =	sld [smem:$0x3F86];
	s0 =	simm.s32 @p0 $0x1  }
0x13: {  	[smem:$0x3FA1] =	sst s0;
	s0 =	simm.s32 @!p1 $0x0  }
0x14: {  	s2 =	sld [smem:$0x3F85];
	s0 =	simm.s32 @p1 $0x1  }
0x15: {  	[smem:$0x3FA2] =	sst s0;
	s0 =	simm.s32 @!p2 $0x0  }
0x16: {  	s3 =	sld [smem:$0x3FDB];
	s0 =	simm.s32 @p2 $0x1  }
0x17: {  	s4 =	simm.s32 $0x1BF5;
	[smem:$0x3FA4] =	sst s0  }
0x18: {  	s0 =	sld [smem:$0x3F87];
	_ =	swait.ge [sflag:s4], $0x0  }
0x19: {  	s7 =	sld [smem:$0x3F88]  }
0x1a: {  	s8 =	sadd.s32 $0xFFFFE003, lr  }
0x1b: {  	s9 =	sadd.s32 $0xFFFFFEF7, lr;
	s5 =	simm.s32 $0xFFFFFFFF;
	p2 =	slt.u32 s8, $0xFFFFF086  }
0x1c: {  	p1 =	slt.u32 s9, $0xF7A;
	s5 =	simm.s32 @!p2 $0x0  }
0x1d: {  	s5 =	simm.s32 @p1 $0x1;
	p0 =	seq.s32 s7, s2  }
0x1e: {  	s7 =	smul.u32 @!p0 $0xF7A, s2;
	p2 =	seq.s32 @!p0 s5, $0x0  }
0x1f: {  	s9 =	smul.u32 $0xF7A, s1;
	s8 =	simm.s32 @!p0 $0x1BF5;
	p2 =	por !p2, p0  }
0x20: {  	[sflag:s8] =	ssyncset.s32 @!p0 $0xFFFFF086;
	s6 =	sadd.s32 @!p0 s3, s7;
	s7 =	simm.s32 @!p0 $0x108  }
0x21: {  	s3 =	sadd.s32 s3, s9;
	s6 =	sadd.s32 @!p0 $0x88, s6;
	s7 =	simm.s32 @p2 $0x1082  }
0x22: {  	[simem:s7], [sflag:s8] =	dma.local @!p0 [hbm:s6], $0xF7A  }
0x23: {  	s9 =	sor.u32 $0xD0000000, s2;
	s6 =	simm.s32 $0x108;
	_ =	swait.ge @!p0 [sflag:s8], $0x0  }
0x24: {  	s3 =	sadd.s32 $0x88, s3;
	s6 =	simm.s32 @!p1 $0x1082;
	[sflag:s4] =	ssyncset.s32 $0xFFFFF086  }
0x25: {  	[simem:s6], [sflag:s4] =	dma.local [hbm:s3], $0xF7A  }
0x26: {  	[smem:$0x3F88] =	sst s1;
	(tag) =	ssettag s2;
	_ =	strace s9  }
0x27: {  	s1 =	sld [smem:$0x3F98]  }
0x28: {  	s2 =	sld [smem:$0x3F99]  }
0x29: {  	s4 =	sld [smem:$0x3F9B]  }
0x2a: {  	p0 =	seq.s32 s5, $0x0;
	s5 =	sld [smem:$0x3F9C]  }
0x2b: {  	s6 =	sld [smem:$0x3F9D]  }
0x2c: {  	s7 =	sld [smem:$0x3F9E]  }
0x2d: {  	s3 =	simm.s32 $0x108;
	s8 =	sld [smem:$0x3F9F]  }
0x2e: {  	s3 =	simm.s32 @!p0 $0x1082;
	s9 =	sld [smem:$0x3FA0]  }
0x2f: {  	lr =	sadd.s32 s0, s3;
	s0 =	sld [smem:$0x3F97]  }
0x30: {  	s3 =	sld [smem:$0x3F9A]  }
0x31: {  	[smem:$0x3FA3] =	sst s10  }
0x32: {  	s10 =	sld [smem:$0x3FA1];
	_ =	sdelay $0x3  }
0x33: {  	p0 =	seq.s32 s10, $0x1;
	s10 =	sld [smem:$0x3FA3];
	_ =	sdelay $0x3  }
0x34: {  	[smem:$0x3FA3] =	sst s10  }
0x35: {  	s10 =	sld [smem:$0x3FA2];
	_ =	sdelay $0x3  }
0x36: {  	p1 =	seq.s32 s10, $0x1;
	s10 =	sld [smem:$0x3FA3];
	_ =	sdelay $0x3  }
0x37: {  	[smem:$0x3FA3] =	sst s10  }
0x38: {  	s10 =	sld [smem:$0x3FA4]  }
0x39: {  	_ = 	snop;
	(pc) =	sbr.ind lr, $3  }
0x3a: {  	_ = 	snop  }
0x3b: {  	_ = 	snop  }
0x3c: {  	p2 =	seq.s32 s10, $0x1;
	s10 =	sld [smem:$0x3FA3]  }
0x3d: {  	_ =	shalt  }
0x3e: {  	_ =	shalt  }
0x3f: {  	_ =	shalt  }
0x40: {  	_ =	shalt  }
0x41: {  	_ =	shalt  }
0x42: {  	_ =	shalt  }
0x43: {  	_ =	shalt  }
0x44: {  	_ =	shalt  }
0x45: {  	_ =	shalt  }
0x46: {  	_ =	shalt  }
0x47: {  	_ =	shalt  }
0x48: {  	_ =	shalt  }
0x49: {  	_ =	shalt  }
0x4a: {  	_ =	shalt  }
0x4b: {  	_ =	shalt  }
0x4c: {  	_ =	shalt  }
0x4d: {  	_ =	shalt  }
0x4e: {  	_ =	shalt  }
0x4f: {  	_ =	shalt  }
0x50: {  	_ =	shalt  }
0x51: {  	_ =	shalt  }
0x52: {  	_ =	shalt  }
0x53: {  	_ =	shalt  }
0x54: {  	_ =	shalt  }
0x55: {  	_ =	shalt  }
0x56: {  	_ =	shalt  }
0x57: {  	_ =	shalt  }
0x58: {  	_ =	shalt  }
0x59: {  	_ =	shalt  }
0x5a: {  	_ =	shalt  }
0x5b: {  	_ =	shalt  }
0x5c: {  	_ =	shalt  }
0x5d: {  	_ =	shalt  }
0x5e: {  	_ =	shalt  }
0x5f: {  	_ =	shalt  }
0x60: {  	_ =	shalt  }
0x61: {  	_ =	shalt  }
0x62: {  	_ =	shalt  }
0x63: {  	_ =	shalt  }
0x64: {  	_ =	shalt  }
0x65: {  	_ =	shalt  }
0x66: {  	_ =	shalt  }
0x67: {  	_ =	shalt  }
0x68: {  	_ =	shalt  }
0x69: {  	_ =	shalt  }
0x6a: {  	_ =	shalt  }
0x6b: {  	_ =	shalt  }
0x6c: {  	_ =	shalt  }
0x6d: {  	_ =	shalt  }
0x6e: {  	_ =	shalt  }
0x6f: {  	_ =	shalt  }
0x70: {  	_ =	shalt  }
0x71: {  	_ =	shalt  }
0x72: {  	_ =	shalt  }
0x73: {  	_ =	shalt  }
0x74: {  	_ =	shalt  }
0x75: {  	_ =	shalt  }
0x76: {  	_ =	shalt  }
0x77: {  	_ =	shalt  }
0x78: {  	_ =	shalt  }
0x79: {  	_ =	shalt  }
0x7a: {  	_ =	shalt  }
0x7b: {  	_ =	shalt  }
0x7c: {  	_ =	shalt  }
0x7d: {  	_ =	shalt  }
0x7e: {  	_ =	shalt  }
0x7f: {  	_ =	shalt  }
0x80: {  	_ =	shalt  }
0x81: {  	_ =	shalt  }
0x82: {  	_ =	shalt  }
0x83: {  	_ =	shalt  }
0x84: {  	_ =	shalt  }
0x85: {  	_ =	shalt  }
0x86: {  	_ =	shalt  }
0x87: {  	_ =	shalt  }
.Lfunc_end0:
.L_simem_size_0:
called_computation_lowered:
.L_overlay_start_0:
0x88: {  	s2 =	sld [smem:$0x3FD9]  }
0x89: {  	s3 =	sld [smem:$0x3FFE];
	_ =	sdelay $0x1  }
0x8a: {  	s1 =	srdreg.scid  }
0x8b: {  	s0 =	sand.u32 $0x1, s1  }
0x8c: {  	s17 =	sshll.u32 s0, $0xA;
	s2 =	sadd.s32 s3, s2  }
0x8d: {  	s2 =	sadd.s32 s2, s17  }
0x8e: {  	[smem:$0x3FAF] =	sst s2  }
0x8f: {  	_ = 	snop  }
0x90: {  	(tm) =	ssettm $0x1  }
0x91: {  	s18 =	sld [smem:$0x3FFB];
	_ =	sdelay $0x3  }
0x92: {  	_ =	strace s18  }
0x93: {  	s2 =	sld [smem:$0x3FFC];
	_ =	sdelay $0x3  }
0x94: {  	_ =	strace s2  }
0x95: {  	s2 =	sld [smem:$0x3FFD];
	_ =	sdelay $0x3  }
0x96: {  	_ =	strace s2  }
0x97: {  	_ =	strace $0x8FFFFFFF  }
0x98: {  	s19 =	sld [smem:$0x3FDB];
	_ =	sdelay $0x1  }
0x99: {  	s20 =	simm.s32 $_scs_section_size  }
0x9a: {  	s4 =	simm.s32 $_size__tile_overlayer_lowered;
	s5 =	simm.s32 $_tile_overlayer_lowered  }
0x9b: {  	s6 =	simm.s32 $0x1BFF;
	s21 =	sshll.u32 s5, $0x1;
	s3 =	sadd.s32 s20, s19  }
0x9c: {  	s22 =	simm.s32 $0x0;
	s4 =	sshll.u32 s4, $0x1;
	s5 =	sadd.s32 s21, s3  }
0x9d: {  	[timem:s22], [sflag:s6] =	dma.local [hbm:s5], s4  }
0x9e: {  	_ =	swait.ge [sflag:s6], s4  }
0x9f: {  	s4 =	ssub.s32 $0x0, s4;
	[sflag:s6] =	ssyncset.done $0x0  }
0xa0: {  	[sflag:s6] =	ssyncadd.s32 s4;
	_ =	sdelay $0x1  }
0xa1: {  	s23 =	simm.s32 $0x1B8B  }
0xa2: {  	_ =	swait.ge [sflag:s23], $0x1  }
0xa3: {  	[sflag:s23] =	ssyncset.done $0x0  }
0xa4: {  	[sflag:s23] =	ssyncadd.s32 $0xFFFFFFFF  }
0xa5: {  	s4 =	sld [smem:$0x0]  }
0xa6: {  	s5 =	sand.u32 $0xFFFFFFFE, s1  }
0xa7: {  	p0 =	sne.s32 s1, s5  }
0xa8: {  	s5 =	sshll.u32 @p0 s5, $0xE  }
0xa9: {  	s5 =	sadd.s32 @p0 $0x11B8D, s5;
	s6 =	sshll.u32 @p0 s4, $0x11  }
0xaa: {  	s5 =	sor.u32 @p0 s6, s5  }
0xab: {  	[sflag:s5] =	ssyncadd.remote.s32 @p0 $0x1;
	_ =	sdelay $0x1  }
0xac: {  	s5 =	simm.s32 @p0 $0x1B8D  }
0xad: {  	_ =	swait.eq @p0 [sflag:s5], $0x1  }
0xae: {  	[sflag:s5] =	ssyncadd.s32 @p0 $0xFFFFFFFF  }
0xaf: {  	s6 =	sshll.u32 @!p0 s1, $0xE  }
0xb0: {  	s6 =	sor.u32 @!p0 $0x4000, s6;
	s5 =	simm.s32 @!p0 $0x1B8D  }
0xb1: {  	s4 =	sshll.u32 @!p0 s4, $0x11;
	s6 =	sadd.s32 @!p0 $0x11B8D, s6;
	_ =	swait.eq @!p0 [sflag:s5], $0x1  }
0xb2: {  	s4 =	sor.u32 @!p0 s4, s6;
	[sflag:s5] =	ssyncadd.s32 @!p0 $0xFFFFFFFF  }
0xb3: {  	s25 =	simm.s32 $0x1B8E;
	s24 =	sld [smem:$0x3FFE];
	[sflag:s4] =	ssyncadd.remote.s32 @!p0 $0x1  }
0xb4: {  	s26 =	simm.s32 $execute0_lowered;
	[smem:$0x3FD2] =	sst s25  }
0xb5: {  	s5 =	sshll.u32 s26, $0x1;
	_ =	strace $0x80000049;
	[dreg:$0x1] =	wrdreg $0xFFFFFFFF  }
0xb6: {  	s28 =	simm.s32 $_size_execute0_lowered;
	s3 =	sadd.s32 s3, s5;
	[dreg:$0x0] =	wrdreg $0x0  }
0xb7: {  	s5 =	sshll.u32 s28, $0x1;
	[dreg:$0x2] =	wrdreg s3  }
0xb8: {  	[dreg:$0x3] =	wrdreg s5  }
0xb9: {  	[dreg:$0x4] =	wrdreg $0xC0  }
0xba: {  	_ =	task [dreg:s22], $0x5FFFF  }
0xbb: {  	[dreg:$0x1] =	wrdreg $0xFFFFFFFF  }
0xbc: {  	[dreg:$0x0] =	wrdreg $0x60  }
0xbd: {  	[dreg:$0x2] =	wrdreg s24  }
0xbe: {  	[dreg:$0x3] =	wrdreg $0x90000  }
0xbf: {  	[dreg:$0x4] =	wrdreg $0x9  }
0xc0: {  	_ =	task.clear_ibuf [dreg:s22], $0x5FFFF;
	_ =	strace $0x90000049  }
0xc1: {  	s29 =	simm.s32 $0x9;
	_ =	strace $0x8000004B  }
0xc2: {  	_ =	swait.ge [sflag:s29], $0x1  }
0xc3: {  	[sflag:s29] =	ssyncadd.s32 $0xFFFFFFFF  }
0xc4: {  	_ =	strace $0x9000004B  }
0xc5: {  	_ =	sfence  }
0xc6: {  	s30 =	sld [smem:$0x0];
	_ =	sdelay $0x2  }
0xc7: {  	s31 =	sshll.u32 s1, $0xD;
	s1 =	sshrl.u32 s1, $0x2  }
0xc8: {  	s4 =	sand.u32 $0x4000, s31;
	s1 =	sadd.s32 s1, s30  }
0xc9: {  	s0 =	sor.u32 s4, s0;
	s1 =	sshll.u32 s1, $0x11  }
0xca: {  	s0 =	sor.u32 s1, s0  }
0xcb: {  	s0 =	sadd.s32 $0x8F2B, s0  }
0xcc: {  	[sflag:s0] =	ssyncadd.remote.s32 $0x1  }
0xcd: {  	_ =	sfence.sel $0xFFFF  }
0xce: {  	[dreg:$0x0] =	wrdreg $0xFFFFFFFF;
	(pc) =	sbr.abs _section_cstart, $3  }
0xcf: {  	[dreg:$0x1] =	wrdreg $0xFFFFFFFF  }
0xd0: {  	_ =	task.clear_ibuf [dreg:s22], $0x2FFFF;
	_ =	strace $0x9FFFFFFF  }
0xd1: {  	(tm) =	ssettm $0x7FFFFFFF  }
tec
execute0_lowered:
.L_overlay_start_1:
0x0: {  	(tag) =	ssettag $0x1  }
0x1: {  	s1 =	srdreg.scid;
	s13 =	rddreg [dreg:$0x0]  }
0x2: {  	s0 =	stileid.u32;
	s2 =	rddreg [dreg:$0x1];
	s3 =	simm.s32 $0x0  }
0x3: {  	s16 =	simm.s32 $0x2;
	s17 =	simm.s32 $0x2800;
	s18 =	simm.s32 $0x5000  }
0x4: {  	s19 =	simm.s32 $0x80;
	s20 =	simm.s32 $0x1;
	s23 =	simm.s32 $0x0  }
0x5: {  	s5 =	sand.u32 $0x1, s1;
	s29 =	sshll.u32 s0, $0x1;
	s7 =	smul.u32 $0x14000, s0  }
0x6: {  	[smem:$0x7FF] =	sst s3;
	s30 =	smul.u32 $0x50000, s0;
	s12 =	sadd.s32 $0xAFC00, s13  }
0x7: {  	s21 =	sshll.u32 s0, $0x6;
	s1 =	sor.u32 s5, s29;
	s6 =	smul.u32 $0x140000, s5  }
0x8: {  	s5 =	ssub.s32 $0x2, s5;
	s21 =	sor.u32 $0x1C02, s21;
	s4 =	smul.u32 $0x500, s1  }
0x9: {  	s1 =	rddreg [dreg:$0x2];
	_ =	strace $0x8000004A;
	s31 =	sshrl.u32 s5, $0x1  }
0xa: {  	s6 =	sadd.s32 s7, s6;
	s7 =	sshrl.u32 s30, $0x2;
	s15 =	ssub.s32 s5, s31  }
0xb: {  	s8 =	sadd.s32 s4, s13;
	s4 =	sadd.s32 $0xAF400, s13;
	s6 =	sshrl.u32 s6, $0x3  }
0xc: {  	s15 =	smax.u32 s15, $0x1;
	s14 =	sadd.s32 s6, s13;
	s5 =	sadd.s32 $0x9B400, s8  }
0xd: {  	s6 =	sadd.s32 s7, s2;
	s7 =	sadd.s32 $0xA5400, s8;
	s13 =	sadd.s32 $0xB0400, s13  }
0xe: {  	s8 =	sadd.s32 $0x4000, s6;
	s9 =	sadd.s32 $0x8000, s6;
	s10 =	sadd.s32 $0xC000, s6  }
0xf: {  	s11 =	sadd.s32 $0x10000, s6;
	s14 =	sadd.s32 $0xB0C00, s14;
	s22 =	sshrl.u32 s6, $0x3  }
.LBB2_1:
0x10: {  	[tilespmem:s3], [sflag:$0x2] =	stream.linear.gather [hbm4b:s5+s3], $0x2800, $0x38;
	[tilespmem:$0x1D000] =	vst v63  }
0x11: {  	_ =	swait.ge [sflag:s16], $0x2800  }
0x12: {  	[sflag:s16] =	ssyncset.done $0x0  }
0x13: {  	[sflag:s16] =	ssyncadd.s32 $0xFFFFD800  }
0x14: {  	[tilespmem:s17], [sflag:$0x2] =	stream.linear.gather [hbm4b:s7+s3], $0x2800, $0x38;
	[tilespmem:$0x1D000] =	vst v63  }
0x15: {  	_ =	swait.ge [sflag:s16], $0x2800  }
0x16: {  	[sflag:s16] =	ssyncset.done $0x0  }
0x17: {  	[sflag:s16] =	ssyncadd.s32 $0xFFFFD800  }
0x18: {  	[tilespmem:s18], [sflag:$0x2] =	stream.linear.gather [hbm4b:s4+s3], $0x4000, $0x38;
	[tilespmem:$0x1D000] =	vst v63  }
0x19: {  	_ =	swait.ge [sflag:s16], $0x4000  }
0x1a: {  	[sflag:s16] =	ssyncset.done $0x0  }
0x1b: {  	[sflag:s16] =	ssyncadd.s32 $0xFFFFC000  }
0x1c: {  	[spmem:s6] =	stream.linear.scatter [tilespmem:s18], [sflag:$0x2], $0x4000, $0x38;
	[tilespmem:$0x1D000] =	vst v63  }
0x1d: {  	_ =	swait.ge [sflag:s16], $0x4000  }
0x1e: {  	[sflag:s16] =	ssyncset.done $0x0  }
0x1f: {  	[sflag:s16] =	ssyncadd.s32 $0xFFFFC000  }
0x20: {  	[spmem:s8] =	stream.linear.scatter [tilespmem:s18], [sflag:$0x2], $0x4000, $0x38;
	[tilespmem:$0x1D000] =	vst v63  }
0x21: {  	_ =	swait.ge [sflag:s16], $0x4000  }
0x22: {  	[sflag:s16] =	ssyncset.done $0x0  }
0x23: {  	[sflag:s16] =	ssyncadd.s32 $0xFFFFC000  }
0x24: {  	[spmem:s9] =	stream.linear.scatter [tilespmem:s18], [sflag:$0x2], $0x4000, $0x38;
	[tilespmem:$0x1D000] =	vst v63  }
0x25: {  	_ =	swait.ge [sflag:s16], $0x4000  }
0x26: {  	[sflag:s16] =	ssyncset.done $0x0  }
0x27: {  	[sflag:s16] =	ssyncadd.s32 $0xFFFFC000  }
0x28: {  	[spmem:s10] =	stream.linear.scatter [tilespmem:s18], [sflag:$0x2], $0x4000, $0x38;
	[tilespmem:$0x1D000] =	vst v63  }
0x29: {  	_ =	swait.ge [sflag:s16], $0x4000  }
0x2a: {  	[sflag:s16] =	ssyncset.done $0x0  }
0x2b: {  	[sflag:s16] =	ssyncadd.s32 $0xFFFFC000  }
0x2c: {  	[spmem:s11] =	stream.linear.scatter [tilespmem:s18], [sflag:$0x2], $0x4000, $0x38;
	[tilespmem:$0x1D000] =	vst v63  }
0x2d: {  	_ =	swait.ge [sflag:s16], $0x4000  }
0x2e: {  	[sflag:s16] =	ssyncset.done $0x0  }
0x2f: {  	[sflag:s16] =	ssyncadd.s32 $0xFFFFC000  }
0x30: {  	[bflag:$0x0] =	sbarrier.arrive $0xFFFF  }
0x31: {  	[tilespmem:s18], [sflag:$0x2] =	stream.linear.gather [hbm4b:s12+s3], $0x4000, $0x38;
	[tilespmem:$0x1D000] =	vst v63  }
0x32: {  	_ =	swait.ge [sflag:s16], $0x4000  }
0x33: {  	[sflag:s16] =	ssyncset.done $0x0  }
0x34: {  	s24 =	simm.s32 $0x0;
	[sflag:s16] =	ssyncadd.s32 $0xFFFFC000  }
0x35: {  	[spmem:s2] =	stream.indirect.scatter.add.f32 [tilespmem:s18], [sflag:$0x1], $0x80, s24, s19, $0xb8;
	[tilespmem:$0x1D000] =	vst v63  }
0x36: {  	s29 =	simm.s32 $0x80  }
0x37: {  	[spmem:s2] =	stream.indirect.scatter.add.f32 [tilespmem:s18], [sflag:$0x1], $0x80, s29, s19, $0xb8;
	[tilespmem:$0x1D000] =	vst v63  }
0x38: {  	s30 =	simm.s32 $0x100  }
0x39: {  	[spmem:s2] =	stream.indirect.scatter.add.f32 [tilespmem:s18], [sflag:$0x1], $0x80, s30, s19, $0xb8;
	[tilespmem:$0x1D000] =	vst v63  }
0x3a: {  	s31 =	simm.s32 $0x180  }
0x3b: {  	[spmem:s2] =	stream.indirect.scatter.add.f32 [tilespmem:s18], [sflag:$0x1], $0x80, s31, s19, $0xb8;
	[tilespmem:$0x1D000] =	vst v63  }
0x3c: {  	_ =	swait.ge [sflag:s20], $0x4000  }
0x3d: {  	[sflag:s20] =	ssyncset.done $0x0  }
0x3e: {  	[sflag:s20] =	ssyncadd.s32 $0xFFFFC000  }
0x3f: {  	_ =	swait.ge [sflag:s20], $0x4000  }
0x40: {  	[sflag:s20] =	ssyncset.done $0x0  }
0x41: {  	[sflag:s20] =	ssyncadd.s32 $0xFFFFC000  }
0x42: {  	_ =	swait.ge [sflag:s20], $0x4000  }
0x43: {  	[sflag:s20] =	ssyncset.done $0x0  }
0x44: {  	[sflag:s20] =	ssyncadd.s32 $0xFFFFC000  }
0x45: {  	_ =	swait.ge [sflag:s20], $0x4000  }
0x46: {  	s25 =	simm.s32 $0x1000;
	s24 =	simm.s32 $0x800;
	[sflag:s20] =	ssyncset.done $0x0  }
.LBB2_2:
0x47: {  	s26 =	sshra.s32 s24, $0x2  }
0x48: {  	[sflag:s20] =	ssyncadd.s32 $0xFFFFC000;
	s24 =	smov.u32 s25;
	s28 =	sadd.s32 $0x800, s25  }
0x49: {  	[spmem:s2] =	stream.indirect.scatter.add.f32 [tilespmem:s18], [sflag:$0x1], $0x80, s26, s19, $0xb8;
	[tilespmem:$0x1D000] =	vst v63  }
0x4a: {  	p0 =	sne.s32 s25, $0x9800;
	s25 =	sadd.s32 $0x80, s26  }
0x4b: {  	[spmem:s2] =	stream.indirect.scatter.add.f32 [tilespmem:s18], [sflag:$0x1], $0x80, s25, s19, $0xb8;
	[tilespmem:$0x1D000] =	vst v63  }
0x4c: {  	s25 =	sadd.s32 $0x100, s26  }
0x4d: {  	[spmem:s2] =	stream.indirect.scatter.add.f32 [tilespmem:s18], [sflag:$0x1], $0x80, s25, s19, $0xb8;
	[tilespmem:$0x1D000] =	vst v63  }
0x4e: {  	s25 =	sadd.s32 $0x180, s26  }
0x4f: {  	[spmem:s2] =	stream.indirect.scatter.add.f32 [tilespmem:s18], [sflag:$0x1], $0x80, s25, s19, $0xb8;
	[tilespmem:$0x1D000] =	vst v63  }
0x50: {  	_ =	swait.ge [sflag:s20], $0x4000  }
0x51: {  	[sflag:s20] =	ssyncset.done $0x0  }
0x52: {  	[sflag:s20] =	ssyncadd.s32 $0xFFFFC000  }
0x53: {  	_ =	swait.ge [sflag:s20], $0x4000  }
0x54: {  	[sflag:s20] =	ssyncset.done $0x0  }
0x55: {  	[sflag:s20] =	ssyncadd.s32 $0xFFFFC000  }
.Ltmp0:
0x56: {  	_ =	swait.ge [sflag:s20], $0x4000;
	(pc) =	sbr.rel @p0 .LBB2_2-.Ltmp0, $4  }
0x57: {  	[sflag:s20] =	ssyncset.done $0x0  }
0x58: {  	[sflag:s20] =	ssyncadd.s32 $0xFFFFC000  }
0x59: {  	_ =	swait.ge [sflag:s20], $0x4000  }
0x5a: {  	s25 =	smov.u32 s28;
	[sflag:s20] =	ssyncset.done $0x0  }
0x5b: {  	s24 =	sshra.s32 s24, $0x2;
	[sflag:s20] =	ssyncadd.s32 $0xFFFFC000  }
0x5c: {  	[spmem:s2] =	stream.indirect.scatter.add.f32 [tilespmem:s18], [sflag:$0x1], $0x80, s24, s19, $0xb8;
	[tilespmem:$0x1D000] =	vst v63  }
0x5d: {  	s25 =	sadd.s32 $0x80, s24  }
0x5e: {  	[spmem:s2] =	stream.indirect.scatter.add.f32 [tilespmem:s18], [sflag:$0x1], $0x80, s25, s19, $0xb8;
	[tilespmem:$0x1D000] =	vst v63  }
0x5f: {  	s31 =	sadd.s32 $0x100, s24  }
0x60: {  	[spmem:s2] =	stream.indirect.scatter.add.f32 [tilespmem:s18], [sflag:$0x1], $0x80, s31, s19, $0xb8;
	[tilespmem:$0x1D000] =	vst v63  }
0x61: {  	s24 =	sadd.s32 $0x180, s24  }
0x62: {  	[spmem:s2] =	stream.indirect.scatter.add.f32 [tilespmem:s18], [sflag:$0x1], $0x80, s24, s19, $0xb8;
	[tilespmem:$0x1D000] =	vst v63  }
0x63: {  	_ =	swait.ge [sflag:s20], $0x4000  }
0x64: {  	[sflag:s20] =	ssyncset.done $0x0  }
0x65: {  	[sflag:s20] =	ssyncadd.s32 $0xFFFFC000  }
0x66: {  	_ =	swait.ge [sflag:s20], $0x4000  }
0x67: {  	[sflag:s20] =	ssyncset.done $0x0  }
0x68: {  	[sflag:s20] =	ssyncadd.s32 $0xFFFFC000  }
0x69: {  	_ =	swait.ge [sflag:s20], $0x4000  }
0x6a: {  	[sflag:s20] =	ssyncset.done $0x0  }
0x6b: {  	[sflag:s20] =	ssyncadd.s32 $0xFFFFC000  }
0x6c: {  	_ =	swait.ge [sflag:s20], $0x4000  }
0x6d: {  	[sflag:s20] =	ssyncset.done $0x0  }
0x6e: {  	s26 =	simm.s32 $0x0;
	[sflag:s20] =	ssyncadd.s32 $0xFFFFC000  }
0x6f: {  	[tilespmem:s18], [sflag:$0x2] =	stream.linear.gather [hbm4b:s13+s26], $0x4000, $0x38;
	[tilespmem:$0x1D000] =	vst v63  }
0x70: {  	_ =	swait.ge [sflag:s16], $0x4000  }
0x71: {  	[sflag:s16] =	ssyncset.done $0x0  }
0x72: {  	s28 =	simm.s32 $0x2800;
	[sflag:s16] =	ssyncadd.s32 $0xFFFFC000  }
0x73: {  	[spmem:s2] =	stream.indirect.scatter.add.f32 [tilespmem:s18], [sflag:$0x1], $0x80, s28, s19, $0xb8;
	[tilespmem:$0x1D000] =	vst v63  }
0x74: {  	s29 =	simm.s32 $0x2880  }
0x75: {  	[spmem:s2] =	stream.indirect.scatter.add.f32 [tilespmem:s18], [sflag:$0x1], $0x80, s29, s19, $0xb8;
	[tilespmem:$0x1D000] =	vst v63  }
0x76: {  	s30 =	simm.s32 $0x2900  }
0x77: {  	[spmem:s2] =	stream.indirect.scatter.add.f32 [tilespmem:s18], [sflag:$0x1], $0x80, s30, s19, $0xb8;
	[tilespmem:$0x1D000] =	vst v63  }
0x78: {  	s31 =	simm.s32 $0x2980  }
0x79: {  	[spmem:s2] =	stream.indirect.scatter.add.f32 [tilespmem:s18], [sflag:$0x1], $0x80, s31, s19, $0xb8;
	[tilespmem:$0x1D000] =	vst v63  }
0x7a: {  	_ =	swait.ge [sflag:s20], $0x4000  }
0x7b: {  	[sflag:s20] =	ssyncset.done $0x0  }
0x7c: {  	[sflag:s20] =	ssyncadd.s32 $0xFFFFC000  }
0x7d: {  	_ =	swait.ge [sflag:s20], $0x4000  }
0x7e: {  	[sflag:s20] =	ssyncset.done $0x0  }
0x7f: {  	[sflag:s20] =	ssyncadd.s32 $0xFFFFC000  }
0x80: {  	_ =	swait.ge [sflag:s20], $0x4000  }
0x81: {  	[sflag:s20] =	ssyncset.done $0x0  }
0x82: {  	[sflag:s20] =	ssyncadd.s32 $0xFFFFC000  }
0x83: {  	_ =	swait.ge [sflag:s20], $0x4000  }
0x84: {  	s25 =	simm.s32 $0x1000;
	s24 =	simm.s32 $0x200;
	[sflag:s20] =	ssyncset.done $0x0  }
.LBB2_4:
0x85: {  	s26 =	sadd.s32 $0x2800, s24  }
0x86: {  	[sflag:s20] =	ssyncadd.s32 $0xFFFFC000;
	s28 =	smov.u32 s25;
	s29 =	sadd.s32 $0x800, s25  }
0x87: {  	[spmem:s2] =	stream.indirect.scatter.add.f32 [tilespmem:s18], [sflag:$0x1], $0x80, s26, s19, $0xb8;
	[tilespmem:$0x1D000] =	vst v63  }
0x88: {  	p0 =	sne.s32 s25, $0x9800;
	s25 =	sadd.s32 $0x2880, s24  }
0x89: {  	[spmem:s2] =	stream.indirect.scatter.add.f32 [tilespmem:s18], [sflag:$0x1], $0x80, s25, s19, $0xb8;
	[tilespmem:$0x1D000] =	vst v63  }
0x8a: {  	s25 =	sadd.s32 $0x2900, s24  }
0x8b: {  	[spmem:s2] =	stream.indirect.scatter.add.f32 [tilespmem:s18], [sflag:$0x1], $0x80, s25, s19, $0xb8;
	[tilespmem:$0x1D000] =	vst v63  }
0x8c: {  	s24 =	sadd.s32 $0x2980, s24  }
0x8d: {  	[spmem:s2] =	stream.indirect.scatter.add.f32 [tilespmem:s18], [sflag:$0x1], $0x80, s24, s19, $0xb8;
	[tilespmem:$0x1D000] =	vst v63  }
0x8e: {  	_ =	swait.ge [sflag:s20], $0x4000  }
0x8f: {  	[sflag:s20] =	ssyncset.done $0x0  }
0x90: {  	[sflag:s20] =	ssyncadd.s32 $0xFFFFC000  }
0x91: {  	_ =	swait.ge [sflag:s20], $0x4000  }
0x92: {  	[sflag:s20] =	ssyncset.done $0x0  }
0x93: {  	[sflag:s20] =	ssyncadd.s32 $0xFFFFC000  }
.Ltmp1:
0x94: {  	_ =	swait.ge [sflag:s20], $0x4000;
	(pc) =	sbr.rel @p0 .LBB2_4-.Ltmp1, $4  }
0x95: {  	[sflag:s20] =	ssyncset.done $0x0  }
0x96: {  	[sflag:s20] =	ssyncadd.s32 $0xFFFFC000  }
0x97: {  	_ =	swait.ge [sflag:s20], $0x4000  }
0x98: {  	s25 =	smov.u32 s29;
	s24 =	sshra.s32 s28, $0x2;
	[sflag:s20] =	ssyncset.done $0x0  }
0x99: {  	s25 =	sadd.s32 $0x2800, s24;
	[sflag:s20] =	ssyncadd.s32 $0xFFFFC000  }
0x9a: {  	[spmem:s2] =	stream.indirect.scatter.add.f32 [tilespmem:s18], [sflag:$0x1], $0x80, s25, s19, $0xb8;
	[tilespmem:$0x1D000] =	vst v63  }
0x9b: {  	s29 =	sadd.s32 $0x2880, s24  }
0x9c: {  	[spmem:s2] =	stream.indirect.scatter.add.f32 [tilespmem:s18], [sflag:$0x1], $0x80, s29, s19, $0xb8;
	[tilespmem:$0x1D000] =	vst v63  }
0x9d: {  	s30 =	sadd.s32 $0x2900, s24  }
0x9e: {  	[spmem:s2] =	stream.indirect.scatter.add.f32 [tilespmem:s18], [sflag:$0x1], $0x80, s30, s19, $0xb8;
	[tilespmem:$0x1D000] =	vst v63  }
0x9f: {  	s31 =	sadd.s32 $0x2980, s24  }
0xa0: {  	[spmem:s2] =	stream.indirect.scatter.add.f32 [tilespmem:s18], [sflag:$0x1], $0x80, s31, s19, $0xb8;
	[tilespmem:$0x1D000] =	vst v63  }
0xa1: {  	_ =	swait.ge [sflag:s20], $0x4000  }
0xa2: {  	[sflag:s20] =	ssyncset.done $0x0  }
0xa3: {  	[sflag:s20] =	ssyncadd.s32 $0xFFFFC000  }
0xa4: {  	_ =	swait.ge [sflag:s20], $0x4000  }
0xa5: {  	[sflag:s20] =	ssyncset.done $0x0  }
0xa6: {  	[sflag:s20] =	ssyncadd.s32 $0xFFFFC000  }
0xa7: {  	_ =	swait.ge [sflag:s20], $0x4000  }
0xa8: {  	[sflag:s20] =	ssyncset.done $0x0  }
0xa9: {  	[sflag:s20] =	ssyncadd.s32 $0xFFFFC000  }
0xaa: {  	_ =	swait.ge [sflag:s20], $0x4000  }
0xab: {  	s23 =	sadd.s32 $0x1, s23;
	[sflag:s20] =	ssyncset.done $0x0  }
0xac: {  	p0 =	sne.s32 s23, s15;
	[sflag:s20] =	ssyncadd.s32 $0xFFFFC000  }
.Ltmp2:
0xad: {  	[bflag:$0x0] =	sbarrier.arrive $0xFFFF;
	(pc) =	sbr.rel @p0 .LBB2_1-.Ltmp2, $4  }
0xae: {  	[hbm:s14], [sflag:s21] =	dma.local [spmem:s22], $0x2800  }
0xaf: {  	_ =	swait.ge [sflag:s16], $0x2800  }
0xb0: {  	[sflag:s16] =	ssyncset.done $0x0  }
0xb1: {  	[sflag:s16] =	ssyncadd.s32 $0xFFFFD800  }
0xb2: {  	_ =	sfence.sel $0x180000  }
0xb3: {  	[bflag:$0x0] =	sbarrier.arrive $0xFFFF  }
0xb4: {  	p0 =	sne.s32 s0, $0x0;
	_ =	strace $0x9000004A  }
0xb5: {  	s0 =	sadd.s32 @!p0 $0x100000, s1;
	[bflag:$0x2] =	sbarrier.arrive $0xFFFF  }
0xb6: {  	[sflag:s0] =	ssyncadd.tile.s32 @!p0 $0x1;
	_ =	shalt  }
.Lfunc_end2:
_tile_overlayer_lowered:
.L_overlay_start_2:
0xb7: {  	(tag) =	ssettag $0x2  }
0xb8: {  	s0 =	rddreg [dreg:$0x0];
	s2 =	stileid.u32  }
0xb9: {  	s1 =	rddreg [dreg:$0x1];
	p0 =	sne.s32 s2, $0x0  }
0xba: {  	s3 =	rddreg [dreg:$0x2];
	[bflag:$0x3] =	sbarrier.arrive $0xFFFF;
	s2 =	simm.s32 @!p0 $0x1C02  }
0xbb: {  	[timem:s3], [sflag:s2] =	dma.local @!p0 [hbm:s0], s1  }
0xbc: {  	s0 =	simm.s32 @!p0 $0x2  }
0xbd: {  	_ =	swait.ge @!p0 [sflag:s0], s1  }
0xbe: {  	s1 =	ssub.s32 @!p0 $0x0, s1;
	[sflag:s0] =	ssyncset.done @!p0 $0x0  }
0xbf: {  	[sflag:s0] =	ssyncadd.s32 @!p0 s1  }
0xc0: {  	[bflag:$0x3] =	sbarrier.arrive $0xFFFF  }
0xc1: {  	_ =	shalt  }

// kernel: kernel.17.cloned.1.call-start
scs
__scs_entry_jumppad:
0x0: {  	(pc) =	sbr.rel $0x88, $3  }
0x1: {  	(tag) =	ssettag $0x0;
	lr =	simm.s32 $0x1  }
0x2: {  	[smem:$0x3F88] =	sst lr;
	_ =	strace $0xD0000000  }
0x3: {  	_ = 	snop  }
0x4: {  	_ = 	snop  }
0x5: {  	_ = 	snop  }
0x6: {  	_ = 	snop  }
0x7: {  	_ = 	snop  }
__scs_overlays_trampoline_lowered:
0x8: {  	[smem:$0x3F97] =	sst s0  }
0x9: {  	[smem:$0x3F98] =	sst s1  }
0xa: {  	[smem:$0x3F99] =	sst s2  }
0xb: {  	[smem:$0x3F9A] =	sst s3  }
0xc: {  	[smem:$0x3F9B] =	sst s4  }
0xd: {  	[smem:$0x3F9C] =	sst s5  }
0xe: {  	[smem:$0x3F9D] =	sst s6  }
0xf: {  	[smem:$0x3F9E] =	sst s7  }
0x10: {  	[smem:$0x3F9F] =	sst s8  }
0x11: {  	[smem:$0x3FA0] =	sst s9;
	s0 =	simm.s32 @!p0 $0x0  }
0x12: {  	s1 =	sld [smem:$0x3F86];
	s0 =	simm.s32 @p0 $0x1  }
0x13: {  	[smem:$0x3FA1] =	sst s0;
	s0 =	simm.s32 @!p1 $0x0  }
0x14: {  	s2 =	sld [smem:$0x3F85];
	s0 =	simm.s32 @p1 $0x1  }
0x15: {  	[smem:$0x3FA2] =	sst s0;
	s0 =	simm.s32 @!p2 $0x0  }
0x16: {  	s3 =	sld [smem:$0x3FDB];
	s0 =	simm.s32 @p2 $0x1  }
0x17: {  	s4 =	simm.s32 $0x1BF5;
	[smem:$0x3FA4] =	sst s0  }
0x18: {  	s0 =	sld [smem:$0x3F87];
	_ =	swait.ge [sflag:s4], $0x0  }
0x19: {  	s7 =	sld [smem:$0x3F88]  }
0x1a: {  	s8 =	sadd.s32 $0xFFFFE003, lr  }
0x1b: {  	s9 =	sadd.s32 $0xFFFFFEF7, lr;
	s5 =	simm.s32 $0xFFFFFFFF;
	p2 =	slt.u32 s8, $0xFFFFF086  }
0x1c: {  	p1 =	slt.u32 s9, $0xF7A;
	s5 =	simm.s32 @!p2 $0x0  }
0x1d: {  	s5 =	simm.s32 @p1 $0x1;
	p0 =	seq.s32 s7, s2  }
0x1e: {  	s7 =	smul.u32 @!p0 $0xF7A, s2;
	p2 =	seq.s32 @!p0 s5, $0x0  }
0x1f: {  	s9 =	smul.u32 $0xF7A, s1;
	s8 =	simm.s32 @!p0 $0x1BF5;
	p2 =	por !p2, p0  }
0x20: {  	[sflag:s8] =	ssyncset.s32 @!p0 $0xFFFFF086;
	s6 =	sadd.s32 @!p0 s3, s7;
	s7 =	simm.s32 @!p0 $0x108  }
0x21: {  	s3 =	sadd.s32 s3, s9;
	s6 =	sadd.s32 @!p0 $0x88, s6;
	s7 =	simm.s32 @p2 $0x1082  }
0x22: {  	[simem:s7], [sflag:s8] =	dma.local @!p0 [hbm:s6], $0xF7A  }
0x23: {  	s9 =	sor.u32 $0xD0000000, s2;
	s6 =	simm.s32 $0x108;
	_ =	swait.ge @!p0 [sflag:s8], $0x0  }
0x24: {  	s3 =	sadd.s32 $0x88, s3;
	s6 =	simm.s32 @!p1 $0x1082;
	[sflag:s4] =	ssyncset.s32 $0xFFFFF086  }
0x25: {  	[simem:s6], [sflag:s4] =	dma.local [hbm:s3], $0xF7A  }
0x26: {  	[smem:$0x3F88] =	sst s1;
	(tag) =	ssettag s2;
	_ =	strace s9  }
0x27: {  	s1 =	sld [smem:$0x3F98]  }
0x28: {  	s2 =	sld [smem:$0x3F99]  }
0x29: {  	s4 =	sld [smem:$0x3F9B]  }
0x2a: {  	p0 =	seq.s32 s5, $0x0;
	s5 =	sld [smem:$0x3F9C]  }
0x2b: {  	s6 =	sld [smem:$0x3F9D]  }
0x2c: {  	s7 =	sld [smem:$0x3F9E]  }
0x2d: {  	s3 =	simm.s32 $0x108;
	s8 =	sld [smem:$0x3F9F]  }
0x2e: {  	s3 =	simm.s32 @!p0 $0x1082;
	s9 =	sld [smem:$0x3FA0]  }
0x2f: {  	lr =	sadd.s32 s0, s3;
	s0 =	sld [smem:$0x3F97]  }
0x30: {  	s3 =	sld [smem:$0x3F9A]  }
0x31: {  	[smem:$0x3FA3] =	sst s10  }
0x32: {  	s10 =	sld [smem:$0x3FA1];
	_ =	sdelay $0x3  }
0x33: {  	p0 =	seq.s32 s10, $0x1;
	s10 =	sld [smem:$0x3FA3];
	_ =	sdelay $0x3  }
0x34: {  	[smem:$0x3FA3] =	sst s10  }
0x35: {  	s10 =	sld [smem:$0x3FA2];
	_ =	sdelay $0x3  }
0x36: {  	p1 =	seq.s32 s10, $0x1;
	s10 =	sld [smem:$0x3FA3];
	_ =	sdelay $0x3  }
0x37: {  	[smem:$0x3FA3] =	sst s10  }
0x38: {  	s10 =	sld [smem:$0x3FA4]  }
0x39: {  	_ = 	snop;
	(pc) =	sbr.ind lr, $3  }
0x3a: {  	_ = 	snop  }
0x3b: {  	_ = 	snop  }
0x3c: {  	p2 =	seq.s32 s10, $0x1;
	s10 =	sld [smem:$0x3FA3]  }
0x3d: {  	_ =	shalt  }
0x3e: {  	_ =	shalt  }
0x3f: {  	_ =	shalt  }
0x40: {  	_ =	shalt  }
0x41: {  	_ =	shalt  }
0x42: {  	_ =	shalt  }
0x43: {  	_ =	shalt  }
0x44: {  	_ =	shalt  }
0x45: {  	_ =	shalt  }
0x46: {  	_ =	shalt  }
0x47: {  	_ =	shalt  }
0x48: {  	_ =	shalt  }
0x49: {  	_ =	shalt  }
0x4a: {  	_ =	shalt  }
0x4b: {  	_ =	shalt  }
0x4c: {  	_ =	shalt  }
0x4d: {  	_ =	shalt  }
0x4e: {  	_ =	shalt  }
0x4f: {  	_ =	shalt  }
0x50: {  	_ =	shalt  }
0x51: {  	_ =	shalt  }
0x52: {  	_ =	shalt  }
0x53: {  	_ =	shalt  }
0x54: {  	_ =	shalt  }
0x55: {  	_ =	shalt  }
0x56: {  	_ =	shalt  }
0x57: {  	_ =	shalt  }
0x58: {  	_ =	shalt  }
0x59: {  	_ =	shalt  }
0x5a: {  	_ =	shalt  }
0x5b: {  	_ =	shalt  }
0x5c: {  	_ =	shalt  }
0x5d: {  	_ =	shalt  }
0x5e: {  	_ =	shalt  }
0x5f: {  	_ =	shalt  }
0x60: {  	_ =	shalt  }
0x61: {  	_ =	shalt  }
0x62: {  	_ =	shalt  }
0x63: {  	_ =	shalt  }
0x64: {  	_ =	shalt  }
0x65: {  	_ =	shalt  }
0x66: {  	_ =	shalt  }
0x67: {  	_ =	shalt  }
0x68: {  	_ =	shalt  }
0x69: {  	_ =	shalt  }
0x6a: {  	_ =	shalt  }
0x6b: {  	_ =	shalt  }
0x6c: {  	_ =	shalt  }
0x6d: {  	_ =	shalt  }
0x6e: {  	_ =	shalt  }
0x6f: {  	_ =	shalt  }
0x70: {  	_ =	shalt  }
0x71: {  	_ =	shalt  }
0x72: {  	_ =	shalt  }
0x73: {  	_ =	shalt  }
0x74: {  	_ =	shalt  }
0x75: {  	_ =	shalt  }
0x76: {  	_ =	shalt  }
0x77: {  	_ =	shalt  }
0x78: {  	_ =	shalt  }
0x79: {  	_ =	shalt  }
0x7a: {  	_ =	shalt  }
0x7b: {  	_ =	shalt  }
0x7c: {  	_ =	shalt  }
0x7d: {  	_ =	shalt  }
0x7e: {  	_ =	shalt  }
0x7f: {  	_ =	shalt  }
0x80: {  	_ =	shalt  }
0x81: {  	_ =	shalt  }
0x82: {  	_ =	shalt  }
0x83: {  	_ =	shalt  }
0x84: {  	_ =	shalt  }
0x85: {  	_ =	shalt  }
0x86: {  	_ =	shalt  }
0x87: {  	_ =	shalt  }
.Lfunc_end0:
.L_simem_size_0:
called_computation.1_lowered:
.L_overlay_start_0:
0x88: {  	s2 =	sld [smem:$0x3FD9]  }
0x89: {  	s3 =	sld [smem:$0x3FFE];
	_ =	sdelay $0x1  }
0x8a: {  	s1 =	srdreg.scid  }
0x8b: {  	s0 =	sand.u32 $0x1, s1  }
0x8c: {  	s16 =	sshll.u32 s0, $0xA;
	s2 =	sadd.s32 s3, s2  }
0x8d: {  	s2 =	sadd.s32 s2, s16  }
0x8e: {  	[smem:$0x3FAF] =	sst s2  }
0x8f: {  	_ = 	snop  }
0x90: {  	(tm) =	ssettm $0x1  }
0x91: {  	s17 =	sld [smem:$0x3FFB];
	_ =	sdelay $0x3  }
0x92: {  	_ =	strace s17  }
0x93: {  	s2 =	sld [smem:$0x3FFC];
	_ =	sdelay $0x3  }
0x94: {  	_ =	strace s2  }
0x95: {  	s2 =	sld [smem:$0x3FFD];
	_ =	sdelay $0x3  }
0x96: {  	_ =	strace s2  }
0x97: {  	_ =	strace $0x8FFFFFFF  }
0x98: {  	s18 =	sld [smem:$0x3FDB];
	_ =	sdelay $0x1  }
0x99: {  	s19 =	simm.s32 $_scs_section_size  }
0x9a: {  	s4 =	simm.s32 $_size__tile_overlayer_lowered;
	s5 =	simm.s32 $_tile_overlayer_lowered  }
0x9b: {  	s22 =	simm.s32 $0x1BFF;
	s21 =	sshll.u32 s5, $0x1;
	s2 =	sadd.s32 s19, s18  }
0x9c: {  	s6 =	simm.s32 $0x0;
	s20 =	sshll.u32 s4, $0x1;
	s4 =	sadd.s32 s21, s2  }
0x9d: {  	[timem:s6], [sflag:s22] =	dma.local [hbm:s4], s20  }
0x9e: {  	_ =	swait.ge [sflag:s22], s20  }
0x9f: {  	s3 =	ssub.s32 $0x0, s20;
	[sflag:s22] =	ssyncset.done $0x0  }
0xa0: {  	[sflag:s22] =	ssyncadd.s32 s3;
	_ =	sdelay $0x1  }
0xa1: {  	s23 =	simm.s32 $0x1B8B  }
0xa2: {  	_ =	swait.ge [sflag:s23], $0x1  }
0xa3: {  	[sflag:s23] =	ssyncset.done $0x0  }
0xa4: {  	s25 =	simm.s32 $0x1B8E;
	s24 =	sld [smem:$0x3FFE];
	[sflag:s23] =	ssyncadd.s32 $0xFFFFFFFF  }
0xa5: {  	s26 =	simm.s32 $execute0_lowered;
	[smem:$0x3FD2] =	sst s25  }
0xa6: {  	s4 =	sshll.u32 s26, $0x1;
	_ =	strace $0x80000046;
	[dreg:$0x1] =	wrdreg $0xFFFFFFFF  }
0xa7: {  	s28 =	simm.s32 $_size_execute0_lowered;
	s2 =	sadd.s32 s2, s4;
	[dreg:$0x0] =	wrdreg $0x0  }
0xa8: {  	s4 =	sshll.u32 s28, $0x1;
	[dreg:$0x2] =	wrdreg s2  }
0xa9: {  	[dreg:$0x3] =	wrdreg s4  }
0xaa: {  	[dreg:$0x4] =	wrdreg $0xC0  }
0xab: {  	_ =	task [dreg:s6], $0x5FFFF  }
0xac: {  	[dreg:$0x1] =	wrdreg $0xFFFFFFFF  }
0xad: {  	[dreg:$0x0] =	wrdreg $0x60  }
0xae: {  	[dreg:$0x2] =	wrdreg s24  }
0xaf: {  	[dreg:$0x3] =	wrdreg $0xBC000  }
0xb0: {  	[dreg:$0x4] =	wrdreg $0xA  }
0xb1: {  	_ =	task.clear_ibuf [dreg:s6], $0x5FFFF;
	_ =	strace $0x90000046  }
0xb2: {  	s29 =	simm.s32 $0xA;
	_ =	strace $0x80000048  }
0xb3: {  	_ =	swait.ge [sflag:s29], $0x1  }
0xb4: {  	[sflag:s29] =	ssyncadd.s32 $0xFFFFFFFF  }
0xb5: {  	_ =	strace $0x90000048  }
0xb6: {  	_ =	sfence  }
0xb7: {  	s30 =	sld [smem:$0x0];
	_ =	sdelay $0x2  }
0xb8: {  	s31 =	sshll.u32 s1, $0xD;
	s1 =	sshrl.u32 s1, $0x2  }
0xb9: {  	s3 =	sand.u32 $0x4000, s31;
	s1 =	sadd.s32 s1, s30  }
0xba: {  	s0 =	sor.u32 s3, s0;
	s1 =	sshll.u32 s1, $0x11  }
0xbb: {  	s0 =	sor.u32 s1, s0  }
0xbc: {  	s0 =	sadd.s32 $0x8F2B, s0  }
0xbd: {  	[sflag:s0] =	ssyncadd.remote.s32 $0x1  }
0xbe: {  	_ =	sfence.sel $0xFFFF  }
0xbf: {  	[dreg:$0x0] =	wrdreg $0xFFFFFFFF;
	(pc) =	sbr.abs _section_cstart, $3  }
0xc0: {  	[dreg:$0x1] =	wrdreg $0xFFFFFFFF  }
0xc1: {  	_ =	task.clear_ibuf [dreg:s6], $0x2FFFF;
	_ =	strace $0x9FFFFFFF  }
0xc2: {  	(tm) =	ssettm $0x7FFFFFFF  }
0xc3: {  	_ =	shalt  }
tec
execute0_lowered:
.L_overlay_start_1:
0x0: {  	(tag) =	ssettag $0x1  }
0x1: {  	s0 =	rddreg [dreg:$0x0]  }
0x2: {  	s1 =	rddreg [dreg:$0x1]  }
0x3: {  	s2 =	srdreg.scid;
	s3 =	simm.s32 $0x0;
	s10 =	stileid.u32  }
0x4: {  	s17 =	simm.s32 $0x800;
	s28 =	simm.s32 $0x3;
	s29 =	simm.s32 $0x7  }
0x5: {  	s30 =	simm.s32 $0x4;
	s31 =	simm.s32 $0x5;
	s6 =	smul.u32 $0x13C00, s10  }
0x6: {  	s2 =	sand.u32 $0x1, s2;
	[smem:$0x7FF] =	sst s3;
	s8 =	smul.u32 $0x4F000, s10  }
0x7: {  	s4 =	sadd.s32 $0x23400, s0;
	s7 =	sadd.s32 $0x7400, s0;
	s21 =	smul.u32 $0x7000, s10  }
0x8: {  	s18 =	sshll.u32 s10, $0x1;
	s15 =	sadd.s32 $0x15400, s0;
	s5 =	smul.u32 $0x140000, s2  }
0x9: {  	_ =	strace $0x80000047;
	s19 =	sor.u32 s2, s18;
	s20 =	ssub.s32 $0x2, s2  }
0xa: {  	s2 =	smul.u32 $0x3800, s2;
	s18 =	simm.s32 $0x8;
	s8 =	sshrl.u32 s8, $0x2  }
0xb: {  	s11 =	smul.u32 $0x3800, s19;
	s9 =	sshrl.u32 s20, $0x1;
	s5 =	sadd.s32 s6, s5  }
0xc: {  	s6 =	ssub.s32 s20, s9;
	s2 =	sadd.s32 s2, s21;
	s20 =	simm.s32 $0x78  }
0xd: {  	s5 =	sshrl.u32 s5, $0x3;
	s12 =	sshrl.u32 s11, $0x3;
	s2 =	sor.u32 $0x200, s2  }
0xe: {  	s14 =	smax.u32 s6, $0x1;
	s0 =	sadd.s32 s5, s0;
	s5 =	sadd.s32 s8, s1  }
0xf: {  	s11 =	sadd.s32 s7, s12;
	s12 =	sadd.s32 s15, s12;
	s26 =	sshrl.u32 s2, $0x3  }
0x10: {  	s2 =	simm.s32 $0x0;
	s22 =	sadd.s32 $0x3C00, s5;
	s23 =	sadd.s32 $0x7800, s5  }
0x11: {  	s24 =	sadd.s32 $0xB400, s5;
	s25 =	sadd.s32 $0xF000, s5;
	[dreg:$0x3] =	wrdreg s22  }
0x12: {  	s10 =	sadd.s32 $0x12C00, s5;
	s13 =	sadd.s32 $0x4B400, s0;
	[dreg:$0x4] =	wrdreg s23  }
0x13: {  	s15 =	sadd.s32 s26, s15;
	s16 =	sadd.s32 s26, s7;
	[dreg:$0x5] =	wrdreg s24  }
0x14: {  	s26 =	simm.s32 $0x2;
	s0 =	simm.s32 $0x6;
	[dreg:$0x6] =	wrdreg s25  }
0x15: {  	v0 =	vimm.f32 $0.0e+00;
	s22 =	simm.s32 $0x4400;
	s24 =	simm.s32 $0x8000;
	s25 =	simm.s32 $0x1  }
.LBB2_1:
0x16: {  	s6 =	simm.s32 $0x0;
	s7 =	simm.s32 $0x200  }
.LBB2_2:
0x17: {  	p0 =	sne.s32 s7, $0xEE00;
	[tilespmem:s6+$0x870] =	vst v0  }
0x18: {  	[tilespmem:s6+$0x800] =	vst v0  }
0x19: {  	[tilespmem:s6+$0x810] =	vst v0  }
.Ltmp0:
0x1a: {  	[tilespmem:s6+$0x820] =	vst v0;
	(pc) =	sbr.rel @p0 .LBB2_2-.Ltmp0, $4  }
0x1b: {  	[tilespmem:s6+$0x830] =	vst v0  }
0x1c: {  	[tilespmem:s6+$0x840] =	vst v0  }
0x1d: {  	[tilespmem:s6+$0x850] =	vst v0  }
0x1e: {  	[tilespmem:s6+$0x860] =	vst v0;
	s6 =	sshra.s32 s7, $0x2;
	s7 =	sadd.s32 $0x200, s7  }
0x1f: {  	[tilespmem:s6+$0x870] =	vst v0  }
0x20: {  	[tilespmem:s6+$0x800] =	vst v0  }
0x21: {  	[tilespmem:s6+$0x810] =	vst v0  }
0x22: {  	[tilespmem:s6+$0x820] =	vst v0  }
0x23: {  	[tilespmem:s6+$0x830] =	vst v0  }
0x24: {  	[tilespmem:s6+$0x840] =	vst v0  }
0x25: {  	[tilespmem:s6+$0x850] =	vst v0  }
0x26: {  	[tilespmem:s6+$0x860] =	vst v0  }
0x27: {  	[spmem:s5] =	stream.linear.scatter [tilespmem:s17], [sflag:$0x8], $0x3C00, $0x38;
	[tilespmem:$0x1F800] =	vst v63  }
0x28: {  	_ =	swait.ge [sflag:s18], $0x3C00  }
0x29: {  	[sflag:s18] =	ssyncset.done $0x0  }
0x2a: {  	s19 =	rddreg [dreg:$0x3];
	[sflag:s18] =	ssyncadd.s32 $0xFFFFC400  }
0x2b: {  	[spmem:s19] =	stream.linear.scatter [tilespmem:s17], [sflag:$0x8], $0x3C00, $0x38;
	[tilespmem:$0x1F800] =	vst v63  }
0x2c: {  	_ =	swait.ge [sflag:s18], $0x3C00  }
0x2d: {  	[sflag:s18] =	ssyncset.done $0x0  }
0x2e: {  	s21 =	rddreg [dreg:$0x4];
	[sflag:s18] =	ssyncadd.s32 $0xFFFFC400  }
0x2f: {  	[spmem:s21] =	stream.linear.scatter [tilespmem:s17], [sflag:$0x8], $0x3C00, $0x38;
	[tilespmem:$0x1F800] =	vst v63  }
0x30: {  	_ =	swait.ge [sflag:s18], $0x3C00  }
0x31: {  	[sflag:s18] =	ssyncset.done $0x0  }
0x32: {  	s23 =	rddreg [dreg:$0x5];
	[sflag:s18] =	ssyncadd.s32 $0xFFFFC400  }
0x33: {  	[spmem:s23] =	stream.linear.scatter [tilespmem:s17], [sflag:$0x8], $0x3C00, $0x38;
	[tilespmem:$0x1F800] =	vst v63  }
0x34: {  	_ =	swait.ge [sflag:s18], $0x3C00  }
0x35: {  	[sflag:s18] =	ssyncset.done $0x0  }
0x36: {  	s7 =	rddreg [dreg:$0x6];
	[sflag:s18] =	ssyncadd.s32 $0xFFFFC400  }
0x37: {  	[spmem:s7] =	stream.linear.scatter [tilespmem:s17], [sflag:$0x8], $0x3C00, $0x38;
	[tilespmem:$0x1F800] =	vst v63  }
0x38: {  	_ =	swait.ge [sflag:s18], $0x3C00  }
0x39: {  	[sflag:s18] =	ssyncset.done $0x0  }
0x3a: {  	[sflag:s18] =	ssyncadd.s32 $0xFFFFC400  }
0x3b: {  	[spmem:s10] =	stream.linear.scatter [tilespmem:s17], [sflag:$0x8], $0x1000, $0x38;
	[tilespmem:$0x1F800] =	vst v63  }
0x3c: {  	_ =	swait.ge [sflag:s18], $0x1000  }
0x3d: {  	[sflag:s18] =	ssyncset.done $0x0  }
0x3e: {  	[sflag:s18] =	ssyncadd.s32 $0xFFFFF000  }
0x3f: {  	s8 =	simm.s32 $0x0;
	[bflag:$0x0] =	sbarrier.arrive $0xFFFF  }
0x40: {  	[tilespmem:s8], [sflag:$0x8] =	stream.linear.gather [hbm4b:s11+s8], $0x180, $0x38;
	[tilespmem:$0x1F800] =	vst v63  }
0x41: {  	_ =	swait.ge [sflag:s18], $0x180  }
0x42: {  	[sflag:s18] =	ssyncset.done $0x0  }
0x43: {  	s7 =	simm.s32 $0x400;
	[sflag:s18] =	ssyncadd.s32 $0xFFFFFE80  }
0x44: {  	[tilespmem:s7], [sflag:$0x8] =	stream.linear.gather [hbm4b:s12+s8], $0x180, $0x38;
	[tilespmem:$0x1F800] =	vst v63  }
0x45: {  	_ =	swait.ge [sflag:s18], $0x180  }
0x46: {  	[sflag:s18] =	ssyncset.done $0x0  }
0x47: {  	[sflag:s18] =	ssyncadd.s32 $0xFFFFFE80  }
0x48: {  	[tilespmem:s17], [sflag:$0x1] =	stream.indirect.gather [hbm4b:s4+s20], $0x80, s8, s20, $0xb8;
	[tilespmem:$0x1F800] =	vst v63  }
0x49: {  	s9 =	simm.s32 $0x80  }
0x4a: {  	[tilespmem:s22], [sflag:$0x2] =	stream.indirect.gather [hbm4b:s4+s20], $0x80, s9, s20, $0xb8;
	[tilespmem:$0x1F800] =	vst v63  }
0x4b: {  	s6 =	sand.u32 $0x200, s8;
	s19 =	simm.s32 $0x100  }
0x4c: {  	[tilespmem:s24], [sflag:$0x3] =	stream.indirect.gather [hbm4b:s4+s20], $0x80, s19, s20, $0xb8;
	[tilespmem:$0x1F800] =	vst v63  }
0x4d: {  	s21 =	sxor.u32 $0x200, s6  }
0x4e: {  	[tilespmem:s21], [sflag:$0x7] =	stream.linear.gather [hbm4b:s16+s3], $0x180, $0x38;
	[tilespmem:$0x1F800] =	vst v63  }
0x4f: {  	s8 =	sxor.u32 $0x600, s6  }
0x50: {  	[tilespmem:s8], [sflag:$0x7] =	stream.linear.gather [hbm4b:s15+s3], $0x180, $0x38;
	[tilespmem:$0x1F800] =	vst v63  }
0x51: {  	_ =	swait.ge [sflag:s25], $0x3C00  }
0x52: {  	[sflag:s25] =	ssyncset.done $0x0  }
0x53: {  	s23 =	sor.u32 $0x400, s6;
	[sflag:s25] =	ssyncadd.s32 $0xFFFFC400  }
0x54: {  	[spmem:s1] =	stream.indirect.scatter.add.f32 [tilespmem:s17], [sflag:$0x4], $0x80, s23, s20, $0xb8;
	[tilespmem:$0x1F800] =	vst v63  }
0x55: {  	_ =	swait.ge [sflag:s26], $0x3C00  }
0x56: {  	[sflag:s26] =	ssyncset.done $0x0  }
0x57: {  	s9 =	sor.u32 $0x480, s6;
	[sflag:s26] =	ssyncadd.s32 $0xFFFFC400  }
0x58: {  	[spmem:s1] =	stream.indirect.scatter.add.f32 [tilespmem:s22], [sflag:$0x5], $0x80, s9, s20, $0xb8;
	[tilespmem:$0x1F800] =	vst v63  }
0x59: {  	_ =	swait.ge [sflag:s28], $0x3C00  }
0x5a: {  	[sflag:s28] =	ssyncset.done $0x0  }
0x5b: {  	s19 =	sor.u32 $0x500, s6;
	[sflag:s28] =	ssyncadd.s32 $0xFFFFC400  }
0x5c: {  	[spmem:s1] =	stream.indirect.scatter.add.f32 [tilespmem:s24], [sflag:$0x6], $0x80, s19, s20, $0xb8;
	[tilespmem:$0x1F800] =	vst v63  }
0x5d: {  	_ =	swait.ge [sflag:s29], $0x180  }
0x5e: {  	[sflag:s29] =	ssyncset.done $0x0  }
0x5f: {  	[sflag:s29] =	ssyncadd.s32 $0xFFFFFE80  }
0x60: {  	_ =	swait.ge [sflag:s29], $0x180  }
0x61: {  	[sflag:s29] =	ssyncset.done $0x0  }
0x62: {  	[sflag:s29] =	ssyncadd.s32 $0xFFFFFE80  }
0x63: {  	_ =	swait.ge [sflag:s30], $0x3C00  }
0x64: {  	[sflag:s30] =	ssyncset.done $0x0  }
0x65: {  	[sflag:s30] =	ssyncadd.s32 $0xFFFFC400  }
0x66: {  	[tilespmem:s17], [sflag:$0x1] =	stream.indirect.gather [hbm4b:s4+s20], $0x80, s21, s20, $0xb8;
	[tilespmem:$0x1F800] =	vst v63  }
0x67: {  	_ =	swait.ge [sflag:s31], $0x3C00  }
0x68: {  	[sflag:s31] =	ssyncset.done $0x0  }
0x69: {  	s23 =	sxor.u32 $0x280, s6;
	[sflag:s31] =	ssyncadd.s32 $0xFFFFC400  }
0x6a: {  	[tilespmem:s22], [sflag:$0x2] =	stream.indirect.gather [hbm4b:s4+s20], $0x80, s23, s20, $0xb8;
	[tilespmem:$0x1F800] =	vst v63  }
0x6b: {  	s7 =	simm.s32 $0x400;
	s21 =	simm.s32 $0x200;
	_ =	swait.ge [sflag:s0], $0x3C00  }
0x6c: {  	s6 =	sxor.u32 $0x300, s6;
	s19 =	sand.u32 $0x200, s21;
	[sflag:s0] =	ssyncset.done $0x0  }
0x6d: {  	s21 =	sadd.s32 $0x40, s16;
	s23 =	sadd.s32 $0x40, s15;
	[sflag:s0] =	ssyncadd.s32 $0xFFFFC400  }
.LBB2_4:
0x6e: {  	[tilespmem:s24], [sflag:$0x3] =	stream.indirect.gather [hbm4b:s4+s20], $0x80, s6, s20, $0xb8;
	[tilespmem:$0x1F800] =	vst v63  }
0x6f: {  	s6 =	smov.u32 s19;
	s8 =	smov.u32 s7  }
0x70: {  	s19 =	sand.u32 $0x200, s8;
	s8 =	sadd.s32 $0x200, s7;
	s9 =	sxor.u32 $0x200, s6  }
0x71: {  	[tilespmem:s9], [sflag:$0x7] =	stream.linear.gather [hbm4b:s21+s3], $0x180, $0x38;
	[tilespmem:$0x1F800] =	vst v63  }
0x72: {  	p0 =	sne.s32 s7, $0x3400;
	s7 =	sxor.u32 $0x600, s6  }
0x73: {  	[tilespmem:s7], [sflag:$0x7] =	stream.linear.gather [hbm4b:s23+s3], $0x180, $0x38;
	[tilespmem:$0x1F800] =	vst v63  }
0x74: {  	_ =	swait.ge [sflag:s25], $0x3C00  }
0x75: {  	[sflag:s25] =	ssyncset.done $0x0  }
0x76: {  	s7 =	sor.u32 $0x400, s6;
	[sflag:s25] =	ssyncadd.s32 $0xFFFFC400  }
0x77: {  	[spmem:s1] =	stream.indirect.scatter.add.f32 [tilespmem:s17], [sflag:$0x4], $0x80, s7, s20, $0xb8;
	[tilespmem:$0x1F800] =	vst v63  }
0x78: {  	_ =	swait.ge [sflag:s26], $0x3C00  }
0x79: {  	[sflag:s26] =	ssyncset.done $0x0  }
0x7a: {  	s7 =	sor.u32 $0x480, s6;
	[sflag:s26] =	ssyncadd.s32 $0xFFFFC400  }
0x7b: {  	[spmem:s1] =	stream.indirect.scatter.add.f32 [tilespmem:s22], [sflag:$0x5], $0x80, s7, s20, $0xb8;
	[tilespmem:$0x1F800] =	vst v63  }
0x7c: {  	_ =	swait.ge [sflag:s28], $0x3C00  }
0x7d: {  	[sflag:s28] =	ssyncset.done $0x0  }
0x7e: {  	s7 =	sor.u32 $0x500, s6;
	[sflag:s28] =	ssyncadd.s32 $0xFFFFC400  }
0x7f: {  	[spmem:s1] =	stream.indirect.scatter.add.f32 [tilespmem:s24], [sflag:$0x6], $0x80, s7, s20, $0xb8;
	[tilespmem:$0x1F800] =	vst v63  }
0x80: {  	_ =	swait.ge [sflag:s29], $0x180  }
0x81: {  	[sflag:s29] =	ssyncset.done $0x0  }
0x82: {  	[sflag:s29] =	ssyncadd.s32 $0xFFFFFE80  }
0x83: {  	_ =	swait.ge [sflag:s29], $0x180  }
0x84: {  	[sflag:s29] =	ssyncset.done $0x0  }
0x85: {  	[sflag:s29] =	ssyncadd.s32 $0xFFFFFE80  }
0x86: {  	_ =	swait.ge [sflag:s30], $0x3C00  }
0x87: {  	[sflag:s30] =	ssyncset.done $0x0  }
0x88: {  	[sflag:s30] =	ssyncadd.s32 $0xFFFFC400  }
0x89: {  	[tilespmem:s17], [sflag:$0x1] =	stream.indirect.gather [hbm4b:s4+s20], $0x80, s9, s20, $0xb8;
	[tilespmem:$0x1F800] =	vst v63  }
0x8a: {  	_ =	swait.ge [sflag:s31], $0x3C00  }
0x8b: {  	[sflag:s31] =	ssyncset.done $0x0  }
.Ltmp1:
0x8c: {  	s7 =	sxor.u32 $0x280, s6;
	[sflag:s31] =	ssyncadd.s32 $0xFFFFC400;
	(pc) =	sbr.rel @p0 .LBB2_4-.Ltmp1, $4  }
0x8d: {  	[tilespmem:s22], [sflag:$0x2] =	stream.indirect.gather [hbm4b:s4+s20], $0x80, s7, s20, $0xb8;
	[tilespmem:$0x1F800] =	vst v63  }
0x8e: {  	_ =	swait.ge [sflag:s0], $0x3C00  }
0x8f: {  	s21 =	sadd.s32 $0x40, s21;
	s23 =	sadd.s32 $0x40, s23;
	[sflag:s0] =	ssyncset.done $0x0  }
0x90: {  	s6 =	sxor.u32 $0x300, s6;
	s7 =	smov.u32 s8;
	[sflag:s0] =	ssyncadd.s32 $0xFFFFC400  }
0x91: {  	[tilespmem:s24], [sflag:$0x3] =	stream.indirect.gather [hbm4b:s4+s20], $0x80, s6, s20, $0xb8;
	[tilespmem:$0x1F800] =	vst v63  }
0x92: {  	s6 =	sxor.u32 $0x200, s19  }
0x93: {  	[tilespmem:s6], [sflag:$0x7] =	stream.linear.gather [hbm4b:s21+s3], $0x180, $0x38;
	[tilespmem:$0x1F800] =	vst v63  }
0x94: {  	s7 =	sxor.u32 $0x600, s19  }
0x95: {  	[tilespmem:s7], [sflag:$0x7] =	stream.linear.gather [hbm4b:s23+s3], $0x180, $0x38;
	[tilespmem:$0x1F800] =	vst v63  }
0x96: {  	_ =	swait.ge [sflag:s25], $0x3C00  }
0x97: {  	[sflag:s25] =	ssyncset.done $0x0  }
0x98: {  	s8 =	sor.u32 $0x400, s19;
	[sflag:s25] =	ssyncadd.s32 $0xFFFFC400  }
0x99: {  	[spmem:s1] =	stream.indirect.scatter.add.f32 [tilespmem:s17], [sflag:$0x4], $0x80, s8, s20, $0xb8;
	[tilespmem:$0x1F800] =	vst v63  }
0x9a: {  	_ =	swait.ge [sflag:s26], $0x3C00  }
0x9b: {  	[sflag:s26] =	ssyncset.done $0x0  }
0x9c: {  	s9 =	sor.u32 $0x480, s19;
	[sflag:s26] =	ssyncadd.s32 $0xFFFFC400  }
0x9d: {  	[spmem:s1] =	stream.indirect.scatter.add.f32 [tilespmem:s22], [sflag:$0x5], $0x80, s9, s20, $0xb8;
	[tilespmem:$0x1F800] =	vst v63  }
0x9e: {  	_ =	swait.ge [sflag:s28], $0x3C00  }
0x9f: {  	[sflag:s28] =	ssyncset.done $0x0  }
0xa0: {  	s21 =	sor.u32 $0x500, s19;
	[sflag:s28] =	ssyncadd.s32 $0xFFFFC400  }
0xa1: {  	[spmem:s1] =	stream.indirect.scatter.add.f32 [tilespmem:s24], [sflag:$0x6], $0x80, s21, s20, $0xb8;
	[tilespmem:$0x1F800] =	vst v63  }
0xa2: {  	_ =	swait.ge [sflag:s29], $0x180  }
0xa3: {  	[sflag:s29] =	ssyncset.done $0x0  }
0xa4: {  	[sflag:s29] =	ssyncadd.s32 $0xFFFFFE80  }
0xa5: {  	_ =	swait.ge [sflag:s29], $0x180  }
0xa6: {  	[sflag:s29] =	ssyncset.done $0x0  }
0xa7: {  	[sflag:s29] =	ssyncadd.s32 $0xFFFFFE80  }
0xa8: {  	_ =	swait.ge [sflag:s30], $0x3C00  }
0xa9: {  	[sflag:s30] =	ssyncset.done $0x0  }
0xaa: {  	[sflag:s30] =	ssyncadd.s32 $0xFFFFC400  }
0xab: {  	[tilespmem:s17], [sflag:$0x1] =	stream.indirect.gather [hbm4b:s4+s20], $0x80, s6, s20, $0xb8;
	[tilespmem:$0x1F800] =	vst v63  }
0xac: {  	_ =	swait.ge [sflag:s31], $0x3C00  }
0xad: {  	[sflag:s31] =	ssyncset.done $0x0  }
0xae: {  	s23 =	sxor.u32 $0x280, s19;
	[sflag:s31] =	ssyncadd.s32 $0xFFFFC400  }
0xaf: {  	[tilespmem:s22], [sflag:$0x2] =	stream.indirect.gather [hbm4b:s4+s20], $0x80, s23, s20, $0xb8;
	[tilespmem:$0x1F800] =	vst v63  }
0xb0: {  	_ =	swait.ge [sflag:s0], $0x3C00  }
0xb1: {  	[sflag:s0] =	ssyncset.done $0x0  }
0xb2: {  	s7 =	sxor.u32 $0x300, s19;
	[sflag:s0] =	ssyncadd.s32 $0xFFFFC400  }
0xb3: {  	[tilespmem:s24], [sflag:$0x3] =	stream.indirect.gather [hbm4b:s4+s20], $0x80, s7, s20, $0xb8;
	[tilespmem:$0x1F800] =	vst v63  }
0xb4: {  	_ =	swait.ge [sflag:s25], $0x3C00  }
0xb5: {  	[sflag:s25] =	ssyncset.done $0x0  }
0xb6: {  	s8 =	simm.s32 $0x600;
	[sflag:s25] =	ssyncadd.s32 $0xFFFFC400  }
0xb7: {  	[spmem:s1] =	stream.indirect.scatter.add.f32 [tilespmem:s17], [sflag:$0x4], $0x80, s8, s20, $0xb8;
	[tilespmem:$0x1F800] =	vst v63  }
0xb8: {  	_ =	swait.ge [sflag:s26], $0x3C00  }
0xb9: {  	[sflag:s26] =	ssyncset.done $0x0  }
0xba: {  	s9 =	simm.s32 $0x680;
	[sflag:s26] =	ssyncadd.s32 $0xFFFFC400  }
0xbb: {  	[spmem:s1] =	stream.indirect.scatter.add.f32 [tilespmem:s22], [sflag:$0x5], $0x80, s9, s20, $0xb8;
	[tilespmem:$0x1F800] =	vst v63  }
0xbc: {  	_ =	swait.ge [sflag:s28], $0x3C00  }
0xbd: {  	[sflag:s28] =	ssyncset.done $0x0  }
0xbe: {  	s19 =	simm.s32 $0x700;
	[sflag:s28] =	ssyncadd.s32 $0xFFFFC400  }
0xbf: {  	[spmem:s1] =	stream.indirect.scatter.add.f32 [tilespmem:s24], [sflag:$0x6], $0x80, s19, s20, $0xb8;
	[tilespmem:$0x1F800] =	vst v63  }
0xc0: {  	_ =	swait.ge [sflag:s30], $0x3C00  }
0xc1: {  	[sflag:s30] =	ssyncset.done $0x0  }
0xc2: {  	[sflag:s30] =	ssyncadd.s32 $0xFFFFC400  }
0xc3: {  	_ =	swait.ge [sflag:s31], $0x3C00  }
0xc4: {  	[sflag:s31] =	ssyncset.done $0x0  }
0xc5: {  	[sflag:s31] =	ssyncadd.s32 $0xFFFFC400  }
0xc6: {  	s21 =	stileid.u32;
	_ =	swait.ge [sflag:s0], $0x3C00  }
0xc7: {  	s2 =	sadd.s32 $0x1, s2;
	s6 =	sshll.u32 s21, $0x6;
	[sflag:s0] =	ssyncset.done $0x0  }
0xc8: {  	p0 =	sne.s32 s2, s14;
	s6 =	sor.u32 $0x1C08, s6;
	[sflag:s0] =	ssyncadd.s32 $0xFFFFC400  }
.Ltmp2:
0xc9: {  	s23 =	sshrl.u32 s5, $0x3;
	[bflag:$0x0] =	sbarrier.arrive $0xFFFF;
	(pc) =	sbr.rel @p0 .LBB2_1-.Ltmp2, $4  }
0xca: {  	[hbm:s13], [sflag:s6] =	dma.local [spmem:s23], $0x2780  }
0xcb: {  	_ =	swait.ge [sflag:s18], $0x2780  }
0xcc: {  	[sflag:s18] =	ssyncset.done $0x0  }
0xcd: {  	[sflag:s18] =	ssyncadd.s32 $0xFFFFD880  }
0xce: {  	_ =	sfence.sel $0x180000  }
0xcf: {  	[bflag:$0x0] =	sbarrier.arrive $0xFFFF  }
0xd0: {  	_ =	strace $0x90000047  }
0xd1: {  	s0 =	stileid.u32;
	[bflag:$0x2] =	sbarrier.arrive $0xFFFF  }
0xd2: {  	p0 =	sne.s32 s0, $0x0;
	s0 =	rddreg [dreg:$0x2]  }
0xd3: {  	s0 =	sadd.s32 @!p0 $0x100000, s0  }
0xd4: {  	[sflag:s0] =	ssyncadd.tile.s32 @!p0 $0x1;
	_ =	shalt  }
.Lfunc_end2:
_tile_overlayer_lowered:
.L_overlay_start_2:
0xd5: {  	(tag) =	ssettag $0x2  }
0xd6: {  	s0 =	rddreg [dreg:$0x0];
	s2 =	stileid.u32  }
0xd7: {  	s1 =	rddreg [dreg:$0x1];
	p0 =	sne.s32 s2, $0x0  }
0xd8: {  	s3 =	rddreg [dreg:$0x2];
	[bflag:$0x3] =	sbarrier.arrive $0xFFFF;
	s2 =	simm.s32 @!p0 $0x1C08  }
0xd9: {  	[timem:s3], [sflag:s2] =	dma.local @!p0 [hbm:s0], s1  }
0xda: {  	s0 =	simm.s32 @!p0 $0x8  }
0xdb: {  	_ =	swait.ge @!p0 [sflag:s0], s1  }
0xdc: {  	s1 =	ssub.s32 @!p0 $0x0, s1;
	[sflag:s0] =	ssyncset.done @!p0 $0x0  }
0xdd: {  	[sflag:s0] =	ssyncadd.s32 @!p0 s1  }
0xde: {  	[bflag:$0x3] =	sbarrier.arrive $0xFFFF  }
0xdf: {  	_ =	shalt  }

// kernel: kernel.20.cloned.1.call-start
scs
__scs_entry_jumppad:
0x0: {  	(pc) =	sbr.rel $0x88, $3  }
0x1: {  	(tag) =	ssettag $0x0;
	lr =	simm.s32 $0x1  }
0x2: {  	[smem:$0x3F88] =	sst lr;
	_ =	strace $0xD0000000  }
0x3: {  	_ = 	snop  }
0x4: {  	_ = 	snop  }
0x5: {  	_ = 	snop  }
0x6: {  	_ = 	snop  }
0x7: {  	_ = 	snop  }
__scs_overlays_trampoline_lowered:
0x8: {  	[smem:$0x3F97] =	sst s0  }
0x9: {  	[smem:$0x3F98] =	sst s1  }
0xa: {  	[smem:$0x3F99] =	sst s2  }
0xb: {  	[smem:$0x3F9A] =	sst s3  }
0xc: {  	[smem:$0x3F9B] =	sst s4  }
0xd: {  	[smem:$0x3F9C] =	sst s5  }
0xe: {  	[smem:$0x3F9D] =	sst s6  }
0xf: {  	[smem:$0x3F9E] =	sst s7  }
0x10: {  	[smem:$0x3F9F] =	sst s8  }
0x11: {  	[smem:$0x3FA0] =	sst s9;
	s0 =	simm.s32 @!p0 $0x0  }
0x12: {  	s1 =	sld [smem:$0x3F86];
	s0 =	simm.s32 @p0 $0x1  }
0x13: {  	[smem:$0x3FA1] =	sst s0;
	s0 =	simm.s32 @!p1 $0x0  }
0x14: {  	s2 =	sld [smem:$0x3F85];
	s0 =	simm.s32 @p1 $0x1  }
0x15: {  	[smem:$0x3FA2] =	sst s0;
	s0 =	simm.s32 @!p2 $0x0  }
0x16: {  	s3 =	sld [smem:$0x3FDB];
	s0 =	simm.s32 @p2 $0x1  }
0x17: {  	s4 =	simm.s32 $0x1BF5;
	[smem:$0x3FA4] =	sst s0  }
0x18: {  	s0 =	sld [smem:$0x3F87];
	_ =	swait.ge [sflag:s4], $0x0  }
0x19: {  	s7 =	sld [smem:$0x3F88]  }
0x1a: {  	s8 =	sadd.s32 $0xFFFFE003, lr  }
0x1b: {  	s9 =	sadd.s32 $0xFFFFFEF7, lr;
	s5 =	simm.s32 $0xFFFFFFFF;
	p2 =	slt.u32 s8, $0xFFFFF086  }
0x1c: {  	p1 =	slt.u32 s9, $0xF7A;
	s5 =	simm.s32 @!p2 $0x0  }
0x1d: {  	s5 =	simm.s32 @p1 $0x1;
	p0 =	seq.s32 s7, s2  }
0x1e: {  	s7 =	smul.u32 @!p0 $0xF7A, s2;
	p2 =	seq.s32 @!p0 s5, $0x0  }
0x1f: {  	s9 =	smul.u32 $0xF7A, s1;
	s8 =	simm.s32 @!p0 $0x1BF5;
	p2 =	por !p2, p0  }
0x20: {  	[sflag:s8] =	ssyncset.s32 @!p0 $0xFFFFF086;
	s6 =	sadd.s32 @!p0 s3, s7;
	s7 =	simm.s32 @!p0 $0x108  }
0x21: {  	s3 =	sadd.s32 s3, s9;
	s6 =	sadd.s32 @!p0 $0x88, s6;
	s7 =	simm.s32 @p2 $0x1082  }
0x22: {  	[simem:s7], [sflag:s8] =	dma.local @!p0 [hbm:s6], $0xF7A  }
0x23: {  	s9 =	sor.u32 $0xD0000000, s2;
	s6 =	simm.s32 $0x108;
	_ =	swait.ge @!p0 [sflag:s8], $0x0  }
0x24: {  	s3 =	sadd.s32 $0x88, s3;
	s6 =	simm.s32 @!p1 $0x1082;
	[sflag:s4] =	ssyncset.s32 $0xFFFFF086  }
0x25: {  	[simem:s6], [sflag:s4] =	dma.local [hbm:s3], $0xF7A  }
0x26: {  	[smem:$0x3F88] =	sst s1;
	(tag) =	ssettag s2;
	_ =	strace s9  }
0x27: {  	s1 =	sld [smem:$0x3F98]  }
0x28: {  	s2 =	sld [smem:$0x3F99]  }
0x29: {  	s4 =	sld [smem:$0x3F9B]  }
0x2a: {  	p0 =	seq.s32 s5, $0x0;
	s5 =	sld [smem:$0x3F9C]  }
0x2b: {  	s6 =	sld [smem:$0x3F9D]  }
0x2c: {  	s7 =	sld [smem:$0x3F9E]  }
0x2d: {  	s3 =	simm.s32 $0x108;
	s8 =	sld [smem:$0x3F9F]  }
0x2e: {  	s3 =	simm.s32 @!p0 $0x1082;
	s9 =	sld [smem:$0x3FA0]  }
0x2f: {  	lr =	sadd.s32 s0, s3;
	s0 =	sld [smem:$0x3F97]  }
0x30: {  	s3 =	sld [smem:$0x3F9A]  }
0x31: {  	[smem:$0x3FA3] =	sst s10  }
0x32: {  	s10 =	sld [smem:$0x3FA1];
	_ =	sdelay $0x3  }
0x33: {  	p0 =	seq.s32 s10, $0x1;
	s10 =	sld [smem:$0x3FA3];
	_ =	sdelay $0x3  }
0x34: {  	[smem:$0x3FA3] =	sst s10  }
0x35: {  	s10 =	sld [smem:$0x3FA2];
	_ =	sdelay $0x3  }
0x36: {  	p1 =	seq.s32 s10, $0x1;
	s10 =	sld [smem:$0x3FA3];
	_ =	sdelay $0x3  }
0x37: {  	[smem:$0x3FA3] =	sst s10  }
0x38: {  	s10 =	sld [smem:$0x3FA4]  }
0x39: {  	_ = 	snop;
	(pc) =	sbr.ind lr, $3  }
0x3a: {  	_ = 	snop  }
0x3b: {  	_ = 	snop  }
0x3c: {  	p2 =	seq.s32 s10, $0x1;
	s10 =	sld [smem:$0x3FA3]  }
0x3d: {  	_ =	shalt  }
0x3e: {  	_ =	shalt  }
0x3f: {  	_ =	shalt  }
0x40: {  	_ =	shalt  }
0x41: {  	_ =	shalt  }
0x42: {  	_ =	shalt  }
0x43: {  	_ =	shalt  }
0x44: {  	_ =	shalt  }
0x45: {  	_ =	shalt  }
0x46: {  	_ =	shalt  }
0x47: {  	_ =	shalt  }
0x48: {  	_ =	shalt  }
0x49: {  	_ =	shalt  }
0x4a: {  	_ =	shalt  }
0x4b: {  	_ =	shalt  }
0x4c: {  	_ =	shalt  }
0x4d: {  	_ =	shalt  }
0x4e: {  	_ =	shalt  }
0x4f: {  	_ =	shalt  }
0x50: {  	_ =	shalt  }
0x51: {  	_ =	shalt  }
0x52: {  	_ =	shalt  }
0x53: {  	_ =	shalt  }
0x54: {  	_ =	shalt  }
0x55: {  	_ =	shalt  }
0x56: {  	_ =	shalt  }
0x57: {  	_ =	shalt  }
0x58: {  	_ =	shalt  }
0x59: {  	_ =	shalt  }
0x5a: {  	_ =	shalt  }
0x5b: {  	_ =	shalt  }
0x5c: {  	_ =	shalt  }
0x5d: {  	_ =	shalt  }
0x5e: {  	_ =	shalt  }
0x5f: {  	_ =	shalt  }
0x60: {  	_ =	shalt  }
0x61: {  	_ =	shalt  }
0x62: {  	_ =	shalt  }
0x63: {  	_ =	shalt  }
0x64: {  	_ =	shalt  }
0x65: {  	_ =	shalt  }
0x66: {  	_ =	shalt  }
0x67: {  	_ =	shalt  }
0x68: {  	_ =	shalt  }
0x69: {  	_ =	shalt  }
0x6a: {  	_ =	shalt  }
0x6b: {  	_ =	shalt  }
0x6c: {  	_ =	shalt  }
0x6d: {  	_ =	shalt  }
0x6e: {  	_ =	shalt  }
0x6f: {  	_ =	shalt  }
0x70: {  	_ =	shalt  }
0x71: {  	_ =	shalt  }
0x72: {  	_ =	shalt  }
0x73: {  	_ =	shalt  }
0x74: {  	_ =	shalt  }
0x75: {  	_ =	shalt  }
0x76: {  	_ =	shalt  }
0x77: {  	_ =	shalt  }
0x78: {  	_ =	shalt  }
0x79: {  	_ =	shalt  }
0x7a: {  	_ =	shalt  }
0x7b: {  	_ =	shalt  }
0x7c: {  	_ =	shalt  }
0x7d: {  	_ =	shalt  }
0x7e: {  	_ =	shalt  }
0x7f: {  	_ =	shalt  }
0x80: {  	_ =	shalt  }
0x81: {  	_ =	shalt  }
0x82: {  	_ =	shalt  }
0x83: {  	_ =	shalt  }
0x84: {  	_ =	shalt  }
0x85: {  	_ =	shalt  }
0x86: {  	_ =	shalt  }
0x87: {  	_ =	shalt  }
.Lfunc_end0:
.L_simem_size_0:
called_computation.2_lowered:
.L_overlay_start_0:
0x88: {  	s2 =	sld [smem:$0x3FD9]  }
0x89: {  	s3 =	sld [smem:$0x3FFE];
	_ =	sdelay $0x1  }
0x8a: {  	s1 =	srdreg.scid  }
0x8b: {  	s0 =	sand.u32 $0x1, s1  }
0x8c: {  	s16 =	sshll.u32 s0, $0xA;
	s2 =	sadd.s32 s3, s2  }
0x8d: {  	s2 =	sadd.s32 s2, s16  }
0x8e: {  	[smem:$0x3FAF] =	sst s2  }
0x8f: {  	_ = 	snop  }
0x90: {  	(tm) =	ssettm $0x1  }
0x91: {  	s17 =	sld [smem:$0x3FFB];
	_ =	sdelay $0x3  }
0x92: {  	_ =	strace s17  }
0x93: {  	s2 =	sld [smem:$0x3FFC];
	_ =	sdelay $0x3  }
0x94: {  	_ =	strace s2  }
0x95: {  	s2 =	sld [smem:$0x3FFD];
	_ =	sdelay $0x3  }
0x96: {  	_ =	strace s2  }
0x97: {  	_ =	strace $0x8FFFFFFF  }
0x98: {  	s18 =	sld [smem:$0x3FDB];
	_ =	sdelay $0x1  }
0x99: {  	s19 =	simm.s32 $_scs_section_size  }
0x9a: {  	s4 =	simm.s32 $_size__tile_overlayer_lowered;
	s5 =	simm.s32 $_tile_overlayer_lowered  }
0x9b: {  	s22 =	simm.s32 $0x1BFF;
	s21 =	sshll.u32 s5, $0x1;
	s2 =	sadd.s32 s19, s18  }
0x9c: {  	s6 =	simm.s32 $0x0;
	s20 =	sshll.u32 s4, $0x1;
	s4 =	sadd.s32 s21, s2  }
0x9d: {  	[timem:s6], [sflag:s22] =	dma.local [hbm:s4], s20  }
0x9e: {  	_ =	swait.ge [sflag:s22], s20  }
0x9f: {  	s3 =	ssub.s32 $0x0, s20;
	[sflag:s22] =	ssyncset.done $0x0  }
0xa0: {  	[sflag:s22] =	ssyncadd.s32 s3;
	_ =	sdelay $0x1  }
0xa1: {  	s23 =	simm.s32 $0x1B8B  }
0xa2: {  	_ =	swait.ge [sflag:s23], $0x1  }
0xa3: {  	[sflag:s23] =	ssyncset.done $0x0  }
0xa4: {  	s25 =	simm.s32 $0x1B8E;
	s24 =	sld [smem:$0x3FFE];
	[sflag:s23] =	ssyncadd.s32 $0xFFFFFFFF  }
0xa5: {  	s26 =	simm.s32 $execute0_lowered;
	[smem:$0x3FD2] =	sst s25  }
0xa6: {  	s4 =	sshll.u32 s26, $0x1;
	_ =	strace $0x8000004C;
	[dreg:$0x1] =	wrdreg $0xFFFFFFFF  }
0xa7: {  	s28 =	simm.s32 $_size_execute0_lowered;
	s2 =	sadd.s32 s2, s4;
	[dreg:$0x0] =	wrdreg $0x0  }
0xa8: {  	s4 =	sshll.u32 s28, $0x1;
	[dreg:$0x2] =	wrdreg s2  }
0xa9: {  	[dreg:$0x3] =	wrdreg s4  }
0xaa: {  	[dreg:$0x4] =	wrdreg $0xC0  }
0xab: {  	_ =	task [dreg:s6], $0x5FFFF  }
0xac: {  	[dreg:$0x1] =	wrdreg $0xFFFFFFFF  }
0xad: {  	[dreg:$0x0] =	wrdreg $0x60  }
0xae: {  	[dreg:$0x2] =	wrdreg s24  }
0xaf: {  	[dreg:$0x3] =	wrdreg $0xBC000  }
0xb0: {  	[dreg:$0x4] =	wrdreg $0x9  }
0xb1: {  	_ =	task.clear_ibuf [dreg:s6], $0x5FFFF;
	_ =	strace $0x9000004C  }
0xb2: {  	s29 =	simm.s32 $0x9;
	_ =	strace $0x8000004E  }
0xb3: {  	_ =	swait.ge [sflag:s29], $0x1  }
0xb4: {  	[sflag:s29] =	ssyncadd.s32 $0xFFFFFFFF  }
0xb5: {  	_ =	strace $0x9000004E  }
0xb6: {  	_ =	sfence  }
0xb7: {  	s30 =	sld [smem:$0x0];
	_ =	sdelay $0x2  }
0xb8: {  	s31 =	sshll.u32 s1, $0xD;
	s1 =	sshrl.u32 s1, $0x2  }
0xb9: {  	s3 =	sand.u32 $0x4000, s31;
	s1 =	sadd.s32 s1, s30  }
0xba: {  	s0 =	sor.u32 s3, s0;
	s1 =	sshll.u32 s1, $0x11  }
0xbb: {  	s0 =	sor.u32 s1, s0  }
0xbc: {  	s0 =	sadd.s32 $0x8F2B, s0  }
0xbd: {  	[sflag:s0] =	ssyncadd.remote.s32 $0x1  }
0xbe: {  	_ =	sfence.sel $0xFFFF  }
0xbf: {  	[dreg:$0x0] =	wrdreg $0xFFFFFFFF;
	(pc) =	sbr.abs _section_cstart, $3  }
0xc0: {  	[dreg:$0x1] =	wrdreg $0xFFFFFFFF  }
0xc1: {  	_ =	task.clear_ibuf [dreg:s6], $0x2FFFF;
	_ =	strace $0x9FFFFFFF  }
0xc2: {  	(tm) =	ssettm $0x7FFFFFFF  }
0xc3: {  	_ =	shalt  }
tec
execute0_lowered:
.L_overlay_start_1:
0x0: {  	(tag) =	ssettag $0x1  }
0x1: {  	s0 =	rddreg [dreg:$0x0]  }
0x2: {  	s1 =	rddreg [dreg:$0x1]  }
0x3: {  	s2 =	srdreg.scid;
	s3 =	simm.s32 $0x0;
	s10 =	stileid.u32  }
0x4: {  	s17 =	simm.s32 $0x800;
	s28 =	simm.s32 $0x3;
	s29 =	simm.s32 $0x7  }
0x5: {  	s30 =	simm.s32 $0x4;
	s31 =	simm.s32 $0x5;
	s6 =	smul.u32 $0x13C00, s10  }
0x6: {  	s2 =	sand.u32 $0x1, s2;
	[smem:$0x7FF] =	sst s3;
	s8 =	smul.u32 $0x4F000, s10  }
0x7: {  	s4 =	sadd.s32 $0x4B400, s0;
	s7 =	sadd.s32 $0x15400, s0;
	s21 =	smul.u32 $0x7000, s10  }
0x8: {  	s18 =	sshll.u32 s10, $0x1;
	s15 =	sadd.s32 $0x7400, s0;
	s5 =	smul.u32 $0x140000, s2  }
0x9: {  	_ =	strace $0x8000004D;
	s19 =	sor.u32 s2, s18;
	s20 =	ssub.s32 $0x2, s2  }
0xa: {  	s2 =	smul.u32 $0x3800, s2;
	s18 =	simm.s32 $0x8;
	s8 =	sshrl.u32 s8, $0x2  }
0xb: {  	s11 =	smul.u32 $0x3800, s19;
	s9 =	sshrl.u32 s20, $0x1;
	s5 =	sadd.s32 s6, s5  }
0xc: {  	s6 =	ssub.s32 s20, s9;
	s2 =	sadd.s32 s2, s21;
	s20 =	simm.s32 $0x78  }
0xd: {  	s5 =	sshrl.u32 s5, $0x3;
	s12 =	sshrl.u32 s11, $0x3;
	s2 =	sor.u32 $0x200, s2  }
0xe: {  	s14 =	smax.u32 s6, $0x1;
	s0 =	sadd.s32 s5, s0;
	s5 =	sadd.s32 s8, s1  }
0xf: {  	s11 =	sadd.s32 s7, s12;
	s12 =	sadd.s32 s15, s12;
	s26 =	sshrl.u32 s2, $0x3  }
0x10: {  	s2 =	simm.s32 $0x0;
	s22 =	sadd.s32 $0x3C00, s5;
	s23 =	sadd.s32 $0x7800, s5  }
0x11: {  	s24 =	sadd.s32 $0xB400, s5;
	s25 =	sadd.s32 $0xF000, s5;
	[dreg:$0x3] =	wrdreg s22  }
0x12: {  	s10 =	sadd.s32 $0x12C00, s5;
	s13 =	sadd.s32 $0x100C00, s0;
	[dreg:$0x4] =	wrdreg s23  }
0x13: {  	s15 =	sadd.s32 s26, s15;
	s16 =	sadd.s32 s26, s7;
	[dreg:$0x5] =	wrdreg s24  }
0x14: {  	s26 =	simm.s32 $0x2;
	s0 =	simm.s32 $0x6;
	[dreg:$0x6] =	wrdreg s25  }
0x15: {  	v0 =	vimm.f32 $0.0e+00;
	s22 =	simm.s32 $0x4400;
	s24 =	simm.s32 $0x8000;
	s25 =	simm.s32 $0x1  }
.LBB2_1:
0x16: {  	s6 =	simm.s32 $0x0;
	s7 =	simm.s32 $0x200  }
.LBB2_2:
0x17: {  	p0 =	sne.s32 s7, $0xEE00;
	[tilespmem:s6+$0x870] =	vst v0  }
0x18: {  	[tilespmem:s6+$0x800] =	vst v0  }
0x19: {  	[tilespmem:s6+$0x810] =	vst v0  }
.Ltmp0:
0x1a: {  	[tilespmem:s6+$0x820] =	vst v0;
	(pc) =	sbr.rel @p0 .LBB2_2-.Ltmp0, $4  }
0x1b: {  	[tilespmem:s6+$0x830] =	vst v0  }
0x1c: {  	[tilespmem:s6+$0x840] =	vst v0  }
0x1d: {  	[tilespmem:s6+$0x850] =	vst v0  }
0x1e: {  	[tilespmem:s6+$0x860] =	vst v0;
	s6 =	sshra.s32 s7, $0x2;
	s7 =	sadd.s32 $0x200, s7  }
0x1f: {  	[tilespmem:s6+$0x870] =	vst v0  }
0x20: {  	[tilespmem:s6+$0x800] =	vst v0  }
0x21: {  	[tilespmem:s6+$0x810] =	vst v0  }
0x22: {  	[tilespmem:s6+$0x820] =	vst v0  }
0x23: {  	[tilespmem:s6+$0x830] =	vst v0  }
0x24: {  	[tilespmem:s6+$0x840] =	vst v0  }
0x25: {  	[tilespmem:s6+$0x850] =	vst v0  }
0x26: {  	[tilespmem:s6+$0x860] =	vst v0  }
0x27: {  	[spmem:s5] =	stream.linear.scatter [tilespmem:s17], [sflag:$0x8], $0x3C00, $0x38;
	[tilespmem:$0x1F800] =	vst v63  }
0x28: {  	_ =	swait.ge [sflag:s18], $0x3C00  }
0x29: {  	[sflag:s18] =	ssyncset.done $0x0  }
0x2a: {  	s19 =	rddreg [dreg:$0x3];
	[sflag:s18] =	ssyncadd.s32 $0xFFFFC400  }
0x2b: {  	[spmem:s19] =	stream.linear.scatter [tilespmem:s17], [sflag:$0x8], $0x3C00, $0x38;
	[tilespmem:$0x1F800] =	vst v63  }
0x2c: {  	_ =	swait.ge [sflag:s18], $0x3C00  }
0x2d: {  	[sflag:s18] =	ssyncset.done $0x0  }
0x2e: {  	s21 =	rddreg [dreg:$0x4];
	[sflag:s18] =	ssyncadd.s32 $0xFFFFC400  }
0x2f: {  	[spmem:s21] =	stream.linear.scatter [tilespmem:s17], [sflag:$0x8], $0x3C00, $0x38;
	[tilespmem:$0x1F800] =	vst v63  }
0x30: {  	_ =	swait.ge [sflag:s18], $0x3C00  }
0x31: {  	[sflag:s18] =	ssyncset.done $0x0  }
0x32: {  	s23 =	rddreg [dreg:$0x5];
	[sflag:s18] =	ssyncadd.s32 $0xFFFFC400  }
0x33: {  	[spmem:s23] =	stream.linear.scatter [tilespmem:s17], [sflag:$0x8], $0x3C00, $0x38;
	[tilespmem:$0x1F800] =	vst v63  }
0x34: {  	_ =	swait.ge [sflag:s18], $0x3C00  }
0x35: {  	[sflag:s18] =	ssyncset.done $0x0  }
0x36: {  	s7 =	rddreg [dreg:$0x6];
	[sflag:s18] =	ssyncadd.s32 $0xFFFFC400  }
0x37: {  	[spmem:s7] =	stream.linear.scatter [tilespmem:s17], [sflag:$0x8], $0x3C00, $0x38;
	[tilespmem:$0x1F800] =	vst v63  }
0x38: {  	_ =	swait.ge [sflag:s18], $0x3C00  }
0x39: {  	[sflag:s18] =	ssyncset.done $0x0  }
0x3a: {  	[sflag:s18] =	ssyncadd.s32 $0xFFFFC400  }
0x3b: {  	[spmem:s10] =	stream.linear.scatter [tilespmem:s17], [sflag:$0x8], $0x1000, $0x38;
	[tilespmem:$0x1F800] =	vst v63  }
0x3c: {  	_ =	swait.ge [sflag:s18], $0x1000  }
0x3d: {  	[sflag:s18] =	ssyncset.done $0x0  }
0x3e: {  	[sflag:s18] =	ssyncadd.s32 $0xFFFFF000  }
0x3f: {  	s8 =	simm.s32 $0x0;
	[bflag:$0x0] =	sbarrier.arrive $0xFFFF  }
0x40: {  	[tilespmem:s8], [sflag:$0x8] =	stream.linear.gather [hbm4b:s11+s8], $0x180, $0x38;
	[tilespmem:$0x1F800] =	vst v63  }
0x41: {  	_ =	swait.ge [sflag:s18], $0x180  }
0x42: {  	[sflag:s18] =	ssyncset.done $0x0  }
0x43: {  	s7 =	simm.s32 $0x400;
	[sflag:s18] =	ssyncadd.s32 $0xFFFFFE80  }
0x44: {  	[tilespmem:s7], [sflag:$0x8] =	stream.linear.gather [hbm4b:s12+s8], $0x180, $0x38;
	[tilespmem:$0x1F800] =	vst v63  }
0x45: {  	_ =	swait.ge [sflag:s18], $0x180  }
0x46: {  	[sflag:s18] =	ssyncset.done $0x0  }
0x47: {  	[sflag:s18] =	ssyncadd.s32 $0xFFFFFE80  }
0x48: {  	[tilespmem:s17], [sflag:$0x1] =	stream.indirect.gather [hbm4b:s4+s20], $0x80, s8, s20, $0xb8;
	[tilespmem:$0x1F800] =	vst v63  }
0x49: {  	s9 =	simm.s32 $0x80  }
0x4a: {  	[tilespmem:s22], [sflag:$0x2] =	stream.indirect.gather [hbm4b:s4+s20], $0x80, s9, s20, $0xb8;
	[tilespmem:$0x1F800] =	vst v63  }
0x4b: {  	s6 =	sand.u32 $0x200, s8;
	s19 =	simm.s32 $0x100  }
0x4c: {  	[tilespmem:s24], [sflag:$0x3] =	stream.indirect.gather [hbm4b:s4+s20], $0x80, s19, s20, $0xb8;
	[tilespmem:$0x1F800] =	vst v63  }
0x4d: {  	s21 =	sxor.u32 $0x200, s6  }
0x4e: {  	[tilespmem:s21], [sflag:$0x7] =	stream.linear.gather [hbm4b:s16+s3], $0x180, $0x38;
	[tilespmem:$0x1F800] =	vst v63  }
0x4f: {  	s8 =	sxor.u32 $0x600, s6  }
0x50: {  	[tilespmem:s8], [sflag:$0x7] =	stream.linear.gather [hbm4b:s15+s3], $0x180, $0x38;
	[tilespmem:$0x1F800] =	vst v63  }
0x51: {  	_ =	swait.ge [sflag:s25], $0x3C00  }
0x52: {  	[sflag:s25] =	ssyncset.done $0x0  }
0x53: {  	s23 =	sor.u32 $0x400, s6;
	[sflag:s25] =	ssyncadd.s32 $0xFFFFC400  }
0x54: {  	[spmem:s1] =	stream.indirect.scatter.add.f32 [tilespmem:s17], [sflag:$0x4], $0x80, s23, s20, $0xb8;
	[tilespmem:$0x1F800] =	vst v63  }
0x55: {  	_ =	swait.ge [sflag:s26], $0x3C00  }
0x56: {  	[sflag:s26] =	ssyncset.done $0x0  }
0x57: {  	s9 =	sor.u32 $0x480, s6;
	[sflag:s26] =	ssyncadd.s32 $0xFFFFC400  }
0x58: {  	[spmem:s1] =	stream.indirect.scatter.add.f32 [tilespmem:s22], [sflag:$0x5], $0x80, s9, s20, $0xb8;
	[tilespmem:$0x1F800] =	vst v63  }
0x59: {  	_ =	swait.ge [sflag:s28], $0x3C00  }
0x5a: {  	[sflag:s28] =	ssyncset.done $0x0  }
0x5b: {  	s19 =	sor.u32 $0x500, s6;
	[sflag:s28] =	ssyncadd.s32 $0xFFFFC400  }
0x5c: {  	[spmem:s1] =	stream.indirect.scatter.add.f32 [tilespmem:s24], [sflag:$0x6], $0x80, s19, s20, $0xb8;
	[tilespmem:$0x1F800] =	vst v63  }
0x5d: {  	_ =	swait.ge [sflag:s29], $0x180  }
0x5e: {  	[sflag:s29] =	ssyncset.done $0x0  }
0x5f: {  	[sflag:s29] =	ssyncadd.s32 $0xFFFFFE80  }
0x60: {  	_ =	swait.ge [sflag:s29], $0x180  }
0x61: {  	[sflag:s29] =	ssyncset.done $0x0  }
0x62: {  	[sflag:s29] =	ssyncadd.s32 $0xFFFFFE80  }
0x63: {  	_ =	swait.ge [sflag:s30], $0x3C00  }
0x64: {  	[sflag:s30] =	ssyncset.done $0x0  }
0x65: {  	[sflag:s30] =	ssyncadd.s32 $0xFFFFC400  }
0x66: {  	[tilespmem:s17], [sflag:$0x1] =	stream.indirect.gather [hbm4b:s4+s20], $0x80, s21, s20, $0xb8;
	[tilespmem:$0x1F800] =	vst v63  }
0x67: {  	_ =	swait.ge [sflag:s31], $0x3C00  }
0x68: {  	[sflag:s31] =	ssyncset.done $0x0  }
0x69: {  	s23 =	sxor.u32 $0x280, s6;
	[sflag:s31] =	ssyncadd.s32 $0xFFFFC400  }
0x6a: {  	[tilespmem:s22], [sflag:$0x2] =	stream.indirect.gather [hbm4b:s4+s20], $0x80, s23, s20, $0xb8;
	[tilespmem:$0x1F800] =	vst v63  }
0x6b: {  	s7 =	simm.s32 $0x400;
	s21 =	simm.s32 $0x200;
	_ =	swait.ge [sflag:s0], $0x3C00  }
0x6c: {  	s6 =	sxor.u32 $0x300, s6;
	s19 =	sand.u32 $0x200, s21;
	[sflag:s0] =	ssyncset.done $0x0  }
0x6d: {  	s21 =	sadd.s32 $0x40, s16;
	s23 =	sadd.s32 $0x40, s15;
	[sflag:s0] =	ssyncadd.s32 $0xFFFFC400  }
.LBB2_4:
0x6e: {  	[tilespmem:s24], [sflag:$0x3] =	stream.indirect.gather [hbm4b:s4+s20], $0x80, s6, s20, $0xb8;
	[tilespmem:$0x1F800] =	vst v63  }
0x6f: {  	s6 =	smov.u32 s19;
	s8 =	smov.u32 s7  }
0x70: {  	s19 =	sand.u32 $0x200, s8;
	s8 =	sadd.s32 $0x200, s7;
	s9 =	sxor.u32 $0x200, s6  }
0x71: {  	[tilespmem:s9], [sflag:$0x7] =	stream.linear.gather [hbm4b:s21+s3], $0x180, $0x38;
	[tilespmem:$0x1F800] =	vst v63  }
0x72: {  	p0 =	sne.s32 s7, $0x3400;
	s7 =	sxor.u32 $0x600, s6  }
0x73: {  	[tilespmem:s7], [sflag:$0x7] =	stream.linear.gather [hbm4b:s23+s3], $0x180, $0x38;
	[tilespmem:$0x1F800] =	vst v63  }
0x74: {  	_ =	swait.ge [sflag:s25], $0x3C00  }
0x75: {  	[sflag:s25] =	ssyncset.done $0x0  }
0x76: {  	s7 =	sor.u32 $0x400, s6;
	[sflag:s25] =	ssyncadd.s32 $0xFFFFC400  }
0x77: {  	[spmem:s1] =	stream.indirect.scatter.add.f32 [tilespmem:s17], [sflag:$0x4], $0x80, s7, s20, $0xb8;
	[tilespmem:$0x1F800] =	vst v63  }
0x78: {  	_ =	swait.ge [sflag:s26], $0x3C00  }
0x79: {  	[sflag:s26] =	ssyncset.done $0x0  }
0x7a: {  	s7 =	sor.u32 $0x480, s6;
	[sflag:s26] =	ssyncadd.s32 $0xFFFFC400  }
0x7b: {  	[spmem:s1] =	stream.indirect.scatter.add.f32 [tilespmem:s22], [sflag:$0x5], $0x80, s7, s20, $0xb8;
	[tilespmem:$0x1F800] =	vst v63  }
0x7c: {  	_ =	swait.ge [sflag:s28], $0x3C00  }
0x7d: {  	[sflag:s28] =	ssyncset.done $0x0  }
0x7e: {  	s7 =	sor.u32 $0x500, s6;
	[sflag:s28] =	ssyncadd.s32 $0xFFFFC400  }
0x7f: {  	[spmem:s1] =	stream.indirect.scatter.add.f32 [tilespmem:s24], [sflag:$0x6], $0x80, s7, s20, $0xb8;
	[tilespmem:$0x1F800] =	vst v63  }
0x80: {  	_ =	swait.ge [sflag:s29], $0x180  }
0x81: {  	[sflag:s29] =	ssyncset.done $0x0  }
0x82: {  	[sflag:s29] =	ssyncadd.s32 $0xFFFFFE80  }
0x83: {  	_ =	swait.ge [sflag:s29], $0x180  }
0x84: {  	[sflag:s29] =	ssyncset.done $0x0  }
0x85: {  	[sflag:s29] =	ssyncadd.s32 $0xFFFFFE80  }
0x86: {  	_ =	swait.ge [sflag:s30], $0x3C00  }
0x87: {  	[sflag:s30] =	ssyncset.done $0x0  }
0x88: {  	[sflag:s30] =	ssyncadd.s32 $0xFFFFC400  }
0x89: {  	[tilespmem:s17], [sflag:$0x1] =	stream.indirect.gather [hbm4b:s4+s20], $0x80, s9, s20, $0xb8;
	[tilespmem:$0x1F800] =	vst v63  }
0x8a: {  	_ =	swait.ge [sflag:s31], $0x3C00  }
0x8b: {  	[sflag:s31] =	ssyncset.done $0x0  }
.Ltmp1:
0x8c: {  	s7 =	sxor.u32 $0x280, s6;
	[sflag:s31] =	ssyncadd.s32 $0xFFFFC400;
	(pc) =	sbr.rel @p0 .LBB2_4-.Ltmp1, $4  }
0x8d: {  	[tilespmem:s22], [sflag:$0x2] =	stream.indirect.gather [hbm4b:s4+s20], $0x80, s7, s20, $0xb8;
	[tilespmem:$0x1F800] =	vst v63  }
0x8e: {  	_ =	swait.ge [sflag:s0], $0x3C00  }
0x8f: {  	s21 =	sadd.s32 $0x40, s21;
	s23 =	sadd.s32 $0x40, s23;
	[sflag:s0] =	ssyncset.done $0x0  }
0x90: {  	s6 =	sxor.u32 $0x300, s6;
	s7 =	smov.u32 s8;
	[sflag:s0] =	ssyncadd.s32 $0xFFFFC400  }
0x91: {  	[tilespmem:s24], [sflag:$0x3] =	stream.indirect.gather [hbm4b:s4+s20], $0x80, s6, s20, $0xb8;
	[tilespmem:$0x1F800] =	vst v63  }
0x92: {  	s6 =	sxor.u32 $0x200, s19  }
0x93: {  	[tilespmem:s6], [sflag:$0x7] =	stream.linear.gather [hbm4b:s21+s3], $0x180, $0x38;
	[tilespmem:$0x1F800] =	vst v63  }
0x94: {  	s7 =	sxor.u32 $0x600, s19  }
0x95: {  	[tilespmem:s7], [sflag:$0x7] =	stream.linear.gather [hbm4b:s23+s3], $0x180, $0x38;
	[tilespmem:$0x1F800] =	vst v63  }
0x96: {  	_ =	swait.ge [sflag:s25], $0x3C00  }
0x97: {  	[sflag:s25] =	ssyncset.done $0x0  }
0x98: {  	s8 =	sor.u32 $0x400, s19;
	[sflag:s25] =	ssyncadd.s32 $0xFFFFC400  }
0x99: {  	[spmem:s1] =	stream.indirect.scatter.add.f32 [tilespmem:s17], [sflag:$0x4], $0x80, s8, s20, $0xb8;
	[tilespmem:$0x1F800] =	vst v63  }
0x9a: {  	_ =	swait.ge [sflag:s26], $0x3C00  }
0x9b: {  	[sflag:s26] =	ssyncset.done $0x0  }
0x9c: {  	s9 =	sor.u32 $0x480, s19;
	[sflag:s26] =	ssyncadd.s32 $0xFFFFC400  }
0x9d: {  	[spmem:s1] =	stream.indirect.scatter.add.f32 [tilespmem:s22], [sflag:$0x5], $0x80, s9, s20, $0xb8;
	[tilespmem:$0x1F800] =	vst v63  }
0x9e: {  	_ =	swait.ge [sflag:s28], $0x3C00  }
0x9f: {  	[sflag:s28] =	ssyncset.done $0x0  }
0xa0: {  	s21 =	sor.u32 $0x500, s19;
	[sflag:s28] =	ssyncadd.s32 $0xFFFFC400  }
0xa1: {  	[spmem:s1] =	stream.indirect.scatter.add.f32 [tilespmem:s24], [sflag:$0x6], $0x80, s21, s20, $0xb8;
	[tilespmem:$0x1F800] =	vst v63  }
0xa2: {  	_ =	swait.ge [sflag:s29], $0x180  }
0xa3: {  	[sflag:s29] =	ssyncset.done $0x0  }
0xa4: {  	[sflag:s29] =	ssyncadd.s32 $0xFFFFFE80  }
0xa5: {  	_ =	swait.ge [sflag:s29], $0x180  }
0xa6: {  	[sflag:s29] =	ssyncset.done $0x0  }
0xa7: {  	[sflag:s29] =	ssyncadd.s32 $0xFFFFFE80  }
0xa8: {  	_ =	swait.ge [sflag:s30], $0x3C00  }
0xa9: {  	[sflag:s30] =	ssyncset.done $0x0  }
0xaa: {  	[sflag:s30] =	ssyncadd.s32 $0xFFFFC400  }
0xab: {  	[tilespmem:s17], [sflag:$0x1] =	stream.indirect.gather [hbm4b:s4+s20], $0x80, s6, s20, $0xb8;
	[tilespmem:$0x1F800] =	vst v63  }
0xac: {  	_ =	swait.ge [sflag:s31], $0x3C00  }
0xad: {  	[sflag:s31] =	ssyncset.done $0x0  }
0xae: {  	s23 =	sxor.u32 $0x280, s19;
	[sflag:s31] =	ssyncadd.s32 $0xFFFFC400  }
0xaf: {  	[tilespmem:s22], [sflag:$0x2] =	stream.indirect.gather [hbm4b:s4+s20], $0x80, s23, s20, $0xb8;
	[tilespmem:$0x1F800] =	vst v63  }
0xb0: {  	_ =	swait.ge [sflag:s0], $0x3C00  }
0xb1: {  	[sflag:s0] =	ssyncset.done $0x0  }
0xb2: {  	s7 =	sxor.u32 $0x300, s19;
	[sflag:s0] =	ssyncadd.s32 $0xFFFFC400  }
0xb3: {  	[tilespmem:s24], [sflag:$0x3] =	stream.indirect.gather [hbm4b:s4+s20], $0x80, s7, s20, $0xb8;
	[tilespmem:$0x1F800] =	vst v63  }
0xb4: {  	_ =	swait.ge [sflag:s25], $0x3C00  }
0xb5: {  	[sflag:s25] =	ssyncset.done $0x0  }
0xb6: {  	s8 =	simm.s32 $0x600;
	[sflag:s25] =	ssyncadd.s32 $0xFFFFC400  }
0xb7: {  	[spmem:s1] =	stream.indirect.scatter.add.f32 [tilespmem:s17], [sflag:$0x4], $0x80, s8, s20, $0xb8;
	[tilespmem:$0x1F800] =	vst v63  }
0xb8: {  	_ =	swait.ge [sflag:s26], $0x3C00  }
0xb9: {  	[sflag:s26] =	ssyncset.done $0x0  }
0xba: {  	s9 =	simm.s32 $0x680;
	[sflag:s26] =	ssyncadd.s32 $0xFFFFC400  }
0xbb: {  	[spmem:s1] =	stream.indirect.scatter.add.f32 [tilespmem:s22], [sflag:$0x5], $0x80, s9, s20, $0xb8;
	[tilespmem:$0x1F800] =	vst v63  }
0xbc: {  	_ =	swait.ge [sflag:s28], $0x3C00  }
0xbd: {  	[sflag:s28] =	ssyncset.done $0x0  }
0xbe: {  	s19 =	simm.s32 $0x700;
	[sflag:s28] =	ssyncadd.s32 $0xFFFFC400  }
0xbf: {  	[spmem:s1] =	stream.indirect.scatter.add.f32 [tilespmem:s24], [sflag:$0x6], $0x80, s19, s20, $0xb8;
	[tilespmem:$0x1F800] =	vst v63  }
0xc0: {  	_ =	swait.ge [sflag:s30], $0x3C00  }
0xc1: {  	[sflag:s30] =	ssyncset.done $0x0  }
0xc2: {  	[sflag:s30] =	ssyncadd.s32 $0xFFFFC400  }
0xc3: {  	_ =	swait.ge [sflag:s31], $0x3C00  }
0xc4: {  	[sflag:s31] =	ssyncset.done $0x0  }
0xc5: {  	[sflag:s31] =	ssyncadd.s32 $0xFFFFC400  }
0xc6: {  	s21 =	stileid.u32;
	_ =	swait.ge [sflag:s0], $0x3C00  }
0xc7: {  	s2 =	sadd.s32 $0x1, s2;
	s6 =	sshll.u32 s21, $0x6;
	[sflag:s0] =	ssyncset.done $0x0  }
0xc8: {  	p0 =	sne.s32 s2, s14;
	s6 =	sor.u32 $0x1C08, s6;
	[sflag:s0] =	ssyncadd.s32 $0xFFFFC400  }
.Ltmp2:
0xc9: {  	s23 =	sshrl.u32 s5, $0x3;
	[bflag:$0x0] =	sbarrier.arrive $0xFFFF;
	(pc) =	sbr.rel @p0 .LBB2_1-.Ltmp2, $4  }
0xca: {  	[hbm:s13], [sflag:s6] =	dma.local [spmem:s23], $0x2780  }
0xcb: {  	_ =	swait.ge [sflag:s18], $0x2780  }
0xcc: {  	[sflag:s18] =	ssyncset.done $0x0  }
0xcd: {  	[sflag:s18] =	ssyncadd.s32 $0xFFFFD880  }
0xce: {  	_ =	sfence.sel $0x180000  }
0xcf: {  	[bflag:$0x0] =	sbarrier.arrive $0xFFFF  }
0xd0: {  	_ =	strace $0x9000004D  }
0xd1: {  	s0 =	stileid.u32;
	[bflag:$0x2] =	sbarrier.arrive $0xFFFF  }
0xd2: {  	p0 =	sne.s32 s0, $0x0;
	s0 =	rddreg [dreg:$0x2]  }
0xd3: {  	s0 =	sadd.s32 @!p0 $0x100000, s0  }
0xd4: {  	[sflag:s0] =	ssyncadd.tile.s32 @!p0 $0x1;
	_ =	shalt  }
.Lfunc_end2:
_tile_overlayer_lowered:
.L_overlay_start_2:
0xd5: {  	(tag) =	ssettag $0x2  }
0xd6: {  	s0 =	rddreg [dreg:$0x0];
	s2 =	stileid.u32  }
0xd7: {  	s1 =	rddreg [dreg:$0x1];
	p0 =	sne.s32 s2, $0x0  }
0xd8: {  	s3 =	rddreg [dreg:$0x2];
	[bflag:$0x3] =	sbarrier.arrive $0xFFFF;
	s2 =	simm.s32 @!p0 $0x1C08  }
0xd9: {  	[timem:s3], [sflag:s2] =	dma.local @!p0 [hbm:s0], s1  }
0xda: {  	s0 =	simm.s32 @!p0 $0x8  }
0xdb: {  	_ =	swait.ge @!p0 [sflag:s0], s1  }
0xdc: {  	s1 =	ssub.s32 @!p0 $0x0, s1;
	[sflag:s0] =	ssyncset.done @!p0 $0x0  }
0xdd: {  	[sflag:s0] =	ssyncadd.s32 @!p0 s1  }
0xde: {  	[bflag:$0x3] =	sbarrier.arrive $0xFFFF  }
0xdf: {  	_ =	shalt  }

// kernel: kernel.23.cloned.1.call-start
scs
__scs_entry_jumppad:
0x0: {  	(pc) =	sbr.rel $0x88, $3  }
0x1: {  	(tag) =	ssettag $0x0;
	lr =	simm.s32 $0x1  }
0x2: {  	[smem:$0x3F88] =	sst lr;
	_ =	strace $0xD0000000  }
0x3: {  	_ = 	snop  }
0x4: {  	_ = 	snop  }
0x5: {  	_ = 	snop  }
0x6: {  	_ = 	snop  }
0x7: {  	_ = 	snop  }
__scs_overlays_trampoline_lowered:
0x8: {  	[smem:$0x3F97] =	sst s0  }
0x9: {  	[smem:$0x3F98] =	sst s1  }
0xa: {  	[smem:$0x3F99] =	sst s2  }
0xb: {  	[smem:$0x3F9A] =	sst s3  }
0xc: {  	[smem:$0x3F9B] =	sst s4  }
0xd: {  	[smem:$0x3F9C] =	sst s5  }
0xe: {  	[smem:$0x3F9D] =	sst s6  }
0xf: {  	[smem:$0x3F9E] =	sst s7  }
0x10: {  	[smem:$0x3F9F] =	sst s8  }
0x11: {  	[smem:$0x3FA0] =	sst s9;
	s0 =	simm.s32 @!p0 $0x0  }
0x12: {  	s1 =	sld [smem:$0x3F86];
	s0 =	simm.s32 @p0 $0x1  }
0x13: {  	[smem:$0x3FA1] =	sst s0;
	s0 =	simm.s32 @!p1 $0x0  }
0x14: {  	s2 =	sld [smem:$0x3F85];
	s0 =	simm.s32 @p1 $0x1  }
0x15: {  	[smem:$0x3FA2] =	sst s0;
	s0 =	simm.s32 @!p2 $0x0  }
0x16: {  	s3 =	sld [smem:$0x3FDB];
	s0 =	simm.s32 @p2 $0x1  }
0x17: {  	s4 =	simm.s32 $0x1BF5;
	[smem:$0x3FA4] =	sst s0  }
0x18: {  	s0 =	sld [smem:$0x3F87];
	_ =	swait.ge [sflag:s4], $0x0  }
0x19: {  	s7 =	sld [smem:$0x3F88]  }
0x1a: {  	s8 =	sadd.s32 $0xFFFFE003, lr  }
0x1b: {  	s9 =	sadd.s32 $0xFFFFFEF7, lr;
	s5 =	simm.s32 $0xFFFFFFFF;
	p2 =	slt.u32 s8, $0xFFFFF086  }
0x1c: {  	p1 =	slt.u32 s9, $0xF7A;
	s5 =	simm.s32 @!p2 $0x0  }
0x1d: {  	s5 =	simm.s32 @p1 $0x1;
	p0 =	seq.s32 s7, s2  }
0x1e: {  	s7 =	smul.u32 @!p0 $0xF7A, s2;
	p2 =	seq.s32 @!p0 s5, $0x0  }
0x1f: {  	s9 =	smul.u32 $0xF7A, s1;
	s8 =	simm.s32 @!p0 $0x1BF5;
	p2 =	por !p2, p0  }
0x20: {  	[sflag:s8] =	ssyncset.s32 @!p0 $0xFFFFF086;
	s6 =	sadd.s32 @!p0 s3, s7;
	s7 =	simm.s32 @!p0 $0x108  }
0x21: {  	s3 =	sadd.s32 s3, s9;
	s6 =	sadd.s32 @!p0 $0x88, s6;
	s7 =	simm.s32 @p2 $0x1082  }
0x22: {  	[simem:s7], [sflag:s8] =	dma.local @!p0 [hbm:s6], $0xF7A  }
0x23: {  	s9 =	sor.u32 $0xD0000000, s2;
	s6 =	simm.s32 $0x108;
	_ =	swait.ge @!p0 [sflag:s8], $0x0  }
0x24: {  	s3 =	sadd.s32 $0x88, s3;
	s6 =	simm.s32 @!p1 $0x1082;
	[sflag:s4] =	ssyncset.s32 $0xFFFFF086  }
0x25: {  	[simem:s6], [sflag:s4] =	dma.local [hbm:s3], $0xF7A  }
0x26: {  	[smem:$0x3F88] =	sst s1;
	(tag) =	ssettag s2;
	_ =	strace s9  }
0x27: {  	s1 =	sld [smem:$0x3F98]  }
0x28: {  	s2 =	sld [smem:$0x3F99]  }
0x29: {  	s4 =	sld [smem:$0x3F9B]  }
0x2a: {  	p0 =	seq.s32 s5, $0x0;
	s5 =	sld [smem:$0x3F9C]  }
0x2b: {  	s6 =	sld [smem:$0x3F9D]  }
0x2c: {  	s7 =	sld [smem:$0x3F9E]  }
0x2d: {  	s3 =	simm.s32 $0x108;
	s8 =	sld [smem:$0x3F9F]  }
0x2e: {  	s3 =	simm.s32 @!p0 $0x1082;
	s9 =	sld [smem:$0x3FA0]  }
0x2f: {  	lr =	sadd.s32 s0, s3;
	s0 =	sld [smem:$0x3F97]  }
0x30: {  	s3 =	sld [smem:$0x3F9A]  }
0x31: {  	[smem:$0x3FA3] =	sst s10  }
0x32: {  	s10 =	sld [smem:$0x3FA1];
	_ =	sdelay $0x3  }
0x33: {  	p0 =	seq.s32 s10, $0x1;
	s10 =	sld [smem:$0x3FA3];
	_ =	sdelay $0x3  }
0x34: {  	[smem:$0x3FA3] =	sst s10  }
0x35: {  	s10 =	sld [smem:$0x3FA2];
	_ =	sdelay $0x3  }
0x36: {  	p1 =	seq.s32 s10, $0x1;
	s10 =	sld [smem:$0x3FA3];
	_ =	sdelay $0x3  }
0x37: {  	[smem:$0x3FA3] =	sst s10  }
0x38: {  	s10 =	sld [smem:$0x3FA4]  }
0x39: {  	_ = 	snop;
	(pc) =	sbr.ind lr, $3  }
0x3a: {  	_ = 	snop  }
0x3b: {  	_ = 	snop  }
0x3c: {  	p2 =	seq.s32 s10, $0x1;
	s10 =	sld [smem:$0x3FA3]  }
0x3d: {  	_ =	shalt  }
0x3e: {  	_ =	shalt  }
0x3f: {  	_ =	shalt  }
0x40: {  	_ =	shalt  }
0x41: {  	_ =	shalt  }
0x42: {  	_ =	shalt  }
0x43: {  	_ =	shalt  }
0x44: {  	_ =	shalt  }
0x45: {  	_ =	shalt  }
0x46: {  	_ =	shalt  }
0x47: {  	_ =	shalt  }
0x48: {  	_ =	shalt  }
0x49: {  	_ =	shalt  }
0x4a: {  	_ =	shalt  }
0x4b: {  	_ =	shalt  }
0x4c: {  	_ =	shalt  }
0x4d: {  	_ =	shalt  }
0x4e: {  	_ =	shalt  }
0x4f: {  	_ =	shalt  }
0x50: {  	_ =	shalt  }
0x51: {  	_ =	shalt  }
0x52: {  	_ =	shalt  }
0x53: {  	_ =	shalt  }
0x54: {  	_ =	shalt  }
0x55: {  	_ =	shalt  }
0x56: {  	_ =	shalt  }
0x57: {  	_ =	shalt  }
0x58: {  	_ =	shalt  }
0x59: {  	_ =	shalt  }
0x5a: {  	_ =	shalt  }
0x5b: {  	_ =	shalt  }
0x5c: {  	_ =	shalt  }
0x5d: {  	_ =	shalt  }
0x5e: {  	_ =	shalt  }
0x5f: {  	_ =	shalt  }
0x60: {  	_ =	shalt  }
0x61: {  	_ =	shalt  }
0x62: {  	_ =	shalt  }
0x63: {  	_ =	shalt  }
0x64: {  	_ =	shalt  }
0x65: {  	_ =	shalt  }
0x66: {  	_ =	shalt  }
0x67: {  	_ =	shalt  }
0x68: {  	_ =	shalt  }
0x69: {  	_ =	shalt  }
0x6a: {  	_ =	shalt  }
0x6b: {  	_ =	shalt  }
0x6c: {  	_ =	shalt  }
0x6d: {  	_ =	shalt  }
0x6e: {  	_ =	shalt  }
0x6f: {  	_ =	shalt  }
0x70: {  	_ =	shalt  }
0x71: {  	_ =	shalt  }
0x72: {  	_ =	shalt  }
0x73: {  	_ =	shalt  }
0x74: {  	_ =	shalt  }
0x75: {  	_ =	shalt  }
0x76: {  	_ =	shalt  }
0x77: {  	_ =	shalt  }
0x78: {  	_ =	shalt  }
0x79: {  	_ =	shalt  }
0x7a: {  	_ =	shalt  }
0x7b: {  	_ =	shalt  }
0x7c: {  	_ =	shalt  }
0x7d: {  	_ =	shalt  }
0x7e: {  	_ =	shalt  }
0x7f: {  	_ =	shalt  }
0x80: {  	_ =	shalt  }
0x81: {  	_ =	shalt  }
0x82: {  	_ =	shalt  }
0x83: {  	_ =	shalt  }
0x84: {  	_ =	shalt  }
0x85: {  	_ =	shalt  }
0x86: {  	_ =	shalt  }
0x87: {  	_ =	shalt  }
.Lfunc_end0:
.L_simem_size_0:
called_computation.3_lowered:
.L_overlay_start_0:
0x88: {  	s2 =	sld [smem:$0x3FD9]  }
0x89: {  	s3 =	sld [smem:$0x3FFE];
	_ =	sdelay $0x1  }
0x8a: {  	s1 =	srdreg.scid  }
0x8b: {  	s0 =	sand.u32 $0x1, s1  }
0x8c: {  	s16 =	sshll.u32 s0, $0xA;
	s2 =	sadd.s32 s3, s2  }
0x8d: {  	s2 =	sadd.s32 s2, s16  }
0x8e: {  	[smem:$0x3FAF] =	sst s2  }
0x8f: {  	_ = 	snop  }
0x90: {  	(tm) =	ssettm $0x1  }
0x91: {  	s17 =	sld [smem:$0x3FFB];
	_ =	sdelay $0x3  }
0x92: {  	_ =	strace s17  }
0x93: {  	s2 =	sld [smem:$0x3FFC];
	_ =	sdelay $0x3  }
0x94: {  	_ =	strace s2  }
0x95: {  	s2 =	sld [smem:$0x3FFD];
	_ =	sdelay $0x3  }
0x96: {  	_ =	strace s2  }
0x97: {  	_ =	strace $0x8FFFFFFF  }
0x98: {  	s18 =	sld [smem:$0x3FDB];
	_ =	sdelay $0x1  }
0x99: {  	s19 =	simm.s32 $_scs_section_size  }
0x9a: {  	s4 =	simm.s32 $_size__tile_overlayer_lowered;
	s5 =	simm.s32 $_tile_overlayer_lowered  }
0x9b: {  	s22 =	simm.s32 $0x1BFF;
	s21 =	sshll.u32 s5, $0x1;
	s2 =	sadd.s32 s19, s18  }
0x9c: {  	s6 =	simm.s32 $0x0;
	s20 =	sshll.u32 s4, $0x1;
	s4 =	sadd.s32 s21, s2  }
0x9d: {  	[timem:s6], [sflag:s22] =	dma.local [hbm:s4], s20  }
0x9e: {  	_ =	swait.ge [sflag:s22], s20  }
0x9f: {  	s3 =	ssub.s32 $0x0, s20;
	[sflag:s22] =	ssyncset.done $0x0  }
0xa0: {  	[sflag:s22] =	ssyncadd.s32 s3;
	_ =	sdelay $0x1  }
0xa1: {  	s23 =	simm.s32 $0x1B8B  }
0xa2: {  	_ =	swait.ge [sflag:s23], $0x1  }
0xa3: {  	[sflag:s23] =	ssyncset.done $0x0  }
0xa4: {  	s25 =	simm.s32 $0x1B8E;
	s24 =	sld [smem:$0x3FFE];
	[sflag:s23] =	ssyncadd.s32 $0xFFFFFFFF  }
0xa5: {  	s26 =	simm.s32 $execute0_lowered;
	[smem:$0x3FD2] =	sst s25  }
0xa6: {  	s4 =	sshll.u32 s26, $0x1;
	_ =	strace $0x8000004F;
	[dreg:$0x1] =	wrdreg $0xFFFFFFFF  }
0xa7: {  	s28 =	simm.s32 $_size_execute0_lowered;
	s2 =	sadd.s32 s2, s4;
	[dreg:$0x0] =	wrdreg $0x0  }
0xa8: {  	s4 =	sshll.u32 s28, $0x1;
	[dreg:$0x2] =	wrdreg s2  }
0xa9: {  	[dreg:$0x3] =	wrdreg s4  }
0xaa: {  	[dreg:$0x4] =	wrdreg $0xC0  }
0xab: {  	_ =	task [dreg:s6], $0x5FFFF  }
0xac: {  	[dreg:$0x1] =	wrdreg $0xFFFFFFFF  }
0xad: {  	[dreg:$0x0] =	wrdreg $0x60  }
0xae: {  	[dreg:$0x2] =	wrdreg s24  }
0xaf: {  	[dreg:$0x3] =	wrdreg $0xBC000  }
0xb0: {  	[dreg:$0x4] =	wrdreg $0x9  }
0xb1: {  	_ =	task.clear_ibuf [dreg:s6], $0x5FFFF;
	_ =	strace $0x9000004F  }
0xb2: {  	s29 =	simm.s32 $0x9;
	_ =	strace $0x80000051  }
0xb3: {  	_ =	swait.ge [sflag:s29], $0x1  }
0xb4: {  	[sflag:s29] =	ssyncadd.s32 $0xFFFFFFFF  }
0xb5: {  	_ =	strace $0x90000051  }
0xb6: {  	_ =	sfence  }
0xb7: {  	s30 =	sld [smem:$0x0];
	_ =	sdelay $0x2  }
0xb8: {  	s31 =	sshll.u32 s1, $0xD;
	s1 =	sshrl.u32 s1, $0x2  }
0xb9: {  	s3 =	sand.u32 $0x4000, s31;
	s1 =	sadd.s32 s1, s30  }
0xba: {  	s0 =	sor.u32 s3, s0;
	s1 =	sshll.u32 s1, $0x11  }
0xbb: {  	s0 =	sor.u32 s1, s0  }
0xbc: {  	s0 =	sadd.s32 $0x8F2B, s0  }
0xbd: {  	[sflag:s0] =	ssyncadd.remote.s32 $0x1  }
0xbe: {  	_ =	sfence.sel $0xFFFF  }
0xbf: {  	[dreg:$0x0] =	wrdreg $0xFFFFFFFF;
	(pc) =	sbr.abs _section_cstart, $3  }
0xc0: {  	[dreg:$0x1] =	wrdreg $0xFFFFFFFF  }
0xc1: {  	_ =	task.clear_ibuf [dreg:s6], $0x2FFFF;
	_ =	strace $0x9FFFFFFF  }
0xc2: {  	(tm) =	ssettm $0x7FFFFFFF  }
0xc3: {  	_ =	shalt  }
tec
execute0_lowered:
.L_overlay_start_1:
0x0: {  	(tag) =	ssettag $0x1  }
0x1: {  	s0 =	rddreg [dreg:$0x0]  }
0x2: {  	s1 =	rddreg [dreg:$0x1]  }
0x3: {  	s2 =	srdreg.scid;
	s3 =	simm.s32 $0x0;
	s10 =	stileid.u32  }
0x4: {  	s17 =	simm.s32 $0x800;
	s28 =	simm.s32 $0x3;
	s29 =	simm.s32 $0x7  }
0x5: {  	s30 =	simm.s32 $0x4;
	s31 =	simm.s32 $0x5;
	s6 =	smul.u32 $0x13C00, s10  }
0x6: {  	s2 =	sand.u32 $0x1, s2;
	[smem:$0x7FF] =	sst s3;
	s8 =	smul.u32 $0x4F000, s10  }
0x7: {  	s4 =	sadd.s32 $0x23400, s0;
	s7 =	sadd.s32 $0x7400, s0;
	s21 =	smul.u32 $0x7000, s10  }
0x8: {  	s18 =	sshll.u32 s10, $0x1;
	s15 =	sadd.s32 $0x15400, s0;
	s5 =	smul.u32 $0x140000, s2  }
0x9: {  	_ =	strace $0x80000050;
	s19 =	sor.u32 s2, s18;
	s20 =	ssub.s32 $0x2, s2  }
0xa: {  	s2 =	smul.u32 $0x3800, s2;
	s18 =	simm.s32 $0x8;
	s8 =	sshrl.u32 s8, $0x2  }
0xb: {  	s11 =	smul.u32 $0x3800, s19;
	s9 =	sshrl.u32 s20, $0x1;
	s5 =	sadd.s32 s6, s5  }
0xc: {  	s6 =	ssub.s32 s20, s9;
	s2 =	sadd.s32 s2, s21;
	s20 =	simm.s32 $0x78  }
0xd: {  	s5 =	sshrl.u32 s5, $0x3;
	s12 =	sshrl.u32 s11, $0x3;
	s2 =	sor.u32 $0x200, s2  }
0xe: {  	s14 =	smax.u32 s6, $0x1;
	s0 =	sadd.s32 s5, s0;
	s5 =	sadd.s32 s8, s1  }
0xf: {  	s11 =	sadd.s32 s7, s12;
	s12 =	sadd.s32 s15, s12;
	s26 =	sshrl.u32 s2, $0x3  }
0x10: {  	s2 =	simm.s32 $0x0;
	s22 =	sadd.s32 $0x3C00, s5;
	s23 =	sadd.s32 $0x7800, s5  }
0x11: {  	s24 =	sadd.s32 $0xB400, s5;
	s25 =	sadd.s32 $0xF000, s5;
	[dreg:$0x3] =	wrdreg s22  }
0x12: {  	s10 =	sadd.s32 $0x12C00, s5;
	s13 =	sadd.s32 $0x100C00, s0;
	[dreg:$0x4] =	wrdreg s23  }
0x13: {  	s15 =	sadd.s32 s26, s15;
	s16 =	sadd.s32 s26, s7;
	[dreg:$0x5] =	wrdreg s24  }
0x14: {  	s26 =	simm.s32 $0x2;
	s0 =	simm.s32 $0x6;
	[dreg:$0x6] =	wrdreg s25  }
0x15: {  	v0 =	vimm.f32 $0.0e+00;
	s22 =	simm.s32 $0x4400;
	s24 =	simm.s32 $0x8000;
	s25 =	simm.s32 $0x1  }
.LBB2_1:
0x16: {  	s6 =	simm.s32 $0x0;
	s7 =	simm.s32 $0x200  }
.LBB2_2:
0x17: {  	p0 =	sne.s32 s7, $0xEE00;
	[tilespmem:s6+$0x870] =	vst v0  }
0x18: {  	[tilespmem:s6+$0x800] =	vst v0  }
0x19: {  	[tilespmem:s6+$0x810] =	vst v0  }
.Ltmp0:
0x1a: {  	[tilespmem:s6+$0x820] =	vst v0;
	(pc) =	sbr.rel @p0 .LBB2_2-.Ltmp0, $4  }
0x1b: {  	[tilespmem:s6+$0x830] =	vst v0  }
0x1c: {  	[tilespmem:s6+$0x840] =	vst v0  }
0x1d: {  	[tilespmem:s6+$0x850] =	vst v0  }
0x1e: {  	[tilespmem:s6+$0x860] =	vst v0;
	s6 =	sshra.s32 s7, $0x2;
	s7 =	sadd.s32 $0x200, s7  }
0x1f: {  	[tilespmem:s6+$0x870] =	vst v0  }
0x20: {  	[tilespmem:s6+$0x800] =	vst v0  }
0x21: {  	[tilespmem:s6+$0x810] =	vst v0  }
0x22: {  	[tilespmem:s6+$0x820] =	vst v0  }
0x23: {  	[tilespmem:s6+$0x830] =	vst v0  }
0x24: {  	[tilespmem:s6+$0x840] =	vst v0  }
0x25: {  	[tilespmem:s6+$0x850] =	vst v0  }
0x26: {  	[tilespmem:s6+$0x860] =	vst v0  }
0x27: {  	[spmem:s5] =	stream.linear.scatter [tilespmem:s17], [sflag:$0x8], $0x3C00, $0x38;
	[tilespmem:$0x1F800] =	vst v63  }
0x28: {  	_ =	swait.ge [sflag:s18], $0x3C00  }
0x29: {  	[sflag:s18] =	ssyncset.done $0x0  }
0x2a: {  	s19 =	rddreg [dreg:$0x3];
	[sflag:s18] =	ssyncadd.s32 $0xFFFFC400  }
0x2b: {  	[spmem:s19] =	stream.linear.scatter [tilespmem:s17], [sflag:$0x8], $0x3C00, $0x38;
	[tilespmem:$0x1F800] =	vst v63  }
0x2c: {  	_ =	swait.ge [sflag:s18], $0x3C00  }
0x2d: {  	[sflag:s18] =	ssyncset.done $0x0  }
0x2e: {  	s21 =	rddreg [dreg:$0x4];
	[sflag:s18] =	ssyncadd.s32 $0xFFFFC400  }
0x2f: {  	[spmem:s21] =	stream.linear.scatter [tilespmem:s17], [sflag:$0x8], $0x3C00, $0x38;
	[tilespmem:$0x1F800] =	vst v63  }
0x30: {  	_ =	swait.ge [sflag:s18], $0x3C00  }
0x31: {  	[sflag:s18] =	ssyncset.done $0x0  }
0x32: {  	s23 =	rddreg [dreg:$0x5];
	[sflag:s18] =	ssyncadd.s32 $0xFFFFC400  }
0x33: {  	[spmem:s23] =	stream.linear.scatter [tilespmem:s17], [sflag:$0x8], $0x3C00, $0x38;
	[tilespmem:$0x1F800] =	vst v63  }
0x34: {  	_ =	swait.ge [sflag:s18], $0x3C00  }
0x35: {  	[sflag:s18] =	ssyncset.done $0x0  }
0x36: {  	s7 =	rddreg [dreg:$0x6];
	[sflag:s18] =	ssyncadd.s32 $0xFFFFC400  }
0x37: {  	[spmem:s7] =	stream.linear.scatter [tilespmem:s17], [sflag:$0x8], $0x3C00, $0x38;
	[tilespmem:$0x1F800] =	vst v63  }
0x38: {  	_ =	swait.ge [sflag:s18], $0x3C00  }
0x39: {  	[sflag:s18] =	ssyncset.done $0x0  }
0x3a: {  	[sflag:s18] =	ssyncadd.s32 $0xFFFFC400  }
0x3b: {  	[spmem:s10] =	stream.linear.scatter [tilespmem:s17], [sflag:$0x8], $0x1000, $0x38;
	[tilespmem:$0x1F800] =	vst v63  }
0x3c: {  	_ =	swait.ge [sflag:s18], $0x1000  }
0x3d: {  	[sflag:s18] =	ssyncset.done $0x0  }
0x3e: {  	[sflag:s18] =	ssyncadd.s32 $0xFFFFF000  }
0x3f: {  	s8 =	simm.s32 $0x0;
	[bflag:$0x0] =	sbarrier.arrive $0xFFFF  }
0x40: {  	[tilespmem:s8], [sflag:$0x8] =	stream.linear.gather [hbm4b:s11+s8], $0x180, $0x38;
	[tilespmem:$0x1F800] =	vst v63  }
0x41: {  	_ =	swait.ge [sflag:s18], $0x180  }
0x42: {  	[sflag:s18] =	ssyncset.done $0x0  }
0x43: {  	s7 =	simm.s32 $0x400;
	[sflag:s18] =	ssyncadd.s32 $0xFFFFFE80  }
0x44: {  	[tilespmem:s7], [sflag:$0x8] =	stream.linear.gather [hbm4b:s12+s8], $0x180, $0x38;
	[tilespmem:$0x1F800] =	vst v63  }
0x45: {  	_ =	swait.ge [sflag:s18], $0x180  }
0x46: {  	[sflag:s18] =	ssyncset.done $0x0  }
0x47: {  	[sflag:s18] =	ssyncadd.s32 $0xFFFFFE80  }
0x48: {  	[tilespmem:s17], [sflag:$0x1] =	stream.indirect.gather [hbm4b:s4+s20], $0x80, s8, s20, $0xb8;
	[tilespmem:$0x1F800] =	vst v63  }
0x49: {  	s9 =	simm.s32 $0x80  }
0x4a: {  	[tilespmem:s22], [sflag:$0x2] =	stream.indirect.gather [hbm4b:s4+s20], $0x80, s9, s20, $0xb8;
	[tilespmem:$0x1F800] =	vst v63  }
0x4b: {  	s6 =	sand.u32 $0x200, s8;
	s19 =	simm.s32 $0x100  }
0x4c: {  	[tilespmem:s24], [sflag:$0x3] =	stream.indirect.gather [hbm4b:s4+s20], $0x80, s19, s20, $0xb8;
	[tilespmem:$0x1F800] =	vst v63  }
0x4d: {  	s21 =	sxor.u32 $0x200, s6  }
0x4e: {  	[tilespmem:s21], [sflag:$0x7] =	stream.linear.gather [hbm4b:s16+s3], $0x180, $0x38;
	[tilespmem:$0x1F800] =	vst v63  }
0x4f: {  	s8 =	sxor.u32 $0x600, s6  }
0x50: {  	[tilespmem:s8], [sflag:$0x7] =	stream.linear.gather [hbm4b:s15+s3], $0x180, $0x38;
	[tilespmem:$0x1F800] =	vst v63  }
0x51: {  	_ =	swait.ge [sflag:s25], $0x3C00  }
0x52: {  	[sflag:s25] =	ssyncset.done $0x0  }
0x53: {  	s23 =	sor.u32 $0x400, s6;
	[sflag:s25] =	ssyncadd.s32 $0xFFFFC400  }
0x54: {  	[spmem:s1] =	stream.indirect.scatter.add.f32 [tilespmem:s17], [sflag:$0x4], $0x80, s23, s20, $0xb8;
	[tilespmem:$0x1F800] =	vst v63  }
0x55: {  	_ =	swait.ge [sflag:s26], $0x3C00  }
0x56: {  	[sflag:s26] =	ssyncset.done $0x0  }
0x57: {  	s9 =	sor.u32 $0x480, s6;
	[sflag:s26] =	ssyncadd.s32 $0xFFFFC400  }
0x58: {  	[spmem:s1] =	stream.indirect.scatter.add.f32 [tilespmem:s22], [sflag:$0x5], $0x80, s9, s20, $0xb8;
	[tilespmem:$0x1F800] =	vst v63  }
0x59: {  	_ =	swait.ge [sflag:s28], $0x3C00  }
0x5a: {  	[sflag:s28] =	ssyncset.done $0x0  }
0x5b: {  	s19 =	sor.u32 $0x500, s6;
	[sflag:s28] =	ssyncadd.s32 $0xFFFFC400  }
0x5c: {  	[spmem:s1] =	stream.indirect.scatter.add.f32 [tilespmem:s24], [sflag:$0x6], $0x80, s19, s20, $0xb8;
	[tilespmem:$0x1F800] =	vst v63  }
0x5d: {  	_ =	swait.ge [sflag:s29], $0x180  }
0x5e: {  	[sflag:s29] =	ssyncset.done $0x0  }
0x5f: {  	[sflag:s29] =	ssyncadd.s32 $0xFFFFFE80  }
0x60: {  	_ =	swait.ge [sflag:s29], $0x180  }
0x61: {  	[sflag:s29] =	ssyncset.done $0x0  }
0x62: {  	[sflag:s29] =	ssyncadd.s32 $0xFFFFFE80  }
0x63: {  	_ =	swait.ge [sflag:s30], $0x3C00  }
0x64: {  	[sflag:s30] =	ssyncset.done $0x0  }
0x65: {  	[sflag:s30] =	ssyncadd.s32 $0xFFFFC400  }
0x66: {  	[tilespmem:s17], [sflag:$0x1] =	stream.indirect.gather [hbm4b:s4+s20], $0x80, s21, s20, $0xb8;
	[tilespmem:$0x1F800] =	vst v63  }
0x67: {  	_ =	swait.ge [sflag:s31], $0x3C00  }
0x68: {  	[sflag:s31] =	ssyncset.done $0x0  }
0x69: {  	s23 =	sxor.u32 $0x280, s6;
	[sflag:s31] =	ssyncadd.s32 $0xFFFFC400  }
0x6a: {  	[tilespmem:s22], [sflag:$0x2] =	stream.indirect.gather [hbm4b:s4+s20], $0x80, s23, s20, $0xb8;
	[tilespmem:$0x1F800] =	vst v63  }
0x6b: {  	s7 =	simm.s32 $0x400;
	s21 =	simm.s32 $0x200;
	_ =	swait.ge [sflag:s0], $0x3C00  }
0x6c: {  	s6 =	sxor.u32 $0x300, s6;
	s19 =	sand.u32 $0x200, s21;
	[sflag:s0] =	ssyncset.done $0x0  }
0x6d: {  	s21 =	sadd.s32 $0x40, s16;
	s23 =	sadd.s32 $0x40, s15;
	[sflag:s0] =	ssyncadd.s32 $0xFFFFC400  }
.LBB2_4:
0x6e: {  	[tilespmem:s24], [sflag:$0x3] =	stream.indirect.gather [hbm4b:s4+s20], $0x80, s6, s20, $0xb8;
	[tilespmem:$0x1F800] =	vst v63  }
0x6f: {  	s6 =	smov.u32 s19;
	s8 =	smov.u32 s7  }
0x70: {  	s19 =	sand.u32 $0x200, s8;
	s8 =	sadd.s32 $0x200, s7;
	s9 =	sxor.u32 $0x200, s6  }
0x71: {  	[tilespmem:s9], [sflag:$0x7] =	stream.linear.gather [hbm4b:s21+s3], $0x180, $0x38;
	[tilespmem:$0x1F800] =	vst v63  }
0x72: {  	p0 =	sne.s32 s7, $0x3400;
	s7 =	sxor.u32 $0x600, s6  }
0x73: {  	[tilespmem:s7], [sflag:$0x7] =	stream.linear.gather [hbm4b:s23+s3], $0x180, $0x38;
	[tilespmem:$0x1F800] =	vst v63  }
0x74: {  	_ =	swait.ge [sflag:s25], $0x3C00  }
0x75: {  	[sflag:s25] =	ssyncset.done $0x0  }
0x76: {  	s7 =	sor.u32 $0x400, s6;
	[sflag:s25] =	ssyncadd.s32 $0xFFFFC400  }
0x77: {  	[spmem:s1] =	stream.indirect.scatter.add.f32 [tilespmem:s17], [sflag:$0x4], $0x80, s7, s20, $0xb8;
	[tilespmem:$0x1F800] =	vst v63  }
0x78: {  	_ =	swait.ge [sflag:s26], $0x3C00  }
0x79: {  	[sflag:s26] =	ssyncset.done $0x0  }
0x7a: {  	s7 =	sor.u32 $0x480, s6;
	[sflag:s26] =	ssyncadd.s32 $0xFFFFC400  }
0x7b: {  	[spmem:s1] =	stream.indirect.scatter.add.f32 [tilespmem:s22], [sflag:$0x5], $0x80, s7, s20, $0xb8;
	[tilespmem:$0x1F800] =	vst v63  }
0x7c: {  	_ =	swait.ge [sflag:s28], $0x3C00  }
0x7d: {  	[sflag:s28] =	ssyncset.done $0x0  }
0x7e: {  	s7 =	sor.u32 $0x500, s6;
	[sflag:s28] =	ssyncadd.s32 $0xFFFFC400  }
0x7f: {  	[spmem:s1] =	stream.indirect.scatter.add.f32 [tilespmem:s24], [sflag:$0x6], $0x80, s7, s20, $0xb8;
	[tilespmem:$0x1F800] =	vst v63  }
0x80: {  	_ =	swait.ge [sflag:s29], $0x180  }
0x81: {  	[sflag:s29] =	ssyncset.done $0x0  }
0x82: {  	[sflag:s29] =	ssyncadd.s32 $0xFFFFFE80  }
0x83: {  	_ =	swait.ge [sflag:s29], $0x180  }
0x84: {  	[sflag:s29] =	ssyncset.done $0x0  }
0x85: {  	[sflag:s29] =	ssyncadd.s32 $0xFFFFFE80  }
0x86: {  	_ =	swait.ge [sflag:s30], $0x3C00  }
0x87: {  	[sflag:s30] =	ssyncset.done $0x0  }
0x88: {  	[sflag:s30] =	ssyncadd.s32 $0xFFFFC400  }
0x89: {  	[tilespmem:s17], [sflag:$0x1] =	stream.indirect.gather [hbm4b:s4+s20], $0x80, s9, s20, $0xb8;
	[tilespmem:$0x1F800] =	vst v63  }
0x8a: {  	_ =	swait.ge [sflag:s31], $0x3C00  }
0x8b: {  	[sflag:s31] =	ssyncset.done $0x0  }
.Ltmp1:
0x8c: {  	s7 =	sxor.u32 $0x280, s6;
	[sflag:s31] =	ssyncadd.s32 $0xFFFFC400;
	(pc) =	sbr.rel @p0 .LBB2_4-.Ltmp1, $4  }
0x8d: {  	[tilespmem:s22], [sflag:$0x2] =	stream.indirect.gather [hbm4b:s4+s20], $0x80, s7, s20, $0xb8;
	[tilespmem:$0x1F800] =	vst v63  }
0x8e: {  	_ =	swait.ge [sflag:s0], $0x3C00  }
0x8f: {  	s21 =	sadd.s32 $0x40, s21;
	s23 =	sadd.s32 $0x40, s23;
	[sflag:s0] =	ssyncset.done $0x0  }
0x90: {  	s6 =	sxor.u32 $0x300, s6;
	s7 =	smov.u32 s8;
	[sflag:s0] =	ssyncadd.s32 $0xFFFFC400  }
0x91: {  	[tilespmem:s24], [sflag:$0x3] =	stream.indirect.gather [hbm4b:s4+s20], $0x80, s6, s20, $0xb8;
	[tilespmem:$0x1F800] =	vst v63  }
0x92: {  	s6 =	sxor.u32 $0x200, s19  }
0x93: {  	[tilespmem:s6], [sflag:$0x7] =	stream.linear.gather [hbm4b:s21+s3], $0x180, $0x38;
	[tilespmem:$0x1F800] =	vst v63  }
0x94: {  	s7 =	sxor.u32 $0x600, s19  }
0x95: {  	[tilespmem:s7], [sflag:$0x7] =	stream.linear.gather [hbm4b:s23+s3], $0x180, $0x38;
	[tilespmem:$0x1F800] =	vst v63  }
0x96: {  	_ =	swait.ge [sflag:s25], $0x3C00  }
0x97: {  	[sflag:s25] =	ssyncset.done $0x0  }
0x98: {  	s8 =	sor.u32 $0x400, s19;
	[sflag:s25] =	ssyncadd.s32 $0xFFFFC400  }
0x99: {  	[spmem:s1] =	stream.indirect.scatter.add.f32 [tilespmem:s17], [sflag:$0x4], $0x80, s8, s20, $0xb8;
	[tilespmem:$0x1F800] =	vst v63  }
0x9a: {  	_ =	swait.ge [sflag:s26], $0x3C00  }
0x9b: {  	[sflag:s26] =	ssyncset.done $0x0  }
0x9c: {  	s9 =	sor.u32 $0x480, s19;
	[sflag:s26] =	ssyncadd.s32 $0xFFFFC400  }
0x9d: {  	[spmem:s1] =	stream.indirect.scatter.add.f32 [tilespmem:s22], [sflag:$0x5], $0x80, s9, s20, $0xb8;
	[tilespmem:$0x1F800] =	vst v63  }
0x9e: {  	_ =	swait.ge [sflag:s28], $0x3C00  }
0x9f: {  	[sflag:s28] =	ssyncset.done $0x0  }
0xa0: {  	s21 =	sor.u32 $0x500, s19;
	[sflag:s28] =	ssyncadd.s32 $0xFFFFC400  }
0xa1: {  	[spmem:s1] =	stream.indirect.scatter.add.f32 [tilespmem:s24], [sflag:$0x6], $0x80, s21, s20, $0xb8;
	[tilespmem:$0x1F800] =	vst v63  }
0xa2: {  	_ =	swait.ge [sflag:s29], $0x180  }
0xa3: {  	[sflag:s29] =	ssyncset.done $0x0  }
0xa4: {  	[sflag:s29] =	ssyncadd.s32 $0xFFFFFE80  }
0xa5: {  	_ =	swait.ge [sflag:s29], $0x180  }
0xa6: {  	[sflag:s29] =	ssyncset.done $0x0  }
0xa7: {  	[sflag:s29] =	ssyncadd.s32 $0xFFFFFE80  }
0xa8: {  	_ =	swait.ge [sflag:s30], $0x3C00  }
0xa9: {  	[sflag:s30] =	ssyncset.done $0x0  }
0xaa: {  	[sflag:s30] =	ssyncadd.s32 $0xFFFFC400  }
0xab: {  	[tilespmem:s17], [sflag:$0x1] =	stream.indirect.gather [hbm4b:s4+s20], $0x80, s6, s20, $0xb8;
	[tilespmem:$0x1F800] =	vst v63  }
0xac: {  	_ =	swait.ge [sflag:s31], $0x3C00  }
0xad: {  	[sflag:s31] =	ssyncset.done $0x0  }
0xae: {  	s23 =	sxor.u32 $0x280, s19;
	[sflag:s31] =	ssyncadd.s32 $0xFFFFC400  }
0xaf: {  	[tilespmem:s22], [sflag:$0x2] =	stream.indirect.gather [hbm4b:s4+s20], $0x80, s23, s20, $0xb8;
	[tilespmem:$0x1F800] =	vst v63  }
0xb0: {  	_ =	swait.ge [sflag:s0], $0x3C00  }
0xb1: {  	[sflag:s0] =	ssyncset.done $0x0  }
0xb2: {  	s7 =	sxor.u32 $0x300, s19;
	[sflag:s0] =	ssyncadd.s32 $0xFFFFC400  }
0xb3: {  	[tilespmem:s24], [sflag:$0x3] =	stream.indirect.gather [hbm4b:s4+s20], $0x80, s7, s20, $0xb8;
	[tilespmem:$0x1F800] =	vst v63  }
0xb4: {  	_ =	swait.ge [sflag:s25], $0x3C00  }
0xb5: {  	[sflag:s25] =	ssyncset.done $0x0  }
0xb6: {  	s8 =	simm.s32 $0x600;
	[sflag:s25] =	ssyncadd.s32 $0xFFFFC400  }
0xb7: {  	[spmem:s1] =	stream.indirect.scatter.add.f32 [tilespmem:s17], [sflag:$0x4], $0x80, s8, s20, $0xb8;
	[tilespmem:$0x1F800] =	vst v63  }
0xb8: {  	_ =	swait.ge [sflag:s26], $0x3C00  }
0xb9: {  	[sflag:s26] =	ssyncset.done $0x0  }
0xba: {  	s9 =	simm.s32 $0x680;
	[sflag:s26] =	ssyncadd.s32 $0xFFFFC400  }
0xbb: {  	[spmem:s1] =	stream.indirect.scatter.add.f32 [tilespmem:s22], [sflag:$0x5], $0x80, s9, s20, $0xb8;
	[tilespmem:$0x1F800] =	vst v63  }
0xbc: {  	_ =	swait.ge [sflag:s28], $0x3C00  }
0xbd: {  	[sflag:s28] =	ssyncset.done $0x0  }
0xbe: {  	s19 =	simm.s32 $0x700;
	[sflag:s28] =	ssyncadd.s32 $0xFFFFC400  }
0xbf: {  	[spmem:s1] =	stream.indirect.scatter.add.f32 [tilespmem:s24], [sflag:$0x6], $0x80, s19, s20, $0xb8;
	[tilespmem:$0x1F800] =	vst v63  }
0xc0: {  	_ =	swait.ge [sflag:s30], $0x3C00  }
0xc1: {  	[sflag:s30] =	ssyncset.done $0x0  }
0xc2: {  	[sflag:s30] =	ssyncadd.s32 $0xFFFFC400  }
0xc3: {  	_ =	swait.ge [sflag:s31], $0x3C00  }
0xc4: {  	[sflag:s31] =	ssyncset.done $0x0  }
0xc5: {  	[sflag:s31] =	ssyncadd.s32 $0xFFFFC400  }
0xc6: {  	s21 =	stileid.u32;
	_ =	swait.ge [sflag:s0], $0x3C00  }
0xc7: {  	s2 =	sadd.s32 $0x1, s2;
	s6 =	sshll.u32 s21, $0x6;
	[sflag:s0] =	ssyncset.done $0x0  }
0xc8: {  	p0 =	sne.s32 s2, s14;
	s6 =	sor.u32 $0x1C08, s6;
	[sflag:s0] =	ssyncadd.s32 $0xFFFFC400  }
.Ltmp2:
0xc9: {  	s23 =	sshrl.u32 s5, $0x3;
	[bflag:$0x0] =	sbarrier.arrive $0xFFFF;
	(pc) =	sbr.rel @p0 .LBB2_1-.Ltmp2, $4  }
0xca: {  	[hbm:s13], [sflag:s6] =	dma.local [spmem:s23], $0x2780  }
0xcb: {  	_ =	swait.ge [sflag:s18], $0x2780  }
0xcc: {  	[sflag:s18] =	ssyncset.done $0x0  }
0xcd: {  	[sflag:s18] =	ssyncadd.s32 $0xFFFFD880  }
0xce: {  	_ =	sfence.sel $0x180000  }
0xcf: {  	[bflag:$0x0] =	sbarrier.arrive $0xFFFF  }
0xd0: {  	_ =	strace $0x90000050  }
0xd1: {  	s0 =	stileid.u32;
	[bflag:$0x2] =	sbarrier.arrive $0xFFFF  }
0xd2: {  	p0 =	sne.s32 s0, $0x0;
	s0 =	rddreg [dreg:$0x2]  }
0xd3: {  	s0 =	sadd.s32 @!p0 $0x100000, s0  }
0xd4: {  	[sflag:s0] =	ssyncadd.tile.s32 @!p0 $0x1;
	_ =	shalt  }
.Lfunc_end2:
_tile_overlayer_lowered:
.L_overlay_start_2:
0xd5: {  	(tag) =	ssettag $0x2  }
0xd6: {  	s0 =	rddreg [dreg:$0x0];
	s2 =	stileid.u32  }
0xd7: {  	s1 =	rddreg [dreg:$0x1];
	p0 =	sne.s32 s2, $0x0  }
0xd8: {  	s3 =	rddreg [dreg:$0x2];
	[bflag:$0x3] =	sbarrier.arrive $0xFFFF;
	s2 =	simm.s32 @!p0 $0x1C08  }
0xd9: {  	[timem:s3], [sflag:s2] =	dma.local @!p0 [hbm:s0], s1  }
0xda: {  	s0 =	simm.s32 @!p0 $0x8  }
0xdb: {  	_ =	swait.ge @!p0 [sflag:s0], s1  }
0xdc: {  	s1 =	ssub.s32 @!p0 $0x0, s1;
	[sflag:s0] =	ssyncset.done @!p0 $0x0  }
0xdd: {  	[sflag:s0] =	ssyncadd.s32 @!p0 s1  }
0xde: {  	[bflag:$0x3] =	sbarrier.arrive $0xFFFF  }
0xdf: {  	_ =	shalt  }

// kernel: kernel.26.cloned.1.call-start
scs
__scs_entry_jumppad:
0x0: {  	(pc) =	sbr.rel $0x88, $3  }
0x1: {  	(tag) =	ssettag $0x0;
	lr =	simm.s32 $0x1  }
0x2: {  	[smem:$0x3F88] =	sst lr;
	_ =	strace $0xD0000000  }
0x3: {  	_ = 	snop  }
0x4: {  	_ = 	snop  }
0x5: {  	_ = 	snop  }
0x6: {  	_ = 	snop  }
0x7: {  	_ = 	snop  }
__scs_overlays_trampoline_lowered:
0x8: {  	[smem:$0x3F97] =	sst s0  }
0x9: {  	[smem:$0x3F98] =	sst s1  }
0xa: {  	[smem:$0x3F99] =	sst s2  }
0xb: {  	[smem:$0x3F9A] =	sst s3  }
0xc: {  	[smem:$0x3F9B] =	sst s4  }
0xd: {  	[smem:$0x3F9C] =	sst s5  }
0xe: {  	[smem:$0x3F9D] =	sst s6  }
0xf: {  	[smem:$0x3F9E] =	sst s7  }
0x10: {  	[smem:$0x3F9F] =	sst s8  }
0x11: {  	[smem:$0x3FA0] =	sst s9;
	s0 =	simm.s32 @!p0 $0x0  }
0x12: {  	s1 =	sld [smem:$0x3F86];
	s0 =	simm.s32 @p0 $0x1  }
0x13: {  	[smem:$0x3FA1] =	sst s0;
	s0 =	simm.s32 @!p1 $0x0  }
0x14: {  	s2 =	sld [smem:$0x3F85];
	s0 =	simm.s32 @p1 $0x1  }
0x15: {  	[smem:$0x3FA2] =	sst s0;
	s0 =	simm.s32 @!p2 $0x0  }
0x16: {  	s3 =	sld [smem:$0x3FDB];
	s0 =	simm.s32 @p2 $0x1  }
0x17: {  	s4 =	simm.s32 $0x1BF5;
	[smem:$0x3FA4] =	sst s0  }
0x18: {  	s0 =	sld [smem:$0x3F87];
	_ =	swait.ge [sflag:s4], $0x0  }
0x19: {  	s7 =	sld [smem:$0x3F88]  }
0x1a: {  	s8 =	sadd.s32 $0xFFFFE003, lr  }
0x1b: {  	s9 =	sadd.s32 $0xFFFFFEF7, lr;
	s5 =	simm.s32 $0xFFFFFFFF;
	p2 =	slt.u32 s8, $0xFFFFF086  }
0x1c: {  	p1 =	slt.u32 s9, $0xF7A;
	s5 =	simm.s32 @!p2 $0x0  }
0x1d: {  	s5 =	simm.s32 @p1 $0x1;
	p0 =	seq.s32 s7, s2  }
0x1e: {  	s7 =	smul.u32 @!p0 $0xF7A, s2;
	p2 =	seq.s32 @!p0 s5, $0x0  }
0x1f: {  	s9 =	smul.u32 $0xF7A, s1;
	s8 =	simm.s32 @!p0 $0x1BF5;
	p2 =	por !p2, p0  }
0x20: {  	[sflag:s8] =	ssyncset.s32 @!p0 $0xFFFFF086;
	s6 =	sadd.s32 @!p0 s3, s7;
	s7 =	simm.s32 @!p0 $0x108  }
0x21: {  	s3 =	sadd.s32 s3, s9;
	s6 =	sadd.s32 @!p0 $0x88, s6;
	s7 =	simm.s32 @p2 $0x1082  }
0x22: {  	[simem:s7], [sflag:s8] =	dma.local @!p0 [hbm:s6], $0xF7A  }
0x23: {  	s9 =	sor.u32 $0xD0000000, s2;
	s6 =	simm.s32 $0x108;
	_ =	swait.ge @!p0 [sflag:s8], $0x0  }
0x24: {  	s3 =	sadd.s32 $0x88, s3;
	s6 =	simm.s32 @!p1 $0x1082;
	[sflag:s4] =	ssyncset.s32 $0xFFFFF086  }
0x25: {  	[simem:s6], [sflag:s4] =	dma.local [hbm:s3], $0xF7A  }
0x26: {  	[smem:$0x3F88] =	sst s1;
	(tag) =	ssettag s2;
	_ =	strace s9  }
0x27: {  	s1 =	sld [smem:$0x3F98]  }
0x28: {  	s2 =	sld [smem:$0x3F99]  }
0x29: {  	s4 =	sld [smem:$0x3F9B]  }
0x2a: {  	p0 =	seq.s32 s5, $0x0;
	s5 =	sld [smem:$0x3F9C]  }
0x2b: {  	s6 =	sld [smem:$0x3F9D]  }
0x2c: {  	s7 =	sld [smem:$0x3F9E]  }
0x2d: {  	s3 =	simm.s32 $0x108;
	s8 =	sld [smem:$0x3F9F]  }
0x2e: {  	s3 =	simm.s32 @!p0 $0x1082;
	s9 =	sld [smem:$0x3FA0]  }
0x2f: {  	lr =	sadd.s32 s0, s3;
	s0 =	sld [smem:$0x3F97]  }
0x30: {  	s3 =	sld [smem:$0x3F9A]  }
0x31: {  	[smem:$0x3FA3] =	sst s10  }
0x32: {  	s10 =	sld [smem:$0x3FA1];
	_ =	sdelay $0x3  }
0x33: {  	p0 =	seq.s32 s10, $0x1;
	s10 =	sld [smem:$0x3FA3];
	_ =	sdelay $0x3  }
0x34: {  	[smem:$0x3FA3] =	sst s10  }
0x35: {  	s10 =	sld [smem:$0x3FA2];
	_ =	sdelay $0x3  }
0x36: {  	p1 =	seq.s32 s10, $0x1;
	s10 =	sld [smem:$0x3FA3];
	_ =	sdelay $0x3  }
0x37: {  	[smem:$0x3FA3] =	sst s10  }
0x38: {  	s10 =	sld [smem:$0x3FA4]  }
0x39: {  	_ = 	snop;
	(pc) =	sbr.ind lr, $3  }
0x3a: {  	_ = 	snop  }
0x3b: {  	_ = 	snop  }
0x3c: {  	p2 =	seq.s32 s10, $0x1;
	s10 =	sld [smem:$0x3FA3]  }
0x3d: {  	_ =	shalt  }
0x3e: {  	_ =	shalt  }
0x3f: {  	_ =	shalt  }
0x40: {  	_ =	shalt  }
0x41: {  	_ =	shalt  }
0x42: {  	_ =	shalt  }
0x43: {  	_ =	shalt  }
0x44: {  	_ =	shalt  }
0x45: {  	_ =	shalt  }
0x46: {  	_ =	shalt  }
0x47: {  	_ =	shalt  }
0x48: {  	_ =	shalt  }
0x49: {  	_ =	shalt  }
0x4a: {  	_ =	shalt  }
0x4b: {  	_ =	shalt  }
0x4c: {  	_ =	shalt  }
0x4d: {  	_ =	shalt  }
0x4e: {  	_ =	shalt  }
0x4f: {  	_ =	shalt  }
0x50: {  	_ =	shalt  }
0x51: {  	_ =	shalt  }
0x52: {  	_ =	shalt  }
0x53: {  	_ =	shalt  }
0x54: {  	_ =	shalt  }
0x55: {  	_ =	shalt  }
0x56: {  	_ =	shalt  }
0x57: {  	_ =	shalt  }
0x58: {  	_ =	shalt  }
0x59: {  	_ =	shalt  }
0x5a: {  	_ =	shalt  }
0x5b: {  	_ =	shalt  }
0x5c: {  	_ =	shalt  }
0x5d: {  	_ =	shalt  }
0x5e: {  	_ =	shalt  }
0x5f: {  	_ =	shalt  }
0x60: {  	_ =	shalt  }
0x61: {  	_ =	shalt  }
0x62: {  	_ =	shalt  }
0x63: {  	_ =	shalt  }
0x64: {  	_ =	shalt  }
0x65: {  	_ =	shalt  }
0x66: {  	_ =	shalt  }
0x67: {  	_ =	shalt  }
0x68: {  	_ =	shalt  }
0x69: {  	_ =	shalt  }
0x6a: {  	_ =	shalt  }
0x6b: {  	_ =	shalt  }
0x6c: {  	_ =	shalt  }
0x6d: {  	_ =	shalt  }
0x6e: {  	_ =	shalt  }
0x6f: {  	_ =	shalt  }
0x70: {  	_ =	shalt  }
0x71: {  	_ =	shalt  }
0x72: {  	_ =	shalt  }
0x73: {  	_ =	shalt  }
0x74: {  	_ =	shalt  }
0x75: {  	_ =	shalt  }
0x76: {  	_ =	shalt  }
0x77: {  	_ =	shalt  }
0x78: {  	_ =	shalt  }
0x79: {  	_ =	shalt  }
0x7a: {  	_ =	shalt  }
0x7b: {  	_ =	shalt  }
0x7c: {  	_ =	shalt  }
0x7d: {  	_ =	shalt  }
0x7e: {  	_ =	shalt  }
0x7f: {  	_ =	shalt  }
0x80: {  	_ =	shalt  }
0x81: {  	_ =	shalt  }
0x82: {  	_ =	shalt  }
0x83: {  	_ =	shalt  }
0x84: {  	_ =	shalt  }
0x85: {  	_ =	shalt  }
0x86: {  	_ =	shalt  }
0x87: {  	_ =	shalt  }
.Lfunc_end0:
.L_simem_size_0:
called_computation.4_lowered:
.L_overlay_start_0:
0x88: {  	s2 =	sld [smem:$0x3FD9]  }
0x89: {  	s3 =	sld [smem:$0x3FFE];
	_ =	sdelay $0x1  }
0x8a: {  	s1 =	srdreg.scid  }
0x8b: {  	s0 =	sand.u32 $0x1, s1  }
0x8c: {  	s16 =	sshll.u32 s0, $0xA;
	s2 =	sadd.s32 s3, s2  }
0x8d: {  	s2 =	sadd.s32 s2, s16  }
0x8e: {  	[smem:$0x3FAF] =	sst s2  }
0x8f: {  	_ = 	snop  }
0x90: {  	(tm) =	ssettm $0x1  }
0x91: {  	s17 =	sld [smem:$0x3FFB];
	_ =	sdelay $0x3  }
0x92: {  	_ =	strace s17  }
0x93: {  	s2 =	sld [smem:$0x3FFC];
	_ =	sdelay $0x3  }
0x94: {  	_ =	strace s2  }
0x95: {  	s2 =	sld [smem:$0x3FFD];
	_ =	sdelay $0x3  }
0x96: {  	_ =	strace s2  }
0x97: {  	_ =	strace $0x8FFFFFFF  }
0x98: {  	s18 =	sld [smem:$0x3FDB];
	_ =	sdelay $0x1  }
0x99: {  	s19 =	simm.s32 $_scs_section_size  }
0x9a: {  	s4 =	simm.s32 $_size__tile_overlayer_lowered;
	s5 =	simm.s32 $_tile_overlayer_lowered  }
0x9b: {  	s22 =	simm.s32 $0x1BFF;
	s21 =	sshll.u32 s5, $0x1;
	s2 =	sadd.s32 s19, s18  }
0x9c: {  	s6 =	simm.s32 $0x0;
	s20 =	sshll.u32 s4, $0x1;
	s4 =	sadd.s32 s21, s2  }
0x9d: {  	[timem:s6], [sflag:s22] =	dma.local [hbm:s4], s20  }
0x9e: {  	_ =	swait.ge [sflag:s22], s20  }
0x9f: {  	s3 =	ssub.s32 $0x0, s20;
	[sflag:s22] =	ssyncset.done $0x0  }
0xa0: {  	[sflag:s22] =	ssyncadd.s32 s3;
	_ =	sdelay $0x1  }
0xa1: {  	s23 =	simm.s32 $0x1B8B  }
0xa2: {  	_ =	swait.ge [sflag:s23], $0x1  }
0xa3: {  	[sflag:s23] =	ssyncset.done $0x0  }
0xa4: {  	s25 =	simm.s32 $0x1B8E;
	s24 =	sld [smem:$0x3FFE];
	[sflag:s23] =	ssyncadd.s32 $0xFFFFFFFF  }
0xa5: {  	s26 =	simm.s32 $execute0_lowered;
	[smem:$0x3FD2] =	sst s25  }
0xa6: {  	s4 =	sshll.u32 s26, $0x1;
	_ =	strace $0x80000052;
	[dreg:$0x1] =	wrdreg $0xFFFFFFFF  }
0xa7: {  	s28 =	simm.s32 $_size_execute0_lowered;
	s2 =	sadd.s32 s2, s4;
	[dreg:$0x0] =	wrdreg $0x0  }
0xa8: {  	s4 =	sshll.u32 s28, $0x1;
	[dreg:$0x2] =	wrdreg s2  }
0xa9: {  	[dreg:$0x3] =	wrdreg s4  }
0xaa: {  	[dreg:$0x4] =	wrdreg $0xC0  }
0xab: {  	_ =	task [dreg:s6], $0x5FFFF  }
0xac: {  	[dreg:$0x1] =	wrdreg $0xFFFFFFFF  }
0xad: {  	[dreg:$0x0] =	wrdreg $0x60  }
0xae: {  	[dreg:$0x2] =	wrdreg s24  }
0xaf: {  	[dreg:$0x3] =	wrdreg $0xBC000  }
0xb0: {  	[dreg:$0x4] =	wrdreg $0x9  }
0xb1: {  	_ =	task.clear_ibuf [dreg:s6], $0x5FFFF;
	_ =	strace $0x90000052  }
0xb2: {  	s29 =	simm.s32 $0x9;
	_ =	strace $0x80000054  }
0xb3: {  	_ =	swait.ge [sflag:s29], $0x1  }
0xb4: {  	[sflag:s29] =	ssyncadd.s32 $0xFFFFFFFF  }
0xb5: {  	_ =	strace $0x90000054  }
0xb6: {  	_ =	sfence  }
0xb7: {  	s30 =	sld [smem:$0x0];
	_ =	sdelay $0x2  }
0xb8: {  	s31 =	sshll.u32 s1, $0xD;
	s1 =	sshrl.u32 s1, $0x2  }
0xb9: {  	s3 =	sand.u32 $0x4000, s31;
	s1 =	sadd.s32 s1, s30  }
0xba: {  	s0 =	sor.u32 s3, s0;
	s1 =	sshll.u32 s1, $0x11  }
0xbb: {  	s0 =	sor.u32 s1, s0  }
0xbc: {  	s0 =	sadd.s32 $0x8F2B, s0  }
0xbd: {  	[sflag:s0] =	ssyncadd.remote.s32 $0x1  }
0xbe: {  	_ =	sfence.sel $0xFFFF  }
0xbf: {  	[dreg:$0x0] =	wrdreg $0xFFFFFFFF;
	(pc) =	sbr.abs _section_cstart, $3  }
0xc0: {  	[dreg:$0x1] =	wrdreg $0xFFFFFFFF  }
0xc1: {  	_ =	task.clear_ibuf [dreg:s6], $0x2FFFF;
	_ =	strace $0x9FFFFFFF  }
0xc2: {  	(tm) =	ssettm $0x7FFFFFFF  }
0xc3: {  	_ =	shalt  }
tec
execute0_lowered:
.L_overlay_start_1:
0x0: {  	(tag) =	ssettag $0x1  }
0x1: {  	s0 =	rddreg [dreg:$0x0]  }
0x2: {  	s1 =	rddreg [dreg:$0x1]  }
0x3: {  	s2 =	srdreg.scid;
	s3 =	simm.s32 $0x0;
	s10 =	stileid.u32  }
0x4: {  	s17 =	simm.s32 $0x800;
	s28 =	simm.s32 $0x3;
	s29 =	simm.s32 $0x7  }
0x5: {  	s30 =	simm.s32 $0x4;
	s31 =	simm.s32 $0x5;
	s6 =	smul.u32 $0x13C00, s10  }
0x6: {  	s2 =	sand.u32 $0x1, s2;
	[smem:$0x7FF] =	sst s3;
	s8 =	smul.u32 $0x4F000, s10  }
0x7: {  	s4 =	sadd.s32 $0x4B400, s0;
	s7 =	sadd.s32 $0x15400, s0;
	s21 =	smul.u32 $0x7000, s10  }
0x8: {  	s18 =	sshll.u32 s10, $0x1;
	s15 =	sadd.s32 $0x7400, s0;
	s5 =	smul.u32 $0x140000, s2  }
0x9: {  	_ =	strace $0x80000053;
	s19 =	sor.u32 s2, s18;
	s20 =	ssub.s32 $0x2, s2  }
0xa: {  	s2 =	smul.u32 $0x3800, s2;
	s18 =	simm.s32 $0x8;
	s8 =	sshrl.u32 s8, $0x2  }
0xb: {  	s11 =	smul.u32 $0x3800, s19;
	s9 =	sshrl.u32 s20, $0x1;
	s5 =	sadd.s32 s6, s5  }
0xc: {  	s6 =	ssub.s32 s20, s9;
	s2 =	sadd.s32 s2, s21;
	s20 =	simm.s32 $0x78  }
0xd: {  	s5 =	sshrl.u32 s5, $0x3;
	s12 =	sshrl.u32 s11, $0x3;
	s2 =	sor.u32 $0x200, s2  }
0xe: {  	s14 =	smax.u32 s6, $0x1;
	s0 =	sadd.s32 s5, s0;
	s5 =	sadd.s32 s8, s1  }
0xf: {  	s11 =	sadd.s32 s7, s12;
	s12 =	sadd.s32 s15, s12;
	s26 =	sshrl.u32 s2, $0x3  }
0x10: {  	s2 =	simm.s32 $0x0;
	s22 =	sadd.s32 $0x3C00, s5;
	s23 =	sadd.s32 $0x7800, s5  }
0x11: {  	s24 =	sadd.s32 $0xB400, s5;
	s25 =	sadd.s32 $0xF000, s5;
	[dreg:$0x3] =	wrdreg s22  }
0x12: {  	s10 =	sadd.s32 $0x12C00, s5;
	s13 =	sadd.s32 $0x100C00, s0;
	[dreg:$0x4] =	wrdreg s23  }
0x13: {  	s15 =	sadd.s32 s26, s15;
	s16 =	sadd.s32 s26, s7;
	[dreg:$0x5] =	wrdreg s24  }
0x14: {  	s26 =	simm.s32 $0x2;
	s0 =	simm.s32 $0x6;
	[dreg:$0x6] =	wrdreg s25  }
0x15: {  	v0 =	vimm.f32 $0.0e+00;
	s22 =	simm.s32 $0x4400;
	s24 =	simm.s32 $0x8000;
	s25 =	simm.s32 $0x1  }
.LBB2_1:
0x16: {  	s6 =	simm.s32 $0x0;
	s7 =	simm.s32 $0x200  }
.LBB2_2:
0x17: {  	p0 =	sne.s32 s7, $0xEE00;
	[tilespmem:s6+$0x870] =	vst v0  }
0x18: {  	[tilespmem:s6+$0x800] =	vst v0  }
0x19: {  	[tilespmem:s6+$0x810] =	vst v0  }
.Ltmp0:
0x1a: {  	[tilespmem:s6+$0x820] =	vst v0;
	(pc) =	sbr.rel @p0 .LBB2_2-.Ltmp0, $4  }
0x1b: {  	[tilespmem:s6+$0x830] =	vst v0  }
0x1c: {  	[tilespmem:s6+$0x840] =	vst v0  }
0x1d: {  	[tilespmem:s6+$0x850] =	vst v0  }
0x1e: {  	[tilespmem:s6+$0x860] =	vst v0;
	s6 =	sshra.s32 s7, $0x2;
	s7 =	sadd.s32 $0x200, s7  }
0x1f: {  	[tilespmem:s6+$0x870] =	vst v0  }
0x20: {  	[tilespmem:s6+$0x800] =	vst v0  }
0x21: {  	[tilespmem:s6+$0x810] =	vst v0  }
0x22: {  	[tilespmem:s6+$0x820] =	vst v0  }
0x23: {  	[tilespmem:s6+$0x830] =	vst v0  }
0x24: {  	[tilespmem:s6+$0x840] =	vst v0  }
0x25: {  	[tilespmem:s6+$0x850] =	vst v0  }
0x26: {  	[tilespmem:s6+$0x860] =	vst v0  }
0x27: {  	[spmem:s5] =	stream.linear.scatter [tilespmem:s17], [sflag:$0x8], $0x3C00, $0x38;
	[tilespmem:$0x1F800] =	vst v63  }
0x28: {  	_ =	swait.ge [sflag:s18], $0x3C00  }
0x29: {  	[sflag:s18] =	ssyncset.done $0x0  }
0x2a: {  	s19 =	rddreg [dreg:$0x3];
	[sflag:s18] =	ssyncadd.s32 $0xFFFFC400  }
0x2b: {  	[spmem:s19] =	stream.linear.scatter [tilespmem:s17], [sflag:$0x8], $0x3C00, $0x38;
	[tilespmem:$0x1F800] =	vst v63  }
0x2c: {  	_ =	swait.ge [sflag:s18], $0x3C00  }
0x2d: {  	[sflag:s18] =	ssyncset.done $0x0  }
0x2e: {  	s21 =	rddreg [dreg:$0x4];
	[sflag:s18] =	ssyncadd.s32 $0xFFFFC400  }
0x2f: {  	[spmem:s21] =	stream.linear.scatter [tilespmem:s17], [sflag:$0x8], $0x3C00, $0x38;
	[tilespmem:$0x1F800] =	vst v63  }
0x30: {  	_ =	swait.ge [sflag:s18], $0x3C00  }
0x31: {  	[sflag:s18] =	ssyncset.done $0x0  }
0x32: {  	s23 =	rddreg [dreg:$0x5];
	[sflag:s18] =	ssyncadd.s32 $0xFFFFC400  }
0x33: {  	[spmem:s23] =	stream.linear.scatter [tilespmem:s17], [sflag:$0x8], $0x3C00, $0x38;
	[tilespmem:$0x1F800] =	vst v63  }
0x34: {  	_ =	swait.ge [sflag:s18], $0x3C00  }
0x35: {  	[sflag:s18] =	ssyncset.done $0x0  }
0x36: {  	s7 =	rddreg [dreg:$0x6];
	[sflag:s18] =	ssyncadd.s32 $0xFFFFC400  }
0x37: {  	[spmem:s7] =	stream.linear.scatter [tilespmem:s17], [sflag:$0x8], $0x3C00, $0x38;
	[tilespmem:$0x1F800] =	vst v63  }
0x38: {  	_ =	swait.ge [sflag:s18], $0x3C00  }
0x39: {  	[sflag:s18] =	ssyncset.done $0x0  }
0x3a: {  	[sflag:s18] =	ssyncadd.s32 $0xFFFFC400  }
0x3b: {  	[spmem:s10] =	stream.linear.scatter [tilespmem:s17], [sflag:$0x8], $0x1000, $0x38;
	[tilespmem:$0x1F800] =	vst v63  }
0x3c: {  	_ =	swait.ge [sflag:s18], $0x1000  }
0x3d: {  	[sflag:s18] =	ssyncset.done $0x0  }
0x3e: {  	[sflag:s18] =	ssyncadd.s32 $0xFFFFF000  }
0x3f: {  	s8 =	simm.s32 $0x0;
	[bflag:$0x0] =	sbarrier.arrive $0xFFFF  }
0x40: {  	[tilespmem:s8], [sflag:$0x8] =	stream.linear.gather [hbm4b:s11+s8], $0x180, $0x38;
	[tilespmem:$0x1F800] =	vst v63  }
0x41: {  	_ =	swait.ge [sflag:s18], $0x180  }
0x42: {  	[sflag:s18] =	ssyncset.done $0x0  }
0x43: {  	s7 =	simm.s32 $0x400;
	[sflag:s18] =	ssyncadd.s32 $0xFFFFFE80  }
0x44: {  	[tilespmem:s7], [sflag:$0x8] =	stream.linear.gather [hbm4b:s12+s8], $0x180, $0x38;
	[tilespmem:$0x1F800] =	vst v63  }
0x45: {  	_ =	swait.ge [sflag:s18], $0x180  }
0x46: {  	[sflag:s18] =	ssyncset.done $0x0  }
0x47: {  	[sflag:s18] =	ssyncadd.s32 $0xFFFFFE80  }
0x48: {  	[tilespmem:s17], [sflag:$0x1] =	stream.indirect.gather [hbm4b:s4+s20], $0x80, s8, s20, $0xb8;
	[tilespmem:$0x1F800] =	vst v63  }
0x49: {  	s9 =	simm.s32 $0x80  }
0x4a: {  	[tilespmem:s22], [sflag:$0x2] =	stream.indirect.gather [hbm4b:s4+s20], $0x80, s9, s20, $0xb8;
	[tilespmem:$0x1F800] =	vst v63  }
0x4b: {  	s6 =	sand.u32 $0x200, s8;
	s19 =	simm.s32 $0x100  }
0x4c: {  	[tilespmem:s24], [sflag:$0x3] =	stream.indirect.gather [hbm4b:s4+s20], $0x80, s19, s20, $0xb8;
	[tilespmem:$0x1F800] =	vst v63  }
0x4d: {  	s21 =	sxor.u32 $0x200, s6  }
0x4e: {  	[tilespmem:s21], [sflag:$0x7] =	stream.linear.gather [hbm4b:s16+s3], $0x180, $0x38;
	[tilespmem:$0x1F800] =	vst v63  }
0x4f: {  	s8 =	sxor.u32 $0x600, s6  }
0x50: {  	[tilespmem:s8], [sflag:$0x7] =	stream.linear.gather [hbm4b:s15+s3], $0x180, $0x38;
	[tilespmem:$0x1F800] =	vst v63  }
0x51: {  	_ =	swait.ge [sflag:s25], $0x3C00  }
0x52: {  	[sflag:s25] =	ssyncset.done $0x0  }
0x53: {  	s23 =	sor.u32 $0x400, s6;
	[sflag:s25] =	ssyncadd.s32 $0xFFFFC400  }
0x54: {  	[spmem:s1] =	stream.indirect.scatter.add.f32 [tilespmem:s17], [sflag:$0x4], $0x80, s23, s20, $0xb8;
	[tilespmem:$0x1F800] =	vst v63  }
0x55: {  	_ =	swait.ge [sflag:s26], $0x3C00  }
0x56: {  	[sflag:s26] =	ssyncset.done $0x0  }
0x57: {  	s9 =	sor.u32 $0x480, s6;
	[sflag:s26] =	ssyncadd.s32 $0xFFFFC400  }
0x58: {  	[spmem:s1] =	stream.indirect.scatter.add.f32 [tilespmem:s22], [sflag:$0x5], $0x80, s9, s20, $0xb8;
	[tilespmem:$0x1F800] =	vst v63  }
0x59: {  	_ =	swait.ge [sflag:s28], $0x3C00  }
0x5a: {  	[sflag:s28] =	ssyncset.done $0x0  }
0x5b: {  	s19 =	sor.u32 $0x500, s6;
	[sflag:s28] =	ssyncadd.s32 $0xFFFFC400  }
0x5c: {  	[spmem:s1] =	stream.indirect.scatter.add.f32 [tilespmem:s24], [sflag:$0x6], $0x80, s19, s20, $0xb8;
	[tilespmem:$0x1F800] =	vst v63  }
0x5d: {  	_ =	swait.ge [sflag:s29], $0x180  }
0x5e: {  	[sflag:s29] =	ssyncset.done $0x0  }
0x5f: {  	[sflag:s29] =	ssyncadd.s32 $0xFFFFFE80  }
0x60: {  	_ =	swait.ge [sflag:s29], $0x180  }
0x61: {  	[sflag:s29] =	ssyncset.done $0x0  }
0x62: {  	[sflag:s29] =	ssyncadd.s32 $0xFFFFFE80  }
0x63: {  	_ =	swait.ge [sflag:s30], $0x3C00  }
0x64: {  	[sflag:s30] =	ssyncset.done $0x0  }
0x65: {  	[sflag:s30] =	ssyncadd.s32 $0xFFFFC400  }
0x66: {  	[tilespmem:s17], [sflag:$0x1] =	stream.indirect.gather [hbm4b:s4+s20], $0x80, s21, s20, $0xb8;
	[tilespmem:$0x1F800] =	vst v63  }
0x67: {  	_ =	swait.ge [sflag:s31], $0x3C00  }
0x68: {  	[sflag:s31] =	ssyncset.done $0x0  }
0x69: {  	s23 =	sxor.u32 $0x280, s6;
	[sflag:s31] =	ssyncadd.s32 $0xFFFFC400  }
0x6a: {  	[tilespmem:s22], [sflag:$0x2] =	stream.indirect.gather [hbm4b:s4+s20], $0x80, s23, s20, $0xb8;
	[tilespmem:$0x1F800] =	vst v63  }
0x6b: {  	s7 =	simm.s32 $0x400;
	s21 =	simm.s32 $0x200;
	_ =	swait.ge [sflag:s0], $0x3C00  }
0x6c: {  	s6 =	sxor.u32 $0x300, s6;
	s19 =	sand.u32 $0x200, s21;
	[sflag:s0] =	ssyncset.done $0x0  }
0x6d: {  	s21 =	sadd.s32 $0x40, s16;
	s23 =	sadd.s32 $0x40, s15;
	[sflag:s0] =	ssyncadd.s32 $0xFFFFC400  }
.LBB2_4:
0x6e: {  	[tilespmem:s24], [sflag:$0x3] =	stream.indirect.gather [hbm4b:s4+s20], $0x80, s6, s20, $0xb8;
	[tilespmem:$0x1F800] =	vst v63  }
0x6f: {  	s6 =	smov.u32 s19;
	s8 =	smov.u32 s7  }
0x70: {  	s19 =	sand.u32 $0x200, s8;
	s8 =	sadd.s32 $0x200, s7;
	s9 =	sxor.u32 $0x200, s6  }
0x71: {  	[tilespmem:s9], [sflag:$0x7] =	stream.linear.gather [hbm4b:s21+s3], $0x180, $0x38;
	[tilespmem:$0x1F800] =	vst v63  }
0x72: {  	p0 =	sne.s32 s7, $0x3400;
	s7 =	sxor.u32 $0x600, s6  }
0x73: {  	[tilespmem:s7], [sflag:$0x7] =	stream.linear.gather [hbm4b:s23+s3], $0x180, $0x38;
	[tilespmem:$0x1F800] =	vst v63  }
0x74: {  	_ =	swait.ge [sflag:s25], $0x3C00  }
0x75: {  	[sflag:s25] =	ssyncset.done $0x0  }
0x76: {  	s7 =	sor.u32 $0x400, s6;
	[sflag:s25] =	ssyncadd.s32 $0xFFFFC400  }
0x77: {  	[spmem:s1] =	stream.indirect.scatter.add.f32 [tilespmem:s17], [sflag:$0x4], $0x80, s7, s20, $0xb8;
	[tilespmem:$0x1F800] =	vst v63  }
0x78: {  	_ =	swait.ge [sflag:s26], $0x3C00  }
0x79: {  	[sflag:s26] =	ssyncset.done $0x0  }
0x7a: {  	s7 =	sor.u32 $0x480, s6;
	[sflag:s26] =	ssyncadd.s32 $0xFFFFC400  }
0x7b: {  	[spmem:s1] =	stream.indirect.scatter.add.f32 [tilespmem:s22], [sflag:$0x5], $0x80, s7, s20, $0xb8;
	[tilespmem:$0x1F800] =	vst v63  }
0x7c: {  	_ =	swait.ge [sflag:s28], $0x3C00  }
0x7d: {  	[sflag:s28] =	ssyncset.done $0x0  }
0x7e: {  	s7 =	sor.u32 $0x500, s6;
	[sflag:s28] =	ssyncadd.s32 $0xFFFFC400  }
0x7f: {  	[spmem:s1] =	stream.indirect.scatter.add.f32 [tilespmem:s24], [sflag:$0x6], $0x80, s7, s20, $0xb8;
	[tilespmem:$0x1F800] =	vst v63  }
0x80: {  	_ =	swait.ge [sflag:s29], $0x180  }
0x81: {  	[sflag:s29] =	ssyncset.done $0x0  }
0x82: {  	[sflag:s29] =	ssyncadd.s32 $0xFFFFFE80  }
0x83: {  	_ =	swait.ge [sflag:s29], $0x180  }
0x84: {  	[sflag:s29] =	ssyncset.done $0x0  }
0x85: {  	[sflag:s29] =	ssyncadd.s32 $0xFFFFFE80  }
0x86: {  	_ =	swait.ge [sflag:s30], $0x3C00  }
0x87: {  	[sflag:s30] =	ssyncset.done $0x0  }
0x88: {  	[sflag:s30] =	ssyncadd.s32 $0xFFFFC400  }
0x89: {  	[tilespmem:s17], [sflag:$0x1] =	stream.indirect.gather [hbm4b:s4+s20], $0x80, s9, s20, $0xb8;
	[tilespmem:$0x1F800] =	vst v63  }
0x8a: {  	_ =	swait.ge [sflag:s31], $0x3C00  }
0x8b: {  	[sflag:s31] =	ssyncset.done $0x0  }
.Ltmp1:
0x8c: {  	s7 =	sxor.u32 $0x280, s6;
	[sflag:s31] =	ssyncadd.s32 $0xFFFFC400;
	(pc) =	sbr.rel @p0 .LBB2_4-.Ltmp1, $4  }
0x8d: {  	[tilespmem:s22], [sflag:$0x2] =	stream.indirect.gather [hbm4b:s4+s20], $0x80, s7, s20, $0xb8;
	[tilespmem:$0x1F800] =	vst v63  }
0x8e: {  	_ =	swait.ge [sflag:s0], $0x3C00  }
0x8f: {  	s21 =	sadd.s32 $0x40, s21;
	s23 =	sadd.s32 $0x40, s23;
	[sflag:s0] =	ssyncset.done $0x0  }
0x90: {  	s6 =	sxor.u32 $0x300, s6;
	s7 =	smov.u32 s8;
	[sflag:s0] =	ssyncadd.s32 $0xFFFFC400  }
0x91: {  	[tilespmem:s24], [sflag:$0x3] =	stream.indirect.gather [hbm4b:s4+s20], $0x80, s6, s20, $0xb8;
	[tilespmem:$0x1F800] =	vst v63  }
0x92: {  	s6 =	sxor.u32 $0x200, s19  }
0x93: {  	[tilespmem:s6], [sflag:$0x7] =	stream.linear.gather [hbm4b:s21+s3], $0x180, $0x38;
	[tilespmem:$0x1F800] =	vst v63  }
0x94: {  	s7 =	sxor.u32 $0x600, s19  }
0x95: {  	[tilespmem:s7], [sflag:$0x7] =	stream.linear.gather [hbm4b:s23+s3], $0x180, $0x38;
	[tilespmem:$0x1F800] =	vst v63  }
0x96: {  	_ =	swait.ge [sflag:s25], $0x3C00  }
0x97: {  	[sflag:s25] =	ssyncset.done $0x0  }
0x98: {  	s8 =	sor.u32 $0x400, s19;
	[sflag:s25] =	ssyncadd.s32 $0xFFFFC400  }
0x99: {  	[spmem:s1] =	stream.indirect.scatter.add.f32 [tilespmem:s17], [sflag:$0x4], $0x80, s8, s20, $0xb8;
	[tilespmem:$0x1F800] =	vst v63  }
0x9a: {  	_ =	swait.ge [sflag:s26], $0x3C00  }
0x9b: {  	[sflag:s26] =	ssyncset.done $0x0  }
0x9c: {  	s9 =	sor.u32 $0x480, s19;
	[sflag:s26] =	ssyncadd.s32 $0xFFFFC400  }
0x9d: {  	[spmem:s1] =	stream.indirect.scatter.add.f32 [tilespmem:s22], [sflag:$0x5], $0x80, s9, s20, $0xb8;
	[tilespmem:$0x1F800] =	vst v63  }
0x9e: {  	_ =	swait.ge [sflag:s28], $0x3C00  }
0x9f: {  	[sflag:s28] =	ssyncset.done $0x0  }
0xa0: {  	s21 =	sor.u32 $0x500, s19;
	[sflag:s28] =	ssyncadd.s32 $0xFFFFC400  }
0xa1: {  	[spmem:s1] =	stream.indirect.scatter.add.f32 [tilespmem:s24], [sflag:$0x6], $0x80, s21, s20, $0xb8;
	[tilespmem:$0x1F800] =	vst v63  }
0xa2: {  	_ =	swait.ge [sflag:s29], $0x180  }
0xa3: {  	[sflag:s29] =	ssyncset.done $0x0  }
0xa4: {  	[sflag:s29] =	ssyncadd.s32 $0xFFFFFE80  }
0xa5: {  	_ =	swait.ge [sflag:s29], $0x180  }
0xa6: {  	[sflag:s29] =	ssyncset.done $0x0  }
0xa7: {  	[sflag:s29] =	ssyncadd.s32 $0xFFFFFE80  }
0xa8: {  	_ =	swait.ge [sflag:s30], $0x3C00  }
0xa9: {  	[sflag:s30] =	ssyncset.done $0x0  }
0xaa: {  	[sflag:s30] =	ssyncadd.s32 $0xFFFFC400  }
0xab: {  	[tilespmem:s17], [sflag:$0x1] =	stream.indirect.gather [hbm4b:s4+s20], $0x80, s6, s20, $0xb8;
	[tilespmem:$0x1F800] =	vst v63  }
0xac: {  	_ =	swait.ge [sflag:s31], $0x3C00  }
0xad: {  	[sflag:s31] =	ssyncset.done $0x0  }
0xae: {  	s23 =	sxor.u32 $0x280, s19;
	[sflag:s31] =	ssyncadd.s32 $0xFFFFC400  }
0xaf: {  	[tilespmem:s22], [sflag:$0x2] =	stream.indirect.gather [hbm4b:s4+s20], $0x80, s23, s20, $0xb8;
	[tilespmem:$0x1F800] =	vst v63  }
0xb0: {  	_ =	swait.ge [sflag:s0], $0x3C00  }
0xb1: {  	[sflag:s0] =	ssyncset.done $0x0  }
0xb2: {  	s7 =	sxor.u32 $0x300, s19;
	[sflag:s0] =	ssyncadd.s32 $0xFFFFC400  }
0xb3: {  	[tilespmem:s24], [sflag:$0x3] =	stream.indirect.gather [hbm4b:s4+s20], $0x80, s7, s20, $0xb8;
	[tilespmem:$0x1F800] =	vst v63  }
0xb4: {  	_ =	swait.ge [sflag:s25], $0x3C00  }
0xb5: {  	[sflag:s25] =	ssyncset.done $0x0  }
0xb6: {  	s8 =	simm.s32 $0x600;
	[sflag:s25] =	ssyncadd.s32 $0xFFFFC400  }
0xb7: {  	[spmem:s1] =	stream.indirect.scatter.add.f32 [tilespmem:s17], [sflag:$0x4], $0x80, s8, s20, $0xb8;
	[tilespmem:$0x1F800] =	vst v63  }
0xb8: {  	_ =	swait.ge [sflag:s26], $0x3C00  }
0xb9: {  	[sflag:s26] =	ssyncset.done $0x0  }
0xba: {  	s9 =	simm.s32 $0x680;
	[sflag:s26] =	ssyncadd.s32 $0xFFFFC400  }
0xbb: {  	[spmem:s1] =	stream.indirect.scatter.add.f32 [tilespmem:s22], [sflag:$0x5], $0x80, s9, s20, $0xb8;
	[tilespmem:$0x1F800] =	vst v63  }
0xbc: {  	_ =	swait.ge [sflag:s28], $0x3C00  }
0xbd: {  	[sflag:s28] =	ssyncset.done $0x0  }
0xbe: {  	s19 =	simm.s32 $0x700;
	[sflag:s28] =	ssyncadd.s32 $0xFFFFC400  }
0xbf: {  	[spmem:s1] =	stream.indirect.scatter.add.f32 [tilespmem:s24], [sflag:$0x6], $0x80, s19, s20, $0xb8;
	[tilespmem:$0x1F800] =	vst v63  }
0xc0: {  	_ =	swait.ge [sflag:s30], $0x3C00  }
0xc1: {  	[sflag:s30] =	ssyncset.done $0x0  }
0xc2: {  	[sflag:s30] =	ssyncadd.s32 $0xFFFFC400  }
0xc3: {  	_ =	swait.ge [sflag:s31], $0x3C00  }
0xc4: {  	[sflag:s31] =	ssyncset.done $0x0  }
0xc5: {  	[sflag:s31] =	ssyncadd.s32 $0xFFFFC400  }
0xc6: {  	s21 =	stileid.u32;
	_ =	swait.ge [sflag:s0], $0x3C00  }
0xc7: {  	s2 =	sadd.s32 $0x1, s2;
	s6 =	sshll.u32 s21, $0x6;
	[sflag:s0] =	ssyncset.done $0x0  }
0xc8: {  	p0 =	sne.s32 s2, s14;
	s6 =	sor.u32 $0x1C08, s6;
	[sflag:s0] =	ssyncadd.s32 $0xFFFFC400  }
.Ltmp2:
0xc9: {  	s23 =	sshrl.u32 s5, $0x3;
	[bflag:$0x0] =	sbarrier.arrive $0xFFFF;
	(pc) =	sbr.rel @p0 .LBB2_1-.Ltmp2, $4  }
0xca: {  	[hbm:s13], [sflag:s6] =	dma.local [spmem:s23], $0x2780  }
0xcb: {  	_ =	swait.ge [sflag:s18], $0x2780  }
0xcc: {  	[sflag:s18] =	ssyncset.done $0x0  }
0xcd: {  	[sflag:s18] =	ssyncadd.s32 $0xFFFFD880  }
0xce: {  	_ =	sfence.sel $0x180000  }
0xcf: {  	[bflag:$0x0] =	sbarrier.arrive $0xFFFF  }
0xd0: {  	_ =	strace $0x90000053  }
0xd1: {  	s0 =	stileid.u32;
	[bflag:$0x2] =	sbarrier.arrive $0xFFFF  }
0xd2: {  	p0 =	sne.s32 s0, $0x0;
	s0 =	rddreg [dreg:$0x2]  }
0xd3: {  	s0 =	sadd.s32 @!p0 $0x100000, s0  }
0xd4: {  	[sflag:s0] =	ssyncadd.tile.s32 @!p0 $0x1;
	_ =	shalt  }
.Lfunc_end2:
_tile_overlayer_lowered:
.L_overlay_start_2:
0xd5: {  	(tag) =	ssettag $0x2  }
0xd6: {  	s0 =	rddreg [dreg:$0x0];
	s2 =	stileid.u32  }
0xd7: {  	s1 =	rddreg [dreg:$0x1];
	p0 =	sne.s32 s2, $0x0  }
0xd8: {  	s3 =	rddreg [dreg:$0x2];
	[bflag:$0x3] =	sbarrier.arrive $0xFFFF;
	s2 =	simm.s32 @!p0 $0x1C08  }
0xd9: {  	[timem:s3], [sflag:s2] =	dma.local @!p0 [hbm:s0], s1  }
0xda: {  	s0 =	simm.s32 @!p0 $0x8  }
0xdb: {  	_ =	swait.ge @!p0 [sflag:s0], s1  }
0xdc: {  	s1 =	ssub.s32 @!p0 $0x0, s1;
	[sflag:s0] =	ssyncset.done @!p0 $0x0  }
0xdd: {  	[sflag:s0] =	ssyncadd.s32 @!p0 s1  }
0xde: {  	[bflag:$0x3] =	sbarrier.arrive $0xFFFF  }
0xdf: {  	_ =	shalt  }

</sc_bundles>
